<compile_context>
chip_gen: v7x
topology: tpu7x:2x2x1
jax: 0.10.2.dev20260603
libtpu: 0.0.44.dev20260713+nightly
codegen_flags: <defaults>
</compile_context>

<pallas_src>
import functools

import jax
import jax.numpy as jnp
from jax import lax
from jax.experimental import pallas as pl
from jax.experimental.pallas import tpu as pltpu
from jax.experimental.pallas import tpu_sc as plsc

N = 10000
E = 320000
F = 128

NC = 2
NS = 16
NW = NC * NS
CHB = 120
CH = 84
EPW = CH * CHB
EP = NW * EPW
TCH = EP // CHB
CH0 = 150
CH1 = 18
NR = 10240
RPT = NR // NS

_mesh = plsc.VectorSubcoreMesh(core_axis_name="c", subcore_axis_name="s")


@functools.partial(
    pl.kernel,
    out_type=jax.ShapeDtypeStruct((NC, NR), jnp.float32),
    mesh=_mesh,
    scratch_types=[
        pltpu.VMEM((CH // 6, 6, CHB), jnp.int32),
        pltpu.VMEM((CHB,), jnp.float32),
        pltpu.VMEM((RPT,), jnp.float32),
        pltpu.VMEM_SHARED((NR,), jnp.float32),
        pltpu.SemaphoreType.DMA,
    ],
)
def _deg_sc(sd_hbm, deg_out, src_v, ones_v, zer_v, deg_sh, sem):
    c = lax.axis_index("c")
    s = lax.axis_index("s")
    wid = s * NC + c

    for k in range(CHB // 16):
        ones_v[pl.ds(k * 16, 16)] = jnp.ones((16,), jnp.float32)
    ones_v[pl.ds(CHB - 16, 16)] = jnp.ones((16,), jnp.float32)

    def _zer(i, carry):
        zer_v[pl.ds(i * 16, 16)] = jnp.zeros((16,), jnp.float32)
        return carry
    lax.fori_loop(0, RPT // 16, _zer, 0)

    pltpu.sync_copy(zer_v, deg_sh.at[pl.ds(s * RPT, RPT)])
    pltpu.sync_copy(sd_hbm.at[0, pl.ds(wid * (CH // 6), CH // 6)], src_v)
    plsc.subcore_barrier()

    def _grp(g, carry):
        cps = [
            pltpu.async_copy(ones_v, deg_sh.at[src_v.at[g, k]], sem,
                             add=True)
            for k in range(6)
        ]
        for cp in cps:
            cp.wait()
        return carry
    lax.fori_loop(0, CH // 6, _grp, 0)

    plsc.subcore_barrier()
    pltpu.sync_copy(deg_sh.at[pl.ds(s * RPT, RPT)],
                    deg_out.at[c, pl.ds(s * RPT, RPT)])


@functools.partial(
    pl.kernel,
    out_type=jax.ShapeDtypeStruct((NC, NR, F), jnp.float32),
    mesh=_mesh,
    scratch_types=[
        pltpu.VMEM((2, CHB), jnp.int32),
        pltpu.VMEM((2, CHB), jnp.int32),
        pltpu.VMEM((2, CHB), jnp.int32),
        pltpu.VMEM((2, CHB), jnp.int32),
        pltpu.VMEM((2, CHB), jnp.int32),
        pltpu.VMEM((2, CHB), jnp.int32),
        pltpu.VMEM((CHB, F), jnp.float32),
        pltpu.VMEM((CHB, F), jnp.float32),
        pltpu.VMEM((CHB, F), jnp.float32),
        pltpu.VMEM_SHARED((NR, F), jnp.float32),
        pltpu.SemaphoreType.DMA,
        pltpu.SemaphoreType.DMA,
        pltpu.SemaphoreType.DMA,
        pltpu.SemaphoreType.DMA,
        pltpu.SemaphoreType.DMA,
        pltpu.SemaphoreType.DMA,
        pltpu.SemaphoreType.DMA,
        pltpu.SemaphoreType.DMA,
        pltpu.SemaphoreType.DMA,
        pltpu.SemaphoreType.DMA,
        pltpu.SemaphoreType.DMA,
        pltpu.SemaphoreType.DMA,
    ],
)
def _seg_sc(sd_hbm, xs_hbm, g_out, idx0, idx1, idx2, idx3, idx4, idx5,
            buf0, buf1, buf2, g_sh,
            isem0, isem1, isem2, isem3, isem4, isem5,
            gsem0, gsem1, gsem2, ssem0, ssem1, ssem2):
    c = lax.axis_index("c")
    s = lax.axis_index("s")
    qb = jnp.where(c == 0, s * (CH0 // 6), NS * (CH0 // 6) + s * (CH1 // 6))
    chn = jnp.where(c == 0, CH0, CH1)
    idxs = (idx0, idx1, idx2, idx3, idx4, idx5)
    isems = (isem0, isem1, isem2, isem3, isem4, isem5)
    bufs = (buf0, buf1, buf2)
    gsems = (gsem0, gsem1, gsem2)
    ssems = (ssem0, ssem1, ssem2)

    def _zer(i, carry):
        for k in range(F // 16):
            buf0[i, pl.ds(k * 16, 16)] = jnp.zeros((16,), jnp.float32)
        return carry
    lax.fori_loop(0, CHB, _zer, 0)

    base = s * RPT
    _nz = RPT // CHB
    _tail = RPT % CHB
    for jj in range(_nz):
        pltpu.sync_copy(buf0, g_sh.at[pl.ds(base + jj * CHB, CHB)])
    pltpu.sync_copy(buf0.at[pl.ds(0, _tail)],
                    g_sh.at[pl.ds(base + _nz * CHB, _tail)])
    plsc.subcore_barrier()

    pltpu.sync_copy(sd_hbm.at[0, qb, 0], idx0.at[0])
    pltpu.sync_copy(sd_hbm.at[1, qb, 0], idx0.at[1])
    pltpu.sync_copy(sd_hbm.at[0, qb, 1], idx1.at[0])
    pltpu.sync_copy(sd_hbm.at[1, qb, 1], idx1.at[1])
    pltpu.async_copy(xs_hbm.at[idx0.at[0]], buf0, gsem0)
    pltpu.async_copy(xs_hbm.at[idx1.at[0]], buf1, gsem1)
    pltpu.async_copy(sd_hbm.at[0, qb, 2], idx2.at[0], isem2)
    pltpu.async_copy(sd_hbm.at[1, qb, 2], idx2.at[1], isem2)

    def _edge(it, carry):
        for k in range(6):
            j = it * 6 + k
            b = k % 3
            b2 = (k + 2) % 3
            r = k
            r2, r3, r5 = (k + 2) % 6, (k + 3) % 6, (k + 5) % 6

            pltpu.make_async_copy(
                xs_hbm.at[idxs[r].at[0]], bufs[b], gsems[b]).wait()
            pltpu.async_copy(
                bufs[b], g_sh.at[idxs[r].at[1]], ssems[b], add=True)

            @pl.when(j >= 1)
            def _drain_prev_scatter():
                pltpu.make_async_copy(
                    bufs[b2], g_sh.at[idxs[r5].at[1]], ssems[b2]).wait()

            qh2, ql2 = (k + 2) // 6, (k + 2) % 6
            qh3, ql3 = (k + 3) // 6, (k + 3) % 6

            @pl.when(j + 2 < chn)
            def _fire_next_gather():
                pltpu.make_async_copy(
                    sd_hbm.at[0, qb + it + qh2, ql2], idxs[r2].at[0],
                    isems[r2]).wait()
                pltpu.make_async_copy(
                    sd_hbm.at[1, qb + it + qh2, ql2], idxs[r2].at[1],
                    isems[r2]).wait()
                pltpu.async_copy(
                    xs_hbm.at[idxs[r2].at[0]], bufs[b2], gsems[b2])

            @pl.when(j + 3 < chn)
            def _fire_next_idx_load():
                pltpu.async_copy(
                    sd_hbm.at[0, qb + it + qh3, ql3], idxs[r3].at[0],
                    isems[r3])
                pltpu.async_copy(
                    sd_hbm.at[1, qb + it + qh3, ql3], idxs[r3].at[1],
                    isems[r3])
        return carry
    lax.fori_loop(0, chn // 6, _edge, 0)

    pltpu.make_async_copy(
        bufs[2], g_sh.at[idxs[5].at[1]], ssems[2]).wait()

    plsc.subcore_barrier()

    for jj in range(_nz):
        bb = jj % 2
        sl = pl.ds(base + jj * CHB, CHB)
        if jj >= 2:
            slp = pl.ds(base + (jj - 2) * CHB, CHB)
            pltpu.make_async_copy(bufs[bb], g_out.at[c, slp],
                                  ssems[bb]).wait()
        pltpu.sync_copy(g_sh.at[sl], bufs[bb])
        pltpu.async_copy(bufs[bb], g_out.at[c, sl], ssems[bb])
    sl = pl.ds(base + _nz * CHB, _tail)
    pltpu.sync_copy(g_sh.at[sl], buf2.at[pl.ds(0, _tail)])
    pltpu.async_copy(buf2.at[pl.ds(0, _tail)], g_out.at[c, sl], gsem0)
    for jj in range(max(_nz - 2, 0), _nz):
        bb = jj % 2
        slp = pl.ds(base + jj * CHB, CHB)
        pltpu.make_async_copy(bufs[bb], g_out.at[c, slp], ssems[bb]).wait()
    pltpu.make_async_copy(buf2.at[pl.ds(0, _tail)], g_out.at[c, sl],
                          gsem0).wait()


def _xs_body(degT_ref, x_ref, xs_ref):
    dsum = degT_ref[:, 0:1] + degT_ref[:, 1:2]
    dis = jnp.where(dsum > 0, lax.rsqrt(jnp.maximum(dsum, 1.0)), 0.0)
    xs_ref[...] = dis * x_ref[...]


def _dense_body(degT_ref, g_ref, x_ref, wz0_ref, wz1_ref, wh0_ref, wh1_ref,
                bz_ref, bh_ref, lw_ref, lb_ref, out_ref):
    dsum = degT_ref[:, 0:1] + degT_ref[:, 1:2]
    dis = jnp.where(dsum > 0, lax.rsqrt(jnp.maximum(dsum, 1.0)), 0.0)
    sx = (-dis) * (g_ref[0] + g_ref[1])
    xb = x_ref[...]
    f32 = jnp.float32
    z = jax.nn.sigmoid(jnp.dot(xb, wz0_ref[...], preferred_element_type=f32)
                       + jnp.dot(sx, wz1_ref[...], preferred_element_type=f32)
                       + bz_ref[...])
    ht = jnp.tanh(jnp.dot(xb, wh0_ref[...], preferred_element_type=f32)
                  + jnp.dot(sx, wh1_ref[...], preferred_element_type=f32)
                  + bh_ref[...])
    hn = (1.0 - z) * ht
    out_ref[...] = jax.nn.sigmoid(
        jnp.dot(hn, lw_ref[...], preferred_element_type=f32) + lb_ref[...])


def kernel(x, edge_index, W_xz, b_xz, W_hz, b_hz, W_xr, b_xr, W_hr, b_hr,
           W_xh, b_xh, W_hh, b_hh, lin_w, lin_b):
    src = edge_index[0]
    dst = edge_index[1]
    sd_p = jnp.pad(edge_index, ((0, 0), (0, EP - E)),
                   constant_values=N).reshape(2, TCH // 6, 6, CHB)

    deg = _deg_sc(sd_p)
    degT = deg.T

    RB = 1024
    xs = pl.pallas_call(
        _xs_body,
        grid=(NR // RB,),
        in_specs=[
            pl.BlockSpec((RB, NC), lambda i: (i, 0)),
            pl.BlockSpec((RB, F), lambda i: (i, 0)),
        ],
        out_specs=pl.BlockSpec((RB, F), lambda i: (i, 0)),
        out_shape=jax.ShapeDtypeStruct((NR, F), jnp.float32),
    )(degT, x)

    g_parts = _seg_sc(sd_p, xs)

    RD = 1000
    bz = (b_xz + b_hz).reshape(1, F)
    bh = (b_xh + b_hh).reshape(1, F)
    out = pl.pallas_call(
        _dense_body,
        grid=(N // RD,),
        in_specs=[
            pl.BlockSpec((RD, NC), lambda i: (i, 0)),
            pl.BlockSpec((NC, RD, F), lambda i: (0, i, 0)),
            pl.BlockSpec((RD, F), lambda i: (i, 0)),
            pl.BlockSpec((F, F), lambda i: (0, 0)),
            pl.BlockSpec((F, F), lambda i: (0, 0)),
            pl.BlockSpec((F, F), lambda i: (0, 0)),
            pl.BlockSpec((F, F), lambda i: (0, 0)),
            pl.BlockSpec((1, F), lambda i: (0, 0)),
            pl.BlockSpec((1, F), lambda i: (0, 0)),
            pl.BlockSpec((F, 1), lambda i: (0, 0)),
            pl.BlockSpec((1, 1), lambda i: (0, 0)),
        ],
        out_specs=pl.BlockSpec((RD, 1), lambda i: (i, 0)),
        out_shape=jax.ShapeDtypeStruct((N, 1), jnp.float32),
    )(degT, g_parts, x, W_xz[0], W_xz[1], W_xh[0], W_xh[1], bz, bh,
      lin_w, lin_b.reshape(1, 1))
    return out

# --- scband reference (transcript-rebuilt; emitter-appended) ---
"""Pipeline reference for scband-gconv-gruregression-29437705847598 (READ-ONLY COPY).

The authoritative reference and input builder live on the scoring server;
editing this copy changes nothing except your own understanding.
"""

import jax, jax.numpy as jnp
import numpy as np

N = 10000
E = 320000
F_IN = 128
F_H = 128
F_OUT = 1
K = 2


def _glorot(key, shape):
    fan_in, fan_out = shape[-2], shape[-1]
    lim = float(np.sqrt(6.0 / (fan_in + fan_out)))
    return jax.random.uniform(key, shape, jnp.float32, -lim, lim)


def setup_inputs(seed: int = 0) -> dict:
    key = jax.random.key(seed)
    ks = jax.random.split(key, 18)
    inp = {}
    inp["x"] = jax.random.normal(ks[0], (N, F_IN), jnp.float32)
    inp["edge_index"] = jax.random.randint(ks[1], (2, E), 0, N, jnp.int32)
    names = ["xz", "hz", "xr", "hr", "xh", "hh"]
    for i, nm in enumerate(names):
        cin = F_IN if nm[0] == "x" else F_H
        inp["W_" + nm] = _glorot(ks[2 + i], (K, cin, F_H))
        inp["b_" + nm] = jnp.zeros((F_H,), jnp.float32)
    inp["lin_w"] = _glorot(ks[10], (F_H, F_OUT))
    inp["lin_b"] = jnp.zeros((F_OUT,), jnp.float32)
    return inp


def _cheb(x, W, b, src, dst, norm):
    # ChebConv with sym normalization, lambda_max=2.0 -> L_hat = -D^{-1/2} A D^{-1/2}
    Tx0 = x
    out = Tx0 @ W[0]
    Tx1 = jax.ops.segment_sum(norm[:, None] * Tx0[src], dst, num_segments=N)
    out = out + Tx1 @ W[1]
    Tp2, Tp1 = Tx0, Tx1
    for k in range(2, W.shape[0]):
        Tk = 2.0 * jax.ops.segment_sum(norm[:, None] * Tp1[src], dst, num_segments=N) - Tp2
        out = out + Tk @ W[k]
        Tp2, Tp1 = Tp1, Tk
    return out + b


def reference(x, edge_index, W_xz, b_xz, W_hz, b_hz, W_xr, b_xr, W_hr, b_hr, W_xh, b_xh, W_hh, b_hh, lin_w, lin_b):
    src = edge_index[0]
    dst = edge_index[1]
    w = jnp.ones((src.shape[0],), x.dtype)
    deg = jax.ops.segment_sum(w, src, num_segments=N)
    dis = jnp.where(deg > 0, 1.0 / jnp.sqrt(jnp.where(deg > 0, deg, 1.0)), 0.0)
    norm = -dis[src] * w * dis[dst]
    H = jnp.zeros((N, F_H), x.dtype)
    Z = jax.nn.sigmoid(_cheb(x, W_xz, b_xz, src, dst, norm) + _cheb(H, W_hz, b_hz, src, dst, norm))
    R = jax.nn.sigmoid(_cheb(x, W_xr, b_xr, src, dst, norm) + _cheb(H, W_hr, b_hr, src, dst, norm))
    Ht = jnp.tanh(_cheb(x, W_xh, b_xh, src, dst, norm) + _cheb(H * R, W_hh, b_hh, src, dst, norm))
    Hn = Z * H + (1.0 - Z) * Ht
    return jax.nn.sigmoid(Hn @ lin_w + lin_b)

if __name__ == "__main__":
    import jax
    _d = setup_inputs()
    print(jax.jit(kernel)(*tuple(_d.values())))

</pallas_src>

<mosaic_0001>
#map = affine_map<(d0, d1) -> (0, 0, 0, 0)>
#map1 = affine_map<(d0, d1) -> (0, 0)>
module attributes {stable_mosaic.version = 14 : i64} {
  func.func @_deg_sc(%arg0: i32, %arg1: i32, %arg2: memref<2x448x6x120xi32, #tpu.memory_space<hbm>>, %arg3: memref<2x10240xf32, #tpu.memory_space<hbm>>, %arg4: memref<14x6x120xi32, #tpu.memory_space<vmem>>, %arg5: memref<120xf32, #tpu.memory_space<vmem>>, %arg6: memref<640xf32, #tpu.memory_space<vmem>>, %arg7: memref<10240xf32, #tpu.memory_space<vmem_shared>>, %arg8: memref<!tpu.dma_semaphore, #tpu.memory_space<semaphore_mem>>) attributes {dimension_semantics = [#tpu.dimension_semantics<core_parallel>, #tpu.dimension_semantics<subcore_parallel>], iteration_bounds = array<i64: 2, 16>, scalar_prefetch = 0 : i64, scratch_operands = 5 : i64, tpu.core_type = #tpu.core_type<sc_vector_subcore>, window_params = [{transform_indices = #map}, {transform_indices = #map1}]} {
    %mul3A = arith.constant 2 : i32
    %mul3A_0 = arith.muli %arg1, %mul3A : i32
    %add3A = arith.addi %mul3A_0, %arg0 : i32
    %broadcast_in_dim3A = arith.constant 1.000000e+00 : f32
    %broadcast_in_dim3A_1 = vector.broadcast %broadcast_in_dim3A : f32 to vector<16xf32>
    %swap3A = arith.constant 0 : index
    %swap3A_2 = tpu.vector_load %arg5[%swap3A] {strides = array<i32>} : memref<120xf32, #tpu.memory_space<vmem>>, vector<16xf32>,
    %swap3A_3 = vector.shape_cast %swap3A_2 : vector<16xf32> to vector<16xf32>
    %swap3A_4 = vector.shape_cast %broadcast_in_dim3A_1 : vector<16xf32> to vector<16xf32>
    tpu.vector_store %arg5[%swap3A], %swap3A_4 {strides = array<i32>} : memref<120xf32, #tpu.memory_space<vmem>>, vector<16xf32>,
    %broadcast_in_dim3A_5 = arith.constant 1.000000e+00 : f32
    %broadcast_in_dim3A_6 = vector.broadcast %broadcast_in_dim3A_5 : f32 to vector<16xf32>
    %swap3A_7 = arith.constant 16 : index
    %swap3A_8 = tpu.vector_load %arg5[%swap3A_7] {strides = array<i32>} : memref<120xf32, #tpu.memory_space<vmem>>, vector<16xf32>,
    %swap3A_9 = vector.shape_cast %swap3A_8 : vector<16xf32> to vector<16xf32>
    %swap3A_10 = vector.shape_cast %broadcast_in_dim3A_6 : vector<16xf32> to vector<16xf32>
    tpu.vector_store %arg5[%swap3A_7], %swap3A_10 {strides = array<i32>} : memref<120xf32, #tpu.memory_space<vmem>>, vector<16xf32>,
    %broadcast_in_dim3A_11 = arith.constant 1.000000e+00 : f32
    %broadcast_in_dim3A_12 = vector.broadcast %broadcast_in_dim3A_11 : f32 to vector<16xf32>
    %swap3A_13 = arith.constant 32 : index
    %swap3A_14 = tpu.vector_load %arg5[%swap3A_13] {strides = array<i32>} : memref<120xf32, #tpu.memory_space<vmem>>, vector<16xf32>,
    %swap3A_15 = vector.shape_cast %swap3A_14 : vector<16xf32> to vector<16xf32>
    %swap3A_16 = vector.shape_cast %broadcast_in_dim3A_12 : vector<16xf32> to vector<16xf32>
    tpu.vector_store %arg5[%swap3A_13], %swap3A_16 {strides = array<i32>} : memref<120xf32, #tpu.memory_space<vmem>>, vector<16xf32>,
    %broadcast_in_dim3A_17 = arith.constant 1.000000e+00 : f32
    %broadcast_in_dim3A_18 = vector.broadcast %broadcast_in_dim3A_17 : f32 to vector<16xf32>
    %swap3A_19 = arith.constant 48 : index
    %swap3A_20 = tpu.vector_load %arg5[%swap3A_19] {strides = array<i32>} : memref<120xf32, #tpu.memory_space<vmem>>, vector<16xf32>,
    %swap3A_21 = vector.shape_cast %swap3A_20 : vector<16xf32> to vector<16xf32>
    %swap3A_22 = vector.shape_cast %broadcast_in_dim3A_18 : vector<16xf32> to vector<16xf32>
    tpu.vector_store %arg5[%swap3A_19], %swap3A_22 {strides = array<i32>} : memref<120xf32, #tpu.memory_space<vmem>>, vector<16xf32>,
    %broadcast_in_dim3A_23 = arith.constant 1.000000e+00 : f32
    %broadcast_in_dim3A_24 = vector.broadcast %broadcast_in_dim3A_23 : f32 to vector<16xf32>
    %swap3A_25 = arith.constant 64 : index
    %swap3A_26 = tpu.vector_load %arg5[%swap3A_25] {strides = array<i32>} : memref<120xf32, #tpu.memory_space<vmem>>, vector<16xf32>,
    %swap3A_27 = vector.shape_cast %swap3A_26 : vector<16xf32> to vector<16xf32>
    %swap3A_28 = vector.shape_cast %broadcast_in_dim3A_24 : vector<16xf32> to vector<16xf32>
    tpu.vector_store %arg5[%swap3A_25], %swap3A_28 {strides = array<i32>} : memref<120xf32, #tpu.memory_space<vmem>>, vector<16xf32>,
    %broadcast_in_dim3A_29 = arith.constant 1.000000e+00 : f32
    %broadcast_in_dim3A_30 = vector.broadcast %broadcast_in_dim3A_29 : f32 to vector<16xf32>
    %swap3A_31 = arith.constant 80 : index
    %swap3A_32 = tpu.vector_load %arg5[%swap3A_31] {strides = array<i32>} : memref<120xf32, #tpu.memory_space<vmem>>, vector<16xf32>,
    %swap3A_33 = vector.shape_cast %swap3A_32 : vector<16xf32> to vector<16xf32>
    %swap3A_34 = vector.shape_cast %broadcast_in_dim3A_30 : vector<16xf32> to vector<16xf32>
    tpu.vector_store %arg5[%swap3A_31], %swap3A_34 {strides = array<i32>} : memref<120xf32, #tpu.memory_space<vmem>>, vector<16xf32>,
    %broadcast_in_dim3A_35 = arith.constant 1.000000e+00 : f32
    %broadcast_in_dim3A_36 = vector.broadcast %broadcast_in_dim3A_35 : f32 to vector<16xf32>
    %swap3A_37 = arith.constant 96 : index
    %swap3A_38 = tpu.vector_load %arg5[%swap3A_37] {strides = array<i32>} : memref<120xf32, #tpu.memory_space<vmem>>, vector<16xf32>,
    %swap3A_39 = vector.shape_cast %swap3A_38 : vector<16xf32> to vector<16xf32>
    %swap3A_40 = vector.shape_cast %broadcast_in_dim3A_36 : vector<16xf32> to vector<16xf32>
    tpu.vector_store %arg5[%swap3A_37], %swap3A_40 {strides = array<i32>} : memref<120xf32, #tpu.memory_space<vmem>>, vector<16xf32>,
    %broadcast_in_dim3A_41 = arith.constant 1.000000e+00 : f32
    %broadcast_in_dim3A_42 = vector.broadcast %broadcast_in_dim3A_41 : f32 to vector<16xf32>
    %swap3A_43 = arith.constant 104 : index
    %swap3A_44 = tpu.vector_load %arg5[%swap3A_43] {strides = array<i32>} : memref<120xf32, #tpu.memory_space<vmem>>, vector<16xf32>,
    %swap3A_45 = vector.shape_cast %swap3A_44 : vector<16xf32> to vector<16xf32>
    %swap3A_46 = vector.shape_cast %broadcast_in_dim3A_42 : vector<16xf32> to vector<16xf32>
    tpu.vector_store %arg5[%swap3A_43], %swap3A_46 {strides = array<i32>} : memref<120xf32, #tpu.memory_space<vmem>>, vector<16xf32>,
    %scan3A = arith.constant 0 : i32
    %scan3A_47 = arith.constant 0 : i32
    %scan3A_48 = arith.constant 40 : i32
    %scan3A_49 = arith.addi %scan3A_47, %scan3A_48 : i32
    %scan3A_50 = arith.constant 1 : i32
    scf.for %scan3A_67 = %scan3A_47 to %scan3A_49 step %scan3A_50  : i32 {
      %broadcast_in_dim3A_68 = arith.constant 0.000000e+00 : f32
      %broadcast_in_dim3A_69 = vector.broadcast %broadcast_in_dim3A_68 : f32 to vector<16xf32>
      %mul3A_70 = arith.constant 16 : i32
      %mul3A_71 = arith.muli %scan3A_67, %mul3A_70 : i32
      %swap3A_72 = arith.index_cast %mul3A_71 : i32 to index
      %swap3A_73 = tpu.vector_load %arg6[%swap3A_72] {strides = array<i32>} : memref<640xf32, #tpu.memory_space<vmem>>, vector<16xf32>,
      %swap3A_74 = vector.shape_cast %swap3A_73 : vector<16xf32> to vector<16xf32>
      %swap3A_75 = vector.shape_cast %broadcast_in_dim3A_69 : vector<16xf32> to vector<16xf32>
      tpu.vector_store %arg6[%swap3A_72], %swap3A_75 {strides = array<i32>} : memref<640xf32, #tpu.memory_space<vmem>>, vector<16xf32>,
    }
    %scan3A_51 = arith.constant 40 : i32
    %mul3A_52 = arith.constant 640 : i32
    %mul3A_53 = arith.muli %arg1, %mul3A_52 : i32
    "tpu.region"() ({
      %run_scoped3A_67 = tpu.sem_alloc : memref<!tpu.dma_semaphore, #tpu.memory_space<semaphore_mem>>
      %dma_start3A = tpu.memref_slice %arg7[%mul3A_53] : memref<10240xf32, #tpu.memory_space<vmem_shared>> -> memref<640xf32, #tpu.memory_space<vmem_shared>>
      %dma_start3A_68 = tpu.memref_slice %arg7[%mul3A_53] : memref<10240xf32, #tpu.memory_space<vmem_shared>> -> memref<640xf32, #tpu.memory_space<vmem_shared>>
      tpu.enqueue_dma source(%arg6 : memref<640xf32, #tpu.memory_space<vmem>>) target(%dma_start3A_68 : memref<640xf32, #tpu.memory_space<vmem_shared>>) target_semaphore(%run_scoped3A_67 : memref<!tpu.dma_semaphore, #tpu.memory_space<semaphore_mem>>)
      %dma_wait3A = tpu.memref_slice %arg7[%mul3A_53] : memref<10240xf32, #tpu.memory_space<vmem_shared>> -> memref<640xf32, #tpu.memory_space<vmem_shared>>
      %dma_wait3A_69 = tpu.memref_slice %arg7[%mul3A_53] : memref<10240xf32, #tpu.memory_space<vmem_shared>> -> memref<640xf32, #tpu.memory_space<vmem_shared>>
      tpu.wait_dma2 semaphore(%run_scoped3A_67 : memref<!tpu.dma_semaphore, #tpu.memory_space<semaphore_mem>>) src(%arg6 : memref<640xf32, #tpu.memory_space<vmem>>) dst(%dma_wait3A_69 : memref<640xf32, #tpu.memory_space<vmem_shared>>)
      tpu.yield
    }) : () -> ()
    %mul3A_54 = arith.constant 14 : i32
    %mul3A_55 = arith.muli %add3A, %mul3A_54 : i32
    %run_scoped3A = arith.constant 0 : i32
    "tpu.region"() ({
      %run_scoped3A_67 = tpu.sem_alloc : memref<!tpu.dma_semaphore, #tpu.memory_space<semaphore_mem>>
      %dma_start3A = arith.constant 0 : i32
      %dma_start3A_68 = arith.constant 0 : i32
      %dma_start3A_69 = tpu.memref_slice %arg2[%run_scoped3A, %mul3A_55, %dma_start3A, %dma_start3A_68] : memref<2x448x6x120xi32, #tpu.memory_space<hbm>> -> memref<1x14x6x120xi32, #tpu.memory_space<hbm>>
      %dma_start3A_70 = tpu.memref_squeeze %dma_start3A_69 : memref<1x14x6x120xi32, #tpu.memory_space<hbm>> -> memref<14x6x120xi32, #tpu.memory_space<hbm>>
      %dma_start3A_71 = arith.constant 0 : i32
      %dma_start3A_72 = arith.constant 0 : i32
      %dma_start3A_73 = tpu.memref_slice %arg2[%run_scoped3A, %mul3A_55, %dma_start3A_71, %dma_start3A_72] : memref<2x448x6x120xi32, #tpu.memory_space<hbm>> -> memref<1x14x6x120xi32, #tpu.memory_space<hbm>>
      %dma_start3A_74 = tpu.memref_squeeze %dma_start3A_73 : memref<1x14x6x120xi32, #tpu.memory_space<hbm>> -> memref<14x6x120xi32, #tpu.memory_space<hbm>>
      tpu.enqueue_dma source(%dma_start3A_74 : memref<14x6x120xi32, #tpu.memory_space<hbm>>) target(%arg4 : memref<14x6x120xi32, #tpu.memory_space<vmem>>) target_semaphore(%run_scoped3A_67 : memref<!tpu.dma_semaphore, #tpu.memory_space<semaphore_mem>>)
      %dma_wait3A = arith.constant 0 : i32
      %dma_wait3A_75 = arith.constant 0 : i32
      %dma_wait3A_76 = tpu.memref_slice %arg2[%run_scoped3A, %mul3A_55, %dma_wait3A, %dma_wait3A_75] : memref<2x448x6x120xi32, #tpu.memory_space<hbm>> -> memref<1x14x6x120xi32, #tpu.memory_space<hbm>>
      %dma_wait3A_77 = tpu.memref_squeeze %dma_wait3A_76 : memref<1x14x6x120xi32, #tpu.memory_space<hbm>> -> memref<14x6x120xi32, #tpu.memory_space<hbm>>
      %dma_wait3A_78 = arith.constant 0 : i32
      %dma_wait3A_79 = arith.constant 0 : i32
      %dma_wait3A_80 = tpu.memref_slice %arg2[%run_scoped3A, %mul3A_55, %dma_wait3A_78, %dma_wait3A_79] : memref<2x448x6x120xi32, #tpu.memory_space<hbm>> -> memref<1x14x6x120xi32, #tpu.memory_space<hbm>>
      %dma_wait3A_81 = tpu.memref_squeeze %dma_wait3A_80 : memref<1x14x6x120xi32, #tpu.memory_space<hbm>> -> memref<14x6x120xi32, #tpu.memory_space<hbm>>
      tpu.wait_dma2 semaphore(%run_scoped3A_67 : memref<!tpu.dma_semaphore, #tpu.memory_space<semaphore_mem>>) src(%dma_wait3A_81 : memref<14x6x120xi32, #tpu.memory_space<hbm>>) dst(%arg4 : memref<14x6x120xi32, #tpu.memory_space<vmem>>)
      tpu.yield
    }) : () -> ()
    %barrier3A = arith.constant 0 : index
    tpu.barrier barrier_id(%barrier3A)
    %scan3A_56 = arith.constant 0 : i32
    %scan3A_57 = arith.constant 0 : i32
    %scan3A_58 = arith.constant 14 : i32
    %scan3A_59 = arith.addi %scan3A_57, %scan3A_58 : i32
    %scan3A_60 = arith.constant 1 : i32
    scf.for %scan3A_67 = %scan3A_57 to %scan3A_59 step %scan3A_60  : i32 {
      %dma_start3A = arith.constant 0 : i32
      %dma_start3A_68 = arith.constant 0 : i32
      %dma_start3A_69 = tpu.memref_slice %arg4[%scan3A_67, %dma_start3A, %dma_start3A_68] : memref<14x6x120xi32, #tpu.memory_space<vmem>> -> memref<1x1x120xi32, #tpu.memory_space<vmem>>
      %dma_start3A_70 = tpu.memref_squeeze %dma_start3A_69 : memref<1x1x120xi32, #tpu.memory_space<vmem>> -> memref<120xi32, #tpu.memory_space<vmem>>
      %dma_start3A_71 = arith.constant 0 : i32
      %dma_start3A_72 = tpu.memref_slice %arg7[%dma_start3A_71] : memref<10240xf32, #tpu.memory_space<vmem_shared>> -> memref<10240xf32, #tpu.memory_space<vmem_shared>>
      tpu.enqueue_indirect_dma source(%arg5 : memref<120xf32, #tpu.memory_space<vmem>>) target(%dma_start3A_72 : memref<10240xf32, #tpu.memory_space<vmem_shared>>) offsets(%dma_start3A_70 : memref<120xi32, #tpu.memory_space<vmem>>) semaphore(%arg8 : memref<!tpu.dma_semaphore, #tpu.memory_space<semaphore_mem>>) {add = true}
      %dma_start3A_73 = arith.constant 1 : i32
      %dma_start3A_74 = arith.constant 0 : i32
      %dma_start3A_75 = tpu.memref_slice %arg4[%scan3A_67, %dma_start3A_73, %dma_start3A_74] : memref<14x6x120xi32, #tpu.memory_space<vmem>> -> memref<1x1x120xi32, #tpu.memory_space<vmem>>
      %dma_start3A_76 = tpu.memref_squeeze %dma_start3A_75 : memref<1x1x120xi32, #tpu.memory_space<vmem>> -> memref<120xi32, #tpu.memory_space<vmem>>
      %dma_start3A_77 = arith.constant 0 : i32
      %dma_start3A_78 = tpu.memref_slice %arg7[%dma_start3A_77] : memref<10240xf32, #tpu.memory_space<vmem_shared>> -> memref<10240xf32, #tpu.memory_space<vmem_shared>>
      tpu.enqueue_indirect_dma source(%arg5 : memref<120xf32, #tpu.memory_space<vmem>>) target(%dma_start3A_78 : memref<10240xf32, #tpu.memory_space<vmem_shared>>) offsets(%dma_start3A_76 : memref<120xi32, #tpu.memory_space<vmem>>) semaphore(%arg8 : memref<!tpu.dma_semaphore, #tpu.memory_space<semaphore_mem>>) {add = true}
      %dma_start3A_79 = arith.constant 2 : i32
      %dma_start3A_80 = arith.constant 0 : i32
      %dma_start3A_81 = tpu.memref_slice %arg4[%scan3A_67, %dma_start3A_79, %dma_start3A_80] : memref<14x6x120xi32, #tpu.memory_space<vmem>> -> memref<1x1x120xi32, #tpu.memory_space<vmem>>
      %dma_start3A_82 = tpu.memref_squeeze %dma_start3A_81 : memref<1x1x120xi32, #tpu.memory_space<vmem>> -> memref<120xi32, #tpu.memory_space<vmem>>
      %dma_start3A_83 = arith.constant 0 : i32
      %dma_start3A_84 = tpu.memref_slice %arg7[%dma_start3A_83] : memref<10240xf32, #tpu.memory_space<vmem_shared>> -> memref<10240xf32, #tpu.memory_space<vmem_shared>>
      tpu.enqueue_indirect_dma source(%arg5 : memref<120xf32, #tpu.memory_space<vmem>>) target(%dma_start3A_84 : memref<10240xf32, #tpu.memory_space<vmem_shared>>) offsets(%dma_start3A_82 : memref<120xi32, #tpu.memory_space<vmem>>) semaphore(%arg8 : memref<!tpu.dma_semaphore, #tpu.memory_space<semaphore_mem>>) {add = true}
      %dma_start3A_85 = arith.constant 3 : i32
      %dma_start3A_86 = arith.constant 0 : i32
      %dma_start3A_87 = tpu.memref_slice %arg4[%scan3A_67, %dma_start3A_85, %dma_start3A_86] : memref<14x6x120xi32, #tpu.memory_space<vmem>> -> memref<1x1x120xi32, #tpu.memory_space<vmem>>
      %dma_start3A_88 = tpu.memref_squeeze %dma_start3A_87 : memref<1x1x120xi32, #tpu.memory_space<vmem>> -> memref<120xi32, #tpu.memory_space<vmem>>
      %dma_start3A_89 = arith.constant 0 : i32
      %dma_start3A_90 = tpu.memref_slice %arg7[%dma_start3A_89] : memref<10240xf32, #tpu.memory_space<vmem_shared>> -> memref<10240xf32, #tpu.memory_space<vmem_shared>>
      tpu.enqueue_indirect_dma source(%arg5 : memref<120xf32, #tpu.memory_space<vmem>>) target(%dma_start3A_90 : memref<10240xf32, #tpu.memory_space<vmem_shared>>) offsets(%dma_start3A_88 : memref<120xi32, #tpu.memory_space<vmem>>) semaphore(%arg8 : memref<!tpu.dma_semaphore, #tpu.memory_space<semaphore_mem>>) {add = true}
      %dma_start3A_91 = arith.constant 4 : i32
      %dma_start3A_92 = arith.constant 0 : i32
      %dma_start3A_93 = tpu.memref_slice %arg4[%scan3A_67, %dma_start3A_91, %dma_start3A_92] : memref<14x6x120xi32, #tpu.memory_space<vmem>> -> memref<1x1x120xi32, #tpu.memory_space<vmem>>
      %dma_start3A_94 = tpu.memref_squeeze %dma_start3A_93 : memref<1x1x120xi32, #tpu.memory_space<vmem>> -> memref<120xi32, #tpu.memory_space<vmem>>
      %dma_start3A_95 = arith.constant 0 : i32
      %dma_start3A_96 = tpu.memref_slice %arg7[%dma_start3A_95] : memref<10240xf32, #tpu.memory_space<vmem_shared>> -> memref<10240xf32, #tpu.memory_space<vmem_shared>>
      tpu.enqueue_indirect_dma source(%arg5 : memref<120xf32, #tpu.memory_space<vmem>>) target(%dma_start3A_96 : memref<10240xf32, #tpu.memory_space<vmem_shared>>) offsets(%dma_start3A_94 : memref<120xi32, #tpu.memory_space<vmem>>) semaphore(%arg8 : memref<!tpu.dma_semaphore, #tpu.memory_space<semaphore_mem>>) {add = true}
      %dma_start3A_97 = arith.constant 5 : i32
      %dma_start3A_98 = arith.constant 0 : i32
      %dma_start3A_99 = tpu.memref_slice %arg4[%scan3A_67, %dma_start3A_97, %dma_start3A_98] : memref<14x6x120xi32, #tpu.memory_space<vmem>> -> memref<1x1x120xi32, #tpu.memory_space<vmem>>
      %dma_start3A_100 = tpu.memref_squeeze %dma_start3A_99 : memref<1x1x120xi32, #tpu.memory_space<vmem>> -> memref<120xi32, #tpu.memory_space<vmem>>
      %dma_start3A_101 = arith.constant 0 : i32
      %dma_start3A_102 = tpu.memref_slice %arg7[%dma_start3A_101] : memref<10240xf32, #tpu.memory_space<vmem_shared>> -> memref<10240xf32, #tpu.memory_space<vmem_shared>>
      tpu.enqueue_indirect_dma source(%arg5 : memref<120xf32, #tpu.memory_space<vmem>>) target(%dma_start3A_102 : memref<10240xf32, #tpu.memory_space<vmem_shared>>) offsets(%dma_start3A_100 : memref<120xi32, #tpu.memory_space<vmem>>) semaphore(%arg8 : memref<!tpu.dma_semaphore, #tpu.memory_space<semaphore_mem>>) {add = true}
      %dma_wait3A = arith.constant 0 : i32
      %dma_wait3A_103 = arith.constant 0 : i32
      %dma_wait3A_104 = tpu.memref_slice %arg4[%scan3A_67, %dma_wait3A, %dma_wait3A_103] : memref<14x6x120xi32, #tpu.memory_space<vmem>> -> memref<1x1x120xi32, #tpu.memory_space<vmem>>
      %dma_wait3A_105 = tpu.memref_squeeze %dma_wait3A_104 : memref<1x1x120xi32, #tpu.memory_space<vmem>> -> memref<120xi32, #tpu.memory_space<vmem>>
      %dma_wait3A_106 = arith.constant 0 : i32
      %dma_wait3A_107 = tpu.memref_slice %arg7[%dma_wait3A_106] : memref<10240xf32, #tpu.memory_space<vmem_shared>> -> memref<10240xf32, #tpu.memory_space<vmem_shared>>
      tpu.wait_indirect_dma semaphore(%arg8 : memref<!tpu.dma_semaphore, #tpu.memory_space<semaphore_mem>>) src(%arg5 : memref<120xf32, #tpu.memory_space<vmem>>) dst(%dma_wait3A_107 : memref<10240xf32, #tpu.memory_space<vmem_shared>>)
      %dma_wait3A_108 = arith.constant 1 : i32
      %dma_wait3A_109 = arith.constant 0 : i32
      %dma_wait3A_110 = tpu.memref_slice %arg4[%scan3A_67, %dma_wait3A_108, %dma_wait3A_109] : memref<14x6x120xi32, #tpu.memory_space<vmem>> -> memref<1x1x120xi32, #tpu.memory_space<vmem>>
      %dma_wait3A_111 = tpu.memref_squeeze %dma_wait3A_110 : memref<1x1x120xi32, #tpu.memory_space<vmem>> -> memref<120xi32, #tpu.memory_space<vmem>>
      %dma_wait3A_112 = arith.constant 0 : i32
      %dma_wait3A_113 = tpu.memref_slice %arg7[%dma_wait3A_112] : memref<10240xf32, #tpu.memory_space<vmem_shared>> -> memref<10240xf32, #tpu.memory_space<vmem_shared>>
      tpu.wait_indirect_dma semaphore(%arg8 : memref<!tpu.dma_semaphore, #tpu.memory_space<semaphore_mem>>) src(%arg5 : memref<120xf32, #tpu.memory_space<vmem>>) dst(%dma_wait3A_113 : memref<10240xf32, #tpu.memory_space<vmem_shared>>)
      %dma_wait3A_114 = arith.constant 2 : i32
      %dma_wait3A_115 = arith.constant 0 : i32
      %dma_wait3A_116 = tpu.memref_slice %arg4[%scan3A_67, %dma_wait3A_114, %dma_wait3A_115] : memref<14x6x120xi32, #tpu.memory_space<vmem>> -> memref<1x1x120xi32, #tpu.memory_space<vmem>>
      %dma_wait3A_117 = tpu.memref_squeeze %dma_wait3A_116 : memref<1x1x120xi32, #tpu.memory_space<vmem>> -> memref<120xi32, #tpu.memory_space<vmem>>
      %dma_wait3A_118 = arith.constant 0 : i32
      %dma_wait3A_119 = tpu.memref_slice %arg7[%dma_wait3A_118] : memref<10240xf32, #tpu.memory_space<vmem_shared>> -> memref<10240xf32, #tpu.memory_space<vmem_shared>>
      tpu.wait_indirect_dma semaphore(%arg8 : memref<!tpu.dma_semaphore, #tpu.memory_space<semaphore_mem>>) src(%arg5 : memref<120xf32, #tpu.memory_space<vmem>>) dst(%dma_wait3A_119 : memref<10240xf32, #tpu.memory_space<vmem_shared>>)
      %dma_wait3A_120 = arith.constant 3 : i32
      %dma_wait3A_121 = arith.constant 0 : i32
      %dma_wait3A_122 = tpu.memref_slice %arg4[%scan3A_67, %dma_wait3A_120, %dma_wait3A_121] : memref<14x6x120xi32, #tpu.memory_space<vmem>> -> memref<1x1x120xi32, #tpu.memory_space<vmem>>
      %dma_wait3A_123 = tpu.memref_squeeze %dma_wait3A_122 : memref<1x1x120xi32, #tpu.memory_space<vmem>> -> memref<120xi32, #tpu.memory_space<vmem>>
      %dma_wait3A_124 = arith.constant 0 : i32
      %dma_wait3A_125 = tpu.memref_slice %arg7[%dma_wait3A_124] : memref<10240xf32, #tpu.memory_space<vmem_shared>> -> memref<10240xf32, #tpu.memory_space<vmem_shared>>
      tpu.wait_indirect_dma semaphore(%arg8 : memref<!tpu.dma_semaphore, #tpu.memory_space<semaphore_mem>>) src(%arg5 : memref<120xf32, #tpu.memory_space<vmem>>) dst(%dma_wait3A_125 : memref<10240xf32, #tpu.memory_space<vmem_shared>>)
      %dma_wait3A_126 = arith.constant 4 : i32
      %dma_wait3A_127 = arith.constant 0 : i32
      %dma_wait3A_128 = tpu.memref_slice %arg4[%scan3A_67, %dma_wait3A_126, %dma_wait3A_127] : memref<14x6x120xi32, #tpu.memory_space<vmem>> -> memref<1x1x120xi32, #tpu.memory_space<vmem>>
      %dma_wait3A_129 = tpu.memref_squeeze %dma_wait3A_128 : memref<1x1x120xi32, #tpu.memory_space<vmem>> -> memref<120xi32, #tpu.memory_space<vmem>>
      %dma_wait3A_130 = arith.constant 0 : i32
      %dma_wait3A_131 = tpu.memref_slice %arg7[%dma_wait3A_130] : memref<10240xf32, #tpu.memory_space<vmem_shared>> -> memref<10240xf32, #tpu.memory_space<vmem_shared>>
      tpu.wait_indirect_dma semaphore(%arg8 : memref<!tpu.dma_semaphore, #tpu.memory_space<semaphore_mem>>) src(%arg5 : memref<120xf32, #tpu.memory_space<vmem>>) dst(%dma_wait3A_131 : memref<10240xf32, #tpu.memory_space<vmem_shared>>)
      %dma_wait3A_132 = arith.constant 5 : i32
      %dma_wait3A_133 = arith.constant 0 : i32
      %dma_wait3A_134 = tpu.memref_slice %arg4[%scan3A_67, %dma_wait3A_132, %dma_wait3A_133] : memref<14x6x120xi32, #tpu.memory_space<vmem>> -> memref<1x1x120xi32, #tpu.memory_space<vmem>>
      %dma_wait3A_135 = tpu.memref_squeeze %dma_wait3A_134 : memref<1x1x120xi32, #tpu.memory_space<vmem>> -> memref<120xi32, #tpu.memory_space<vmem>>
      %dma_wait3A_136 = arith.constant 0 : i32
      %dma_wait3A_137 = tpu.memref_slice %arg7[%dma_wait3A_136] : memref<10240xf32, #tpu.memory_space<vmem_shared>> -> memref<10240xf32, #tpu.memory_space<vmem_shared>>
      tpu.wait_indirect_dma semaphore(%arg8 : memref<!tpu.dma_semaphore, #tpu.memory_space<semaphore_mem>>) src(%arg5 : memref<120xf32, #tpu.memory_space<vmem>>) dst(%dma_wait3A_137 : memref<10240xf32, #tpu.memory_space<vmem_shared>>)
    }
    %scan3A_61 = arith.constant 14 : i32
    %barrier3A_62 = arith.constant 0 : index
    tpu.barrier barrier_id(%barrier3A_62)
    %mul3A_63 = arith.constant 640 : i32
    %mul3A_64 = arith.muli %arg1, %mul3A_63 : i32
    %mul3A_65 = arith.constant 640 : i32
    %mul3A_66 = arith.muli %arg1, %mul3A_65 : i32
    "tpu.region"() ({
      %run_scoped3A_67 = tpu.sem_alloc : memref<!tpu.dma_semaphore, #tpu.memory_space<semaphore_mem>>
      %dma_start3A = tpu.memref_slice %arg3[%arg0, %mul3A_66] : memref<2x10240xf32, #tpu.memory_space<hbm>> -> memref<1x640xf32, #tpu.memory_space<hbm>>
      %dma_start3A_68 = tpu.memref_squeeze %dma_start3A : memref<1x640xf32, #tpu.memory_space<hbm>> -> memref<640xf32, #tpu.memory_space<hbm>>
      %dma_start3A_69 = tpu.memref_slice %arg7[%mul3A_64] : memref<10240xf32, #tpu.memory_space<vmem_shared>> -> memref<640xf32, #tpu.memory_space<vmem_shared>>
      tpu.enqueue_dma source(%dma_start3A_69 : memref<640xf32, #tpu.memory_space<vmem_shared>>) target(%dma_start3A_68 : memref<640xf32, #tpu.memory_space<hbm>>) target_semaphore(%run_scoped3A_67 : memref<!tpu.dma_semaphore, #tpu.memory_space<semaphore_mem>>)
      %dma_wait3A = tpu.memref_slice %arg3[%arg0, %mul3A_66] : memref<2x10240xf32, #tpu.memory_space<hbm>> -> memref<1x640xf32, #tpu.memory_space<hbm>>
      %dma_wait3A_70 = tpu.memref_squeeze %dma_wait3A : memref<1x640xf32, #tpu.memory_space<hbm>> -> memref<640xf32, #tpu.memory_space<hbm>>
      %dma_wait3A_71 = tpu.memref_slice %arg7[%mul3A_64] : memref<10240xf32, #tpu.memory_space<vmem_shared>> -> memref<640xf32, #tpu.memory_space<vmem_shared>>
      tpu.wait_dma2 semaphore(%run_scoped3A_67 : memref<!tpu.dma_semaphore, #tpu.memory_space<semaphore_mem>>) src(%dma_wait3A_71 : memref<640xf32, #tpu.memory_space<vmem_shared>>) dst(%dma_wait3A_70 : memref<640xf32, #tpu.memory_space<hbm>>)
      tpu.yield
    }) : () -> ()
    return
  }
}

#map = affine_map<(d0, d1) -> (0, 0, 0, 0)>
#map1 = affine_map<(d0, d1) -> (0, 0)>
#map2 = affine_map<(d0, d1) -> (0, 0, 0)>
module attributes {stable_mosaic.version = 14 : i64} {
  func.func @_seg_sc(%arg0: i32, %arg1: i32, %arg2: memref<2x448x6x120xi32, #tpu.memory_space<hbm>>, %arg3: memref<10240x128xf32, #tpu.memory_space<hbm>>, %arg4: memref<2x10240x128xf32, #tpu.memory_space<hbm>>, %arg5: memref<2x120xi32, #tpu.memory_space<vmem>>, %arg6: memref<2x120xi32, #tpu.memory_space<vmem>>, %arg7: memref<2x120xi32, #tpu.memory_space<vmem>>, %arg8: memref<2x120xi32, #tpu.memory_space<vmem>>, %arg9: memref<2x120xi32, #tpu.memory_space<vmem>>, %arg10: memref<2x120xi32, #tpu.memory_space<vmem>>, %arg11: memref<120x128xf32, #tpu.memory_space<vmem>>, %arg12: memref<120x128xf32, #tpu.memory_space<vmem>>, %arg13: memref<120x128xf32, #tpu.memory_space<vmem>>, %arg14: memref<10240x128xf32, #tpu.memory_space<vmem_shared>>, %arg15: memref<!tpu.dma_semaphore, #tpu.memory_space<semaphore_mem>>, %arg16: memref<!tpu.dma_semaphore, #tpu.memory_space<semaphore_mem>>, %arg17: memref<!tpu.dma_semaphore, #tpu.memory_space<semaphore_mem>>, %arg18: memref<!tpu.dma_semaphore, #tpu.memory_space<semaphore_mem>>, %arg19: memref<!tpu.dma_semaphore, #tpu.memory_space<semaphore_mem>>, %arg20: memref<!tpu.dma_semaphore, #tpu.memory_space<semaphore_mem>>, %arg21: memref<!tpu.dma_semaphore, #tpu.memory_space<semaphore_mem>>, %arg22: memref<!tpu.dma_semaphore, #tpu.memory_space<semaphore_mem>>, %arg23: memref<!tpu.dma_semaphore, #tpu.memory_space<semaphore_mem>>, %arg24: memref<!tpu.dma_semaphore, #tpu.memory_space<semaphore_mem>>, %arg25: memref<!tpu.dma_semaphore, #tpu.memory_space<semaphore_mem>>, %arg26: memref<!tpu.dma_semaphore, #tpu.memory_space<semaphore_mem>>) attributes {dimension_semantics = [#tpu.dimension_semantics<core_parallel>, #tpu.dimension_semantics<subcore_parallel>], iteration_bounds = array<i64: 2, 16>, scalar_prefetch = 0 : i64, scratch_operands = 22 : i64, tpu.core_type = #tpu.core_type<sc_vector_subcore>, window_params = [{transform_indices = #map}, {transform_indices = #map1}, {transform_indices = #map2}]} {
    %eq3A = arith.constant 0 : i32
    %eq3A_0 = arith.cmpi eq, %arg0, %eq3A : i32
    %mul3A = arith.constant 25 : i32
    %mul3A_1 = arith.muli %arg1, %mul3A : i32
    %mul3A_2 = arith.constant 3 : i32
    %mul3A_3 = arith.muli %arg1, %mul3A_2 : i32
    %add3A = arith.constant 400 : i32
    %add3A_4 = arith.addi %add3A, %mul3A_3 : i32
    %select_n3A = arith.select %eq3A_0, %mul3A_1, %add3A_4 : i32
    %eq3A_5 = arith.constant 0 : i32
    %eq3A_6 = arith.cmpi eq, %arg0, %eq3A_5 : i32
    %jit3A = arith.constant 150 : i32
    %jit3A_7 = arith.constant 18 : i32
    %select_n3A_8 = arith.select %eq3A_6, %jit3A, %jit3A_7 : i32
    %scan3A = arith.constant 0 : i32
    %scan3A_9 = arith.constant 0 : i32
    %scan3A_10 = arith.constant 120 : i32
    %scan3A_11 = arith.addi %scan3A_9, %scan3A_10 : i32
    %scan3A_12 = arith.constant 1 : i32
    scf.for %scan3A_222 = %scan3A_9 to %scan3A_11 step %scan3A_12  : i32 {
      %broadcast_in_dim3A = arith.constant 0.000000e+00 : f32
      %broadcast_in_dim3A_223 = vector.broadcast %broadcast_in_dim3A : f32 to vector<16xf32>
      %swap3A = arith.index_cast %scan3A_222 : i32 to index
      %swap3A_224 = arith.constant 0 : index
      %swap3A_225 = tpu.vector_load %arg11[%swap3A, %swap3A_224] {strides = array<i32>} : memref<120x128xf32, #tpu.memory_space<vmem>>, vector<1x16xf32>,
      %swap3A_226 = vector.shape_cast %swap3A_225 : vector<1x16xf32> to vector<16xf32>
      %swap3A_227 = vector.shape_cast %broadcast_in_dim3A_223 : vector<16xf32> to vector<1x16xf32>
      tpu.vector_store %arg11[%swap3A, %swap3A_224], %swap3A_227 {strides = array<i32>} : memref<120x128xf32, #tpu.memory_space<vmem>>, vector<1x16xf32>,
      %broadcast_in_dim3A_228 = arith.constant 0.000000e+00 : f32
      %broadcast_in_dim3A_229 = vector.broadcast %broadcast_in_dim3A_228 : f32 to vector<16xf32>
      %swap3A_230 = arith.index_cast %scan3A_222 : i32 to index
      %swap3A_231 = arith.constant 16 : index
      %swap3A_232 = tpu.vector_load %arg11[%swap3A_230, %swap3A_231] {strides = array<i32>} : memref<120x128xf32, #tpu.memory_space<vmem>>, vector<1x16xf32>,
      %swap3A_233 = vector.shape_cast %swap3A_232 : vector<1x16xf32> to vector<16xf32>
      %swap3A_234 = vector.shape_cast %broadcast_in_dim3A_229 : vector<16xf32> to vector<1x16xf32>
      tpu.vector_store %arg11[%swap3A_230, %swap3A_231], %swap3A_234 {strides = array<i32>} : memref<120x128xf32, #tpu.memory_space<vmem>>, vector<1x16xf32>,
      %broadcast_in_dim3A_235 = arith.constant 0.000000e+00 : f32
      %broadcast_in_dim3A_236 = vector.broadcast %broadcast_in_dim3A_235 : f32 to vector<16xf32>
      %swap3A_237 = arith.index_cast %scan3A_222 : i32 to index
      %swap3A_238 = arith.constant 32 : index
      %swap3A_239 = tpu.vector_load %arg11[%swap3A_237, %swap3A_238] {strides = array<i32>} : memref<120x128xf32, #tpu.memory_space<vmem>>, vector<1x16xf32>,
      %swap3A_240 = vector.shape_cast %swap3A_239 : vector<1x16xf32> to vector<16xf32>
      %swap3A_241 = vector.shape_cast %broadcast_in_dim3A_236 : vector<16xf32> to vector<1x16xf32>
      tpu.vector_store %arg11[%swap3A_237, %swap3A_238], %swap3A_241 {strides = array<i32>} : memref<120x128xf32, #tpu.memory_space<vmem>>, vector<1x16xf32>,
      %broadcast_in_dim3A_242 = arith.constant 0.000000e+00 : f32
      %broadcast_in_dim3A_243 = vector.broadcast %broadcast_in_dim3A_242 : f32 to vector<16xf32>
      %swap3A_244 = arith.index_cast %scan3A_222 : i32 to index
      %swap3A_245 = arith.constant 48 : index
      %swap3A_246 = tpu.vector_load %arg11[%swap3A_244, %swap3A_245] {strides = array<i32>} : memref<120x128xf32, #tpu.memory_space<vmem>>, vector<1x16xf32>,
      %swap3A_247 = vector.shape_cast %swap3A_246 : vector<1x16xf32> to vector<16xf32>
      %swap3A_248 = vector.shape_cast %broadcast_in_dim3A_243 : vector<16xf32> to vector<1x16xf32>
      tpu.vector_store %arg11[%swap3A_244, %swap3A_245], %swap3A_248 {strides = array<i32>} : memref<120x128xf32, #tpu.memory_space<vmem>>, vector<1x16xf32>,
      %broadcast_in_dim3A_249 = arith.constant 0.000000e+00 : f32
      %broadcast_in_dim3A_250 = vector.broadcast %broadcast_in_dim3A_249 : f32 to vector<16xf32>
      %swap3A_251 = arith.index_cast %scan3A_222 : i32 to index
      %swap3A_252 = arith.constant 64 : index
      %swap3A_253 = tpu.vector_load %arg11[%swap3A_251, %swap3A_252] {strides = array<i32>} : memref<120x128xf32, #tpu.memory_space<vmem>>, vector<1x16xf32>,
      %swap3A_254 = vector.shape_cast %swap3A_253 : vector<1x16xf32> to vector<16xf32>
      %swap3A_255 = vector.shape_cast %broadcast_in_dim3A_250 : vector<16xf32> to vector<1x16xf32>
      tpu.vector_store %arg11[%swap3A_251, %swap3A_252], %swap3A_255 {strides = array<i32>} : memref<120x128xf32, #tpu.memory_space<vmem>>, vector<1x16xf32>,
      %broadcast_in_dim3A_256 = arith.constant 0.000000e+00 : f32
      %broadcast_in_dim3A_257 = vector.broadcast %broadcast_in_dim3A_256 : f32 to vector<16xf32>
      %swap3A_258 = arith.index_cast %scan3A_222 : i32 to index
      %swap3A_259 = arith.constant 80 : index
      %swap3A_260 = tpu.vector_load %arg11[%swap3A_258, %swap3A_259] {strides = array<i32>} : memref<120x128xf32, #tpu.memory_space<vmem>>, vector<1x16xf32>,
      %swap3A_261 = vector.shape_cast %swap3A_260 : vector<1x16xf32> to vector<16xf32>
      %swap3A_262 = vector.shape_cast %broadcast_in_dim3A_257 : vector<16xf32> to vector<1x16xf32>
      tpu.vector_store %arg11[%swap3A_258, %swap3A_259], %swap3A_262 {strides = array<i32>} : memref<120x128xf32, #tpu.memory_space<vmem>>, vector<1x16xf32>,
      %broadcast_in_dim3A_263 = arith.constant 0.000000e+00 : f32
      %broadcast_in_dim3A_264 = vector.broadcast %broadcast_in_dim3A_263 : f32 to vector<16xf32>
      %swap3A_265 = arith.index_cast %scan3A_222 : i32 to index
      %swap3A_266 = arith.constant 96 : index
      %swap3A_267 = tpu.vector_load %arg11[%swap3A_265, %swap3A_266] {strides = array<i32>} : memref<120x128xf32, #tpu.memory_space<vmem>>, vector<1x16xf32>,
      %swap3A_268 = vector.shape_cast %swap3A_267 : vector<1x16xf32> to vector<16xf32>
      %swap3A_269 = vector.shape_cast %broadcast_in_dim3A_264 : vector<16xf32> to vector<1x16xf32>
      tpu.vector_store %arg11[%swap3A_265, %swap3A_266], %swap3A_269 {strides = array<i32>} : memref<120x128xf32, #tpu.memory_space<vmem>>, vector<1x16xf32>,
      %broadcast_in_dim3A_270 = arith.constant 0.000000e+00 : f32
      %broadcast_in_dim3A_271 = vector.broadcast %broadcast_in_dim3A_270 : f32 to vector<16xf32>
      %swap3A_272 = arith.index_cast %scan3A_222 : i32 to index
      %swap3A_273 = arith.constant 112 : index
      %swap3A_274 = tpu.vector_load %arg11[%swap3A_272, %swap3A_273] {strides = array<i32>} : memref<120x128xf32, #tpu.memory_space<vmem>>, vector<1x16xf32>,
      %swap3A_275 = vector.shape_cast %swap3A_274 : vector<1x16xf32> to vector<16xf32>
      %swap3A_276 = vector.shape_cast %broadcast_in_dim3A_271 : vector<16xf32> to vector<1x16xf32>
      tpu.vector_store %arg11[%swap3A_272, %swap3A_273], %swap3A_276 {strides = array<i32>} : memref<120x128xf32, #tpu.memory_space<vmem>>, vector<1x16xf32>,
    }
    %scan3A_13 = arith.constant 120 : i32
    %mul3A_14 = arith.constant 640 : i32
    %mul3A_15 = arith.muli %arg1, %mul3A_14 : i32
    %add3A_16 = arith.constant 0 : i32
    %add3A_17 = arith.addi %mul3A_15, %add3A_16 : i32
    "tpu.region"() ({
      %run_scoped3A_222 = tpu.sem_alloc : memref<!tpu.dma_semaphore, #tpu.memory_space<semaphore_mem>>
      %dma_start3A_223 = arith.constant 0 : i32
      %dma_start3A_224 = tpu.memref_slice %arg14[%add3A_17, %dma_start3A_223] : memref<10240x128xf32, #tpu.memory_space<vmem_shared>> -> memref<120x128xf32, #tpu.memory_space<vmem_shared>>
      %dma_start3A_225 = arith.constant 0 : i32
      %dma_start3A_226 = tpu.memref_slice %arg14[%add3A_17, %dma_start3A_225] : memref<10240x128xf32, #tpu.memory_space<vmem_shared>> -> memref<120x128xf32, #tpu.memory_space<vmem_shared>>
      tpu.enqueue_dma source(%arg11 : memref<120x128xf32, #tpu.memory_space<vmem>>) target(%dma_start3A_226 : memref<120x128xf32, #tpu.memory_space<vmem_shared>>) target_semaphore(%run_scoped3A_222 : memref<!tpu.dma_semaphore, #tpu.memory_space<semaphore_mem>>)
      %dma_wait3A_227 = arith.constant 0 : i32
      %dma_wait3A_228 = tpu.memref_slice %arg14[%add3A_17, %dma_wait3A_227] : memref<10240x128xf32, #tpu.memory_space<vmem_shared>> -> memref<120x128xf32, #tpu.memory_space<vmem_shared>>
      %dma_wait3A_229 = arith.constant 0 : i32
      %dma_wait3A_230 = tpu.memref_slice %arg14[%add3A_17, %dma_wait3A_229] : memref<10240x128xf32, #tpu.memory_space<vmem_shared>> -> memref<120x128xf32, #tpu.memory_space<vmem_shared>>
      tpu.wait_dma2 semaphore(%run_scoped3A_222 : memref<!tpu.dma_semaphore, #tpu.memory_space<semaphore_mem>>) src(%arg11 : memref<120x128xf32, #tpu.memory_space<vmem>>) dst(%dma_wait3A_230 : memref<120x128xf32, #tpu.memory_space<vmem_shared>>)
      tpu.yield
    }) : () -> ()
    %add3A_18 = arith.constant 120 : i32
    %add3A_19 = arith.addi %mul3A_15, %add3A_18 : i32
    "tpu.region"() ({
      %run_scoped3A_222 = tpu.sem_alloc : memref<!tpu.dma_semaphore, #tpu.memory_space<semaphore_mem>>
      %dma_start3A_223 = arith.constant 0 : i32
      %dma_start3A_224 = tpu.memref_slice %arg14[%add3A_19, %dma_start3A_223] : memref<10240x128xf32, #tpu.memory_space<vmem_shared>> -> memref<120x128xf32, #tpu.memory_space<vmem_shared>>
      %dma_start3A_225 = arith.constant 0 : i32
      %dma_start3A_226 = tpu.memref_slice %arg14[%add3A_19, %dma_start3A_225] : memref<10240x128xf32, #tpu.memory_space<vmem_shared>> -> memref<120x128xf32, #tpu.memory_space<vmem_shared>>
      tpu.enqueue_dma source(%arg11 : memref<120x128xf32, #tpu.memory_space<vmem>>) target(%dma_start3A_226 : memref<120x128xf32, #tpu.memory_space<vmem_shared>>) target_semaphore(%run_scoped3A_222 : memref<!tpu.dma_semaphore, #tpu.memory_space<semaphore_mem>>)
      %dma_wait3A_227 = arith.constant 0 : i32
      %dma_wait3A_228 = tpu.memref_slice %arg14[%add3A_19, %dma_wait3A_227] : memref<10240x128xf32, #tpu.memory_space<vmem_shared>> -> memref<120x128xf32, #tpu.memory_space<vmem_shared>>
      %dma_wait3A_229 = arith.constant 0 : i32
      %dma_wait3A_230 = tpu.memref_slice %arg14[%add3A_19, %dma_wait3A_229] : memref<10240x128xf32, #tpu.memory_space<vmem_shared>> -> memref<120x128xf32, #tpu.memory_space<vmem_shared>>
      tpu.wait_dma2 semaphore(%run_scoped3A_222 : memref<!tpu.dma_semaphore, #tpu.memory_space<semaphore_mem>>) src(%arg11 : memref<120x128xf32, #tpu.memory_space<vmem>>) dst(%dma_wait3A_230 : memref<120x128xf32, #tpu.memory_space<vmem_shared>>)
      tpu.yield
    }) : () -> ()
    %add3A_20 = arith.constant 240 : i32
    %add3A_21 = arith.addi %mul3A_15, %add3A_20 : i32
    "tpu.region"() ({
      %run_scoped3A_222 = tpu.sem_alloc : memref<!tpu.dma_semaphore, #tpu.memory_space<semaphore_mem>>
      %dma_start3A_223 = arith.constant 0 : i32
      %dma_start3A_224 = tpu.memref_slice %arg14[%add3A_21, %dma_start3A_223] : memref<10240x128xf32, #tpu.memory_space<vmem_shared>> -> memref<120x128xf32, #tpu.memory_space<vmem_shared>>
      %dma_start3A_225 = arith.constant 0 : i32
      %dma_start3A_226 = tpu.memref_slice %arg14[%add3A_21, %dma_start3A_225] : memref<10240x128xf32, #tpu.memory_space<vmem_shared>> -> memref<120x128xf32, #tpu.memory_space<vmem_shared>>
      tpu.enqueue_dma source(%arg11 : memref<120x128xf32, #tpu.memory_space<vmem>>) target(%dma_start3A_226 : memref<120x128xf32, #tpu.memory_space<vmem_shared>>) target_semaphore(%run_scoped3A_222 : memref<!tpu.dma_semaphore, #tpu.memory_space<semaphore_mem>>)
      %dma_wait3A_227 = arith.constant 0 : i32
      %dma_wait3A_228 = tpu.memref_slice %arg14[%add3A_21, %dma_wait3A_227] : memref<10240x128xf32, #tpu.memory_space<vmem_shared>> -> memref<120x128xf32, #tpu.memory_space<vmem_shared>>
      %dma_wait3A_229 = arith.constant 0 : i32
      %dma_wait3A_230 = tpu.memref_slice %arg14[%add3A_21, %dma_wait3A_229] : memref<10240x128xf32, #tpu.memory_space<vmem_shared>> -> memref<120x128xf32, #tpu.memory_space<vmem_shared>>
      tpu.wait_dma2 semaphore(%run_scoped3A_222 : memref<!tpu.dma_semaphore, #tpu.memory_space<semaphore_mem>>) src(%arg11 : memref<120x128xf32, #tpu.memory_space<vmem>>) dst(%dma_wait3A_230 : memref<120x128xf32, #tpu.memory_space<vmem_shared>>)
      tpu.yield
    }) : () -> ()
    %add3A_22 = arith.constant 360 : i32
    %add3A_23 = arith.addi %mul3A_15, %add3A_22 : i32
    "tpu.region"() ({
      %run_scoped3A_222 = tpu.sem_alloc : memref<!tpu.dma_semaphore, #tpu.memory_space<semaphore_mem>>
      %dma_start3A_223 = arith.constant 0 : i32
      %dma_start3A_224 = tpu.memref_slice %arg14[%add3A_23, %dma_start3A_223] : memref<10240x128xf32, #tpu.memory_space<vmem_shared>> -> memref<120x128xf32, #tpu.memory_space<vmem_shared>>
      %dma_start3A_225 = arith.constant 0 : i32
      %dma_start3A_226 = tpu.memref_slice %arg14[%add3A_23, %dma_start3A_225] : memref<10240x128xf32, #tpu.memory_space<vmem_shared>> -> memref<120x128xf32, #tpu.memory_space<vmem_shared>>
      tpu.enqueue_dma source(%arg11 : memref<120x128xf32, #tpu.memory_space<vmem>>) target(%dma_start3A_226 : memref<120x128xf32, #tpu.memory_space<vmem_shared>>) target_semaphore(%run_scoped3A_222 : memref<!tpu.dma_semaphore, #tpu.memory_space<semaphore_mem>>)
      %dma_wait3A_227 = arith.constant 0 : i32
      %dma_wait3A_228 = tpu.memref_slice %arg14[%add3A_23, %dma_wait3A_227] : memref<10240x128xf32, #tpu.memory_space<vmem_shared>> -> memref<120x128xf32, #tpu.memory_space<vmem_shared>>
      %dma_wait3A_229 = arith.constant 0 : i32
      %dma_wait3A_230 = tpu.memref_slice %arg14[%add3A_23, %dma_wait3A_229] : memref<10240x128xf32, #tpu.memory_space<vmem_shared>> -> memref<120x128xf32, #tpu.memory_space<vmem_shared>>
      tpu.wait_dma2 semaphore(%run_scoped3A_222 : memref<!tpu.dma_semaphore, #tpu.memory_space<semaphore_mem>>) src(%arg11 : memref<120x128xf32, #tpu.memory_space<vmem>>) dst(%dma_wait3A_230 : memref<120x128xf32, #tpu.memory_space<vmem_shared>>)
      tpu.yield
    }) : () -> ()
    %add3A_24 = arith.constant 480 : i32
    %add3A_25 = arith.addi %mul3A_15, %add3A_24 : i32
    "tpu.region"() ({
      %run_scoped3A_222 = tpu.sem_alloc : memref<!tpu.dma_semaphore, #tpu.memory_space<semaphore_mem>>
      %dma_start3A_223 = arith.constant 0 : i32
      %dma_start3A_224 = tpu.memref_slice %arg14[%add3A_25, %dma_start3A_223] : memref<10240x128xf32, #tpu.memory_space<vmem_shared>> -> memref<120x128xf32, #tpu.memory_space<vmem_shared>>
      %dma_start3A_225 = arith.constant 0 : i32
      %dma_start3A_226 = tpu.memref_slice %arg14[%add3A_25, %dma_start3A_225] : memref<10240x128xf32, #tpu.memory_space<vmem_shared>> -> memref<120x128xf32, #tpu.memory_space<vmem_shared>>
      tpu.enqueue_dma source(%arg11 : memref<120x128xf32, #tpu.memory_space<vmem>>) target(%dma_start3A_226 : memref<120x128xf32, #tpu.memory_space<vmem_shared>>) target_semaphore(%run_scoped3A_222 : memref<!tpu.dma_semaphore, #tpu.memory_space<semaphore_mem>>)
      %dma_wait3A_227 = arith.constant 0 : i32
      %dma_wait3A_228 = tpu.memref_slice %arg14[%add3A_25, %dma_wait3A_227] : memref<10240x128xf32, #tpu.memory_space<vmem_shared>> -> memref<120x128xf32, #tpu.memory_space<vmem_shared>>
      %dma_wait3A_229 = arith.constant 0 : i32
      %dma_wait3A_230 = tpu.memref_slice %arg14[%add3A_25, %dma_wait3A_229] : memref<10240x128xf32, #tpu.memory_space<vmem_shared>> -> memref<120x128xf32, #tpu.memory_space<vmem_shared>>
      tpu.wait_dma2 semaphore(%run_scoped3A_222 : memref<!tpu.dma_semaphore, #tpu.memory_space<semaphore_mem>>) src(%arg11 : memref<120x128xf32, #tpu.memory_space<vmem>>) dst(%dma_wait3A_230 : memref<120x128xf32, #tpu.memory_space<vmem_shared>>)
      tpu.yield
    }) : () -> ()
    %add3A_26 = arith.constant 600 : i32
    %add3A_27 = arith.addi %mul3A_15, %add3A_26 : i32
    "tpu.region"() ({
      %run_scoped3A_222 = tpu.sem_alloc : memref<!tpu.dma_semaphore, #tpu.memory_space<semaphore_mem>>
      %dma_start3A_223 = arith.constant 0 : i32
      %dma_start3A_224 = arith.constant 0 : i32
      %dma_start3A_225 = tpu.memref_slice %arg11[%dma_start3A_223, %dma_start3A_224] : memref<120x128xf32, #tpu.memory_space<vmem>> -> memref<40x128xf32, #tpu.memory_space<vmem>>
      %dma_start3A_226 = arith.constant 0 : i32
      %dma_start3A_227 = tpu.memref_slice %arg14[%add3A_27, %dma_start3A_226] : memref<10240x128xf32, #tpu.memory_space<vmem_shared>> -> memref<40x128xf32, #tpu.memory_space<vmem_shared>>
      %dma_start3A_228 = arith.constant 0 : i32
      %dma_start3A_229 = tpu.memref_slice %arg14[%add3A_27, %dma_start3A_228] : memref<10240x128xf32, #tpu.memory_space<vmem_shared>> -> memref<40x128xf32, #tpu.memory_space<vmem_shared>>
      %dma_start3A_230 = arith.constant 0 : i32
      %dma_start3A_231 = arith.constant 0 : i32
      %dma_start3A_232 = tpu.memref_slice %arg11[%dma_start3A_230, %dma_start3A_231] : memref<120x128xf32, #tpu.memory_space<vmem>> -> memref<40x128xf32, #tpu.memory_space<vmem>>
      tpu.enqueue_dma source(%dma_start3A_232 : memref<40x128xf32, #tpu.memory_space<vmem>>) target(%dma_start3A_229 : memref<40x128xf32, #tpu.memory_space<vmem_shared>>) target_semaphore(%run_scoped3A_222 : memref<!tpu.dma_semaphore, #tpu.memory_space<semaphore_mem>>)
      %dma_wait3A_233 = arith.constant 0 : i32
      %dma_wait3A_234 = arith.constant 0 : i32
      %dma_wait3A_235 = tpu.memref_slice %arg11[%dma_wait3A_233, %dma_wait3A_234] : memref<120x128xf32, #tpu.memory_space<vmem>> -> memref<40x128xf32, #tpu.memory_space<vmem>>
      %dma_wait3A_236 = arith.constant 0 : i32
      %dma_wait3A_237 = tpu.memref_slice %arg14[%add3A_27, %dma_wait3A_236] : memref<10240x128xf32, #tpu.memory_space<vmem_shared>> -> memref<40x128xf32, #tpu.memory_space<vmem_shared>>
      %dma_wait3A_238 = arith.constant 0 : i32
      %dma_wait3A_239 = tpu.memref_slice %arg14[%add3A_27, %dma_wait3A_238] : memref<10240x128xf32, #tpu.memory_space<vmem_shared>> -> memref<40x128xf32, #tpu.memory_space<vmem_shared>>
      %dma_wait3A_240 = arith.constant 0 : i32
      %dma_wait3A_241 = arith.constant 0 : i32
      %dma_wait3A_242 = tpu.memref_slice %arg11[%dma_wait3A_240, %dma_wait3A_241] : memref<120x128xf32, #tpu.memory_space<vmem>> -> memref<40x128xf32, #tpu.memory_space<vmem>>
      tpu.wait_dma2 semaphore(%run_scoped3A_222 : memref<!tpu.dma_semaphore, #tpu.memory_space<semaphore_mem>>) src(%dma_wait3A_242 : memref<40x128xf32, #tpu.memory_space<vmem>>) dst(%dma_wait3A_239 : memref<40x128xf32, #tpu.memory_space<vmem_shared>>)
      tpu.yield
    }) : () -> ()
    %barrier3A = arith.constant 0 : index
    tpu.barrier barrier_id(%barrier3A)
    %run_scoped3A = arith.constant 0 : i32
    %run_scoped3A_28 = arith.constant 0 : i32
    %run_scoped3A_29 = arith.constant 0 : i32
    "tpu.region"() ({
      %run_scoped3A_222 = tpu.sem_alloc : memref<!tpu.dma_semaphore, #tpu.memory_space<semaphore_mem>>
      %dma_start3A_223 = arith.constant 0 : i32
      %dma_start3A_224 = tpu.memref_slice %arg5[%run_scoped3A_29, %dma_start3A_223] : memref<2x120xi32, #tpu.memory_space<vmem>> -> memref<1x120xi32, #tpu.memory_space<vmem>>
      %dma_start3A_225 = tpu.memref_squeeze %dma_start3A_224 : memref<1x120xi32, #tpu.memory_space<vmem>> -> memref<120xi32, #tpu.memory_space<vmem>>
      %dma_start3A_226 = arith.constant 0 : i32
      %dma_start3A_227 = tpu.memref_slice %arg2[%run_scoped3A, %select_n3A, %run_scoped3A_28, %dma_start3A_226] : memref<2x448x6x120xi32, #tpu.memory_space<hbm>> -> memref<1x1x1x120xi32, #tpu.memory_space<hbm>>
      %dma_start3A_228 = tpu.memref_squeeze %dma_start3A_227 : memref<1x1x1x120xi32, #tpu.memory_space<hbm>> -> memref<120xi32, #tpu.memory_space<hbm>>
      %dma_start3A_229 = arith.constant 0 : i32
      %dma_start3A_230 = tpu.memref_slice %arg5[%run_scoped3A_29, %dma_start3A_229] : memref<2x120xi32, #tpu.memory_space<vmem>> -> memref<1x120xi32, #tpu.memory_space<vmem>>
      %dma_start3A_231 = tpu.memref_squeeze %dma_start3A_230 : memref<1x120xi32, #tpu.memory_space<vmem>> -> memref<120xi32, #tpu.memory_space<vmem>>
      %dma_start3A_232 = arith.constant 0 : i32
      %dma_start3A_233 = tpu.memref_slice %arg2[%run_scoped3A, %select_n3A, %run_scoped3A_28, %dma_start3A_232] : memref<2x448x6x120xi32, #tpu.memory_space<hbm>> -> memref<1x1x1x120xi32, #tpu.memory_space<hbm>>
      %dma_start3A_234 = tpu.memref_squeeze %dma_start3A_233 : memref<1x1x1x120xi32, #tpu.memory_space<hbm>> -> memref<120xi32, #tpu.memory_space<hbm>>
      tpu.enqueue_dma source(%dma_start3A_234 : memref<120xi32, #tpu.memory_space<hbm>>) target(%dma_start3A_231 : memref<120xi32, #tpu.memory_space<vmem>>) target_semaphore(%run_scoped3A_222 : memref<!tpu.dma_semaphore, #tpu.memory_space<semaphore_mem>>)
      %dma_wait3A_235 = arith.constant 0 : i32
      %dma_wait3A_236 = tpu.memref_slice %arg5[%run_scoped3A_29, %dma_wait3A_235] : memref<2x120xi32, #tpu.memory_space<vmem>> -> memref<1x120xi32, #tpu.memory_space<vmem>>
      %dma_wait3A_237 = tpu.memref_squeeze %dma_wait3A_236 : memref<1x120xi32, #tpu.memory_space<vmem>> -> memref<120xi32, #tpu.memory_space<vmem>>
      %dma_wait3A_238 = arith.constant 0 : i32
      %dma_wait3A_239 = tpu.memref_slice %arg2[%run_scoped3A, %select_n3A, %run_scoped3A_28, %dma_wait3A_238] : memref<2x448x6x120xi32, #tpu.memory_space<hbm>> -> memref<1x1x1x120xi32, #tpu.memory_space<hbm>>
      %dma_wait3A_240 = tpu.memref_squeeze %dma_wait3A_239 : memref<1x1x1x120xi32, #tpu.memory_space<hbm>> -> memref<120xi32, #tpu.memory_space<hbm>>
      %dma_wait3A_241 = arith.constant 0 : i32
      %dma_wait3A_242 = tpu.memref_slice %arg5[%run_scoped3A_29, %dma_wait3A_241] : memref<2x120xi32, #tpu.memory_space<vmem>> -> memref<1x120xi32, #tpu.memory_space<vmem>>
      %dma_wait3A_243 = tpu.memref_squeeze %dma_wait3A_242 : memref<1x120xi32, #tpu.memory_space<vmem>> -> memref<120xi32, #tpu.memory_space<vmem>>
      %dma_wait3A_244 = arith.constant 0 : i32
      %dma_wait3A_245 = tpu.memref_slice %arg2[%run_scoped3A, %select_n3A, %run_scoped3A_28, %dma_wait3A_244] : memref<2x448x6x120xi32, #tpu.memory_space<hbm>> -> memref<1x1x1x120xi32, #tpu.memory_space<hbm>>
      %dma_wait3A_246 = tpu.memref_squeeze %dma_wait3A_245 : memref<1x1x1x120xi32, #tpu.memory_space<hbm>> -> memref<120xi32, #tpu.memory_space<hbm>>
      tpu.wait_dma2 semaphore(%run_scoped3A_222 : memref<!tpu.dma_semaphore, #tpu.memory_space<semaphore_mem>>) src(%dma_wait3A_246 : memref<120xi32, #tpu.memory_space<hbm>>) dst(%dma_wait3A_243 : memref<120xi32, #tpu.memory_space<vmem>>)
      tpu.yield
    }) : () -> ()
    %run_scoped3A_30 = arith.constant 1 : i32
    %run_scoped3A_31 = arith.constant 0 : i32
    %run_scoped3A_32 = arith.constant 1 : i32
    "tpu.region"() ({
      %run_scoped3A_222 = tpu.sem_alloc : memref<!tpu.dma_semaphore, #tpu.memory_space<semaphore_mem>>
      %dma_start3A_223 = arith.constant 0 : i32
      %dma_start3A_224 = tpu.memref_slice %arg5[%run_scoped3A_32, %dma_start3A_223] : memref<2x120xi32, #tpu.memory_space<vmem>> -> memref<1x120xi32, #tpu.memory_space<vmem>>
      %dma_start3A_225 = tpu.memref_squeeze %dma_start3A_224 : memref<1x120xi32, #tpu.memory_space<vmem>> -> memref<120xi32, #tpu.memory_space<vmem>>
      %dma_start3A_226 = arith.constant 0 : i32
      %dma_start3A_227 = tpu.memref_slice %arg2[%run_scoped3A_30, %select_n3A, %run_scoped3A_31, %dma_start3A_226] : memref<2x448x6x120xi32, #tpu.memory_space<hbm>> -> memref<1x1x1x120xi32, #tpu.memory_space<hbm>>
      %dma_start3A_228 = tpu.memref_squeeze %dma_start3A_227 : memref<1x1x1x120xi32, #tpu.memory_space<hbm>> -> memref<120xi32, #tpu.memory_space<hbm>>
      %dma_start3A_229 = arith.constant 0 : i32
      %dma_start3A_230 = tpu.memref_slice %arg5[%run_scoped3A_32, %dma_start3A_229] : memref<2x120xi32, #tpu.memory_space<vmem>> -> memref<1x120xi32, #tpu.memory_space<vmem>>
      %dma_start3A_231 = tpu.memref_squeeze %dma_start3A_230 : memref<1x120xi32, #tpu.memory_space<vmem>> -> memref<120xi32, #tpu.memory_space<vmem>>
      %dma_start3A_232 = arith.constant 0 : i32
      %dma_start3A_233 = tpu.memref_slice %arg2[%run_scoped3A_30, %select_n3A, %run_scoped3A_31, %dma_start3A_232] : memref<2x448x6x120xi32, #tpu.memory_space<hbm>> -> memref<1x1x1x120xi32, #tpu.memory_space<hbm>>
      %dma_start3A_234 = tpu.memref_squeeze %dma_start3A_233 : memref<1x1x1x120xi32, #tpu.memory_space<hbm>> -> memref<120xi32, #tpu.memory_space<hbm>>
      tpu.enqueue_dma source(%dma_start3A_234 : memref<120xi32, #tpu.memory_space<hbm>>) target(%dma_start3A_231 : memref<120xi32, #tpu.memory_space<vmem>>) target_semaphore(%run_scoped3A_222 : memref<!tpu.dma_semaphore, #tpu.memory_space<semaphore_mem>>)
      %dma_wait3A_235 = arith.constant 0 : i32
      %dma_wait3A_236 = tpu.memref_slice %arg5[%run_scoped3A_32, %dma_wait3A_235] : memref<2x120xi32, #tpu.memory_space<vmem>> -> memref<1x120xi32, #tpu.memory_space<vmem>>
      %dma_wait3A_237 = tpu.memref_squeeze %dma_wait3A_236 : memref<1x120xi32, #tpu.memory_space<vmem>> -> memref<120xi32, #tpu.memory_space<vmem>>
      %dma_wait3A_238 = arith.constant 0 : i32
      %dma_wait3A_239 = tpu.memref_slice %arg2[%run_scoped3A_30, %select_n3A, %run_scoped3A_31, %dma_wait3A_238] : memref<2x448x6x120xi32, #tpu.memory_space<hbm>> -> memref<1x1x1x120xi32, #tpu.memory_space<hbm>>
      %dma_wait3A_240 = tpu.memref_squeeze %dma_wait3A_239 : memref<1x1x1x120xi32, #tpu.memory_space<hbm>> -> memref<120xi32, #tpu.memory_space<hbm>>
      %dma_wait3A_241 = arith.constant 0 : i32
      %dma_wait3A_242 = tpu.memref_slice %arg5[%run_scoped3A_32, %dma_wait3A_241] : memref<2x120xi32, #tpu.memory_space<vmem>> -> memref<1x120xi32, #tpu.memory_space<vmem>>
      %dma_wait3A_243 = tpu.memref_squeeze %dma_wait3A_242 : memref<1x120xi32, #tpu.memory_space<vmem>> -> memref<120xi32, #tpu.memory_space<vmem>>
      %dma_wait3A_244 = arith.constant 0 : i32
      %dma_wait3A_245 = tpu.memref_slice %arg2[%run_scoped3A_30, %select_n3A, %run_scoped3A_31, %dma_wait3A_244] : memref<2x448x6x120xi32, #tpu.memory_space<hbm>> -> memref<1x1x1x120xi32, #tpu.memory_space<hbm>>
      %dma_wait3A_246 = tpu.memref_squeeze %dma_wait3A_245 : memref<1x1x1x120xi32, #tpu.memory_space<hbm>> -> memref<120xi32, #tpu.memory_space<hbm>>
      tpu.wait_dma2 semaphore(%run_scoped3A_222 : memref<!tpu.dma_semaphore, #tpu.memory_space<semaphore_mem>>) src(%dma_wait3A_246 : memref<120xi32, #tpu.memory_space<hbm>>) dst(%dma_wait3A_243 : memref<120xi32, #tpu.memory_space<vmem>>)
      tpu.yield
    }) : () -> ()
    %run_scoped3A_33 = arith.constant 0 : i32
    %run_scoped3A_34 = arith.constant 1 : i32
    %run_scoped3A_35 = arith.constant 0 : i32
    "tpu.region"() ({
      %run_scoped3A_222 = tpu.sem_alloc : memref<!tpu.dma_semaphore, #tpu.memory_space<semaphore_mem>>
      %dma_start3A_223 = arith.constant 0 : i32
      %dma_start3A_224 = tpu.memref_slice %arg6[%run_scoped3A_35, %dma_start3A_223] : memref<2x120xi32, #tpu.memory_space<vmem>> -> memref<1x120xi32, #tpu.memory_space<vmem>>
      %dma_start3A_225 = tpu.memref_squeeze %dma_start3A_224 : memref<1x120xi32, #tpu.memory_space<vmem>> -> memref<120xi32, #tpu.memory_space<vmem>>
      %dma_start3A_226 = arith.constant 0 : i32
      %dma_start3A_227 = tpu.memref_slice %arg2[%run_scoped3A_33, %select_n3A, %run_scoped3A_34, %dma_start3A_226] : memref<2x448x6x120xi32, #tpu.memory_space<hbm>> -> memref<1x1x1x120xi32, #tpu.memory_space<hbm>>
      %dma_start3A_228 = tpu.memref_squeeze %dma_start3A_227 : memref<1x1x1x120xi32, #tpu.memory_space<hbm>> -> memref<120xi32, #tpu.memory_space<hbm>>
      %dma_start3A_229 = arith.constant 0 : i32
      %dma_start3A_230 = tpu.memref_slice %arg6[%run_scoped3A_35, %dma_start3A_229] : memref<2x120xi32, #tpu.memory_space<vmem>> -> memref<1x120xi32, #tpu.memory_space<vmem>>
      %dma_start3A_231 = tpu.memref_squeeze %dma_start3A_230 : memref<1x120xi32, #tpu.memory_space<vmem>> -> memref<120xi32, #tpu.memory_space<vmem>>
      %dma_start3A_232 = arith.constant 0 : i32
      %dma_start3A_233 = tpu.memref_slice %arg2[%run_scoped3A_33, %select_n3A, %run_scoped3A_34, %dma_start3A_232] : memref<2x448x6x120xi32, #tpu.memory_space<hbm>> -> memref<1x1x1x120xi32, #tpu.memory_space<hbm>>
      %dma_start3A_234 = tpu.memref_squeeze %dma_start3A_233 : memref<1x1x1x120xi32, #tpu.memory_space<hbm>> -> memref<120xi32, #tpu.memory_space<hbm>>
      tpu.enqueue_dma source(%dma_start3A_234 : memref<120xi32, #tpu.memory_space<hbm>>) target(%dma_start3A_231 : memref<120xi32, #tpu.memory_space<vmem>>) target_semaphore(%run_scoped3A_222 : memref<!tpu.dma_semaphore, #tpu.memory_space<semaphore_mem>>)
      %dma_wait3A_235 = arith.constant 0 : i32
      %dma_wait3A_236 = tpu.memref_slice %arg6[%run_scoped3A_35, %dma_wait3A_235] : memref<2x120xi32, #tpu.memory_space<vmem>> -> memref<1x120xi32, #tpu.memory_space<vmem>>
      %dma_wait3A_237 = tpu.memref_squeeze %dma_wait3A_236 : memref<1x120xi32, #tpu.memory_space<vmem>> -> memref<120xi32, #tpu.memory_space<vmem>>
      %dma_wait3A_238 = arith.constant 0 : i32
      %dma_wait3A_239 = tpu.memref_slice %arg2[%run_scoped3A_33, %select_n3A, %run_scoped3A_34, %dma_wait3A_238] : memref<2x448x6x120xi32, #tpu.memory_space<hbm>> -> memref<1x1x1x120xi32, #tpu.memory_space<hbm>>
      %dma_wait3A_240 = tpu.memref_squeeze %dma_wait3A_239 : memref<1x1x1x120xi32, #tpu.memory_space<hbm>> -> memref<120xi32, #tpu.memory_space<hbm>>
      %dma_wait3A_241 = arith.constant 0 : i32
      %dma_wait3A_242 = tpu.memref_slice %arg6[%run_scoped3A_35, %dma_wait3A_241] : memref<2x120xi32, #tpu.memory_space<vmem>> -> memref<1x120xi32, #tpu.memory_space<vmem>>
      %dma_wait3A_243 = tpu.memref_squeeze %dma_wait3A_242 : memref<1x120xi32, #tpu.memory_space<vmem>> -> memref<120xi32, #tpu.memory_space<vmem>>
      %dma_wait3A_244 = arith.constant 0 : i32
      %dma_wait3A_245 = tpu.memref_slice %arg2[%run_scoped3A_33, %select_n3A, %run_scoped3A_34, %dma_wait3A_244] : memref<2x448x6x120xi32, #tpu.memory_space<hbm>> -> memref<1x1x1x120xi32, #tpu.memory_space<hbm>>
      %dma_wait3A_246 = tpu.memref_squeeze %dma_wait3A_245 : memref<1x1x1x120xi32, #tpu.memory_space<hbm>> -> memref<120xi32, #tpu.memory_space<hbm>>
      tpu.wait_dma2 semaphore(%run_scoped3A_222 : memref<!tpu.dma_semaphore, #tpu.memory_space<semaphore_mem>>) src(%dma_wait3A_246 : memref<120xi32, #tpu.memory_space<hbm>>) dst(%dma_wait3A_243 : memref<120xi32, #tpu.memory_space<vmem>>)
      tpu.yield
    }) : () -> ()
    %run_scoped3A_36 = arith.constant 1 : i32
    %run_scoped3A_37 = arith.constant 1 : i32
    %run_scoped3A_38 = arith.constant 1 : i32
    "tpu.region"() ({
      %run_scoped3A_222 = tpu.sem_alloc : memref<!tpu.dma_semaphore, #tpu.memory_space<semaphore_mem>>
      %dma_start3A_223 = arith.constant 0 : i32
      %dma_start3A_224 = tpu.memref_slice %arg6[%run_scoped3A_38, %dma_start3A_223] : memref<2x120xi32, #tpu.memory_space<vmem>> -> memref<1x120xi32, #tpu.memory_space<vmem>>
      %dma_start3A_225 = tpu.memref_squeeze %dma_start3A_224 : memref<1x120xi32, #tpu.memory_space<vmem>> -> memref<120xi32, #tpu.memory_space<vmem>>
      %dma_start3A_226 = arith.constant 0 : i32
      %dma_start3A_227 = tpu.memref_slice %arg2[%run_scoped3A_36, %select_n3A, %run_scoped3A_37, %dma_start3A_226] : memref<2x448x6x120xi32, #tpu.memory_space<hbm>> -> memref<1x1x1x120xi32, #tpu.memory_space<hbm>>
      %dma_start3A_228 = tpu.memref_squeeze %dma_start3A_227 : memref<1x1x1x120xi32, #tpu.memory_space<hbm>> -> memref<120xi32, #tpu.memory_space<hbm>>
      %dma_start3A_229 = arith.constant 0 : i32
      %dma_start3A_230 = tpu.memref_slice %arg6[%run_scoped3A_38, %dma_start3A_229] : memref<2x120xi32, #tpu.memory_space<vmem>> -> memref<1x120xi32, #tpu.memory_space<vmem>>
      %dma_start3A_231 = tpu.memref_squeeze %dma_start3A_230 : memref<1x120xi32, #tpu.memory_space<vmem>> -> memref<120xi32, #tpu.memory_space<vmem>>
      %dma_start3A_232 = arith.constant 0 : i32
      %dma_start3A_233 = tpu.memref_slice %arg2[%run_scoped3A_36, %select_n3A, %run_scoped3A_37, %dma_start3A_232] : memref<2x448x6x120xi32, #tpu.memory_space<hbm>> -> memref<1x1x1x120xi32, #tpu.memory_space<hbm>>
      %dma_start3A_234 = tpu.memref_squeeze %dma_start3A_233 : memref<1x1x1x120xi32, #tpu.memory_space<hbm>> -> memref<120xi32, #tpu.memory_space<hbm>>
      tpu.enqueue_dma source(%dma_start3A_234 : memref<120xi32, #tpu.memory_space<hbm>>) target(%dma_start3A_231 : memref<120xi32, #tpu.memory_space<vmem>>) target_semaphore(%run_scoped3A_222 : memref<!tpu.dma_semaphore, #tpu.memory_space<semaphore_mem>>)
      %dma_wait3A_235 = arith.constant 0 : i32
      %dma_wait3A_236 = tpu.memref_slice %arg6[%run_scoped3A_38, %dma_wait3A_235] : memref<2x120xi32, #tpu.memory_space<vmem>> -> memref<1x120xi32, #tpu.memory_space<vmem>>
      %dma_wait3A_237 = tpu.memref_squeeze %dma_wait3A_236 : memref<1x120xi32, #tpu.memory_space<vmem>> -> memref<120xi32, #tpu.memory_space<vmem>>
      %dma_wait3A_238 = arith.constant 0 : i32
      %dma_wait3A_239 = tpu.memref_slice %arg2[%run_scoped3A_36, %select_n3A, %run_scoped3A_37, %dma_wait3A_238] : memref<2x448x6x120xi32, #tpu.memory_space<hbm>> -> memref<1x1x1x120xi32, #tpu.memory_space<hbm>>
      %dma_wait3A_240 = tpu.memref_squeeze %dma_wait3A_239 : memref<1x1x1x120xi32, #tpu.memory_space<hbm>> -> memref<120xi32, #tpu.memory_space<hbm>>
      %dma_wait3A_241 = arith.constant 0 : i32
      %dma_wait3A_242 = tpu.memref_slice %arg6[%run_scoped3A_38, %dma_wait3A_241] : memref<2x120xi32, #tpu.memory_space<vmem>> -> memref<1x120xi32, #tpu.memory_space<vmem>>
      %dma_wait3A_243 = tpu.memref_squeeze %dma_wait3A_242 : memref<1x120xi32, #tpu.memory_space<vmem>> -> memref<120xi32, #tpu.memory_space<vmem>>
      %dma_wait3A_244 = arith.constant 0 : i32
      %dma_wait3A_245 = tpu.memref_slice %arg2[%run_scoped3A_36, %select_n3A, %run_scoped3A_37, %dma_wait3A_244] : memref<2x448x6x120xi32, #tpu.memory_space<hbm>> -> memref<1x1x1x120xi32, #tpu.memory_space<hbm>>
      %dma_wait3A_246 = tpu.memref_squeeze %dma_wait3A_245 : memref<1x1x1x120xi32, #tpu.memory_space<hbm>> -> memref<120xi32, #tpu.memory_space<hbm>>
      tpu.wait_dma2 semaphore(%run_scoped3A_222 : memref<!tpu.dma_semaphore, #tpu.memory_space<semaphore_mem>>) src(%dma_wait3A_246 : memref<120xi32, #tpu.memory_space<hbm>>) dst(%dma_wait3A_243 : memref<120xi32, #tpu.memory_space<vmem>>)
      tpu.yield
    }) : () -> ()
    %dma_start3A = arith.constant 0 : i32
    %dma_start3A_39 = arith.constant 0 : i32
    %dma_start3A_40 = tpu.memref_slice %arg5[%dma_start3A, %dma_start3A_39] : memref<2x120xi32, #tpu.memory_space<vmem>> -> memref<1x120xi32, #tpu.memory_space<vmem>>
    %dma_start3A_41 = tpu.memref_squeeze %dma_start3A_40 : memref<1x120xi32, #tpu.memory_space<vmem>> -> memref<120xi32, #tpu.memory_space<vmem>>
    %dma_start3A_42 = arith.constant 0 : i32
    %dma_start3A_43 = arith.constant 0 : i32
    %dma_start3A_44 = tpu.memref_slice %arg3[%dma_start3A_42, %dma_start3A_43] : memref<10240x128xf32, #tpu.memory_space<hbm>> -> memref<10240x128xf32, #tpu.memory_space<hbm>>
    tpu.enqueue_indirect_dma source(%dma_start3A_44 : memref<10240x128xf32, #tpu.memory_space<hbm>>) target(%arg11 : memref<120x128xf32, #tpu.memory_space<vmem>>) offsets(%dma_start3A_41 : memref<120xi32, #tpu.memory_space<vmem>>) semaphore(%arg21 : memref<!tpu.dma_semaphore, #tpu.memory_space<semaphore_mem>>)
    %dma_start3A_45 = arith.constant 0 : i32
    %dma_start3A_46 = arith.constant 0 : i32
    %dma_start3A_47 = tpu.memref_slice %arg6[%dma_start3A_45, %dma_start3A_46] : memref<2x120xi32, #tpu.memory_space<vmem>> -> memref<1x120xi32, #tpu.memory_space<vmem>>
    %dma_start3A_48 = tpu.memref_squeeze %dma_start3A_47 : memref<1x120xi32, #tpu.memory_space<vmem>> -> memref<120xi32, #tpu.memory_space<vmem>>
    %dma_start3A_49 = arith.constant 0 : i32
    %dma_start3A_50 = arith.constant 0 : i32
    %dma_start3A_51 = tpu.memref_slice %arg3[%dma_start3A_49, %dma_start3A_50] : memref<10240x128xf32, #tpu.memory_space<hbm>> -> memref<10240x128xf32, #tpu.memory_space<hbm>>
    tpu.enqueue_indirect_dma source(%dma_start3A_51 : memref<10240x128xf32, #tpu.memory_space<hbm>>) target(%arg12 : memref<120x128xf32, #tpu.memory_space<vmem>>) offsets(%dma_start3A_48 : memref<120xi32, #tpu.memory_space<vmem>>) semaphore(%arg22 : memref<!tpu.dma_semaphore, #tpu.memory_space<semaphore_mem>>)
    %dma_start3A_52 = arith.constant 0 : i32
    %dma_start3A_53 = arith.constant 2 : i32
    %dma_start3A_54 = arith.constant 0 : i32
    %dma_start3A_55 = arith.constant 0 : i32
    %dma_start3A_56 = tpu.memref_slice %arg7[%dma_start3A_54, %dma_start3A_55] : memref<2x120xi32, #tpu.memory_space<vmem>> -> memref<1x120xi32, #tpu.memory_space<vmem>>
    %dma_start3A_57 = tpu.memref_squeeze %dma_start3A_56 : memref<1x120xi32, #tpu.memory_space<vmem>> -> memref<120xi32, #tpu.memory_space<vmem>>
    %dma_start3A_58 = arith.constant 0 : i32
    %dma_start3A_59 = tpu.memref_slice %arg2[%dma_start3A_52, %select_n3A, %dma_start3A_53, %dma_start3A_58] : memref<2x448x6x120xi32, #tpu.memory_space<hbm>> -> memref<1x1x1x120xi32, #tpu.memory_space<hbm>>
    %dma_start3A_60 = tpu.memref_squeeze %dma_start3A_59 : memref<1x1x1x120xi32, #tpu.memory_space<hbm>> -> memref<120xi32, #tpu.memory_space<hbm>>
    %dma_start3A_61 = arith.constant 0 : i32
    %dma_start3A_62 = tpu.memref_slice %arg7[%dma_start3A_54, %dma_start3A_61] : memref<2x120xi32, #tpu.memory_space<vmem>> -> memref<1x120xi32, #tpu.memory_space<vmem>>
    %dma_start3A_63 = tpu.memref_squeeze %dma_start3A_62 : memref<1x120xi32, #tpu.memory_space<vmem>> -> memref<120xi32, #tpu.memory_space<vmem>>
    %dma_start3A_64 = arith.constant 0 : i32
    %dma_start3A_65 = tpu.memref_slice %arg2[%dma_start3A_52, %select_n3A, %dma_start3A_53, %dma_start3A_64] : memref<2x448x6x120xi32, #tpu.memory_space<hbm>> -> memref<1x1x1x120xi32, #tpu.memory_space<hbm>>
    %dma_start3A_66 = tpu.memref_squeeze %dma_start3A_65 : memref<1x1x1x120xi32, #tpu.memory_space<hbm>> -> memref<120xi32, #tpu.memory_space<hbm>>
    tpu.enqueue_dma source(%dma_start3A_66 : memref<120xi32, #tpu.memory_space<hbm>>) target(%dma_start3A_63 : memref<120xi32, #tpu.memory_space<vmem>>) target_semaphore(%arg17 : memref<!tpu.dma_semaphore, #tpu.memory_space<semaphore_mem>>)
    %dma_start3A_67 = arith.constant 1 : i32
    %dma_start3A_68 = arith.constant 2 : i32
    %dma_start3A_69 = arith.constant 1 : i32
    %dma_start3A_70 = arith.constant 0 : i32
    %dma_start3A_71 = tpu.memref_slice %arg7[%dma_start3A_69, %dma_start3A_70] : memref<2x120xi32, #tpu.memory_space<vmem>> -> memref<1x120xi32, #tpu.memory_space<vmem>>
    %dma_start3A_72 = tpu.memref_squeeze %dma_start3A_71 : memref<1x120xi32, #tpu.memory_space<vmem>> -> memref<120xi32, #tpu.memory_space<vmem>>
    %dma_start3A_73 = arith.constant 0 : i32
    %dma_start3A_74 = tpu.memref_slice %arg2[%dma_start3A_67, %select_n3A, %dma_start3A_68, %dma_start3A_73] : memref<2x448x6x120xi32, #tpu.memory_space<hbm>> -> memref<1x1x1x120xi32, #tpu.memory_space<hbm>>
    %dma_start3A_75 = tpu.memref_squeeze %dma_start3A_74 : memref<1x1x1x120xi32, #tpu.memory_space<hbm>> -> memref<120xi32, #tpu.memory_space<hbm>>
    %dma_start3A_76 = arith.constant 0 : i32
    %dma_start3A_77 = tpu.memref_slice %arg7[%dma_start3A_69, %dma_start3A_76] : memref<2x120xi32, #tpu.memory_space<vmem>> -> memref<1x120xi32, #tpu.memory_space<vmem>>
    %dma_start3A_78 = tpu.memref_squeeze %dma_start3A_77 : memref<1x120xi32, #tpu.memory_space<vmem>> -> memref<120xi32, #tpu.memory_space<vmem>>
    %dma_start3A_79 = arith.constant 0 : i32
    %dma_start3A_80 = tpu.memref_slice %arg2[%dma_start3A_67, %select_n3A, %dma_start3A_68, %dma_start3A_79] : memref<2x448x6x120xi32, #tpu.memory_space<hbm>> -> memref<1x1x1x120xi32, #tpu.memory_space<hbm>>
    %dma_start3A_81 = tpu.memref_squeeze %dma_start3A_80 : memref<1x1x1x120xi32, #tpu.memory_space<hbm>> -> memref<120xi32, #tpu.memory_space<hbm>>
    tpu.enqueue_dma source(%dma_start3A_81 : memref<120xi32, #tpu.memory_space<hbm>>) target(%dma_start3A_78 : memref<120xi32, #tpu.memory_space<vmem>>) target_semaphore(%arg17 : memref<!tpu.dma_semaphore, #tpu.memory_space<semaphore_mem>>)
    %jit3A_82 = arith.constant 6 : i32
    %div3A = arith.divsi %select_n3A_8, %jit3A_82 : i32
    %sign3A = arith.constant 0 : i32
    %sign3A_83 = arith.cmpi sgt, %select_n3A_8, %sign3A : i32
    %sign3A_84 = arith.extui %sign3A_83 : i1 to i32
    %sign3A_85 = arith.constant 0 : i32
    %sign3A_86 = arith.cmpi slt, %select_n3A_8, %sign3A_85 : i32
    %sign3A_87 = arith.extui %sign3A_86 : i1 to i32
    %sign3A_88 = arith.subi %sign3A_84, %sign3A_87 : i32
    %sign3A_89 = arith.constant 0 : i32
    %sign3A_90 = arith.cmpi sgt, %jit3A_82, %sign3A_89 : i32
    %sign3A_91 = arith.extui %sign3A_90 : i1 to i32
    %sign3A_92 = arith.constant 0 : i32
    %sign3A_93 = arith.cmpi slt, %jit3A_82, %sign3A_92 : i32
    %sign3A_94 = arith.extui %sign3A_93 : i1 to i32
    %sign3A_95 = arith.subi %sign3A_91, %sign3A_94 : i32
    %ne3A = arith.cmpi ne, %sign3A_88, %sign3A_95 : i32
    %rem3A = arith.remsi %select_n3A_8, %jit3A_82 : i32
    %ne3A_96 = arith.constant 0 : i32
    %ne3A_97 = arith.cmpi ne, %rem3A, %ne3A_96 : i32
    %and3A = arith.andi %ne3A, %ne3A_97 : i1
    %sub3A = arith.constant 1 : i32
    %sub3A_98 = arith.subi %div3A, %sub3A : i32
    %select_n3A_99 = arith.select %and3A, %sub3A_98, %div3A : i32
    %while3A = arith.constant 0 : i32
    %while3A_100 = arith.constant 0 : i32
    %while3A_101 = arith.subi %select_n3A_99, %while3A_100 : i32
    %while3A_102 = arith.addi %while3A_100, %while3A_101 : i32
    %while3A_103 = arith.constant 1 : i32
    %while3A_104 = arith.divsi %while3A_101, %while3A_103 : i32
    %while3A_105 = arith.muli %while3A_104, %while3A_103 : i32
    %while3A_106 = arith.addi %while3A_100, %while3A_105 : i32
    %while3A_107 = arith.constant 1 : i32
    scf.for %while3A_222 = %while3A_100 to %while3A_106 step %while3A_107  : i32 {
      %mul3A_223 = arith.constant 6 : i32
      %mul3A_224 = arith.muli %while3A_222, %mul3A_223 : i32
      %add3A_225 = arith.constant 0 : i32
      %add3A_226 = arith.addi %mul3A_224, %add3A_225 : i32
      %dma_wait3A_227 = arith.constant 0 : i32
      %dma_wait3A_228 = arith.constant 0 : i32
      %dma_wait3A_229 = tpu.memref_slice %arg5[%dma_wait3A_227, %dma_wait3A_228] : memref<2x120xi32, #tpu.memory_space<vmem>> -> memref<1x120xi32, #tpu.memory_space<vmem>>
      %dma_wait3A_230 = tpu.memref_squeeze %dma_wait3A_229 : memref<1x120xi32, #tpu.memory_space<vmem>> -> memref<120xi32, #tpu.memory_space<vmem>>
      %dma_wait3A_231 = arith.constant 0 : i32
      %dma_wait3A_232 = arith.constant 0 : i32
      %dma_wait3A_233 = tpu.memref_slice %arg3[%dma_wait3A_231, %dma_wait3A_232] : memref<10240x128xf32, #tpu.memory_space<hbm>> -> memref<10240x128xf32, #tpu.memory_space<hbm>>
      tpu.wait_indirect_dma semaphore(%arg21 : memref<!tpu.dma_semaphore, #tpu.memory_space<semaphore_mem>>) src(%dma_wait3A_233 : memref<10240x128xf32, #tpu.memory_space<hbm>>) dst(%arg11 : memref<120x128xf32, #tpu.memory_space<vmem>>)
      %dma_start3A_234 = arith.constant 1 : i32
      %dma_start3A_235 = arith.constant 0 : i32
      %dma_start3A_236 = tpu.memref_slice %arg5[%dma_start3A_234, %dma_start3A_235] : memref<2x120xi32, #tpu.memory_space<vmem>> -> memref<1x120xi32, #tpu.memory_space<vmem>>
      %dma_start3A_237 = tpu.memref_squeeze %dma_start3A_236 : memref<1x120xi32, #tpu.memory_space<vmem>> -> memref<120xi32, #tpu.memory_space<vmem>>
      %dma_start3A_238 = arith.constant 0 : i32
      %dma_start3A_239 = arith.constant 0 : i32
      %dma_start3A_240 = tpu.memref_slice %arg14[%dma_start3A_238, %dma_start3A_239] : memref<10240x128xf32, #tpu.memory_space<vmem_shared>> -> memref<10240x128xf32, #tpu.memory_space<vmem_shared>>
      tpu.enqueue_indirect_dma source(%arg11 : memref<120x128xf32, #tpu.memory_space<vmem>>) target(%dma_start3A_240 : memref<10240x128xf32, #tpu.memory_space<vmem_shared>>) offsets(%dma_start3A_237 : memref<120xi32, #tpu.memory_space<vmem>>) semaphore(%arg24 : memref<!tpu.dma_semaphore, #tpu.memory_space<semaphore_mem>>) {add = true}
      %ge3A = arith.constant 1 : i32
      %ge3A_241 = arith.cmpi sge, %add3A_226, %ge3A : i32
      %convert_element_type3A = arith.extui %ge3A_241 : i1 to i32
      %cond3A = arith.constant 0 : i32
      %cond3A_242 = arith.cmpi ne, %convert_element_type3A, %cond3A : i32
      scf.if %cond3A_242 {
        %dma_wait3A_429 = arith.constant 1 : i32
        %dma_wait3A_430 = arith.constant 0 : i32
        %dma_wait3A_431 = tpu.memref_slice %arg10[%dma_wait3A_429, %dma_wait3A_430] : memref<2x120xi32, #tpu.memory_space<vmem>> -> memref<1x120xi32, #tpu.memory_space<vmem>>
        %dma_wait3A_432 = tpu.memref_squeeze %dma_wait3A_431 : memref<1x120xi32, #tpu.memory_space<vmem>> -> memref<120xi32, #tpu.memory_space<vmem>>
        %dma_wait3A_433 = arith.constant 0 : i32
        %dma_wait3A_434 = arith.constant 0 : i32
        %dma_wait3A_435 = tpu.memref_slice %arg14[%dma_wait3A_433, %dma_wait3A_434] : memref<10240x128xf32, #tpu.memory_space<vmem_shared>> -> memref<10240x128xf32, #tpu.memory_space<vmem_shared>>
        tpu.wait_indirect_dma semaphore(%arg26 : memref<!tpu.dma_semaphore, #tpu.memory_space<semaphore_mem>>) src(%arg13 : memref<120x128xf32, #tpu.memory_space<vmem>>) dst(%dma_wait3A_435 : memref<10240x128xf32, #tpu.memory_space<vmem_shared>>)
      } else {
      }
      %add3A_243 = arith.constant 2 : i32
      %add3A_244 = arith.addi %add3A_226, %add3A_243 : i32
      %lt3A = arith.cmpi slt, %add3A_244, %select_n3A_8 : i32
      %convert_element_type3A_245 = arith.extui %lt3A : i1 to i32
      %cond3A_246 = arith.constant 0 : i32
      %cond3A_247 = arith.cmpi ne, %convert_element_type3A_245, %cond3A_246 : i32
      scf.if %cond3A_247 {
        %add3A_429 = arith.addi %select_n3A, %while3A_222 : i32
        %add3A_430 = arith.constant 0 : i32
        %add3A_431 = arith.addi %add3A_429, %add3A_430 : i32
        %dma_wait3A_432 = arith.constant 0 : i32
        %dma_wait3A_433 = arith.constant 2 : i32
        %dma_wait3A_434 = arith.constant 0 : i32
        %dma_wait3A_435 = arith.constant 0 : i32
        %dma_wait3A_436 = tpu.memref_slice %arg7[%dma_wait3A_434, %dma_wait3A_435] : memref<2x120xi32, #tpu.memory_space<vmem>> -> memref<1x120xi32, #tpu.memory_space<vmem>>
        %dma_wait3A_437 = tpu.memref_squeeze %dma_wait3A_436 : memref<1x120xi32, #tpu.memory_space<vmem>> -> memref<120xi32, #tpu.memory_space<vmem>>
        %dma_wait3A_438 = arith.constant 0 : i32
        %dma_wait3A_439 = tpu.memref_slice %arg2[%dma_wait3A_432, %add3A_431, %dma_wait3A_433, %dma_wait3A_438] : memref<2x448x6x120xi32, #tpu.memory_space<hbm>> -> memref<1x1x1x120xi32, #tpu.memory_space<hbm>>
        %dma_wait3A_440 = tpu.memref_squeeze %dma_wait3A_439 : memref<1x1x1x120xi32, #tpu.memory_space<hbm>> -> memref<120xi32, #tpu.memory_space<hbm>>
        %dma_wait3A_441 = arith.constant 0 : i32
        %dma_wait3A_442 = tpu.memref_slice %arg7[%dma_wait3A_434, %dma_wait3A_441] : memref<2x120xi32, #tpu.memory_space<vmem>> -> memref<1x120xi32, #tpu.memory_space<vmem>>
        %dma_wait3A_443 = tpu.memref_squeeze %dma_wait3A_442 : memref<1x120xi32, #tpu.memory_space<vmem>> -> memref<120xi32, #tpu.memory_space<vmem>>
        %dma_wait3A_444 = arith.constant 0 : i32
        %dma_wait3A_445 = tpu.memref_slice %arg2[%dma_wait3A_432, %add3A_431, %dma_wait3A_433, %dma_wait3A_444] : memref<2x448x6x120xi32, #tpu.memory_space<hbm>> -> memref<1x1x1x120xi32, #tpu.memory_space<hbm>>
        %dma_wait3A_446 = tpu.memref_squeeze %dma_wait3A_445 : memref<1x1x1x120xi32, #tpu.memory_space<hbm>> -> memref<120xi32, #tpu.memory_space<hbm>>
        tpu.wait_dma2 semaphore(%arg17 : memref<!tpu.dma_semaphore, #tpu.memory_space<semaphore_mem>>) src(%dma_wait3A_446 : memref<120xi32, #tpu.memory_space<hbm>>) dst(%dma_wait3A_443 : memref<120xi32, #tpu.memory_space<vmem>>)
        %add3A_447 = arith.addi %select_n3A, %while3A_222 : i32
        %add3A_448 = arith.constant 0 : i32
        %add3A_449 = arith.addi %add3A_447, %add3A_448 : i32
        %dma_wait3A_450 = arith.constant 1 : i32
        %dma_wait3A_451 = arith.constant 2 : i32
        %dma_wait3A_452 = arith.constant 1 : i32
        %dma_wait3A_453 = arith.constant 0 : i32
        %dma_wait3A_454 = tpu.memref_slice %arg7[%dma_wait3A_452, %dma_wait3A_453] : memref<2x120xi32, #tpu.memory_space<vmem>> -> memref<1x120xi32, #tpu.memory_space<vmem>>
        %dma_wait3A_455 = tpu.memref_squeeze %dma_wait3A_454 : memref<1x120xi32, #tpu.memory_space<vmem>> -> memref<120xi32, #tpu.memory_space<vmem>>
        %dma_wait3A_456 = arith.constant 0 : i32
        %dma_wait3A_457 = tpu.memref_slice %arg2[%dma_wait3A_450, %add3A_449, %dma_wait3A_451, %dma_wait3A_456] : memref<2x448x6x120xi32, #tpu.memory_space<hbm>> -> memref<1x1x1x120xi32, #tpu.memory_space<hbm>>
        %dma_wait3A_458 = tpu.memref_squeeze %dma_wait3A_457 : memref<1x1x1x120xi32, #tpu.memory_space<hbm>> -> memref<120xi32, #tpu.memory_space<hbm>>
        %dma_wait3A_459 = arith.constant 0 : i32
        %dma_wait3A_460 = tpu.memref_slice %arg7[%dma_wait3A_452, %dma_wait3A_459] : memref<2x120xi32, #tpu.memory_space<vmem>> -> memref<1x120xi32, #tpu.memory_space<vmem>>
        %dma_wait3A_461 = tpu.memref_squeeze %dma_wait3A_460 : memref<1x120xi32, #tpu.memory_space<vmem>> -> memref<120xi32, #tpu.memory_space<vmem>>
        %dma_wait3A_462 = arith.constant 0 : i32
        %dma_wait3A_463 = tpu.memref_slice %arg2[%dma_wait3A_450, %add3A_449, %dma_wait3A_451, %dma_wait3A_462] : memref<2x448x6x120xi32, #tpu.memory_space<hbm>> -> memref<1x1x1x120xi32, #tpu.memory_space<hbm>>
        %dma_wait3A_464 = tpu.memref_squeeze %dma_wait3A_463 : memref<1x1x1x120xi32, #tpu.memory_space<hbm>> -> memref<120xi32, #tpu.memory_space<hbm>>
        tpu.wait_dma2 semaphore(%arg17 : memref<!tpu.dma_semaphore, #tpu.memory_space<semaphore_mem>>) src(%dma_wait3A_464 : memref<120xi32, #tpu.memory_space<hbm>>) dst(%dma_wait3A_461 : memref<120xi32, #tpu.memory_space<vmem>>)
        %dma_start3A_465 = arith.constant 0 : i32
        %dma_start3A_466 = arith.constant 0 : i32
        %dma_start3A_467 = tpu.memref_slice %arg7[%dma_start3A_465, %dma_start3A_466] : memref<2x120xi32, #tpu.memory_space<vmem>> -> memref<1x120xi32, #tpu.memory_space<vmem>>
        %dma_start3A_468 = tpu.memref_squeeze %dma_start3A_467 : memref<1x120xi32, #tpu.memory_space<vmem>> -> memref<120xi32, #tpu.memory_space<vmem>>
        %dma_start3A_469 = arith.constant 0 : i32
        %dma_start3A_470 = arith.constant 0 : i32
        %dma_start3A_471 = tpu.memref_slice %arg3[%dma_start3A_469, %dma_start3A_470] : memref<10240x128xf32, #tpu.memory_space<hbm>> -> memref<10240x128xf32, #tpu.memory_space<hbm>>
        tpu.enqueue_indirect_dma source(%dma_start3A_471 : memref<10240x128xf32, #tpu.memory_space<hbm>>) target(%arg13 : memref<120x128xf32, #tpu.memory_space<vmem>>) offsets(%dma_start3A_468 : memref<120xi32, #tpu.memory_space<vmem>>) semaphore(%arg23 : memref<!tpu.dma_semaphore, #tpu.memory_space<semaphore_mem>>)
      } else {
      }
      %add3A_248 = arith.constant 3 : i32
      %add3A_249 = arith.addi %add3A_226, %add3A_248 : i32
      %lt3A_250 = arith.cmpi slt, %add3A_249, %select_n3A_8 : i32
      %convert_element_type3A_251 = arith.extui %lt3A_250 : i1 to i32
      %cond3A_252 = arith.constant 0 : i32
      %cond3A_253 = arith.cmpi ne, %convert_element_type3A_251, %cond3A_252 : i32
      scf.if %cond3A_253 {
        %add3A_429 = arith.addi %select_n3A, %while3A_222 : i32
        %add3A_430 = arith.constant 0 : i32
        %add3A_431 = arith.addi %add3A_429, %add3A_430 : i32
        %dma_start3A_432 = arith.constant 0 : i32
        %dma_start3A_433 = arith.constant 3 : i32
        %dma_start3A_434 = arith.constant 0 : i32
        %dma_start3A_435 = arith.constant 0 : i32
        %dma_start3A_436 = tpu.memref_slice %arg8[%dma_start3A_434, %dma_start3A_435] : memref<2x120xi32, #tpu.memory_space<vmem>> -> memref<1x120xi32, #tpu.memory_space<vmem>>
        %dma_start3A_437 = tpu.memref_squeeze %dma_start3A_436 : memref<1x120xi32, #tpu.memory_space<vmem>> -> memref<120xi32, #tpu.memory_space<vmem>>
        %dma_start3A_438 = arith.constant 0 : i32
        %dma_start3A_439 = tpu.memref_slice %arg2[%dma_start3A_432, %add3A_431, %dma_start3A_433, %dma_start3A_438] : memref<2x448x6x120xi32, #tpu.memory_space<hbm>> -> memref<1x1x1x120xi32, #tpu.memory_space<hbm>>
        %dma_start3A_440 = tpu.memref_squeeze %dma_start3A_439 : memref<1x1x1x120xi32, #tpu.memory_space<hbm>> -> memref<120xi32, #tpu.memory_space<hbm>>
        %dma_start3A_441 = arith.constant 0 : i32
        %dma_start3A_442 = tpu.memref_slice %arg8[%dma_start3A_434, %dma_start3A_441] : memref<2x120xi32, #tpu.memory_space<vmem>> -> memref<1x120xi32, #tpu.memory_space<vmem>>
        %dma_start3A_443 = tpu.memref_squeeze %dma_start3A_442 : memref<1x120xi32, #tpu.memory_space<vmem>> -> memref<120xi32, #tpu.memory_space<vmem>>
        %dma_start3A_444 = arith.constant 0 : i32
        %dma_start3A_445 = tpu.memref_slice %arg2[%dma_start3A_432, %add3A_431, %dma_start3A_433, %dma_start3A_444] : memref<2x448x6x120xi32, #tpu.memory_space<hbm>> -> memref<1x1x1x120xi32, #tpu.memory_space<hbm>>
        %dma_start3A_446 = tpu.memref_squeeze %dma_start3A_445 : memref<1x1x1x120xi32, #tpu.memory_space<hbm>> -> memref<120xi32, #tpu.memory_space<hbm>>
        tpu.enqueue_dma source(%dma_start3A_446 : memref<120xi32, #tpu.memory_space<hbm>>) target(%dma_start3A_443 : memref<120xi32, #tpu.memory_space<vmem>>) target_semaphore(%arg18 : memref<!tpu.dma_semaphore, #tpu.memory_space<semaphore_mem>>)
        %add3A_447 = arith.addi %select_n3A, %while3A_222 : i32
        %add3A_448 = arith.constant 0 : i32
        %add3A_449 = arith.addi %add3A_447, %add3A_448 : i32
        %dma_start3A_450 = arith.constant 1 : i32
        %dma_start3A_451 = arith.constant 3 : i32
        %dma_start3A_452 = arith.constant 1 : i32
        %dma_start3A_453 = arith.constant 0 : i32
        %dma_start3A_454 = tpu.memref_slice %arg8[%dma_start3A_452, %dma_start3A_453] : memref<2x120xi32, #tpu.memory_space<vmem>> -> memref<1x120xi32, #tpu.memory_space<vmem>>
        %dma_start3A_455 = tpu.memref_squeeze %dma_start3A_454 : memref<1x120xi32, #tpu.memory_space<vmem>> -> memref<120xi32, #tpu.memory_space<vmem>>
        %dma_start3A_456 = arith.constant 0 : i32
        %dma_start3A_457 = tpu.memref_slice %arg2[%dma_start3A_450, %add3A_449, %dma_start3A_451, %dma_start3A_456] : memref<2x448x6x120xi32, #tpu.memory_space<hbm>> -> memref<1x1x1x120xi32, #tpu.memory_space<hbm>>
        %dma_start3A_458 = tpu.memref_squeeze %dma_start3A_457 : memref<1x1x1x120xi32, #tpu.memory_space<hbm>> -> memref<120xi32, #tpu.memory_space<hbm>>
        %dma_start3A_459 = arith.constant 0 : i32
        %dma_start3A_460 = tpu.memref_slice %arg8[%dma_start3A_452, %dma_start3A_459] : memref<2x120xi32, #tpu.memory_space<vmem>> -> memref<1x120xi32, #tpu.memory_space<vmem>>
        %dma_start3A_461 = tpu.memref_squeeze %dma_start3A_460 : memref<1x120xi32, #tpu.memory_space<vmem>> -> memref<120xi32, #tpu.memory_space<vmem>>
        %dma_start3A_462 = arith.constant 0 : i32
        %dma_start3A_463 = tpu.memref_slice %arg2[%dma_start3A_450, %add3A_449, %dma_start3A_451, %dma_start3A_462] : memref<2x448x6x120xi32, #tpu.memory_space<hbm>> -> memref<1x1x1x120xi32, #tpu.memory_space<hbm>>
        %dma_start3A_464 = tpu.memref_squeeze %dma_start3A_463 : memref<1x1x1x120xi32, #tpu.memory_space<hbm>> -> memref<120xi32, #tpu.memory_space<hbm>>
        tpu.enqueue_dma source(%dma_start3A_464 : memref<120xi32, #tpu.memory_space<hbm>>) target(%dma_start3A_461 : memref<120xi32, #tpu.memory_space<vmem>>) target_semaphore(%arg18 : memref<!tpu.dma_semaphore, #tpu.memory_space<semaphore_mem>>)
      } else {
      }
      %mul3A_254 = arith.constant 6 : i32
      %mul3A_255 = arith.muli %while3A_222, %mul3A_254 : i32
      %add3A_256 = arith.constant 1 : i32
      %add3A_257 = arith.addi %mul3A_255, %add3A_256 : i32
      %dma_wait3A_258 = arith.constant 0 : i32
      %dma_wait3A_259 = arith.constant 0 : i32
      %dma_wait3A_260 = tpu.memref_slice %arg6[%dma_wait3A_258, %dma_wait3A_259] : memref<2x120xi32, #tpu.memory_space<vmem>> -> memref<1x120xi32, #tpu.memory_space<vmem>>
      %dma_wait3A_261 = tpu.memref_squeeze %dma_wait3A_260 : memref<1x120xi32, #tpu.memory_space<vmem>> -> memref<120xi32, #tpu.memory_space<vmem>>
      %dma_wait3A_262 = arith.constant 0 : i32
      %dma_wait3A_263 = arith.constant 0 : i32
      %dma_wait3A_264 = tpu.memref_slice %arg3[%dma_wait3A_262, %dma_wait3A_263] : memref<10240x128xf32, #tpu.memory_space<hbm>> -> memref<10240x128xf32, #tpu.memory_space<hbm>>
      tpu.wait_indirect_dma semaphore(%arg22 : memref<!tpu.dma_semaphore, #tpu.memory_space<semaphore_mem>>) src(%dma_wait3A_264 : memref<10240x128xf32, #tpu.memory_space<hbm>>) dst(%arg12 : memref<120x128xf32, #tpu.memory_space<vmem>>)
      %dma_start3A_265 = arith.constant 1 : i32
      %dma_start3A_266 = arith.constant 0 : i32
      %dma_start3A_267 = tpu.memref_slice %arg6[%dma_start3A_265, %dma_start3A_266] : memref<2x120xi32, #tpu.memory_space<vmem>> -> memref<1x120xi32, #tpu.memory_space<vmem>>
      %dma_start3A_268 = tpu.memref_squeeze %dma_start3A_267 : memref<1x120xi32, #tpu.memory_space<vmem>> -> memref<120xi32, #tpu.memory_space<vmem>>
      %dma_start3A_269 = arith.constant 0 : i32
      %dma_start3A_270 = arith.constant 0 : i32
      %dma_start3A_271 = tpu.memref_slice %arg14[%dma_start3A_269, %dma_start3A_270] : memref<10240x128xf32, #tpu.memory_space<vmem_shared>> -> memref<10240x128xf32, #tpu.memory_space<vmem_shared>>
      tpu.enqueue_indirect_dma source(%arg12 : memref<120x128xf32, #tpu.memory_space<vmem>>) target(%dma_start3A_271 : memref<10240x128xf32, #tpu.memory_space<vmem_shared>>) offsets(%dma_start3A_268 : memref<120xi32, #tpu.memory_space<vmem>>) semaphore(%arg25 : memref<!tpu.dma_semaphore, #tpu.memory_space<semaphore_mem>>) {add = true}
      %ge3A_272 = arith.constant 1 : i32
      %ge3A_273 = arith.cmpi sge, %add3A_257, %ge3A_272 : i32
      %convert_element_type3A_274 = arith.extui %ge3A_273 : i1 to i32
      %cond3A_275 = arith.constant 0 : i32
      %cond3A_276 = arith.cmpi ne, %convert_element_type3A_274, %cond3A_275 : i32
      scf.if %cond3A_276 {
        %dma_wait3A_429 = arith.constant 1 : i32
        %dma_wait3A_430 = arith.constant 0 : i32
        %dma_wait3A_431 = tpu.memref_slice %arg5[%dma_wait3A_429, %dma_wait3A_430] : memref<2x120xi32, #tpu.memory_space<vmem>> -> memref<1x120xi32, #tpu.memory_space<vmem>>
        %dma_wait3A_432 = tpu.memref_squeeze %dma_wait3A_431 : memref<1x120xi32, #tpu.memory_space<vmem>> -> memref<120xi32, #tpu.memory_space<vmem>>
        %dma_wait3A_433 = arith.constant 0 : i32
        %dma_wait3A_434 = arith.constant 0 : i32
        %dma_wait3A_435 = tpu.memref_slice %arg14[%dma_wait3A_433, %dma_wait3A_434] : memref<10240x128xf32, #tpu.memory_space<vmem_shared>> -> memref<10240x128xf32, #tpu.memory_space<vmem_shared>>
        tpu.wait_indirect_dma semaphore(%arg24 : memref<!tpu.dma_semaphore, #tpu.memory_space<semaphore_mem>>) src(%arg11 : memref<120x128xf32, #tpu.memory_space<vmem>>) dst(%dma_wait3A_435 : memref<10240x128xf32, #tpu.memory_space<vmem_shared>>)
      } else {
      }
      %add3A_277 = arith.constant 2 : i32
      %add3A_278 = arith.addi %add3A_257, %add3A_277 : i32
      %lt3A_279 = arith.cmpi slt, %add3A_278, %select_n3A_8 : i32
      %convert_element_type3A_280 = arith.extui %lt3A_279 : i1 to i32
      %cond3A_281 = arith.constant 0 : i32
      %cond3A_282 = arith.cmpi ne, %convert_element_type3A_280, %cond3A_281 : i32
      scf.if %cond3A_282 {
        %add3A_429 = arith.addi %select_n3A, %while3A_222 : i32
        %add3A_430 = arith.constant 0 : i32
        %add3A_431 = arith.addi %add3A_429, %add3A_430 : i32
        %dma_wait3A_432 = arith.constant 0 : i32
        %dma_wait3A_433 = arith.constant 3 : i32
        %dma_wait3A_434 = arith.constant 0 : i32
        %dma_wait3A_435 = arith.constant 0 : i32
        %dma_wait3A_436 = tpu.memref_slice %arg8[%dma_wait3A_434, %dma_wait3A_435] : memref<2x120xi32, #tpu.memory_space<vmem>> -> memref<1x120xi32, #tpu.memory_space<vmem>>
        %dma_wait3A_437 = tpu.memref_squeeze %dma_wait3A_436 : memref<1x120xi32, #tpu.memory_space<vmem>> -> memref<120xi32, #tpu.memory_space<vmem>>
        %dma_wait3A_438 = arith.constant 0 : i32
        %dma_wait3A_439 = tpu.memref_slice %arg2[%dma_wait3A_432, %add3A_431, %dma_wait3A_433, %dma_wait3A_438] : memref<2x448x6x120xi32, #tpu.memory_space<hbm>> -> memref<1x1x1x120xi32, #tpu.memory_space<hbm>>
        %dma_wait3A_440 = tpu.memref_squeeze %dma_wait3A_439 : memref<1x1x1x120xi32, #tpu.memory_space<hbm>> -> memref<120xi32, #tpu.memory_space<hbm>>
        %dma_wait3A_441 = arith.constant 0 : i32
        %dma_wait3A_442 = tpu.memref_slice %arg8[%dma_wait3A_434, %dma_wait3A_441] : memref<2x120xi32, #tpu.memory_space<vmem>> -> memref<1x120xi32, #tpu.memory_space<vmem>>
        %dma_wait3A_443 = tpu.memref_squeeze %dma_wait3A_442 : memref<1x120xi32, #tpu.memory_space<vmem>> -> memref<120xi32, #tpu.memory_space<vmem>>
        %dma_wait3A_444 = arith.constant 0 : i32
        %dma_wait3A_445 = tpu.memref_slice %arg2[%dma_wait3A_432, %add3A_431, %dma_wait3A_433, %dma_wait3A_444] : memref<2x448x6x120xi32, #tpu.memory_space<hbm>> -> memref<1x1x1x120xi32, #tpu.memory_space<hbm>>
        %dma_wait3A_446 = tpu.memref_squeeze %dma_wait3A_445 : memref<1x1x1x120xi32, #tpu.memory_space<hbm>> -> memref<120xi32, #tpu.memory_space<hbm>>
        tpu.wait_dma2 semaphore(%arg18 : memref<!tpu.dma_semaphore, #tpu.memory_space<semaphore_mem>>) src(%dma_wait3A_446 : memref<120xi32, #tpu.memory_space<hbm>>) dst(%dma_wait3A_443 : memref<120xi32, #tpu.memory_space<vmem>>)
        %add3A_447 = arith.addi %select_n3A, %while3A_222 : i32
        %add3A_448 = arith.constant 0 : i32
        %add3A_449 = arith.addi %add3A_447, %add3A_448 : i32
        %dma_wait3A_450 = arith.constant 1 : i32
        %dma_wait3A_451 = arith.constant 3 : i32
        %dma_wait3A_452 = arith.constant 1 : i32
        %dma_wait3A_453 = arith.constant 0 : i32
        %dma_wait3A_454 = tpu.memref_slice %arg8[%dma_wait3A_452, %dma_wait3A_453] : memref<2x120xi32, #tpu.memory_space<vmem>> -> memref<1x120xi32, #tpu.memory_space<vmem>>
        %dma_wait3A_455 = tpu.memref_squeeze %dma_wait3A_454 : memref<1x120xi32, #tpu.memory_space<vmem>> -> memref<120xi32, #tpu.memory_space<vmem>>
        %dma_wait3A_456 = arith.constant 0 : i32
        %dma_wait3A_457 = tpu.memref_slice %arg2[%dma_wait3A_450, %add3A_449, %dma_wait3A_451, %dma_wait3A_456] : memref<2x448x6x120xi32, #tpu.memory_space<hbm>> -> memref<1x1x1x120xi32, #tpu.memory_space<hbm>>
        %dma_wait3A_458 = tpu.memref_squeeze %dma_wait3A_457 : memref<1x1x1x120xi32, #tpu.memory_space<hbm>> -> memref<120xi32, #tpu.memory_space<hbm>>
        %dma_wait3A_459 = arith.constant 0 : i32
        %dma_wait3A_460 = tpu.memref_slice %arg8[%dma_wait3A_452, %dma_wait3A_459] : memref<2x120xi32, #tpu.memory_space<vmem>> -> memref<1x120xi32, #tpu.memory_space<vmem>>
        %dma_wait3A_461 = tpu.memref_squeeze %dma_wait3A_460 : memref<1x120xi32, #tpu.memory_space<vmem>> -> memref<120xi32, #tpu.memory_space<vmem>>
        %dma_wait3A_462 = arith.constant 0 : i32
        %dma_wait3A_463 = tpu.memref_slice %arg2[%dma_wait3A_450, %add3A_449, %dma_wait3A_451, %dma_wait3A_462] : memref<2x448x6x120xi32, #tpu.memory_space<hbm>> -> memref<1x1x1x120xi32, #tpu.memory_space<hbm>>
        %dma_wait3A_464 = tpu.memref_squeeze %dma_wait3A_463 : memref<1x1x1x120xi32, #tpu.memory_space<hbm>> -> memref<120xi32, #tpu.memory_space<hbm>>
        tpu.wait_dma2 semaphore(%arg18 : memref<!tpu.dma_semaphore, #tpu.memory_space<semaphore_mem>>) src(%dma_wait3A_464 : memref<120xi32, #tpu.memory_space<hbm>>) dst(%dma_wait3A_461 : memref<120xi32, #tpu.memory_space<vmem>>)
        %dma_start3A_465 = arith.constant 0 : i32
        %dma_start3A_466 = arith.constant 0 : i32
        %dma_start3A_467 = tpu.memref_slice %arg8[%dma_start3A_465, %dma_start3A_466] : memref<2x120xi32, #tpu.memory_space<vmem>> -> memref<1x120xi32, #tpu.memory_space<vmem>>
        %dma_start3A_468 = tpu.memref_squeeze %dma_start3A_467 : memref<1x120xi32, #tpu.memory_space<vmem>> -> memref<120xi32, #tpu.memory_space<vmem>>
        %dma_start3A_469 = arith.constant 0 : i32
        %dma_start3A_470 = arith.constant 0 : i32
        %dma_start3A_471 = tpu.memref_slice %arg3[%dma_start3A_469, %dma_start3A_470] : memref<10240x128xf32, #tpu.memory_space<hbm>> -> memref<10240x128xf32, #tpu.memory_space<hbm>>
        tpu.enqueue_indirect_dma source(%dma_start3A_471 : memref<10240x128xf32, #tpu.memory_space<hbm>>) target(%arg11 : memref<120x128xf32, #tpu.memory_space<vmem>>) offsets(%dma_start3A_468 : memref<120xi32, #tpu.memory_space<vmem>>) semaphore(%arg21 : memref<!tpu.dma_semaphore, #tpu.memory_space<semaphore_mem>>)
      } else {
      }
      %add3A_283 = arith.constant 3 : i32
      %add3A_284 = arith.addi %add3A_257, %add3A_283 : i32
      %lt3A_285 = arith.cmpi slt, %add3A_284, %select_n3A_8 : i32
      %convert_element_type3A_286 = arith.extui %lt3A_285 : i1 to i32
      %cond3A_287 = arith.constant 0 : i32
      %cond3A_288 = arith.cmpi ne, %convert_element_type3A_286, %cond3A_287 : i32
      scf.if %cond3A_288 {
        %add3A_429 = arith.addi %select_n3A, %while3A_222 : i32
        %add3A_430 = arith.constant 0 : i32
        %add3A_431 = arith.addi %add3A_429, %add3A_430 : i32
        %dma_start3A_432 = arith.constant 0 : i32
        %dma_start3A_433 = arith.constant 4 : i32
        %dma_start3A_434 = arith.constant 0 : i32
        %dma_start3A_435 = arith.constant 0 : i32
        %dma_start3A_436 = tpu.memref_slice %arg9[%dma_start3A_434, %dma_start3A_435] : memref<2x120xi32, #tpu.memory_space<vmem>> -> memref<1x120xi32, #tpu.memory_space<vmem>>
        %dma_start3A_437 = tpu.memref_squeeze %dma_start3A_436 : memref<1x120xi32, #tpu.memory_space<vmem>> -> memref<120xi32, #tpu.memory_space<vmem>>
        %dma_start3A_438 = arith.constant 0 : i32
        %dma_start3A_439 = tpu.memref_slice %arg2[%dma_start3A_432, %add3A_431, %dma_start3A_433, %dma_start3A_438] : memref<2x448x6x120xi32, #tpu.memory_space<hbm>> -> memref<1x1x1x120xi32, #tpu.memory_space<hbm>>
        %dma_start3A_440 = tpu.memref_squeeze %dma_start3A_439 : memref<1x1x1x120xi32, #tpu.memory_space<hbm>> -> memref<120xi32, #tpu.memory_space<hbm>>
        %dma_start3A_441 = arith.constant 0 : i32
        %dma_start3A_442 = tpu.memref_slice %arg9[%dma_start3A_434, %dma_start3A_441] : memref<2x120xi32, #tpu.memory_space<vmem>> -> memref<1x120xi32, #tpu.memory_space<vmem>>
        %dma_start3A_443 = tpu.memref_squeeze %dma_start3A_442 : memref<1x120xi32, #tpu.memory_space<vmem>> -> memref<120xi32, #tpu.memory_space<vmem>>
        %dma_start3A_444 = arith.constant 0 : i32
        %dma_start3A_445 = tpu.memref_slice %arg2[%dma_start3A_432, %add3A_431, %dma_start3A_433, %dma_start3A_444] : memref<2x448x6x120xi32, #tpu.memory_space<hbm>> -> memref<1x1x1x120xi32, #tpu.memory_space<hbm>>
        %dma_start3A_446 = tpu.memref_squeeze %dma_start3A_445 : memref<1x1x1x120xi32, #tpu.memory_space<hbm>> -> memref<120xi32, #tpu.memory_space<hbm>>
        tpu.enqueue_dma source(%dma_start3A_446 : memref<120xi32, #tpu.memory_space<hbm>>) target(%dma_start3A_443 : memref<120xi32, #tpu.memory_space<vmem>>) target_semaphore(%arg19 : memref<!tpu.dma_semaphore, #tpu.memory_space<semaphore_mem>>)
        %add3A_447 = arith.addi %select_n3A, %while3A_222 : i32
        %add3A_448 = arith.constant 0 : i32
        %add3A_449 = arith.addi %add3A_447, %add3A_448 : i32
        %dma_start3A_450 = arith.constant 1 : i32
        %dma_start3A_451 = arith.constant 4 : i32
        %dma_start3A_452 = arith.constant 1 : i32
        %dma_start3A_453 = arith.constant 0 : i32
        %dma_start3A_454 = tpu.memref_slice %arg9[%dma_start3A_452, %dma_start3A_453] : memref<2x120xi32, #tpu.memory_space<vmem>> -> memref<1x120xi32, #tpu.memory_space<vmem>>
        %dma_start3A_455 = tpu.memref_squeeze %dma_start3A_454 : memref<1x120xi32, #tpu.memory_space<vmem>> -> memref<120xi32, #tpu.memory_space<vmem>>
        %dma_start3A_456 = arith.constant 0 : i32
        %dma_start3A_457 = tpu.memref_slice %arg2[%dma_start3A_450, %add3A_449, %dma_start3A_451, %dma_start3A_456] : memref<2x448x6x120xi32, #tpu.memory_space<hbm>> -> memref<1x1x1x120xi32, #tpu.memory_space<hbm>>
        %dma_start3A_458 = tpu.memref_squeeze %dma_start3A_457 : memref<1x1x1x120xi32, #tpu.memory_space<hbm>> -> memref<120xi32, #tpu.memory_space<hbm>>
        %dma_start3A_459 = arith.constant 0 : i32
        %dma_start3A_460 = tpu.memref_slice %arg9[%dma_start3A_452, %dma_start3A_459] : memref<2x120xi32, #tpu.memory_space<vmem>> -> memref<1x120xi32, #tpu.memory_space<vmem>>
        %dma_start3A_461 = tpu.memref_squeeze %dma_start3A_460 : memref<1x120xi32, #tpu.memory_space<vmem>> -> memref<120xi32, #tpu.memory_space<vmem>>
        %dma_start3A_462 = arith.constant 0 : i32
        %dma_start3A_463 = tpu.memref_slice %arg2[%dma_start3A_450, %add3A_449, %dma_start3A_451, %dma_start3A_462] : memref<2x448x6x120xi32, #tpu.memory_space<hbm>> -> memref<1x1x1x120xi32, #tpu.memory_space<hbm>>
        %dma_start3A_464 = tpu.memref_squeeze %dma_start3A_463 : memref<1x1x1x120xi32, #tpu.memory_space<hbm>> -> memref<120xi32, #tpu.memory_space<hbm>>
        tpu.enqueue_dma source(%dma_start3A_464 : memref<120xi32, #tpu.memory_space<hbm>>) target(%dma_start3A_461 : memref<120xi32, #tpu.memory_space<vmem>>) target_semaphore(%arg19 : memref<!tpu.dma_semaphore, #tpu.memory_space<semaphore_mem>>)
      } else {
      }
      %mul3A_289 = arith.constant 6 : i32
      %mul3A_290 = arith.muli %while3A_222, %mul3A_289 : i32
      %add3A_291 = arith.constant 2 : i32
      %add3A_292 = arith.addi %mul3A_290, %add3A_291 : i32
      %dma_wait3A_293 = arith.constant 0 : i32
      %dma_wait3A_294 = arith.constant 0 : i32
      %dma_wait3A_295 = tpu.memref_slice %arg7[%dma_wait3A_293, %dma_wait3A_294] : memref<2x120xi32, #tpu.memory_space<vmem>> -> memref<1x120xi32, #tpu.memory_space<vmem>>
      %dma_wait3A_296 = tpu.memref_squeeze %dma_wait3A_295 : memref<1x120xi32, #tpu.memory_space<vmem>> -> memref<120xi32, #tpu.memory_space<vmem>>
      %dma_wait3A_297 = arith.constant 0 : i32
      %dma_wait3A_298 = arith.constant 0 : i32
      %dma_wait3A_299 = tpu.memref_slice %arg3[%dma_wait3A_297, %dma_wait3A_298] : memref<10240x128xf32, #tpu.memory_space<hbm>> -> memref<10240x128xf32, #tpu.memory_space<hbm>>
      tpu.wait_indirect_dma semaphore(%arg23 : memref<!tpu.dma_semaphore, #tpu.memory_space<semaphore_mem>>) src(%dma_wait3A_299 : memref<10240x128xf32, #tpu.memory_space<hbm>>) dst(%arg13 : memref<120x128xf32, #tpu.memory_space<vmem>>)
      %dma_start3A_300 = arith.constant 1 : i32
      %dma_start3A_301 = arith.constant 0 : i32
      %dma_start3A_302 = tpu.memref_slice %arg7[%dma_start3A_300, %dma_start3A_301] : memref<2x120xi32, #tpu.memory_space<vmem>> -> memref<1x120xi32, #tpu.memory_space<vmem>>
      %dma_start3A_303 = tpu.memref_squeeze %dma_start3A_302 : memref<1x120xi32, #tpu.memory_space<vmem>> -> memref<120xi32, #tpu.memory_space<vmem>>
      %dma_start3A_304 = arith.constant 0 : i32
      %dma_start3A_305 = arith.constant 0 : i32
      %dma_start3A_306 = tpu.memref_slice %arg14[%dma_start3A_304, %dma_start3A_305] : memref<10240x128xf32, #tpu.memory_space<vmem_shared>> -> memref<10240x128xf32, #tpu.memory_space<vmem_shared>>
      tpu.enqueue_indirect_dma source(%arg13 : memref<120x128xf32, #tpu.memory_space<vmem>>) target(%dma_start3A_306 : memref<10240x128xf32, #tpu.memory_space<vmem_shared>>) offsets(%dma_start3A_303 : memref<120xi32, #tpu.memory_space<vmem>>) semaphore(%arg26 : memref<!tpu.dma_semaphore, #tpu.memory_space<semaphore_mem>>) {add = true}
      %ge3A_307 = arith.constant 1 : i32
      %ge3A_308 = arith.cmpi sge, %add3A_292, %ge3A_307 : i32
      %convert_element_type3A_309 = arith.extui %ge3A_308 : i1 to i32
      %cond3A_310 = arith.constant 0 : i32
      %cond3A_311 = arith.cmpi ne, %convert_element_type3A_309, %cond3A_310 : i32
      scf.if %cond3A_311 {
        %dma_wait3A_429 = arith.constant 1 : i32
        %dma_wait3A_430 = arith.constant 0 : i32
        %dma_wait3A_431 = tpu.memref_slice %arg6[%dma_wait3A_429, %dma_wait3A_430] : memref<2x120xi32, #tpu.memory_space<vmem>> -> memref<1x120xi32, #tpu.memory_space<vmem>>
        %dma_wait3A_432 = tpu.memref_squeeze %dma_wait3A_431 : memref<1x120xi32, #tpu.memory_space<vmem>> -> memref<120xi32, #tpu.memory_space<vmem>>
        %dma_wait3A_433 = arith.constant 0 : i32
        %dma_wait3A_434 = arith.constant 0 : i32
        %dma_wait3A_435 = tpu.memref_slice %arg14[%dma_wait3A_433, %dma_wait3A_434] : memref<10240x128xf32, #tpu.memory_space<vmem_shared>> -> memref<10240x128xf32, #tpu.memory_space<vmem_shared>>
        tpu.wait_indirect_dma semaphore(%arg25 : memref<!tpu.dma_semaphore, #tpu.memory_space<semaphore_mem>>) src(%arg12 : memref<120x128xf32, #tpu.memory_space<vmem>>) dst(%dma_wait3A_435 : memref<10240x128xf32, #tpu.memory_space<vmem_shared>>)
      } else {
      }
      %add3A_312 = arith.constant 2 : i32
      %add3A_313 = arith.addi %add3A_292, %add3A_312 : i32
      %lt3A_314 = arith.cmpi slt, %add3A_313, %select_n3A_8 : i32
      %convert_element_type3A_315 = arith.extui %lt3A_314 : i1 to i32
      %cond3A_316 = arith.constant 0 : i32
      %cond3A_317 = arith.cmpi ne, %convert_element_type3A_315, %cond3A_316 : i32
      scf.if %cond3A_317 {
        %add3A_429 = arith.addi %select_n3A, %while3A_222 : i32
        %add3A_430 = arith.constant 0 : i32
        %add3A_431 = arith.addi %add3A_429, %add3A_430 : i32
        %dma_wait3A_432 = arith.constant 0 : i32
        %dma_wait3A_433 = arith.constant 4 : i32
        %dma_wait3A_434 = arith.constant 0 : i32
        %dma_wait3A_435 = arith.constant 0 : i32
        %dma_wait3A_436 = tpu.memref_slice %arg9[%dma_wait3A_434, %dma_wait3A_435] : memref<2x120xi32, #tpu.memory_space<vmem>> -> memref<1x120xi32, #tpu.memory_space<vmem>>
        %dma_wait3A_437 = tpu.memref_squeeze %dma_wait3A_436 : memref<1x120xi32, #tpu.memory_space<vmem>> -> memref<120xi32, #tpu.memory_space<vmem>>
        %dma_wait3A_438 = arith.constant 0 : i32
        %dma_wait3A_439 = tpu.memref_slice %arg2[%dma_wait3A_432, %add3A_431, %dma_wait3A_433, %dma_wait3A_438] : memref<2x448x6x120xi32, #tpu.memory_space<hbm>> -> memref<1x1x1x120xi32, #tpu.memory_space<hbm>>
        %dma_wait3A_440 = tpu.memref_squeeze %dma_wait3A_439 : memref<1x1x1x120xi32, #tpu.memory_space<hbm>> -> memref<120xi32, #tpu.memory_space<hbm>>
        %dma_wait3A_441 = arith.constant 0 : i32
        %dma_wait3A_442 = tpu.memref_slice %arg9[%dma_wait3A_434, %dma_wait3A_441] : memref<2x120xi32, #tpu.memory_space<vmem>> -> memref<1x120xi32, #tpu.memory_space<vmem>>
        %dma_wait3A_443 = tpu.memref_squeeze %dma_wait3A_442 : memref<1x120xi32, #tpu.memory_space<vmem>> -> memref<120xi32, #tpu.memory_space<vmem>>
        %dma_wait3A_444 = arith.constant 0 : i32
        %dma_wait3A_445 = tpu.memref_slice %arg2[%dma_wait3A_432, %add3A_431, %dma_wait3A_433, %dma_wait3A_444] : memref<2x448x6x120xi32, #tpu.memory_space<hbm>> -> memref<1x1x1x120xi32, #tpu.memory_space<hbm>>
        %dma_wait3A_446 = tpu.memref_squeeze %dma_wait3A_445 : memref<1x1x1x120xi32, #tpu.memory_space<hbm>> -> memref<120xi32, #tpu.memory_space<hbm>>
        tpu.wait_dma2 semaphore(%arg19 : memref<!tpu.dma_semaphore, #tpu.memory_space<semaphore_mem>>) src(%dma_wait3A_446 : memref<120xi32, #tpu.memory_space<hbm>>) dst(%dma_wait3A_443 : memref<120xi32, #tpu.memory_space<vmem>>)
        %add3A_447 = arith.addi %select_n3A, %while3A_222 : i32
        %add3A_448 = arith.constant 0 : i32
        %add3A_449 = arith.addi %add3A_447, %add3A_448 : i32
        %dma_wait3A_450 = arith.constant 1 : i32
        %dma_wait3A_451 = arith.constant 4 : i32
        %dma_wait3A_452 = arith.constant 1 : i32
        %dma_wait3A_453 = arith.constant 0 : i32
        %dma_wait3A_454 = tpu.memref_slice %arg9[%dma_wait3A_452, %dma_wait3A_453] : memref<2x120xi32, #tpu.memory_space<vmem>> -> memref<1x120xi32, #tpu.memory_space<vmem>>
        %dma_wait3A_455 = tpu.memref_squeeze %dma_wait3A_454 : memref<1x120xi32, #tpu.memory_space<vmem>> -> memref<120xi32, #tpu.memory_space<vmem>>
        %dma_wait3A_456 = arith.constant 0 : i32
        %dma_wait3A_457 = tpu.memref_slice %arg2[%dma_wait3A_450, %add3A_449, %dma_wait3A_451, %dma_wait3A_456] : memref<2x448x6x120xi32, #tpu.memory_space<hbm>> -> memref<1x1x1x120xi32, #tpu.memory_space<hbm>>
        %dma_wait3A_458 = tpu.memref_squeeze %dma_wait3A_457 : memref<1x1x1x120xi32, #tpu.memory_space<hbm>> -> memref<120xi32, #tpu.memory_space<hbm>>
        %dma_wait3A_459 = arith.constant 0 : i32
        %dma_wait3A_460 = tpu.memref_slice %arg9[%dma_wait3A_452, %dma_wait3A_459] : memref<2x120xi32, #tpu.memory_space<vmem>> -> memref<1x120xi32, #tpu.memory_space<vmem>>
        %dma_wait3A_461 = tpu.memref_squeeze %dma_wait3A_460 : memref<1x120xi32, #tpu.memory_space<vmem>> -> memref<120xi32, #tpu.memory_space<vmem>>
        %dma_wait3A_462 = arith.constant 0 : i32
        %dma_wait3A_463 = tpu.memref_slice %arg2[%dma_wait3A_450, %add3A_449, %dma_wait3A_451, %dma_wait3A_462] : memref<2x448x6x120xi32, #tpu.memory_space<hbm>> -> memref<1x1x1x120xi32, #tpu.memory_space<hbm>>
        %dma_wait3A_464 = tpu.memref_squeeze %dma_wait3A_463 : memref<1x1x1x120xi32, #tpu.memory_space<hbm>> -> memref<120xi32, #tpu.memory_space<hbm>>
        tpu.wait_dma2 semaphore(%arg19 : memref<!tpu.dma_semaphore, #tpu.memory_space<semaphore_mem>>) src(%dma_wait3A_464 : memref<120xi32, #tpu.memory_space<hbm>>) dst(%dma_wait3A_461 : memref<120xi32, #tpu.memory_space<vmem>>)
        %dma_start3A_465 = arith.constant 0 : i32
        %dma_start3A_466 = arith.constant 0 : i32
        %dma_start3A_467 = tpu.memref_slice %arg9[%dma_start3A_465, %dma_start3A_466] : memref<2x120xi32, #tpu.memory_space<vmem>> -> memref<1x120xi32, #tpu.memory_space<vmem>>
        %dma_start3A_468 = tpu.memref_squeeze %dma_start3A_467 : memref<1x120xi32, #tpu.memory_space<vmem>> -> memref<120xi32, #tpu.memory_space<vmem>>
        %dma_start3A_469 = arith.constant 0 : i32
        %dma_start3A_470 = arith.constant 0 : i32
        %dma_start3A_471 = tpu.memref_slice %arg3[%dma_start3A_469, %dma_start3A_470] : memref<10240x128xf32, #tpu.memory_space<hbm>> -> memref<10240x128xf32, #tpu.memory_space<hbm>>
        tpu.enqueue_indirect_dma source(%dma_start3A_471 : memref<10240x128xf32, #tpu.memory_space<hbm>>) target(%arg12 : memref<120x128xf32, #tpu.memory_space<vmem>>) offsets(%dma_start3A_468 : memref<120xi32, #tpu.memory_space<vmem>>) semaphore(%arg22 : memref<!tpu.dma_semaphore, #tpu.memory_space<semaphore_mem>>)
      } else {
      }
      %add3A_318 = arith.constant 3 : i32
      %add3A_319 = arith.addi %add3A_292, %add3A_318 : i32
      %lt3A_320 = arith.cmpi slt, %add3A_319, %select_n3A_8 : i32
      %convert_element_type3A_321 = arith.extui %lt3A_320 : i1 to i32
      %cond3A_322 = arith.constant 0 : i32
      %cond3A_323 = arith.cmpi ne, %convert_element_type3A_321, %cond3A_322 : i32
      scf.if %cond3A_323 {
        %add3A_429 = arith.addi %select_n3A, %while3A_222 : i32
        %add3A_430 = arith.constant 0 : i32
        %add3A_431 = arith.addi %add3A_429, %add3A_430 : i32
        %dma_start3A_432 = arith.constant 0 : i32
        %dma_start3A_433 = arith.constant 5 : i32
        %dma_start3A_434 = arith.constant 0 : i32
        %dma_start3A_435 = arith.constant 0 : i32
        %dma_start3A_436 = tpu.memref_slice %arg10[%dma_start3A_434, %dma_start3A_435] : memref<2x120xi32, #tpu.memory_space<vmem>> -> memref<1x120xi32, #tpu.memory_space<vmem>>
        %dma_start3A_437 = tpu.memref_squeeze %dma_start3A_436 : memref<1x120xi32, #tpu.memory_space<vmem>> -> memref<120xi32, #tpu.memory_space<vmem>>
        %dma_start3A_438 = arith.constant 0 : i32
        %dma_start3A_439 = tpu.memref_slice %arg2[%dma_start3A_432, %add3A_431, %dma_start3A_433, %dma_start3A_438] : memref<2x448x6x120xi32, #tpu.memory_space<hbm>> -> memref<1x1x1x120xi32, #tpu.memory_space<hbm>>
        %dma_start3A_440 = tpu.memref_squeeze %dma_start3A_439 : memref<1x1x1x120xi32, #tpu.memory_space<hbm>> -> memref<120xi32, #tpu.memory_space<hbm>>
        %dma_start3A_441 = arith.constant 0 : i32
        %dma_start3A_442 = tpu.memref_slice %arg10[%dma_start3A_434, %dma_start3A_441] : memref<2x120xi32, #tpu.memory_space<vmem>> -> memref<1x120xi32, #tpu.memory_space<vmem>>
        %dma_start3A_443 = tpu.memref_squeeze %dma_start3A_442 : memref<1x120xi32, #tpu.memory_space<vmem>> -> memref<120xi32, #tpu.memory_space<vmem>>
        %dma_start3A_444 = arith.constant 0 : i32
        %dma_start3A_445 = tpu.memref_slice %arg2[%dma_start3A_432, %add3A_431, %dma_start3A_433, %dma_start3A_444] : memref<2x448x6x120xi32, #tpu.memory_space<hbm>> -> memref<1x1x1x120xi32, #tpu.memory_space<hbm>>
        %dma_start3A_446 = tpu.memref_squeeze %dma_start3A_445 : memref<1x1x1x120xi32, #tpu.memory_space<hbm>> -> memref<120xi32, #tpu.memory_space<hbm>>
        tpu.enqueue_dma source(%dma_start3A_446 : memref<120xi32, #tpu.memory_space<hbm>>) target(%dma_start3A_443 : memref<120xi32, #tpu.memory_space<vmem>>) target_semaphore(%arg20 : memref<!tpu.dma_semaphore, #tpu.memory_space<semaphore_mem>>)
        %add3A_447 = arith.addi %select_n3A, %while3A_222 : i32
        %add3A_448 = arith.constant 0 : i32
        %add3A_449 = arith.addi %add3A_447, %add3A_448 : i32
        %dma_start3A_450 = arith.constant 1 : i32
        %dma_start3A_451 = arith.constant 5 : i32
        %dma_start3A_452 = arith.constant 1 : i32
        %dma_start3A_453 = arith.constant 0 : i32
        %dma_start3A_454 = tpu.memref_slice %arg10[%dma_start3A_452, %dma_start3A_453] : memref<2x120xi32, #tpu.memory_space<vmem>> -> memref<1x120xi32, #tpu.memory_space<vmem>>
        %dma_start3A_455 = tpu.memref_squeeze %dma_start3A_454 : memref<1x120xi32, #tpu.memory_space<vmem>> -> memref<120xi32, #tpu.memory_space<vmem>>
        %dma_start3A_456 = arith.constant 0 : i32
        %dma_start3A_457 = tpu.memref_slice %arg2[%dma_start3A_450, %add3A_449, %dma_start3A_451, %dma_start3A_456] : memref<2x448x6x120xi32, #tpu.memory_space<hbm>> -> memref<1x1x1x120xi32, #tpu.memory_space<hbm>>
        %dma_start3A_458 = tpu.memref_squeeze %dma_start3A_457 : memref<1x1x1x120xi32, #tpu.memory_space<hbm>> -> memref<120xi32, #tpu.memory_space<hbm>>
        %dma_start3A_459 = arith.constant 0 : i32
        %dma_start3A_460 = tpu.memref_slice %arg10[%dma_start3A_452, %dma_start3A_459] : memref<2x120xi32, #tpu.memory_space<vmem>> -> memref<1x120xi32, #tpu.memory_space<vmem>>
        %dma_start3A_461 = tpu.memref_squeeze %dma_start3A_460 : memref<1x120xi32, #tpu.memory_space<vmem>> -> memref<120xi32, #tpu.memory_space<vmem>>
        %dma_start3A_462 = arith.constant 0 : i32
        %dma_start3A_463 = tpu.memref_slice %arg2[%dma_start3A_450, %add3A_449, %dma_start3A_451, %dma_start3A_462] : memref<2x448x6x120xi32, #tpu.memory_space<hbm>> -> memref<1x1x1x120xi32, #tpu.memory_space<hbm>>
        %dma_start3A_464 = tpu.memref_squeeze %dma_start3A_463 : memref<1x1x1x120xi32, #tpu.memory_space<hbm>> -> memref<120xi32, #tpu.memory_space<hbm>>
        tpu.enqueue_dma source(%dma_start3A_464 : memref<120xi32, #tpu.memory_space<hbm>>) target(%dma_start3A_461 : memref<120xi32, #tpu.memory_space<vmem>>) target_semaphore(%arg20 : memref<!tpu.dma_semaphore, #tpu.memory_space<semaphore_mem>>)
      } else {
      }
      %mul3A_324 = arith.constant 6 : i32
      %mul3A_325 = arith.muli %while3A_222, %mul3A_324 : i32
      %add3A_326 = arith.constant 3 : i32
      %add3A_327 = arith.addi %mul3A_325, %add3A_326 : i32
      %dma_wait3A_328 = arith.constant 0 : i32
      %dma_wait3A_329 = arith.constant 0 : i32
      %dma_wait3A_330 = tpu.memref_slice %arg8[%dma_wait3A_328, %dma_wait3A_329] : memref<2x120xi32, #tpu.memory_space<vmem>> -> memref<1x120xi32, #tpu.memory_space<vmem>>
      %dma_wait3A_331 = tpu.memref_squeeze %dma_wait3A_330 : memref<1x120xi32, #tpu.memory_space<vmem>> -> memref<120xi32, #tpu.memory_space<vmem>>
      %dma_wait3A_332 = arith.constant 0 : i32
      %dma_wait3A_333 = arith.constant 0 : i32
      %dma_wait3A_334 = tpu.memref_slice %arg3[%dma_wait3A_332, %dma_wait3A_333] : memref<10240x128xf32, #tpu.memory_space<hbm>> -> memref<10240x128xf32, #tpu.memory_space<hbm>>
      tpu.wait_indirect_dma semaphore(%arg21 : memref<!tpu.dma_semaphore, #tpu.memory_space<semaphore_mem>>) src(%dma_wait3A_334 : memref<10240x128xf32, #tpu.memory_space<hbm>>) dst(%arg11 : memref<120x128xf32, #tpu.memory_space<vmem>>)
      %dma_start3A_335 = arith.constant 1 : i32
      %dma_start3A_336 = arith.constant 0 : i32
      %dma_start3A_337 = tpu.memref_slice %arg8[%dma_start3A_335, %dma_start3A_336] : memref<2x120xi32, #tpu.memory_space<vmem>> -> memref<1x120xi32, #tpu.memory_space<vmem>>
      %dma_start3A_338 = tpu.memref_squeeze %dma_start3A_337 : memref<1x120xi32, #tpu.memory_space<vmem>> -> memref<120xi32, #tpu.memory_space<vmem>>
      %dma_start3A_339 = arith.constant 0 : i32
      %dma_start3A_340 = arith.constant 0 : i32
      %dma_start3A_341 = tpu.memref_slice %arg14[%dma_start3A_339, %dma_start3A_340] : memref<10240x128xf32, #tpu.memory_space<vmem_shared>> -> memref<10240x128xf32, #tpu.memory_space<vmem_shared>>
      tpu.enqueue_indirect_dma source(%arg11 : memref<120x128xf32, #tpu.memory_space<vmem>>) target(%dma_start3A_341 : memref<10240x128xf32, #tpu.memory_space<vmem_shared>>) offsets(%dma_start3A_338 : memref<120xi32, #tpu.memory_space<vmem>>) semaphore(%arg24 : memref<!tpu.dma_semaphore, #tpu.memory_space<semaphore_mem>>) {add = true}
      %ge3A_342 = arith.constant 1 : i32
      %ge3A_343 = arith.cmpi sge, %add3A_327, %ge3A_342 : i32
      %convert_element_type3A_344 = arith.extui %ge3A_343 : i1 to i32
      %cond3A_345 = arith.constant 0 : i32
      %cond3A_346 = arith.cmpi ne, %convert_element_type3A_344, %cond3A_345 : i32
      scf.if %cond3A_346 {
        %dma_wait3A_429 = arith.constant 1 : i32
        %dma_wait3A_430 = arith.constant 0 : i32
        %dma_wait3A_431 = tpu.memref_slice %arg7[%dma_wait3A_429, %dma_wait3A_430] : memref<2x120xi32, #tpu.memory_space<vmem>> -> memref<1x120xi32, #tpu.memory_space<vmem>>
        %dma_wait3A_432 = tpu.memref_squeeze %dma_wait3A_431 : memref<1x120xi32, #tpu.memory_space<vmem>> -> memref<120xi32, #tpu.memory_space<vmem>>
        %dma_wait3A_433 = arith.constant 0 : i32
        %dma_wait3A_434 = arith.constant 0 : i32
        %dma_wait3A_435 = tpu.memref_slice %arg14[%dma_wait3A_433, %dma_wait3A_434] : memref<10240x128xf32, #tpu.memory_space<vmem_shared>> -> memref<10240x128xf32, #tpu.memory_space<vmem_shared>>
        tpu.wait_indirect_dma semaphore(%arg26 : memref<!tpu.dma_semaphore, #tpu.memory_space<semaphore_mem>>) src(%arg13 : memref<120x128xf32, #tpu.memory_space<vmem>>) dst(%dma_wait3A_435 : memref<10240x128xf32, #tpu.memory_space<vmem_shared>>)
      } else {
      }
      %add3A_347 = arith.constant 2 : i32
      %add3A_348 = arith.addi %add3A_327, %add3A_347 : i32
      %lt3A_349 = arith.cmpi slt, %add3A_348, %select_n3A_8 : i32
      %convert_element_type3A_350 = arith.extui %lt3A_349 : i1 to i32
      %cond3A_351 = arith.constant 0 : i32
      %cond3A_352 = arith.cmpi ne, %convert_element_type3A_350, %cond3A_351 : i32
      scf.if %cond3A_352 {
        %add3A_429 = arith.addi %select_n3A, %while3A_222 : i32
        %add3A_430 = arith.constant 0 : i32
        %add3A_431 = arith.addi %add3A_429, %add3A_430 : i32
        %dma_wait3A_432 = arith.constant 0 : i32
        %dma_wait3A_433 = arith.constant 5 : i32
        %dma_wait3A_434 = arith.constant 0 : i32
        %dma_wait3A_435 = arith.constant 0 : i32
        %dma_wait3A_436 = tpu.memref_slice %arg10[%dma_wait3A_434, %dma_wait3A_435] : memref<2x120xi32, #tpu.memory_space<vmem>> -> memref<1x120xi32, #tpu.memory_space<vmem>>
        %dma_wait3A_437 = tpu.memref_squeeze %dma_wait3A_436 : memref<1x120xi32, #tpu.memory_space<vmem>> -> memref<120xi32, #tpu.memory_space<vmem>>
        %dma_wait3A_438 = arith.constant 0 : i32
        %dma_wait3A_439 = tpu.memref_slice %arg2[%dma_wait3A_432, %add3A_431, %dma_wait3A_433, %dma_wait3A_438] : memref<2x448x6x120xi32, #tpu.memory_space<hbm>> -> memref<1x1x1x120xi32, #tpu.memory_space<hbm>>
        %dma_wait3A_440 = tpu.memref_squeeze %dma_wait3A_439 : memref<1x1x1x120xi32, #tpu.memory_space<hbm>> -> memref<120xi32, #tpu.memory_space<hbm>>
        %dma_wait3A_441 = arith.constant 0 : i32
        %dma_wait3A_442 = tpu.memref_slice %arg10[%dma_wait3A_434, %dma_wait3A_441] : memref<2x120xi32, #tpu.memory_space<vmem>> -> memref<1x120xi32, #tpu.memory_space<vmem>>
        %dma_wait3A_443 = tpu.memref_squeeze %dma_wait3A_442 : memref<1x120xi32, #tpu.memory_space<vmem>> -> memref<120xi32, #tpu.memory_space<vmem>>
        %dma_wait3A_444 = arith.constant 0 : i32
        %dma_wait3A_445 = tpu.memref_slice %arg2[%dma_wait3A_432, %add3A_431, %dma_wait3A_433, %dma_wait3A_444] : memref<2x448x6x120xi32, #tpu.memory_space<hbm>> -> memref<1x1x1x120xi32, #tpu.memory_space<hbm>>
        %dma_wait3A_446 = tpu.memref_squeeze %dma_wait3A_445 : memref<1x1x1x120xi32, #tpu.memory_space<hbm>> -> memref<120xi32, #tpu.memory_space<hbm>>
        tpu.wait_dma2 semaphore(%arg20 : memref<!tpu.dma_semaphore, #tpu.memory_space<semaphore_mem>>) src(%dma_wait3A_446 : memref<120xi32, #tpu.memory_space<hbm>>) dst(%dma_wait3A_443 : memref<120xi32, #tpu.memory_space<vmem>>)
        %add3A_447 = arith.addi %select_n3A, %while3A_222 : i32
        %add3A_448 = arith.constant 0 : i32
        %add3A_449 = arith.addi %add3A_447, %add3A_448 : i32
        %dma_wait3A_450 = arith.constant 1 : i32
        %dma_wait3A_451 = arith.constant 5 : i32
        %dma_wait3A_452 = arith.constant 1 : i32
        %dma_wait3A_453 = arith.constant 0 : i32
        %dma_wait3A_454 = tpu.memref_slice %arg10[%dma_wait3A_452, %dma_wait3A_453] : memref<2x120xi32, #tpu.memory_space<vmem>> -> memref<1x120xi32, #tpu.memory_space<vmem>>
        %dma_wait3A_455 = tpu.memref_squeeze %dma_wait3A_454 : memref<1x120xi32, #tpu.memory_space<vmem>> -> memref<120xi32, #tpu.memory_space<vmem>>
        %dma_wait3A_456 = arith.constant 0 : i32
        %dma_wait3A_457 = tpu.memref_slice %arg2[%dma_wait3A_450, %add3A_449, %dma_wait3A_451, %dma_wait3A_456] : memref<2x448x6x120xi32, #tpu.memory_space<hbm>> -> memref<1x1x1x120xi32, #tpu.memory_space<hbm>>
        %dma_wait3A_458 = tpu.memref_squeeze %dma_wait3A_457 : memref<1x1x1x120xi32, #tpu.memory_space<hbm>> -> memref<120xi32, #tpu.memory_space<hbm>>
        %dma_wait3A_459 = arith.constant 0 : i32
        %dma_wait3A_460 = tpu.memref_slice %arg10[%dma_wait3A_452, %dma_wait3A_459] : memref<2x120xi32, #tpu.memory_space<vmem>> -> memref<1x120xi32, #tpu.memory_space<vmem>>
        %dma_wait3A_461 = tpu.memref_squeeze %dma_wait3A_460 : memref<1x120xi32, #tpu.memory_space<vmem>> -> memref<120xi32, #tpu.memory_space<vmem>>
        %dma_wait3A_462 = arith.constant 0 : i32
        %dma_wait3A_463 = tpu.memref_slice %arg2[%dma_wait3A_450, %add3A_449, %dma_wait3A_451, %dma_wait3A_462] : memref<2x448x6x120xi32, #tpu.memory_space<hbm>> -> memref<1x1x1x120xi32, #tpu.memory_space<hbm>>
        %dma_wait3A_464 = tpu.memref_squeeze %dma_wait3A_463 : memref<1x1x1x120xi32, #tpu.memory_space<hbm>> -> memref<120xi32, #tpu.memory_space<hbm>>
        tpu.wait_dma2 semaphore(%arg20 : memref<!tpu.dma_semaphore, #tpu.memory_space<semaphore_mem>>) src(%dma_wait3A_464 : memref<120xi32, #tpu.memory_space<hbm>>) dst(%dma_wait3A_461 : memref<120xi32, #tpu.memory_space<vmem>>)
        %dma_start3A_465 = arith.constant 0 : i32
        %dma_start3A_466 = arith.constant 0 : i32
        %dma_start3A_467 = tpu.memref_slice %arg10[%dma_start3A_465, %dma_start3A_466] : memref<2x120xi32, #tpu.memory_space<vmem>> -> memref<1x120xi32, #tpu.memory_space<vmem>>
        %dma_start3A_468 = tpu.memref_squeeze %dma_start3A_467 : memref<1x120xi32, #tpu.memory_space<vmem>> -> memref<120xi32, #tpu.memory_space<vmem>>
        %dma_start3A_469 = arith.constant 0 : i32
        %dma_start3A_470 = arith.constant 0 : i32
        %dma_start3A_471 = tpu.memref_slice %arg3[%dma_start3A_469, %dma_start3A_470] : memref<10240x128xf32, #tpu.memory_space<hbm>> -> memref<10240x128xf32, #tpu.memory_space<hbm>>
        tpu.enqueue_indirect_dma source(%dma_start3A_471 : memref<10240x128xf32, #tpu.memory_space<hbm>>) target(%arg13 : memref<120x128xf32, #tpu.memory_space<vmem>>) offsets(%dma_start3A_468 : memref<120xi32, #tpu.memory_space<vmem>>) semaphore(%arg23 : memref<!tpu.dma_semaphore, #tpu.memory_space<semaphore_mem>>)
      } else {
      }
      %add3A_353 = arith.constant 3 : i32
      %add3A_354 = arith.addi %add3A_327, %add3A_353 : i32
      %lt3A_355 = arith.cmpi slt, %add3A_354, %select_n3A_8 : i32
      %convert_element_type3A_356 = arith.extui %lt3A_355 : i1 to i32
      %cond3A_357 = arith.constant 0 : i32
      %cond3A_358 = arith.cmpi ne, %convert_element_type3A_356, %cond3A_357 : i32
      scf.if %cond3A_358 {
        %add3A_429 = arith.addi %select_n3A, %while3A_222 : i32
        %add3A_430 = arith.constant 1 : i32
        %add3A_431 = arith.addi %add3A_429, %add3A_430 : i32
        %dma_start3A_432 = arith.constant 0 : i32
        %dma_start3A_433 = arith.constant 0 : i32
        %dma_start3A_434 = arith.constant 0 : i32
        %dma_start3A_435 = arith.constant 0 : i32
        %dma_start3A_436 = tpu.memref_slice %arg5[%dma_start3A_434, %dma_start3A_435] : memref<2x120xi32, #tpu.memory_space<vmem>> -> memref<1x120xi32, #tpu.memory_space<vmem>>
        %dma_start3A_437 = tpu.memref_squeeze %dma_start3A_436 : memref<1x120xi32, #tpu.memory_space<vmem>> -> memref<120xi32, #tpu.memory_space<vmem>>
        %dma_start3A_438 = arith.constant 0 : i32
        %dma_start3A_439 = tpu.memref_slice %arg2[%dma_start3A_432, %add3A_431, %dma_start3A_433, %dma_start3A_438] : memref<2x448x6x120xi32, #tpu.memory_space<hbm>> -> memref<1x1x1x120xi32, #tpu.memory_space<hbm>>
        %dma_start3A_440 = tpu.memref_squeeze %dma_start3A_439 : memref<1x1x1x120xi32, #tpu.memory_space<hbm>> -> memref<120xi32, #tpu.memory_space<hbm>>
        %dma_start3A_441 = arith.constant 0 : i32
        %dma_start3A_442 = tpu.memref_slice %arg5[%dma_start3A_434, %dma_start3A_441] : memref<2x120xi32, #tpu.memory_space<vmem>> -> memref<1x120xi32, #tpu.memory_space<vmem>>
        %dma_start3A_443 = tpu.memref_squeeze %dma_start3A_442 : memref<1x120xi32, #tpu.memory_space<vmem>> -> memref<120xi32, #tpu.memory_space<vmem>>
        %dma_start3A_444 = arith.constant 0 : i32
        %dma_start3A_445 = tpu.memref_slice %arg2[%dma_start3A_432, %add3A_431, %dma_start3A_433, %dma_start3A_444] : memref<2x448x6x120xi32, #tpu.memory_space<hbm>> -> memref<1x1x1x120xi32, #tpu.memory_space<hbm>>
        %dma_start3A_446 = tpu.memref_squeeze %dma_start3A_445 : memref<1x1x1x120xi32, #tpu.memory_space<hbm>> -> memref<120xi32, #tpu.memory_space<hbm>>
        tpu.enqueue_dma source(%dma_start3A_446 : memref<120xi32, #tpu.memory_space<hbm>>) target(%dma_start3A_443 : memref<120xi32, #tpu.memory_space<vmem>>) target_semaphore(%arg15 : memref<!tpu.dma_semaphore, #tpu.memory_space<semaphore_mem>>)
        %add3A_447 = arith.addi %select_n3A, %while3A_222 : i32
        %add3A_448 = arith.constant 1 : i32
        %add3A_449 = arith.addi %add3A_447, %add3A_448 : i32
        %dma_start3A_450 = arith.constant 1 : i32
        %dma_start3A_451 = arith.constant 0 : i32
        %dma_start3A_452 = arith.constant 1 : i32
        %dma_start3A_453 = arith.constant 0 : i32
        %dma_start3A_454 = tpu.memref_slice %arg5[%dma_start3A_452, %dma_start3A_453] : memref<2x120xi32, #tpu.memory_space<vmem>> -> memref<1x120xi32, #tpu.memory_space<vmem>>
        %dma_start3A_455 = tpu.memref_squeeze %dma_start3A_454 : memref<1x120xi32, #tpu.memory_space<vmem>> -> memref<120xi32, #tpu.memory_space<vmem>>
        %dma_start3A_456 = arith.constant 0 : i32
        %dma_start3A_457 = tpu.memref_slice %arg2[%dma_start3A_450, %add3A_449, %dma_start3A_451, %dma_start3A_456] : memref<2x448x6x120xi32, #tpu.memory_space<hbm>> -> memref<1x1x1x120xi32, #tpu.memory_space<hbm>>
        %dma_start3A_458 = tpu.memref_squeeze %dma_start3A_457 : memref<1x1x1x120xi32, #tpu.memory_space<hbm>> -> memref<120xi32, #tpu.memory_space<hbm>>
        %dma_start3A_459 = arith.constant 0 : i32
        %dma_start3A_460 = tpu.memref_slice %arg5[%dma_start3A_452, %dma_start3A_459] : memref<2x120xi32, #tpu.memory_space<vmem>> -> memref<1x120xi32, #tpu.memory_space<vmem>>
        %dma_start3A_461 = tpu.memref_squeeze %dma_start3A_460 : memref<1x120xi32, #tpu.memory_space<vmem>> -> memref<120xi32, #tpu.memory_space<vmem>>
        %dma_start3A_462 = arith.constant 0 : i32
        %dma_start3A_463 = tpu.memref_slice %arg2[%dma_start3A_450, %add3A_449, %dma_start3A_451, %dma_start3A_462] : memref<2x448x6x120xi32, #tpu.memory_space<hbm>> -> memref<1x1x1x120xi32, #tpu.memory_space<hbm>>
        %dma_start3A_464 = tpu.memref_squeeze %dma_start3A_463 : memref<1x1x1x120xi32, #tpu.memory_space<hbm>> -> memref<120xi32, #tpu.memory_space<hbm>>
        tpu.enqueue_dma source(%dma_start3A_464 : memref<120xi32, #tpu.memory_space<hbm>>) target(%dma_start3A_461 : memref<120xi32, #tpu.memory_space<vmem>>) target_semaphore(%arg15 : memref<!tpu.dma_semaphore, #tpu.memory_space<semaphore_mem>>)
      } else {
      }
      %mul3A_359 = arith.constant 6 : i32
      %mul3A_360 = arith.muli %while3A_222, %mul3A_359 : i32
      %add3A_361 = arith.constant 4 : i32
      %add3A_362 = arith.addi %mul3A_360, %add3A_361 : i32
      %dma_wait3A_363 = arith.constant 0 : i32
      %dma_wait3A_364 = arith.constant 0 : i32
      %dma_wait3A_365 = tpu.memref_slice %arg9[%dma_wait3A_363, %dma_wait3A_364] : memref<2x120xi32, #tpu.memory_space<vmem>> -> memref<1x120xi32, #tpu.memory_space<vmem>>
      %dma_wait3A_366 = tpu.memref_squeeze %dma_wait3A_365 : memref<1x120xi32, #tpu.memory_space<vmem>> -> memref<120xi32, #tpu.memory_space<vmem>>
      %dma_wait3A_367 = arith.constant 0 : i32
      %dma_wait3A_368 = arith.constant 0 : i32
      %dma_wait3A_369 = tpu.memref_slice %arg3[%dma_wait3A_367, %dma_wait3A_368] : memref<10240x128xf32, #tpu.memory_space<hbm>> -> memref<10240x128xf32, #tpu.memory_space<hbm>>
      tpu.wait_indirect_dma semaphore(%arg22 : memref<!tpu.dma_semaphore, #tpu.memory_space<semaphore_mem>>) src(%dma_wait3A_369 : memref<10240x128xf32, #tpu.memory_space<hbm>>) dst(%arg12 : memref<120x128xf32, #tpu.memory_space<vmem>>)
      %dma_start3A_370 = arith.constant 1 : i32
      %dma_start3A_371 = arith.constant 0 : i32
      %dma_start3A_372 = tpu.memref_slice %arg9[%dma_start3A_370, %dma_start3A_371] : memref<2x120xi32, #tpu.memory_space<vmem>> -> memref<1x120xi32, #tpu.memory_space<vmem>>
      %dma_start3A_373 = tpu.memref_squeeze %dma_start3A_372 : memref<1x120xi32, #tpu.memory_space<vmem>> -> memref<120xi32, #tpu.memory_space<vmem>>
      %dma_start3A_374 = arith.constant 0 : i32
      %dma_start3A_375 = arith.constant 0 : i32
      %dma_start3A_376 = tpu.memref_slice %arg14[%dma_start3A_374, %dma_start3A_375] : memref<10240x128xf32, #tpu.memory_space<vmem_shared>> -> memref<10240x128xf32, #tpu.memory_space<vmem_shared>>
      tpu.enqueue_indirect_dma source(%arg12 : memref<120x128xf32, #tpu.memory_space<vmem>>) target(%dma_start3A_376 : memref<10240x128xf32, #tpu.memory_space<vmem_shared>>) offsets(%dma_start3A_373 : memref<120xi32, #tpu.memory_space<vmem>>) semaphore(%arg25 : memref<!tpu.dma_semaphore, #tpu.memory_space<semaphore_mem>>) {add = true}
      %ge3A_377 = arith.constant 1 : i32
      %ge3A_378 = arith.cmpi sge, %add3A_362, %ge3A_377 : i32
      %convert_element_type3A_379 = arith.extui %ge3A_378 : i1 to i32
      %cond3A_380 = arith.constant 0 : i32
      %cond3A_381 = arith.cmpi ne, %convert_element_type3A_379, %cond3A_380 : i32
      scf.if %cond3A_381 {
        %dma_wait3A_429 = arith.constant 1 : i32
        %dma_wait3A_430 = arith.constant 0 : i32
        %dma_wait3A_431 = tpu.memref_slice %arg8[%dma_wait3A_429, %dma_wait3A_430] : memref<2x120xi32, #tpu.memory_space<vmem>> -> memref<1x120xi32, #tpu.memory_space<vmem>>
        %dma_wait3A_432 = tpu.memref_squeeze %dma_wait3A_431 : memref<1x120xi32, #tpu.memory_space<vmem>> -> memref<120xi32, #tpu.memory_space<vmem>>
        %dma_wait3A_433 = arith.constant 0 : i32
        %dma_wait3A_434 = arith.constant 0 : i32
        %dma_wait3A_435 = tpu.memref_slice %arg14[%dma_wait3A_433, %dma_wait3A_434] : memref<10240x128xf32, #tpu.memory_space<vmem_shared>> -> memref<10240x128xf32, #tpu.memory_space<vmem_shared>>
        tpu.wait_indirect_dma semaphore(%arg24 : memref<!tpu.dma_semaphore, #tpu.memory_space<semaphore_mem>>) src(%arg11 : memref<120x128xf32, #tpu.memory_space<vmem>>) dst(%dma_wait3A_435 : memref<10240x128xf32, #tpu.memory_space<vmem_shared>>)
      } else {
      }
      %add3A_382 = arith.constant 2 : i32
      %add3A_383 = arith.addi %add3A_362, %add3A_382 : i32
      %lt3A_384 = arith.cmpi slt, %add3A_383, %select_n3A_8 : i32
      %convert_element_type3A_385 = arith.extui %lt3A_384 : i1 to i32
      %cond3A_386 = arith.constant 0 : i32
      %cond3A_387 = arith.cmpi ne, %convert_element_type3A_385, %cond3A_386 : i32
      scf.if %cond3A_387 {
        %add3A_429 = arith.addi %select_n3A, %while3A_222 : i32
        %add3A_430 = arith.constant 1 : i32
        %add3A_431 = arith.addi %add3A_429, %add3A_430 : i32
        %dma_wait3A_432 = arith.constant 0 : i32
        %dma_wait3A_433 = arith.constant 0 : i32
        %dma_wait3A_434 = arith.constant 0 : i32
        %dma_wait3A_435 = arith.constant 0 : i32
        %dma_wait3A_436 = tpu.memref_slice %arg5[%dma_wait3A_434, %dma_wait3A_435] : memref<2x120xi32, #tpu.memory_space<vmem>> -> memref<1x120xi32, #tpu.memory_space<vmem>>
        %dma_wait3A_437 = tpu.memref_squeeze %dma_wait3A_436 : memref<1x120xi32, #tpu.memory_space<vmem>> -> memref<120xi32, #tpu.memory_space<vmem>>
        %dma_wait3A_438 = arith.constant 0 : i32
        %dma_wait3A_439 = tpu.memref_slice %arg2[%dma_wait3A_432, %add3A_431, %dma_wait3A_433, %dma_wait3A_438] : memref<2x448x6x120xi32, #tpu.memory_space<hbm>> -> memref<1x1x1x120xi32, #tpu.memory_space<hbm>>
        %dma_wait3A_440 = tpu.memref_squeeze %dma_wait3A_439 : memref<1x1x1x120xi32, #tpu.memory_space<hbm>> -> memref<120xi32, #tpu.memory_space<hbm>>
        %dma_wait3A_441 = arith.constant 0 : i32
        %dma_wait3A_442 = tpu.memref_slice %arg5[%dma_wait3A_434, %dma_wait3A_441] : memref<2x120xi32, #tpu.memory_space<vmem>> -> memref<1x120xi32, #tpu.memory_space<vmem>>
        %dma_wait3A_443 = tpu.memref_squeeze %dma_wait3A_442 : memref<1x120xi32, #tpu.memory_space<vmem>> -> memref<120xi32, #tpu.memory_space<vmem>>
        %dma_wait3A_444 = arith.constant 0 : i32
        %dma_wait3A_445 = tpu.memref_slice %arg2[%dma_wait3A_432, %add3A_431, %dma_wait3A_433, %dma_wait3A_444] : memref<2x448x6x120xi32, #tpu.memory_space<hbm>> -> memref<1x1x1x120xi32, #tpu.memory_space<hbm>>
        %dma_wait3A_446 = tpu.memref_squeeze %dma_wait3A_445 : memref<1x1x1x120xi32, #tpu.memory_space<hbm>> -> memref<120xi32, #tpu.memory_space<hbm>>
        tpu.wait_dma2 semaphore(%arg15 : memref<!tpu.dma_semaphore, #tpu.memory_space<semaphore_mem>>) src(%dma_wait3A_446 : memref<120xi32, #tpu.memory_space<hbm>>) dst(%dma_wait3A_443 : memref<120xi32, #tpu.memory_space<vmem>>)
        %add3A_447 = arith.addi %select_n3A, %while3A_222 : i32
        %add3A_448 = arith.constant 1 : i32
        %add3A_449 = arith.addi %add3A_447, %add3A_448 : i32
        %dma_wait3A_450 = arith.constant 1 : i32
        %dma_wait3A_451 = arith.constant 0 : i32
        %dma_wait3A_452 = arith.constant 1 : i32
        %dma_wait3A_453 = arith.constant 0 : i32
        %dma_wait3A_454 = tpu.memref_slice %arg5[%dma_wait3A_452, %dma_wait3A_453] : memref<2x120xi32, #tpu.memory_space<vmem>> -> memref<1x120xi32, #tpu.memory_space<vmem>>
        %dma_wait3A_455 = tpu.memref_squeeze %dma_wait3A_454 : memref<1x120xi32, #tpu.memory_space<vmem>> -> memref<120xi32, #tpu.memory_space<vmem>>
        %dma_wait3A_456 = arith.constant 0 : i32
        %dma_wait3A_457 = tpu.memref_slice %arg2[%dma_wait3A_450, %add3A_449, %dma_wait3A_451, %dma_wait3A_456] : memref<2x448x6x120xi32, #tpu.memory_space<hbm>> -> memref<1x1x1x120xi32, #tpu.memory_space<hbm>>
        %dma_wait3A_458 = tpu.memref_squeeze %dma_wait3A_457 : memref<1x1x1x120xi32, #tpu.memory_space<hbm>> -> memref<120xi32, #tpu.memory_space<hbm>>
        %dma_wait3A_459 = arith.constant 0 : i32
        %dma_wait3A_460 = tpu.memref_slice %arg5[%dma_wait3A_452, %dma_wait3A_459] : memref<2x120xi32, #tpu.memory_space<vmem>> -> memref<1x120xi32, #tpu.memory_space<vmem>>
        %dma_wait3A_461 = tpu.memref_squeeze %dma_wait3A_460 : memref<1x120xi32, #tpu.memory_space<vmem>> -> memref<120xi32, #tpu.memory_space<vmem>>
        %dma_wait3A_462 = arith.constant 0 : i32
        %dma_wait3A_463 = tpu.memref_slice %arg2[%dma_wait3A_450, %add3A_449, %dma_wait3A_451, %dma_wait3A_462] : memref<2x448x6x120xi32, #tpu.memory_space<hbm>> -> memref<1x1x1x120xi32, #tpu.memory_space<hbm>>
        %dma_wait3A_464 = tpu.memref_squeeze %dma_wait3A_463 : memref<1x1x1x120xi32, #tpu.memory_space<hbm>> -> memref<120xi32, #tpu.memory_space<hbm>>
        tpu.wait_dma2 semaphore(%arg15 : memref<!tpu.dma_semaphore, #tpu.memory_space<semaphore_mem>>) src(%dma_wait3A_464 : memref<120xi32, #tpu.memory_space<hbm>>) dst(%dma_wait3A_461 : memref<120xi32, #tpu.memory_space<vmem>>)
        %dma_start3A_465 = arith.constant 0 : i32
        %dma_start3A_466 = arith.constant 0 : i32
        %dma_start3A_467 = tpu.memref_slice %arg5[%dma_start3A_465, %dma_start3A_466] : memref<2x120xi32, #tpu.memory_space<vmem>> -> memref<1x120xi32, #tpu.memory_space<vmem>>
        %dma_start3A_468 = tpu.memref_squeeze %dma_start3A_467 : memref<1x120xi32, #tpu.memory_space<vmem>> -> memref<120xi32, #tpu.memory_space<vmem>>
        %dma_start3A_469 = arith.constant 0 : i32
        %dma_start3A_470 = arith.constant 0 : i32
        %dma_start3A_471 = tpu.memref_slice %arg3[%dma_start3A_469, %dma_start3A_470] : memref<10240x128xf32, #tpu.memory_space<hbm>> -> memref<10240x128xf32, #tpu.memory_space<hbm>>
        tpu.enqueue_indirect_dma source(%dma_start3A_471 : memref<10240x128xf32, #tpu.memory_space<hbm>>) target(%arg11 : memref<120x128xf32, #tpu.memory_space<vmem>>) offsets(%dma_start3A_468 : memref<120xi32, #tpu.memory_space<vmem>>) semaphore(%arg21 : memref<!tpu.dma_semaphore, #tpu.memory_space<semaphore_mem>>)
      } else {
      }
      %add3A_388 = arith.constant 3 : i32
      %add3A_389 = arith.addi %add3A_362, %add3A_388 : i32
      %lt3A_390 = arith.cmpi slt, %add3A_389, %select_n3A_8 : i32
      %convert_element_type3A_391 = arith.extui %lt3A_390 : i1 to i32
      %cond3A_392 = arith.constant 0 : i32
      %cond3A_393 = arith.cmpi ne, %convert_element_type3A_391, %cond3A_392 : i32
      scf.if %cond3A_393 {
        %add3A_429 = arith.addi %select_n3A, %while3A_222 : i32
        %add3A_430 = arith.constant 1 : i32
        %add3A_431 = arith.addi %add3A_429, %add3A_430 : i32
        %dma_start3A_432 = arith.constant 0 : i32
        %dma_start3A_433 = arith.constant 1 : i32
        %dma_start3A_434 = arith.constant 0 : i32
        %dma_start3A_435 = arith.constant 0 : i32
        %dma_start3A_436 = tpu.memref_slice %arg6[%dma_start3A_434, %dma_start3A_435] : memref<2x120xi32, #tpu.memory_space<vmem>> -> memref<1x120xi32, #tpu.memory_space<vmem>>
        %dma_start3A_437 = tpu.memref_squeeze %dma_start3A_436 : memref<1x120xi32, #tpu.memory_space<vmem>> -> memref<120xi32, #tpu.memory_space<vmem>>
        %dma_start3A_438 = arith.constant 0 : i32
        %dma_start3A_439 = tpu.memref_slice %arg2[%dma_start3A_432, %add3A_431, %dma_start3A_433, %dma_start3A_438] : memref<2x448x6x120xi32, #tpu.memory_space<hbm>> -> memref<1x1x1x120xi32, #tpu.memory_space<hbm>>
        %dma_start3A_440 = tpu.memref_squeeze %dma_start3A_439 : memref<1x1x1x120xi32, #tpu.memory_space<hbm>> -> memref<120xi32, #tpu.memory_space<hbm>>
        %dma_start3A_441 = arith.constant 0 : i32
        %dma_start3A_442 = tpu.memref_slice %arg6[%dma_start3A_434, %dma_start3A_441] : memref<2x120xi32, #tpu.memory_space<vmem>> -> memref<1x120xi32, #tpu.memory_space<vmem>>
        %dma_start3A_443 = tpu.memref_squeeze %dma_start3A_442 : memref<1x120xi32, #tpu.memory_space<vmem>> -> memref<120xi32, #tpu.memory_space<vmem>>
        %dma_start3A_444 = arith.constant 0 : i32
        %dma_start3A_445 = tpu.memref_slice %arg2[%dma_start3A_432, %add3A_431, %dma_start3A_433, %dma_start3A_444] : memref<2x448x6x120xi32, #tpu.memory_space<hbm>> -> memref<1x1x1x120xi32, #tpu.memory_space<hbm>>
        %dma_start3A_446 = tpu.memref_squeeze %dma_start3A_445 : memref<1x1x1x120xi32, #tpu.memory_space<hbm>> -> memref<120xi32, #tpu.memory_space<hbm>>
        tpu.enqueue_dma source(%dma_start3A_446 : memref<120xi32, #tpu.memory_space<hbm>>) target(%dma_start3A_443 : memref<120xi32, #tpu.memory_space<vmem>>) target_semaphore(%arg16 : memref<!tpu.dma_semaphore, #tpu.memory_space<semaphore_mem>>)
        %add3A_447 = arith.addi %select_n3A, %while3A_222 : i32
        %add3A_448 = arith.constant 1 : i32
        %add3A_449 = arith.addi %add3A_447, %add3A_448 : i32
        %dma_start3A_450 = arith.constant 1 : i32
        %dma_start3A_451 = arith.constant 1 : i32
        %dma_start3A_452 = arith.constant 1 : i32
        %dma_start3A_453 = arith.constant 0 : i32
        %dma_start3A_454 = tpu.memref_slice %arg6[%dma_start3A_452, %dma_start3A_453] : memref<2x120xi32, #tpu.memory_space<vmem>> -> memref<1x120xi32, #tpu.memory_space<vmem>>
        %dma_start3A_455 = tpu.memref_squeeze %dma_start3A_454 : memref<1x120xi32, #tpu.memory_space<vmem>> -> memref<120xi32, #tpu.memory_space<vmem>>
        %dma_start3A_456 = arith.constant 0 : i32
        %dma_start3A_457 = tpu.memref_slice %arg2[%dma_start3A_450, %add3A_449, %dma_start3A_451, %dma_start3A_456] : memref<2x448x6x120xi32, #tpu.memory_space<hbm>> -> memref<1x1x1x120xi32, #tpu.memory_space<hbm>>
        %dma_start3A_458 = tpu.memref_squeeze %dma_start3A_457 : memref<1x1x1x120xi32, #tpu.memory_space<hbm>> -> memref<120xi32, #tpu.memory_space<hbm>>
        %dma_start3A_459 = arith.constant 0 : i32
        %dma_start3A_460 = tpu.memref_slice %arg6[%dma_start3A_452, %dma_start3A_459] : memref<2x120xi32, #tpu.memory_space<vmem>> -> memref<1x120xi32, #tpu.memory_space<vmem>>
        %dma_start3A_461 = tpu.memref_squeeze %dma_start3A_460 : memref<1x120xi32, #tpu.memory_space<vmem>> -> memref<120xi32, #tpu.memory_space<vmem>>
        %dma_start3A_462 = arith.constant 0 : i32
        %dma_start3A_463 = tpu.memref_slice %arg2[%dma_start3A_450, %add3A_449, %dma_start3A_451, %dma_start3A_462] : memref<2x448x6x120xi32, #tpu.memory_space<hbm>> -> memref<1x1x1x120xi32, #tpu.memory_space<hbm>>
        %dma_start3A_464 = tpu.memref_squeeze %dma_start3A_463 : memref<1x1x1x120xi32, #tpu.memory_space<hbm>> -> memref<120xi32, #tpu.memory_space<hbm>>
        tpu.enqueue_dma source(%dma_start3A_464 : memref<120xi32, #tpu.memory_space<hbm>>) target(%dma_start3A_461 : memref<120xi32, #tpu.memory_space<vmem>>) target_semaphore(%arg16 : memref<!tpu.dma_semaphore, #tpu.memory_space<semaphore_mem>>)
      } else {
      }
      %mul3A_394 = arith.constant 6 : i32
      %mul3A_395 = arith.muli %while3A_222, %mul3A_394 : i32
      %add3A_396 = arith.constant 5 : i32
      %add3A_397 = arith.addi %mul3A_395, %add3A_396 : i32
      %dma_wait3A_398 = arith.constant 0 : i32
      %dma_wait3A_399 = arith.constant 0 : i32
      %dma_wait3A_400 = tpu.memref_slice %arg10[%dma_wait3A_398, %dma_wait3A_399] : memref<2x120xi32, #tpu.memory_space<vmem>> -> memref<1x120xi32, #tpu.memory_space<vmem>>
      %dma_wait3A_401 = tpu.memref_squeeze %dma_wait3A_400 : memref<1x120xi32, #tpu.memory_space<vmem>> -> memref<120xi32, #tpu.memory_space<vmem>>
      %dma_wait3A_402 = arith.constant 0 : i32
      %dma_wait3A_403 = arith.constant 0 : i32
      %dma_wait3A_404 = tpu.memref_slice %arg3[%dma_wait3A_402, %dma_wait3A_403] : memref<10240x128xf32, #tpu.memory_space<hbm>> -> memref<10240x128xf32, #tpu.memory_space<hbm>>
      tpu.wait_indirect_dma semaphore(%arg23 : memref<!tpu.dma_semaphore, #tpu.memory_space<semaphore_mem>>) src(%dma_wait3A_404 : memref<10240x128xf32, #tpu.memory_space<hbm>>) dst(%arg13 : memref<120x128xf32, #tpu.memory_space<vmem>>)
      %dma_start3A_405 = arith.constant 1 : i32
      %dma_start3A_406 = arith.constant 0 : i32
      %dma_start3A_407 = tpu.memref_slice %arg10[%dma_start3A_405, %dma_start3A_406] : memref<2x120xi32, #tpu.memory_space<vmem>> -> memref<1x120xi32, #tpu.memory_space<vmem>>
      %dma_start3A_408 = tpu.memref_squeeze %dma_start3A_407 : memref<1x120xi32, #tpu.memory_space<vmem>> -> memref<120xi32, #tpu.memory_space<vmem>>
      %dma_start3A_409 = arith.constant 0 : i32
      %dma_start3A_410 = arith.constant 0 : i32
      %dma_start3A_411 = tpu.memref_slice %arg14[%dma_start3A_409, %dma_start3A_410] : memref<10240x128xf32, #tpu.memory_space<vmem_shared>> -> memref<10240x128xf32, #tpu.memory_space<vmem_shared>>
      tpu.enqueue_indirect_dma source(%arg13 : memref<120x128xf32, #tpu.memory_space<vmem>>) target(%dma_start3A_411 : memref<10240x128xf32, #tpu.memory_space<vmem_shared>>) offsets(%dma_start3A_408 : memref<120xi32, #tpu.memory_space<vmem>>) semaphore(%arg26 : memref<!tpu.dma_semaphore, #tpu.memory_space<semaphore_mem>>) {add = true}
      %ge3A_412 = arith.constant 1 : i32
      %ge3A_413 = arith.cmpi sge, %add3A_397, %ge3A_412 : i32
      %convert_element_type3A_414 = arith.extui %ge3A_413 : i1 to i32
      %cond3A_415 = arith.constant 0 : i32
      %cond3A_416 = arith.cmpi ne, %convert_element_type3A_414, %cond3A_415 : i32
      scf.if %cond3A_416 {
        %dma_wait3A_429 = arith.constant 1 : i32
        %dma_wait3A_430 = arith.constant 0 : i32
        %dma_wait3A_431 = tpu.memref_slice %arg9[%dma_wait3A_429, %dma_wait3A_430] : memref<2x120xi32, #tpu.memory_space<vmem>> -> memref<1x120xi32, #tpu.memory_space<vmem>>
        %dma_wait3A_432 = tpu.memref_squeeze %dma_wait3A_431 : memref<1x120xi32, #tpu.memory_space<vmem>> -> memref<120xi32, #tpu.memory_space<vmem>>
        %dma_wait3A_433 = arith.constant 0 : i32
        %dma_wait3A_434 = arith.constant 0 : i32
        %dma_wait3A_435 = tpu.memref_slice %arg14[%dma_wait3A_433, %dma_wait3A_434] : memref<10240x128xf32, #tpu.memory_space<vmem_shared>> -> memref<10240x128xf32, #tpu.memory_space<vmem_shared>>
        tpu.wait_indirect_dma semaphore(%arg25 : memref<!tpu.dma_semaphore, #tpu.memory_space<semaphore_mem>>) src(%arg12 : memref<120x128xf32, #tpu.memory_space<vmem>>) dst(%dma_wait3A_435 : memref<10240x128xf32, #tpu.memory_space<vmem_shared>>)
      } else {
      }
      %add3A_417 = arith.constant 2 : i32
      %add3A_418 = arith.addi %add3A_397, %add3A_417 : i32
      %lt3A_419 = arith.cmpi slt, %add3A_418, %select_n3A_8 : i32
      %convert_element_type3A_420 = arith.extui %lt3A_419 : i1 to i32
      %cond3A_421 = arith.constant 0 : i32
      %cond3A_422 = arith.cmpi ne, %convert_element_type3A_420, %cond3A_421 : i32
      scf.if %cond3A_422 {
        %add3A_429 = arith.addi %select_n3A, %while3A_222 : i32
        %add3A_430 = arith.constant 1 : i32
        %add3A_431 = arith.addi %add3A_429, %add3A_430 : i32
        %dma_wait3A_432 = arith.constant 0 : i32
        %dma_wait3A_433 = arith.constant 1 : i32
        %dma_wait3A_434 = arith.constant 0 : i32
        %dma_wait3A_435 = arith.constant 0 : i32
        %dma_wait3A_436 = tpu.memref_slice %arg6[%dma_wait3A_434, %dma_wait3A_435] : memref<2x120xi32, #tpu.memory_space<vmem>> -> memref<1x120xi32, #tpu.memory_space<vmem>>
        %dma_wait3A_437 = tpu.memref_squeeze %dma_wait3A_436 : memref<1x120xi32, #tpu.memory_space<vmem>> -> memref<120xi32, #tpu.memory_space<vmem>>
        %dma_wait3A_438 = arith.constant 0 : i32
        %dma_wait3A_439 = tpu.memref_slice %arg2[%dma_wait3A_432, %add3A_431, %dma_wait3A_433, %dma_wait3A_438] : memref<2x448x6x120xi32, #tpu.memory_space<hbm>> -> memref<1x1x1x120xi32, #tpu.memory_space<hbm>>
        %dma_wait3A_440 = tpu.memref_squeeze %dma_wait3A_439 : memref<1x1x1x120xi32, #tpu.memory_space<hbm>> -> memref<120xi32, #tpu.memory_space<hbm>>
        %dma_wait3A_441 = arith.constant 0 : i32
        %dma_wait3A_442 = tpu.memref_slice %arg6[%dma_wait3A_434, %dma_wait3A_441] : memref<2x120xi32, #tpu.memory_space<vmem>> -> memref<1x120xi32, #tpu.memory_space<vmem>>
        %dma_wait3A_443 = tpu.memref_squeeze %dma_wait3A_442 : memref<1x120xi32, #tpu.memory_space<vmem>> -> memref<120xi32, #tpu.memory_space<vmem>>
        %dma_wait3A_444 = arith.constant 0 : i32
        %dma_wait3A_445 = tpu.memref_slice %arg2[%dma_wait3A_432, %add3A_431, %dma_wait3A_433, %dma_wait3A_444] : memref<2x448x6x120xi32, #tpu.memory_space<hbm>> -> memref<1x1x1x120xi32, #tpu.memory_space<hbm>>
        %dma_wait3A_446 = tpu.memref_squeeze %dma_wait3A_445 : memref<1x1x1x120xi32, #tpu.memory_space<hbm>> -> memref<120xi32, #tpu.memory_space<hbm>>
        tpu.wait_dma2 semaphore(%arg16 : memref<!tpu.dma_semaphore, #tpu.memory_space<semaphore_mem>>) src(%dma_wait3A_446 : memref<120xi32, #tpu.memory_space<hbm>>) dst(%dma_wait3A_443 : memref<120xi32, #tpu.memory_space<vmem>>)
        %add3A_447 = arith.addi %select_n3A, %while3A_222 : i32
        %add3A_448 = arith.constant 1 : i32
        %add3A_449 = arith.addi %add3A_447, %add3A_448 : i32
        %dma_wait3A_450 = arith.constant 1 : i32
        %dma_wait3A_451 = arith.constant 1 : i32
        %dma_wait3A_452 = arith.constant 1 : i32
        %dma_wait3A_453 = arith.constant 0 : i32
        %dma_wait3A_454 = tpu.memref_slice %arg6[%dma_wait3A_452, %dma_wait3A_453] : memref<2x120xi32, #tpu.memory_space<vmem>> -> memref<1x120xi32, #tpu.memory_space<vmem>>
        %dma_wait3A_455 = tpu.memref_squeeze %dma_wait3A_454 : memref<1x120xi32, #tpu.memory_space<vmem>> -> memref<120xi32, #tpu.memory_space<vmem>>
        %dma_wait3A_456 = arith.constant 0 : i32
        %dma_wait3A_457 = tpu.memref_slice %arg2[%dma_wait3A_450, %add3A_449, %dma_wait3A_451, %dma_wait3A_456] : memref<2x448x6x120xi32, #tpu.memory_space<hbm>> -> memref<1x1x1x120xi32, #tpu.memory_space<hbm>>
        %dma_wait3A_458 = tpu.memref_squeeze %dma_wait3A_457 : memref<1x1x1x120xi32, #tpu.memory_space<hbm>> -> memref<120xi32, #tpu.memory_space<hbm>>
        %dma_wait3A_459 = arith.constant 0 : i32
        %dma_wait3A_460 = tpu.memref_slice %arg6[%dma_wait3A_452, %dma_wait3A_459] : memref<2x120xi32, #tpu.memory_space<vmem>> -> memref<1x120xi32, #tpu.memory_space<vmem>>
        %dma_wait3A_461 = tpu.memref_squeeze %dma_wait3A_460 : memref<1x120xi32, #tpu.memory_space<vmem>> -> memref<120xi32, #tpu.memory_space<vmem>>
        %dma_wait3A_462 = arith.constant 0 : i32
        %dma_wait3A_463 = tpu.memref_slice %arg2[%dma_wait3A_450, %add3A_449, %dma_wait3A_451, %dma_wait3A_462] : memref<2x448x6x120xi32, #tpu.memory_space<hbm>> -> memref<1x1x1x120xi32, #tpu.memory_space<hbm>>
        %dma_wait3A_464 = tpu.memref_squeeze %dma_wait3A_463 : memref<1x1x1x120xi32, #tpu.memory_space<hbm>> -> memref<120xi32, #tpu.memory_space<hbm>>
        tpu.wait_dma2 semaphore(%arg16 : memref<!tpu.dma_semaphore, #tpu.memory_space<semaphore_mem>>) src(%dma_wait3A_464 : memref<120xi32, #tpu.memory_space<hbm>>) dst(%dma_wait3A_461 : memref<120xi32, #tpu.memory_space<vmem>>)
        %dma_start3A_465 = arith.constant 0 : i32
        %dma_start3A_466 = arith.constant 0 : i32
        %dma_start3A_467 = tpu.memref_slice %arg6[%dma_start3A_465, %dma_start3A_466] : memref<2x120xi32, #tpu.memory_space<vmem>> -> memref<1x120xi32, #tpu.memory_space<vmem>>
        %dma_start3A_468 = tpu.memref_squeeze %dma_start3A_467 : memref<1x120xi32, #tpu.memory_space<vmem>> -> memref<120xi32, #tpu.memory_space<vmem>>
        %dma_start3A_469 = arith.constant 0 : i32
        %dma_start3A_470 = arith.constant 0 : i32
        %dma_start3A_471 = tpu.memref_slice %arg3[%dma_start3A_469, %dma_start3A_470] : memref<10240x128xf32, #tpu.memory_space<hbm>> -> memref<10240x128xf32, #tpu.memory_space<hbm>>
        tpu.enqueue_indirect_dma source(%dma_start3A_471 : memref<10240x128xf32, #tpu.memory_space<hbm>>) target(%arg12 : memref<120x128xf32, #tpu.memory_space<vmem>>) offsets(%dma_start3A_468 : memref<120xi32, #tpu.memory_space<vmem>>) semaphore(%arg22 : memref<!tpu.dma_semaphore, #tpu.memory_space<semaphore_mem>>)
      } else {
      }
      %add3A_423 = arith.constant 3 : i32
      %add3A_424 = arith.addi %add3A_397, %add3A_423 : i32
      %lt3A_425 = arith.cmpi slt, %add3A_424, %select_n3A_8 : i32
      %convert_element_type3A_426 = arith.extui %lt3A_425 : i1 to i32
      %cond3A_427 = arith.constant 0 : i32
      %cond3A_428 = arith.cmpi ne, %convert_element_type3A_426, %cond3A_427 : i32
      scf.if %cond3A_428 {
        %add3A_429 = arith.addi %select_n3A, %while3A_222 : i32
        %add3A_430 = arith.constant 1 : i32
        %add3A_431 = arith.addi %add3A_429, %add3A_430 : i32
        %dma_start3A_432 = arith.constant 0 : i32
        %dma_start3A_433 = arith.constant 2 : i32
        %dma_start3A_434 = arith.constant 0 : i32
        %dma_start3A_435 = arith.constant 0 : i32
        %dma_start3A_436 = tpu.memref_slice %arg7[%dma_start3A_434, %dma_start3A_435] : memref<2x120xi32, #tpu.memory_space<vmem>> -> memref<1x120xi32, #tpu.memory_space<vmem>>
        %dma_start3A_437 = tpu.memref_squeeze %dma_start3A_436 : memref<1x120xi32, #tpu.memory_space<vmem>> -> memref<120xi32, #tpu.memory_space<vmem>>
        %dma_start3A_438 = arith.constant 0 : i32
        %dma_start3A_439 = tpu.memref_slice %arg2[%dma_start3A_432, %add3A_431, %dma_start3A_433, %dma_start3A_438] : memref<2x448x6x120xi32, #tpu.memory_space<hbm>> -> memref<1x1x1x120xi32, #tpu.memory_space<hbm>>
        %dma_start3A_440 = tpu.memref_squeeze %dma_start3A_439 : memref<1x1x1x120xi32, #tpu.memory_space<hbm>> -> memref<120xi32, #tpu.memory_space<hbm>>
        %dma_start3A_441 = arith.constant 0 : i32
        %dma_start3A_442 = tpu.memref_slice %arg7[%dma_start3A_434, %dma_start3A_441] : memref<2x120xi32, #tpu.memory_space<vmem>> -> memref<1x120xi32, #tpu.memory_space<vmem>>
        %dma_start3A_443 = tpu.memref_squeeze %dma_start3A_442 : memref<1x120xi32, #tpu.memory_space<vmem>> -> memref<120xi32, #tpu.memory_space<vmem>>
        %dma_start3A_444 = arith.constant 0 : i32
        %dma_start3A_445 = tpu.memref_slice %arg2[%dma_start3A_432, %add3A_431, %dma_start3A_433, %dma_start3A_444] : memref<2x448x6x120xi32, #tpu.memory_space<hbm>> -> memref<1x1x1x120xi32, #tpu.memory_space<hbm>>
        %dma_start3A_446 = tpu.memref_squeeze %dma_start3A_445 : memref<1x1x1x120xi32, #tpu.memory_space<hbm>> -> memref<120xi32, #tpu.memory_space<hbm>>
        tpu.enqueue_dma source(%dma_start3A_446 : memref<120xi32, #tpu.memory_space<hbm>>) target(%dma_start3A_443 : memref<120xi32, #tpu.memory_space<vmem>>) target_semaphore(%arg17 : memref<!tpu.dma_semaphore, #tpu.memory_space<semaphore_mem>>)
        %add3A_447 = arith.addi %select_n3A, %while3A_222 : i32
        %add3A_448 = arith.constant 1 : i32
        %add3A_449 = arith.addi %add3A_447, %add3A_448 : i32
        %dma_start3A_450 = arith.constant 1 : i32
        %dma_start3A_451 = arith.constant 2 : i32
        %dma_start3A_452 = arith.constant 1 : i32
        %dma_start3A_453 = arith.constant 0 : i32
        %dma_start3A_454 = tpu.memref_slice %arg7[%dma_start3A_452, %dma_start3A_453] : memref<2x120xi32, #tpu.memory_space<vmem>> -> memref<1x120xi32, #tpu.memory_space<vmem>>
        %dma_start3A_455 = tpu.memref_squeeze %dma_start3A_454 : memref<1x120xi32, #tpu.memory_space<vmem>> -> memref<120xi32, #tpu.memory_space<vmem>>
        %dma_start3A_456 = arith.constant 0 : i32
        %dma_start3A_457 = tpu.memref_slice %arg2[%dma_start3A_450, %add3A_449, %dma_start3A_451, %dma_start3A_456] : memref<2x448x6x120xi32, #tpu.memory_space<hbm>> -> memref<1x1x1x120xi32, #tpu.memory_space<hbm>>
        %dma_start3A_458 = tpu.memref_squeeze %dma_start3A_457 : memref<1x1x1x120xi32, #tpu.memory_space<hbm>> -> memref<120xi32, #tpu.memory_space<hbm>>
        %dma_start3A_459 = arith.constant 0 : i32
        %dma_start3A_460 = tpu.memref_slice %arg7[%dma_start3A_452, %dma_start3A_459] : memref<2x120xi32, #tpu.memory_space<vmem>> -> memref<1x120xi32, #tpu.memory_space<vmem>>
        %dma_start3A_461 = tpu.memref_squeeze %dma_start3A_460 : memref<1x120xi32, #tpu.memory_space<vmem>> -> memref<120xi32, #tpu.memory_space<vmem>>
        %dma_start3A_462 = arith.constant 0 : i32
        %dma_start3A_463 = tpu.memref_slice %arg2[%dma_start3A_450, %add3A_449, %dma_start3A_451, %dma_start3A_462] : memref<2x448x6x120xi32, #tpu.memory_space<hbm>> -> memref<1x1x1x120xi32, #tpu.memory_space<hbm>>
        %dma_start3A_464 = tpu.memref_squeeze %dma_start3A_463 : memref<1x1x1x120xi32, #tpu.memory_space<hbm>> -> memref<120xi32, #tpu.memory_space<hbm>>
        tpu.enqueue_dma source(%dma_start3A_464 : memref<120xi32, #tpu.memory_space<hbm>>) target(%dma_start3A_461 : memref<120xi32, #tpu.memory_space<vmem>>) target_semaphore(%arg17 : memref<!tpu.dma_semaphore, #tpu.memory_space<semaphore_mem>>)
      } else {
      }
    }
    %while3A_108 = arith.constant 1 : i32
    scf.for %while3A_222 = %while3A_106 to %while3A_102 step %while3A_108  : i32 {
      %mul3A_223 = arith.constant 6 : i32
      %mul3A_224 = arith.muli %while3A_222, %mul3A_223 : i32
      %add3A_225 = arith.constant 0 : i32
      %add3A_226 = arith.addi %mul3A_224, %add3A_225 : i32
      %dma_wait3A_227 = arith.constant 0 : i32
      %dma_wait3A_228 = arith.constant 0 : i32
      %dma_wait3A_229 = tpu.memref_slice %arg5[%dma_wait3A_227, %dma_wait3A_228] : memref<2x120xi32, #tpu.memory_space<vmem>> -> memref<1x120xi32, #tpu.memory_space<vmem>>
      %dma_wait3A_230 = tpu.memref_squeeze %dma_wait3A_229 : memref<1x120xi32, #tpu.memory_space<vmem>> -> memref<120xi32, #tpu.memory_space<vmem>>
      %dma_wait3A_231 = arith.constant 0 : i32
      %dma_wait3A_232 = arith.constant 0 : i32
      %dma_wait3A_233 = tpu.memref_slice %arg3[%dma_wait3A_231, %dma_wait3A_232] : memref<10240x128xf32, #tpu.memory_space<hbm>> -> memref<10240x128xf32, #tpu.memory_space<hbm>>
      tpu.wait_indirect_dma semaphore(%arg21 : memref<!tpu.dma_semaphore, #tpu.memory_space<semaphore_mem>>) src(%dma_wait3A_233 : memref<10240x128xf32, #tpu.memory_space<hbm>>) dst(%arg11 : memref<120x128xf32, #tpu.memory_space<vmem>>)
      %dma_start3A_234 = arith.constant 1 : i32
      %dma_start3A_235 = arith.constant 0 : i32
      %dma_start3A_236 = tpu.memref_slice %arg5[%dma_start3A_234, %dma_start3A_235] : memref<2x120xi32, #tpu.memory_space<vmem>> -> memref<1x120xi32, #tpu.memory_space<vmem>>
      %dma_start3A_237 = tpu.memref_squeeze %dma_start3A_236 : memref<1x120xi32, #tpu.memory_space<vmem>> -> memref<120xi32, #tpu.memory_space<vmem>>
      %dma_start3A_238 = arith.constant 0 : i32
      %dma_start3A_239 = arith.constant 0 : i32
      %dma_start3A_240 = tpu.memref_slice %arg14[%dma_start3A_238, %dma_start3A_239] : memref<10240x128xf32, #tpu.memory_space<vmem_shared>> -> memref<10240x128xf32, #tpu.memory_space<vmem_shared>>
      tpu.enqueue_indirect_dma source(%arg11 : memref<120x128xf32, #tpu.memory_space<vmem>>) target(%dma_start3A_240 : memref<10240x128xf32, #tpu.memory_space<vmem_shared>>) offsets(%dma_start3A_237 : memref<120xi32, #tpu.memory_space<vmem>>) semaphore(%arg24 : memref<!tpu.dma_semaphore, #tpu.memory_space<semaphore_mem>>) {add = true}
      %ge3A = arith.constant 1 : i32
      %ge3A_241 = arith.cmpi sge, %add3A_226, %ge3A : i32
      %convert_element_type3A = arith.extui %ge3A_241 : i1 to i32
      %cond3A = arith.constant 0 : i32
      %cond3A_242 = arith.cmpi ne, %convert_element_type3A, %cond3A : i32
      scf.if %cond3A_242 {
        %dma_wait3A_429 = arith.constant 1 : i32
        %dma_wait3A_430 = arith.constant 0 : i32
        %dma_wait3A_431 = tpu.memref_slice %arg10[%dma_wait3A_429, %dma_wait3A_430] : memref<2x120xi32, #tpu.memory_space<vmem>> -> memref<1x120xi32, #tpu.memory_space<vmem>>
        %dma_wait3A_432 = tpu.memref_squeeze %dma_wait3A_431 : memref<1x120xi32, #tpu.memory_space<vmem>> -> memref<120xi32, #tpu.memory_space<vmem>>
        %dma_wait3A_433 = arith.constant 0 : i32
        %dma_wait3A_434 = arith.constant 0 : i32
        %dma_wait3A_435 = tpu.memref_slice %arg14[%dma_wait3A_433, %dma_wait3A_434] : memref<10240x128xf32, #tpu.memory_space<vmem_shared>> -> memref<10240x128xf32, #tpu.memory_space<vmem_shared>>
        tpu.wait_indirect_dma semaphore(%arg26 : memref<!tpu.dma_semaphore, #tpu.memory_space<semaphore_mem>>) src(%arg13 : memref<120x128xf32, #tpu.memory_space<vmem>>) dst(%dma_wait3A_435 : memref<10240x128xf32, #tpu.memory_space<vmem_shared>>)
      } else {
      }
      %add3A_243 = arith.constant 2 : i32
      %add3A_244 = arith.addi %add3A_226, %add3A_243 : i32
      %lt3A = arith.cmpi slt, %add3A_244, %select_n3A_8 : i32
      %convert_element_type3A_245 = arith.extui %lt3A : i1 to i32
      %cond3A_246 = arith.constant 0 : i32
      %cond3A_247 = arith.cmpi ne, %convert_element_type3A_245, %cond3A_246 : i32
      scf.if %cond3A_247 {
        %add3A_429 = arith.addi %select_n3A, %while3A_222 : i32
        %add3A_430 = arith.constant 0 : i32
        %add3A_431 = arith.addi %add3A_429, %add3A_430 : i32
        %dma_wait3A_432 = arith.constant 0 : i32
        %dma_wait3A_433 = arith.constant 2 : i32
        %dma_wait3A_434 = arith.constant 0 : i32
        %dma_wait3A_435 = arith.constant 0 : i32
        %dma_wait3A_436 = tpu.memref_slice %arg7[%dma_wait3A_434, %dma_wait3A_435] : memref<2x120xi32, #tpu.memory_space<vmem>> -> memref<1x120xi32, #tpu.memory_space<vmem>>
        %dma_wait3A_437 = tpu.memref_squeeze %dma_wait3A_436 : memref<1x120xi32, #tpu.memory_space<vmem>> -> memref<120xi32, #tpu.memory_space<vmem>>
        %dma_wait3A_438 = arith.constant 0 : i32
        %dma_wait3A_439 = tpu.memref_slice %arg2[%dma_wait3A_432, %add3A_431, %dma_wait3A_433, %dma_wait3A_438] : memref<2x448x6x120xi32, #tpu.memory_space<hbm>> -> memref<1x1x1x120xi32, #tpu.memory_space<hbm>>
        %dma_wait3A_440 = tpu.memref_squeeze %dma_wait3A_439 : memref<1x1x1x120xi32, #tpu.memory_space<hbm>> -> memref<120xi32, #tpu.memory_space<hbm>>
        %dma_wait3A_441 = arith.constant 0 : i32
        %dma_wait3A_442 = tpu.memref_slice %arg7[%dma_wait3A_434, %dma_wait3A_441] : memref<2x120xi32, #tpu.memory_space<vmem>> -> memref<1x120xi32, #tpu.memory_space<vmem>>
        %dma_wait3A_443 = tpu.memref_squeeze %dma_wait3A_442 : memref<1x120xi32, #tpu.memory_space<vmem>> -> memref<120xi32, #tpu.memory_space<vmem>>
        %dma_wait3A_444 = arith.constant 0 : i32
        %dma_wait3A_445 = tpu.memref_slice %arg2[%dma_wait3A_432, %add3A_431, %dma_wait3A_433, %dma_wait3A_444] : memref<2x448x6x120xi32, #tpu.memory_space<hbm>> -> memref<1x1x1x120xi32, #tpu.memory_space<hbm>>
        %dma_wait3A_446 = tpu.memref_squeeze %dma_wait3A_445 : memref<1x1x1x120xi32, #tpu.memory_space<hbm>> -> memref<120xi32, #tpu.memory_space<hbm>>
        tpu.wait_dma2 semaphore(%arg17 : memref<!tpu.dma_semaphore, #tpu.memory_space<semaphore_mem>>) src(%dma_wait3A_446 : memref<120xi32, #tpu.memory_space<hbm>>) dst(%dma_wait3A_443 : memref<120xi32, #tpu.memory_space<vmem>>)
        %add3A_447 = arith.addi %select_n3A, %while3A_222 : i32
        %add3A_448 = arith.constant 0 : i32
        %add3A_449 = arith.addi %add3A_447, %add3A_448 : i32
        %dma_wait3A_450 = arith.constant 1 : i32
        %dma_wait3A_451 = arith.constant 2 : i32
        %dma_wait3A_452 = arith.constant 1 : i32
        %dma_wait3A_453 = arith.constant 0 : i32
        %dma_wait3A_454 = tpu.memref_slice %arg7[%dma_wait3A_452, %dma_wait3A_453] : memref<2x120xi32, #tpu.memory_space<vmem>> -> memref<1x120xi32, #tpu.memory_space<vmem>>
        %dma_wait3A_455 = tpu.memref_squeeze %dma_wait3A_454 : memref<1x120xi32, #tpu.memory_space<vmem>> -> memref<120xi32, #tpu.memory_space<vmem>>
        %dma_wait3A_456 = arith.constant 0 : i32
        %dma_wait3A_457 = tpu.memref_slice %arg2[%dma_wait3A_450, %add3A_449, %dma_wait3A_451, %dma_wait3A_456] : memref<2x448x6x120xi32, #tpu.memory_space<hbm>> -> memref<1x1x1x120xi32, #tpu.memory_space<hbm>>
        %dma_wait3A_458 = tpu.memref_squeeze %dma_wait3A_457 : memref<1x1x1x120xi32, #tpu.memory_space<hbm>> -> memref<120xi32, #tpu.memory_space<hbm>>
        %dma_wait3A_459 = arith.constant 0 : i32
        %dma_wait3A_460 = tpu.memref_slice %arg7[%dma_wait3A_452, %dma_wait3A_459] : memref<2x120xi32, #tpu.memory_space<vmem>> -> memref<1x120xi32, #tpu.memory_space<vmem>>
        %dma_wait3A_461 = tpu.memref_squeeze %dma_wait3A_460 : memref<1x120xi32, #tpu.memory_space<vmem>> -> memref<120xi32, #tpu.memory_space<vmem>>
        %dma_wait3A_462 = arith.constant 0 : i32
        %dma_wait3A_463 = tpu.memref_slice %arg2[%dma_wait3A_450, %add3A_449, %dma_wait3A_451, %dma_wait3A_462] : memref<2x448x6x120xi32, #tpu.memory_space<hbm>> -> memref<1x1x1x120xi32, #tpu.memory_space<hbm>>
        %dma_wait3A_464 = tpu.memref_squeeze %dma_wait3A_463 : memref<1x1x1x120xi32, #tpu.memory_space<hbm>> -> memref<120xi32, #tpu.memory_space<hbm>>
        tpu.wait_dma2 semaphore(%arg17 : memref<!tpu.dma_semaphore, #tpu.memory_space<semaphore_mem>>) src(%dma_wait3A_464 : memref<120xi32, #tpu.memory_space<hbm>>) dst(%dma_wait3A_461 : memref<120xi32, #tpu.memory_space<vmem>>)
        %dma_start3A_465 = arith.constant 0 : i32
        %dma_start3A_466 = arith.constant 0 : i32
        %dma_start3A_467 = tpu.memref_slice %arg7[%dma_start3A_465, %dma_start3A_466] : memref<2x120xi32, #tpu.memory_space<vmem>> -> memref<1x120xi32, #tpu.memory_space<vmem>>
        %dma_start3A_468 = tpu.memref_squeeze %dma_start3A_467 : memref<1x120xi32, #tpu.memory_space<vmem>> -> memref<120xi32, #tpu.memory_space<vmem>>
        %dma_start3A_469 = arith.constant 0 : i32
        %dma_start3A_470 = arith.constant 0 : i32
        %dma_start3A_471 = tpu.memref_slice %arg3[%dma_start3A_469, %dma_start3A_470] : memref<10240x128xf32, #tpu.memory_space<hbm>> -> memref<10240x128xf32, #tpu.memory_space<hbm>>
        tpu.enqueue_indirect_dma source(%dma_start3A_471 : memref<10240x128xf32, #tpu.memory_space<hbm>>) target(%arg13 : memref<120x128xf32, #tpu.memory_space<vmem>>) offsets(%dma_start3A_468 : memref<120xi32, #tpu.memory_space<vmem>>) semaphore(%arg23 : memref<!tpu.dma_semaphore, #tpu.memory_space<semaphore_mem>>)
      } else {
      }
      %add3A_248 = arith.constant 3 : i32
      %add3A_249 = arith.addi %add3A_226, %add3A_248 : i32
      %lt3A_250 = arith.cmpi slt, %add3A_249, %select_n3A_8 : i32
      %convert_element_type3A_251 = arith.extui %lt3A_250 : i1 to i32
      %cond3A_252 = arith.constant 0 : i32
      %cond3A_253 = arith.cmpi ne, %convert_element_type3A_251, %cond3A_252 : i32
      scf.if %cond3A_253 {
        %add3A_429 = arith.addi %select_n3A, %while3A_222 : i32
        %add3A_430 = arith.constant 0 : i32
        %add3A_431 = arith.addi %add3A_429, %add3A_430 : i32
        %dma_start3A_432 = arith.constant 0 : i32
        %dma_start3A_433 = arith.constant 3 : i32
        %dma_start3A_434 = arith.constant 0 : i32
        %dma_start3A_435 = arith.constant 0 : i32
        %dma_start3A_436 = tpu.memref_slice %arg8[%dma_start3A_434, %dma_start3A_435] : memref<2x120xi32, #tpu.memory_space<vmem>> -> memref<1x120xi32, #tpu.memory_space<vmem>>
        %dma_start3A_437 = tpu.memref_squeeze %dma_start3A_436 : memref<1x120xi32, #tpu.memory_space<vmem>> -> memref<120xi32, #tpu.memory_space<vmem>>
        %dma_start3A_438 = arith.constant 0 : i32
        %dma_start3A_439 = tpu.memref_slice %arg2[%dma_start3A_432, %add3A_431, %dma_start3A_433, %dma_start3A_438] : memref<2x448x6x120xi32, #tpu.memory_space<hbm>> -> memref<1x1x1x120xi32, #tpu.memory_space<hbm>>
        %dma_start3A_440 = tpu.memref_squeeze %dma_start3A_439 : memref<1x1x1x120xi32, #tpu.memory_space<hbm>> -> memref<120xi32, #tpu.memory_space<hbm>>
        %dma_start3A_441 = arith.constant 0 : i32
        %dma_start3A_442 = tpu.memref_slice %arg8[%dma_start3A_434, %dma_start3A_441] : memref<2x120xi32, #tpu.memory_space<vmem>> -> memref<1x120xi32, #tpu.memory_space<vmem>>
        %dma_start3A_443 = tpu.memref_squeeze %dma_start3A_442 : memref<1x120xi32, #tpu.memory_space<vmem>> -> memref<120xi32, #tpu.memory_space<vmem>>
        %dma_start3A_444 = arith.constant 0 : i32
        %dma_start3A_445 = tpu.memref_slice %arg2[%dma_start3A_432, %add3A_431, %dma_start3A_433, %dma_start3A_444] : memref<2x448x6x120xi32, #tpu.memory_space<hbm>> -> memref<1x1x1x120xi32, #tpu.memory_space<hbm>>
        %dma_start3A_446 = tpu.memref_squeeze %dma_start3A_445 : memref<1x1x1x120xi32, #tpu.memory_space<hbm>> -> memref<120xi32, #tpu.memory_space<hbm>>
        tpu.enqueue_dma source(%dma_start3A_446 : memref<120xi32, #tpu.memory_space<hbm>>) target(%dma_start3A_443 : memref<120xi32, #tpu.memory_space<vmem>>) target_semaphore(%arg18 : memref<!tpu.dma_semaphore, #tpu.memory_space<semaphore_mem>>)
        %add3A_447 = arith.addi %select_n3A, %while3A_222 : i32
        %add3A_448 = arith.constant 0 : i32
        %add3A_449 = arith.addi %add3A_447, %add3A_448 : i32
        %dma_start3A_450 = arith.constant 1 : i32
        %dma_start3A_451 = arith.constant 3 : i32
        %dma_start3A_452 = arith.constant 1 : i32
        %dma_start3A_453 = arith.constant 0 : i32
        %dma_start3A_454 = tpu.memref_slice %arg8[%dma_start3A_452, %dma_start3A_453] : memref<2x120xi32, #tpu.memory_space<vmem>> -> memref<1x120xi32, #tpu.memory_space<vmem>>
        %dma_start3A_455 = tpu.memref_squeeze %dma_start3A_454 : memref<1x120xi32, #tpu.memory_space<vmem>> -> memref<120xi32, #tpu.memory_space<vmem>>
        %dma_start3A_456 = arith.constant 0 : i32
        %dma_start3A_457 = tpu.memref_slice %arg2[%dma_start3A_450, %add3A_449, %dma_start3A_451, %dma_start3A_456] : memref<2x448x6x120xi32, #tpu.memory_space<hbm>> -> memref<1x1x1x120xi32, #tpu.memory_space<hbm>>
        %dma_start3A_458 = tpu.memref_squeeze %dma_start3A_457 : memref<1x1x1x120xi32, #tpu.memory_space<hbm>> -> memref<120xi32, #tpu.memory_space<hbm>>
        %dma_start3A_459 = arith.constant 0 : i32
        %dma_start3A_460 = tpu.memref_slice %arg8[%dma_start3A_452, %dma_start3A_459] : memref<2x120xi32, #tpu.memory_space<vmem>> -> memref<1x120xi32, #tpu.memory_space<vmem>>
        %dma_start3A_461 = tpu.memref_squeeze %dma_start3A_460 : memref<1x120xi32, #tpu.memory_space<vmem>> -> memref<120xi32, #tpu.memory_space<vmem>>
        %dma_start3A_462 = arith.constant 0 : i32
        %dma_start3A_463 = tpu.memref_slice %arg2[%dma_start3A_450, %add3A_449, %dma_start3A_451, %dma_start3A_462] : memref<2x448x6x120xi32, #tpu.memory_space<hbm>> -> memref<1x1x1x120xi32, #tpu.memory_space<hbm>>
        %dma_start3A_464 = tpu.memref_squeeze %dma_start3A_463 : memref<1x1x1x120xi32, #tpu.memory_space<hbm>> -> memref<120xi32, #tpu.memory_space<hbm>>
        tpu.enqueue_dma source(%dma_start3A_464 : memref<120xi32, #tpu.memory_space<hbm>>) target(%dma_start3A_461 : memref<120xi32, #tpu.memory_space<vmem>>) target_semaphore(%arg18 : memref<!tpu.dma_semaphore, #tpu.memory_space<semaphore_mem>>)
      } else {
      }
      %mul3A_254 = arith.constant 6 : i32
      %mul3A_255 = arith.muli %while3A_222, %mul3A_254 : i32
      %add3A_256 = arith.constant 1 : i32
      %add3A_257 = arith.addi %mul3A_255, %add3A_256 : i32
      %dma_wait3A_258 = arith.constant 0 : i32
      %dma_wait3A_259 = arith.constant 0 : i32
      %dma_wait3A_260 = tpu.memref_slice %arg6[%dma_wait3A_258, %dma_wait3A_259] : memref<2x120xi32, #tpu.memory_space<vmem>> -> memref<1x120xi32, #tpu.memory_space<vmem>>
      %dma_wait3A_261 = tpu.memref_squeeze %dma_wait3A_260 : memref<1x120xi32, #tpu.memory_space<vmem>> -> memref<120xi32, #tpu.memory_space<vmem>>
      %dma_wait3A_262 = arith.constant 0 : i32
      %dma_wait3A_263 = arith.constant 0 : i32
      %dma_wait3A_264 = tpu.memref_slice %arg3[%dma_wait3A_262, %dma_wait3A_263] : memref<10240x128xf32, #tpu.memory_space<hbm>> -> memref<10240x128xf32, #tpu.memory_space<hbm>>
      tpu.wait_indirect_dma semaphore(%arg22 : memref<!tpu.dma_semaphore, #tpu.memory_space<semaphore_mem>>) src(%dma_wait3A_264 : memref<10240x128xf32, #tpu.memory_space<hbm>>) dst(%arg12 : memref<120x128xf32, #tpu.memory_space<vmem>>)
      %dma_start3A_265 = arith.constant 1 : i32
      %dma_start3A_266 = arith.constant 0 : i32
      %dma_start3A_267 = tpu.memref_slice %arg6[%dma_start3A_265, %dma_start3A_266] : memref<2x120xi32, #tpu.memory_space<vmem>> -> memref<1x120xi32, #tpu.memory_space<vmem>>
      %dma_start3A_268 = tpu.memref_squeeze %dma_start3A_267 : memref<1x120xi32, #tpu.memory_space<vmem>> -> memref<120xi32, #tpu.memory_space<vmem>>
      %dma_start3A_269 = arith.constant 0 : i32
      %dma_start3A_270 = arith.constant 0 : i32
      %dma_start3A_271 = tpu.memref_slice %arg14[%dma_start3A_269, %dma_start3A_270] : memref<10240x128xf32, #tpu.memory_space<vmem_shared>> -> memref<10240x128xf32, #tpu.memory_space<vmem_shared>>
      tpu.enqueue_indirect_dma source(%arg12 : memref<120x128xf32, #tpu.memory_space<vmem>>) target(%dma_start3A_271 : memref<10240x128xf32, #tpu.memory_space<vmem_shared>>) offsets(%dma_start3A_268 : memref<120xi32, #tpu.memory_space<vmem>>) semaphore(%arg25 : memref<!tpu.dma_semaphore, #tpu.memory_space<semaphore_mem>>) {add = true}
      %ge3A_272 = arith.constant 1 : i32
      %ge3A_273 = arith.cmpi sge, %add3A_257, %ge3A_272 : i32
      %convert_element_type3A_274 = arith.extui %ge3A_273 : i1 to i32
      %cond3A_275 = arith.constant 0 : i32
      %cond3A_276 = arith.cmpi ne, %convert_element_type3A_274, %cond3A_275 : i32
      scf.if %cond3A_276 {
        %dma_wait3A_429 = arith.constant 1 : i32
        %dma_wait3A_430 = arith.constant 0 : i32
        %dma_wait3A_431 = tpu.memref_slice %arg5[%dma_wait3A_429, %dma_wait3A_430] : memref<2x120xi32, #tpu.memory_space<vmem>> -> memref<1x120xi32, #tpu.memory_space<vmem>>
        %dma_wait3A_432 = tpu.memref_squeeze %dma_wait3A_431 : memref<1x120xi32, #tpu.memory_space<vmem>> -> memref<120xi32, #tpu.memory_space<vmem>>
        %dma_wait3A_433 = arith.constant 0 : i32
        %dma_wait3A_434 = arith.constant 0 : i32
        %dma_wait3A_435 = tpu.memref_slice %arg14[%dma_wait3A_433, %dma_wait3A_434] : memref<10240x128xf32, #tpu.memory_space<vmem_shared>> -> memref<10240x128xf32, #tpu.memory_space<vmem_shared>>
        tpu.wait_indirect_dma semaphore(%arg24 : memref<!tpu.dma_semaphore, #tpu.memory_space<semaphore_mem>>) src(%arg11 : memref<120x128xf32, #tpu.memory_space<vmem>>) dst(%dma_wait3A_435 : memref<10240x128xf32, #tpu.memory_space<vmem_shared>>)
      } else {
      }
      %add3A_277 = arith.constant 2 : i32
      %add3A_278 = arith.addi %add3A_257, %add3A_277 : i32
      %lt3A_279 = arith.cmpi slt, %add3A_278, %select_n3A_8 : i32
      %convert_element_type3A_280 = arith.extui %lt3A_279 : i1 to i32
      %cond3A_281 = arith.constant 0 : i32
      %cond3A_282 = arith.cmpi ne, %convert_element_type3A_280, %cond3A_281 : i32
      scf.if %cond3A_282 {
        %add3A_429 = arith.addi %select_n3A, %while3A_222 : i32
        %add3A_430 = arith.constant 0 : i32
        %add3A_431 = arith.addi %add3A_429, %add3A_430 : i32
        %dma_wait3A_432 = arith.constant 0 : i32
        %dma_wait3A_433 = arith.constant 3 : i32
        %dma_wait3A_434 = arith.constant 0 : i32
        %dma_wait3A_435 = arith.constant 0 : i32
        %dma_wait3A_436 = tpu.memref_slice %arg8[%dma_wait3A_434, %dma_wait3A_435] : memref<2x120xi32, #tpu.memory_space<vmem>> -> memref<1x120xi32, #tpu.memory_space<vmem>>
        %dma_wait3A_437 = tpu.memref_squeeze %dma_wait3A_436 : memref<1x120xi32, #tpu.memory_space<vmem>> -> memref<120xi32, #tpu.memory_space<vmem>>
        %dma_wait3A_438 = arith.constant 0 : i32
        %dma_wait3A_439 = tpu.memref_slice %arg2[%dma_wait3A_432, %add3A_431, %dma_wait3A_433, %dma_wait3A_438] : memref<2x448x6x120xi32, #tpu.memory_space<hbm>> -> memref<1x1x1x120xi32, #tpu.memory_space<hbm>>
        %dma_wait3A_440 = tpu.memref_squeeze %dma_wait3A_439 : memref<1x1x1x120xi32, #tpu.memory_space<hbm>> -> memref<120xi32, #tpu.memory_space<hbm>>
        %dma_wait3A_441 = arith.constant 0 : i32
        %dma_wait3A_442 = tpu.memref_slice %arg8[%dma_wait3A_434, %dma_wait3A_441] : memref<2x120xi32, #tpu.memory_space<vmem>> -> memref<1x120xi32, #tpu.memory_space<vmem>>
        %dma_wait3A_443 = tpu.memref_squeeze %dma_wait3A_442 : memref<1x120xi32, #tpu.memory_space<vmem>> -> memref<120xi32, #tpu.memory_space<vmem>>
        %dma_wait3A_444 = arith.constant 0 : i32
        %dma_wait3A_445 = tpu.memref_slice %arg2[%dma_wait3A_432, %add3A_431, %dma_wait3A_433, %dma_wait3A_444] : memref<2x448x6x120xi32, #tpu.memory_space<hbm>> -> memref<1x1x1x120xi32, #tpu.memory_space<hbm>>
        %dma_wait3A_446 = tpu.memref_squeeze %dma_wait3A_445 : memref<1x1x1x120xi32, #tpu.memory_space<hbm>> -> memref<120xi32, #tpu.memory_space<hbm>>
        tpu.wait_dma2 semaphore(%arg18 : memref<!tpu.dma_semaphore, #tpu.memory_space<semaphore_mem>>) src(%dma_wait3A_446 : memref<120xi32, #tpu.memory_space<hbm>>) dst(%dma_wait3A_443 : memref<120xi32, #tpu.memory_space<vmem>>)
        %add3A_447 = arith.addi %select_n3A, %while3A_222 : i32
        %add3A_448 = arith.constant 0 : i32
        %add3A_449 = arith.addi %add3A_447, %add3A_448 : i32
        %dma_wait3A_450 = arith.constant 1 : i32
        %dma_wait3A_451 = arith.constant 3 : i32
        %dma_wait3A_452 = arith.constant 1 : i32
        %dma_wait3A_453 = arith.constant 0 : i32
        %dma_wait3A_454 = tpu.memref_slice %arg8[%dma_wait3A_452, %dma_wait3A_453] : memref<2x120xi32, #tpu.memory_space<vmem>> -> memref<1x120xi32, #tpu.memory_space<vmem>>
        %dma_wait3A_455 = tpu.memref_squeeze %dma_wait3A_454 : memref<1x120xi32, #tpu.memory_space<vmem>> -> memref<120xi32, #tpu.memory_space<vmem>>
        %dma_wait3A_456 = arith.constant 0 : i32
        %dma_wait3A_457 = tpu.memref_slice %arg2[%dma_wait3A_450, %add3A_449, %dma_wait3A_451, %dma_wait3A_456] : memref<2x448x6x120xi32, #tpu.memory_space<hbm>> -> memref<1x1x1x120xi32, #tpu.memory_space<hbm>>
        %dma_wait3A_458 = tpu.memref_squeeze %dma_wait3A_457 : memref<1x1x1x120xi32, #tpu.memory_space<hbm>> -> memref<120xi32, #tpu.memory_space<hbm>>
        %dma_wait3A_459 = arith.constant 0 : i32
        %dma_wait3A_460 = tpu.memref_slice %arg8[%dma_wait3A_452, %dma_wait3A_459] : memref<2x120xi32, #tpu.memory_space<vmem>> -> memref<1x120xi32, #tpu.memory_space<vmem>>
        %dma_wait3A_461 = tpu.memref_squeeze %dma_wait3A_460 : memref<1x120xi32, #tpu.memory_space<vmem>> -> memref<120xi32, #tpu.memory_space<vmem>>
        %dma_wait3A_462 = arith.constant 0 : i32
        %dma_wait3A_463 = tpu.memref_slice %arg2[%dma_wait3A_450, %add3A_449, %dma_wait3A_451, %dma_wait3A_462] : memref<2x448x6x120xi32, #tpu.memory_space<hbm>> -> memref<1x1x1x120xi32, #tpu.memory_space<hbm>>
        %dma_wait3A_464 = tpu.memref_squeeze %dma_wait3A_463 : memref<1x1x1x120xi32, #tpu.memory_space<hbm>> -> memref<120xi32, #tpu.memory_space<hbm>>
        tpu.wait_dma2 semaphore(%arg18 : memref<!tpu.dma_semaphore, #tpu.memory_space<semaphore_mem>>) src(%dma_wait3A_464 : memref<120xi32, #tpu.memory_space<hbm>>) dst(%dma_wait3A_461 : memref<120xi32, #tpu.memory_space<vmem>>)
        %dma_start3A_465 = arith.constant 0 : i32
        %dma_start3A_466 = arith.constant 0 : i32
        %dma_start3A_467 = tpu.memref_slice %arg8[%dma_start3A_465, %dma_start3A_466] : memref<2x120xi32, #tpu.memory_space<vmem>> -> memref<1x120xi32, #tpu.memory_space<vmem>>
        %dma_start3A_468 = tpu.memref_squeeze %dma_start3A_467 : memref<1x120xi32, #tpu.memory_space<vmem>> -> memref<120xi32, #tpu.memory_space<vmem>>
        %dma_start3A_469 = arith.constant 0 : i32
        %dma_start3A_470 = arith.constant 0 : i32
        %dma_start3A_471 = tpu.memref_slice %arg3[%dma_start3A_469, %dma_start3A_470] : memref<10240x128xf32, #tpu.memory_space<hbm>> -> memref<10240x128xf32, #tpu.memory_space<hbm>>
        tpu.enqueue_indirect_dma source(%dma_start3A_471 : memref<10240x128xf32, #tpu.memory_space<hbm>>) target(%arg11 : memref<120x128xf32, #tpu.memory_space<vmem>>) offsets(%dma_start3A_468 : memref<120xi32, #tpu.memory_space<vmem>>) semaphore(%arg21 : memref<!tpu.dma_semaphore, #tpu.memory_space<semaphore_mem>>)
      } else {
      }
      %add3A_283 = arith.constant 3 : i32
      %add3A_284 = arith.addi %add3A_257, %add3A_283 : i32
      %lt3A_285 = arith.cmpi slt, %add3A_284, %select_n3A_8 : i32
      %convert_element_type3A_286 = arith.extui %lt3A_285 : i1 to i32
      %cond3A_287 = arith.constant 0 : i32
      %cond3A_288 = arith.cmpi ne, %convert_element_type3A_286, %cond3A_287 : i32
      scf.if %cond3A_288 {
        %add3A_429 = arith.addi %select_n3A, %while3A_222 : i32
        %add3A_430 = arith.constant 0 : i32
        %add3A_431 = arith.addi %add3A_429, %add3A_430 : i32
        %dma_start3A_432 = arith.constant 0 : i32
        %dma_start3A_433 = arith.constant 4 : i32
        %dma_start3A_434 = arith.constant 0 : i32
        %dma_start3A_435 = arith.constant 0 : i32
        %dma_start3A_436 = tpu.memref_slice %arg9[%dma_start3A_434, %dma_start3A_435] : memref<2x120xi32, #tpu.memory_space<vmem>> -> memref<1x120xi32, #tpu.memory_space<vmem>>
        %dma_start3A_437 = tpu.memref_squeeze %dma_start3A_436 : memref<1x120xi32, #tpu.memory_space<vmem>> -> memref<120xi32, #tpu.memory_space<vmem>>
        %dma_start3A_438 = arith.constant 0 : i32
        %dma_start3A_439 = tpu.memref_slice %arg2[%dma_start3A_432, %add3A_431, %dma_start3A_433, %dma_start3A_438] : memref<2x448x6x120xi32, #tpu.memory_space<hbm>> -> memref<1x1x1x120xi32, #tpu.memory_space<hbm>>
        %dma_start3A_440 = tpu.memref_squeeze %dma_start3A_439 : memref<1x1x1x120xi32, #tpu.memory_space<hbm>> -> memref<120xi32, #tpu.memory_space<hbm>>
        %dma_start3A_441 = arith.constant 0 : i32
        %dma_start3A_442 = tpu.memref_slice %arg9[%dma_start3A_434, %dma_start3A_441] : memref<2x120xi32, #tpu.memory_space<vmem>> -> memref<1x120xi32, #tpu.memory_space<vmem>>
        %dma_start3A_443 = tpu.memref_squeeze %dma_start3A_442 : memref<1x120xi32, #tpu.memory_space<vmem>> -> memref<120xi32, #tpu.memory_space<vmem>>
        %dma_start3A_444 = arith.constant 0 : i32
        %dma_start3A_445 = tpu.memref_slice %arg2[%dma_start3A_432, %add3A_431, %dma_start3A_433, %dma_start3A_444] : memref<2x448x6x120xi32, #tpu.memory_space<hbm>> -> memref<1x1x1x120xi32, #tpu.memory_space<hbm>>
        %dma_start3A_446 = tpu.memref_squeeze %dma_start3A_445 : memref<1x1x1x120xi32, #tpu.memory_space<hbm>> -> memref<120xi32, #tpu.memory_space<hbm>>
        tpu.enqueue_dma source(%dma_start3A_446 : memref<120xi32, #tpu.memory_space<hbm>>) target(%dma_start3A_443 : memref<120xi32, #tpu.memory_space<vmem>>) target_semaphore(%arg19 : memref<!tpu.dma_semaphore, #tpu.memory_space<semaphore_mem>>)
        %add3A_447 = arith.addi %select_n3A, %while3A_222 : i32
        %add3A_448 = arith.constant 0 : i32
        %add3A_449 = arith.addi %add3A_447, %add3A_448 : i32
        %dma_start3A_450 = arith.constant 1 : i32
        %dma_start3A_451 = arith.constant 4 : i32
        %dma_start3A_452 = arith.constant 1 : i32
        %dma_start3A_453 = arith.constant 0 : i32
        %dma_start3A_454 = tpu.memref_slice %arg9[%dma_start3A_452, %dma_start3A_453] : memref<2x120xi32, #tpu.memory_space<vmem>> -> memref<1x120xi32, #tpu.memory_space<vmem>>
        %dma_start3A_455 = tpu.memref_squeeze %dma_start3A_454 : memref<1x120xi32, #tpu.memory_space<vmem>> -> memref<120xi32, #tpu.memory_space<vmem>>
        %dma_start3A_456 = arith.constant 0 : i32
        %dma_start3A_457 = tpu.memref_slice %arg2[%dma_start3A_450, %add3A_449, %dma_start3A_451, %dma_start3A_456] : memref<2x448x6x120xi32, #tpu.memory_space<hbm>> -> memref<1x1x1x120xi32, #tpu.memory_space<hbm>>
        %dma_start3A_458 = tpu.memref_squeeze %dma_start3A_457 : memref<1x1x1x120xi32, #tpu.memory_space<hbm>> -> memref<120xi32, #tpu.memory_space<hbm>>
        %dma_start3A_459 = arith.constant 0 : i32
        %dma_start3A_460 = tpu.memref_slice %arg9[%dma_start3A_452, %dma_start3A_459] : memref<2x120xi32, #tpu.memory_space<vmem>> -> memref<1x120xi32, #tpu.memory_space<vmem>>
        %dma_start3A_461 = tpu.memref_squeeze %dma_start3A_460 : memref<1x120xi32, #tpu.memory_space<vmem>> -> memref<120xi32, #tpu.memory_space<vmem>>
        %dma_start3A_462 = arith.constant 0 : i32
        %dma_start3A_463 = tpu.memref_slice %arg2[%dma_start3A_450, %add3A_449, %dma_start3A_451, %dma_start3A_462] : memref<2x448x6x120xi32, #tpu.memory_space<hbm>> -> memref<1x1x1x120xi32, #tpu.memory_space<hbm>>
        %dma_start3A_464 = tpu.memref_squeeze %dma_start3A_463 : memref<1x1x1x120xi32, #tpu.memory_space<hbm>> -> memref<120xi32, #tpu.memory_space<hbm>>
        tpu.enqueue_dma source(%dma_start3A_464 : memref<120xi32, #tpu.memory_space<hbm>>) target(%dma_start3A_461 : memref<120xi32, #tpu.memory_space<vmem>>) target_semaphore(%arg19 : memref<!tpu.dma_semaphore, #tpu.memory_space<semaphore_mem>>)
      } else {
      }
      %mul3A_289 = arith.constant 6 : i32
      %mul3A_290 = arith.muli %while3A_222, %mul3A_289 : i32
      %add3A_291 = arith.constant 2 : i32
      %add3A_292 = arith.addi %mul3A_290, %add3A_291 : i32
      %dma_wait3A_293 = arith.constant 0 : i32
      %dma_wait3A_294 = arith.constant 0 : i32
      %dma_wait3A_295 = tpu.memref_slice %arg7[%dma_wait3A_293, %dma_wait3A_294] : memref<2x120xi32, #tpu.memory_space<vmem>> -> memref<1x120xi32, #tpu.memory_space<vmem>>
      %dma_wait3A_296 = tpu.memref_squeeze %dma_wait3A_295 : memref<1x120xi32, #tpu.memory_space<vmem>> -> memref<120xi32, #tpu.memory_space<vmem>>
      %dma_wait3A_297 = arith.constant 0 : i32
      %dma_wait3A_298 = arith.constant 0 : i32
      %dma_wait3A_299 = tpu.memref_slice %arg3[%dma_wait3A_297, %dma_wait3A_298] : memref<10240x128xf32, #tpu.memory_space<hbm>> -> memref<10240x128xf32, #tpu.memory_space<hbm>>
      tpu.wait_indirect_dma semaphore(%arg23 : memref<!tpu.dma_semaphore, #tpu.memory_space<semaphore_mem>>) src(%dma_wait3A_299 : memref<10240x128xf32, #tpu.memory_space<hbm>>) dst(%arg13 : memref<120x128xf32, #tpu.memory_space<vmem>>)
      %dma_start3A_300 = arith.constant 1 : i32
      %dma_start3A_301 = arith.constant 0 : i32
      %dma_start3A_302 = tpu.memref_slice %arg7[%dma_start3A_300, %dma_start3A_301] : memref<2x120xi32, #tpu.memory_space<vmem>> -> memref<1x120xi32, #tpu.memory_space<vmem>>
      %dma_start3A_303 = tpu.memref_squeeze %dma_start3A_302 : memref<1x120xi32, #tpu.memory_space<vmem>> -> memref<120xi32, #tpu.memory_space<vmem>>
      %dma_start3A_304 = arith.constant 0 : i32
      %dma_start3A_305 = arith.constant 0 : i32
      %dma_start3A_306 = tpu.memref_slice %arg14[%dma_start3A_304, %dma_start3A_305] : memref<10240x128xf32, #tpu.memory_space<vmem_shared>> -> memref<10240x128xf32, #tpu.memory_space<vmem_shared>>
      tpu.enqueue_indirect_dma source(%arg13 : memref<120x128xf32, #tpu.memory_space<vmem>>) target(%dma_start3A_306 : memref<10240x128xf32, #tpu.memory_space<vmem_shared>>) offsets(%dma_start3A_303 : memref<120xi32, #tpu.memory_space<vmem>>) semaphore(%arg26 : memref<!tpu.dma_semaphore, #tpu.memory_space<semaphore_mem>>) {add = true}
      %ge3A_307 = arith.constant 1 : i32
      %ge3A_308 = arith.cmpi sge, %add3A_292, %ge3A_307 : i32
      %convert_element_type3A_309 = arith.extui %ge3A_308 : i1 to i32
      %cond3A_310 = arith.constant 0 : i32
      %cond3A_311 = arith.cmpi ne, %convert_element_type3A_309, %cond3A_310 : i32
      scf.if %cond3A_311 {
        %dma_wait3A_429 = arith.constant 1 : i32
        %dma_wait3A_430 = arith.constant 0 : i32
        %dma_wait3A_431 = tpu.memref_slice %arg6[%dma_wait3A_429, %dma_wait3A_430] : memref<2x120xi32, #tpu.memory_space<vmem>> -> memref<1x120xi32, #tpu.memory_space<vmem>>
        %dma_wait3A_432 = tpu.memref_squeeze %dma_wait3A_431 : memref<1x120xi32, #tpu.memory_space<vmem>> -> memref<120xi32, #tpu.memory_space<vmem>>
        %dma_wait3A_433 = arith.constant 0 : i32
        %dma_wait3A_434 = arith.constant 0 : i32
        %dma_wait3A_435 = tpu.memref_slice %arg14[%dma_wait3A_433, %dma_wait3A_434] : memref<10240x128xf32, #tpu.memory_space<vmem_shared>> -> memref<10240x128xf32, #tpu.memory_space<vmem_shared>>
        tpu.wait_indirect_dma semaphore(%arg25 : memref<!tpu.dma_semaphore, #tpu.memory_space<semaphore_mem>>) src(%arg12 : memref<120x128xf32, #tpu.memory_space<vmem>>) dst(%dma_wait3A_435 : memref<10240x128xf32, #tpu.memory_space<vmem_shared>>)
      } else {
      }
      %add3A_312 = arith.constant 2 : i32
      %add3A_313 = arith.addi %add3A_292, %add3A_312 : i32
      %lt3A_314 = arith.cmpi slt, %add3A_313, %select_n3A_8 : i32
      %convert_element_type3A_315 = arith.extui %lt3A_314 : i1 to i32
      %cond3A_316 = arith.constant 0 : i32
      %cond3A_317 = arith.cmpi ne, %convert_element_type3A_315, %cond3A_316 : i32
      scf.if %cond3A_317 {
        %add3A_429 = arith.addi %select_n3A, %while3A_222 : i32
        %add3A_430 = arith.constant 0 : i32
        %add3A_431 = arith.addi %add3A_429, %add3A_430 : i32
        %dma_wait3A_432 = arith.constant 0 : i32
        %dma_wait3A_433 = arith.constant 4 : i32
        %dma_wait3A_434 = arith.constant 0 : i32
        %dma_wait3A_435 = arith.constant 0 : i32
        %dma_wait3A_436 = tpu.memref_slice %arg9[%dma_wait3A_434, %dma_wait3A_435] : memref<2x120xi32, #tpu.memory_space<vmem>> -> memref<1x120xi32, #tpu.memory_space<vmem>>
        %dma_wait3A_437 = tpu.memref_squeeze %dma_wait3A_436 : memref<1x120xi32, #tpu.memory_space<vmem>> -> memref<120xi32, #tpu.memory_space<vmem>>
        %dma_wait3A_438 = arith.constant 0 : i32
        %dma_wait3A_439 = tpu.memref_slice %arg2[%dma_wait3A_432, %add3A_431, %dma_wait3A_433, %dma_wait3A_438] : memref<2x448x6x120xi32, #tpu.memory_space<hbm>> -> memref<1x1x1x120xi32, #tpu.memory_space<hbm>>
        %dma_wait3A_440 = tpu.memref_squeeze %dma_wait3A_439 : memref<1x1x1x120xi32, #tpu.memory_space<hbm>> -> memref<120xi32, #tpu.memory_space<hbm>>
        %dma_wait3A_441 = arith.constant 0 : i32
        %dma_wait3A_442 = tpu.memref_slice %arg9[%dma_wait3A_434, %dma_wait3A_441] : memref<2x120xi32, #tpu.memory_space<vmem>> -> memref<1x120xi32, #tpu.memory_space<vmem>>
        %dma_wait3A_443 = tpu.memref_squeeze %dma_wait3A_442 : memref<1x120xi32, #tpu.memory_space<vmem>> -> memref<120xi32, #tpu.memory_space<vmem>>
        %dma_wait3A_444 = arith.constant 0 : i32
        %dma_wait3A_445 = tpu.memref_slice %arg2[%dma_wait3A_432, %add3A_431, %dma_wait3A_433, %dma_wait3A_444] : memref<2x448x6x120xi32, #tpu.memory_space<hbm>> -> memref<1x1x1x120xi32, #tpu.memory_space<hbm>>
        %dma_wait3A_446 = tpu.memref_squeeze %dma_wait3A_445 : memref<1x1x1x120xi32, #tpu.memory_space<hbm>> -> memref<120xi32, #tpu.memory_space<hbm>>
        tpu.wait_dma2 semaphore(%arg19 : memref<!tpu.dma_semaphore, #tpu.memory_space<semaphore_mem>>) src(%dma_wait3A_446 : memref<120xi32, #tpu.memory_space<hbm>>) dst(%dma_wait3A_443 : memref<120xi32, #tpu.memory_space<vmem>>)
        %add3A_447 = arith.addi %select_n3A, %while3A_222 : i32
        %add3A_448 = arith.constant 0 : i32
        %add3A_449 = arith.addi %add3A_447, %add3A_448 : i32
        %dma_wait3A_450 = arith.constant 1 : i32
        %dma_wait3A_451 = arith.constant 4 : i32
        %dma_wait3A_452 = arith.constant 1 : i32
        %dma_wait3A_453 = arith.constant 0 : i32
        %dma_wait3A_454 = tpu.memref_slice %arg9[%dma_wait3A_452, %dma_wait3A_453] : memref<2x120xi32, #tpu.memory_space<vmem>> -> memref<1x120xi32, #tpu.memory_space<vmem>>
        %dma_wait3A_455 = tpu.memref_squeeze %dma_wait3A_454 : memref<1x120xi32, #tpu.memory_space<vmem>> -> memref<120xi32, #tpu.memory_space<vmem>>
        %dma_wait3A_456 = arith.constant 0 : i32
        %dma_wait3A_457 = tpu.memref_slice %arg2[%dma_wait3A_450, %add3A_449, %dma_wait3A_451, %dma_wait3A_456] : memref<2x448x6x120xi32, #tpu.memory_space<hbm>> -> memref<1x1x1x120xi32, #tpu.memory_space<hbm>>
        %dma_wait3A_458 = tpu.memref_squeeze %dma_wait3A_457 : memref<1x1x1x120xi32, #tpu.memory_space<hbm>> -> memref<120xi32, #tpu.memory_space<hbm>>
        %dma_wait3A_459 = arith.constant 0 : i32
        %dma_wait3A_460 = tpu.memref_slice %arg9[%dma_wait3A_452, %dma_wait3A_459] : memref<2x120xi32, #tpu.memory_space<vmem>> -> memref<1x120xi32, #tpu.memory_space<vmem>>
        %dma_wait3A_461 = tpu.memref_squeeze %dma_wait3A_460 : memref<1x120xi32, #tpu.memory_space<vmem>> -> memref<120xi32, #tpu.memory_space<vmem>>
        %dma_wait3A_462 = arith.constant 0 : i32
        %dma_wait3A_463 = tpu.memref_slice %arg2[%dma_wait3A_450, %add3A_449, %dma_wait3A_451, %dma_wait3A_462] : memref<2x448x6x120xi32, #tpu.memory_space<hbm>> -> memref<1x1x1x120xi32, #tpu.memory_space<hbm>>
        %dma_wait3A_464 = tpu.memref_squeeze %dma_wait3A_463 : memref<1x1x1x120xi32, #tpu.memory_space<hbm>> -> memref<120xi32, #tpu.memory_space<hbm>>
        tpu.wait_dma2 semaphore(%arg19 : memref<!tpu.dma_semaphore, #tpu.memory_space<semaphore_mem>>) src(%dma_wait3A_464 : memref<120xi32, #tpu.memory_space<hbm>>) dst(%dma_wait3A_461 : memref<120xi32, #tpu.memory_space<vmem>>)
        %dma_start3A_465 = arith.constant 0 : i32
        %dma_start3A_466 = arith.constant 0 : i32
        %dma_start3A_467 = tpu.memref_slice %arg9[%dma_start3A_465, %dma_start3A_466] : memref<2x120xi32, #tpu.memory_space<vmem>> -> memref<1x120xi32, #tpu.memory_space<vmem>>
        %dma_start3A_468 = tpu.memref_squeeze %dma_start3A_467 : memref<1x120xi32, #tpu.memory_space<vmem>> -> memref<120xi32, #tpu.memory_space<vmem>>
        %dma_start3A_469 = arith.constant 0 : i32
        %dma_start3A_470 = arith.constant 0 : i32
        %dma_start3A_471 = tpu.memref_slice %arg3[%dma_start3A_469, %dma_start3A_470] : memref<10240x128xf32, #tpu.memory_space<hbm>> -> memref<10240x128xf32, #tpu.memory_space<hbm>>
        tpu.enqueue_indirect_dma source(%dma_start3A_471 : memref<10240x128xf32, #tpu.memory_space<hbm>>) target(%arg12 : memref<120x128xf32, #tpu.memory_space<vmem>>) offsets(%dma_start3A_468 : memref<120xi32, #tpu.memory_space<vmem>>) semaphore(%arg22 : memref<!tpu.dma_semaphore, #tpu.memory_space<semaphore_mem>>)
      } else {
      }
      %add3A_318 = arith.constant 3 : i32
      %add3A_319 = arith.addi %add3A_292, %add3A_318 : i32
      %lt3A_320 = arith.cmpi slt, %add3A_319, %select_n3A_8 : i32
      %convert_element_type3A_321 = arith.extui %lt3A_320 : i1 to i32
      %cond3A_322 = arith.constant 0 : i32
      %cond3A_323 = arith.cmpi ne, %convert_element_type3A_321, %cond3A_322 : i32
      scf.if %cond3A_323 {
        %add3A_429 = arith.addi %select_n3A, %while3A_222 : i32
        %add3A_430 = arith.constant 0 : i32
        %add3A_431 = arith.addi %add3A_429, %add3A_430 : i32
        %dma_start3A_432 = arith.constant 0 : i32
        %dma_start3A_433 = arith.constant 5 : i32
        %dma_start3A_434 = arith.constant 0 : i32
        %dma_start3A_435 = arith.constant 0 : i32
        %dma_start3A_436 = tpu.memref_slice %arg10[%dma_start3A_434, %dma_start3A_435] : memref<2x120xi32, #tpu.memory_space<vmem>> -> memref<1x120xi32, #tpu.memory_space<vmem>>
        %dma_start3A_437 = tpu.memref_squeeze %dma_start3A_436 : memref<1x120xi32, #tpu.memory_space<vmem>> -> memref<120xi32, #tpu.memory_space<vmem>>
        %dma_start3A_438 = arith.constant 0 : i32
        %dma_start3A_439 = tpu.memref_slice %arg2[%dma_start3A_432, %add3A_431, %dma_start3A_433, %dma_start3A_438] : memref<2x448x6x120xi32, #tpu.memory_space<hbm>> -> memref<1x1x1x120xi32, #tpu.memory_space<hbm>>
        %dma_start3A_440 = tpu.memref_squeeze %dma_start3A_439 : memref<1x1x1x120xi32, #tpu.memory_space<hbm>> -> memref<120xi32, #tpu.memory_space<hbm>>
        %dma_start3A_441 = arith.constant 0 : i32
        %dma_start3A_442 = tpu.memref_slice %arg10[%dma_start3A_434, %dma_start3A_441] : memref<2x120xi32, #tpu.memory_space<vmem>> -> memref<1x120xi32, #tpu.memory_space<vmem>>
        %dma_start3A_443 = tpu.memref_squeeze %dma_start3A_442 : memref<1x120xi32, #tpu.memory_space<vmem>> -> memref<120xi32, #tpu.memory_space<vmem>>
        %dma_start3A_444 = arith.constant 0 : i32
        %dma_start3A_445 = tpu.memref_slice %arg2[%dma_start3A_432, %add3A_431, %dma_start3A_433, %dma_start3A_444] : memref<2x448x6x120xi32, #tpu.memory_space<hbm>> -> memref<1x1x1x120xi32, #tpu.memory_space<hbm>>
        %dma_start3A_446 = tpu.memref_squeeze %dma_start3A_445 : memref<1x1x1x120xi32, #tpu.memory_space<hbm>> -> memref<120xi32, #tpu.memory_space<hbm>>
        tpu.enqueue_dma source(%dma_start3A_446 : memref<120xi32, #tpu.memory_space<hbm>>) target(%dma_start3A_443 : memref<120xi32, #tpu.memory_space<vmem>>) target_semaphore(%arg20 : memref<!tpu.dma_semaphore, #tpu.memory_space<semaphore_mem>>)
        %add3A_447 = arith.addi %select_n3A, %while3A_222 : i32
        %add3A_448 = arith.constant 0 : i32
        %add3A_449 = arith.addi %add3A_447, %add3A_448 : i32
        %dma_start3A_450 = arith.constant 1 : i32
        %dma_start3A_451 = arith.constant 5 : i32
        %dma_start3A_452 = arith.constant 1 : i32
        %dma_start3A_453 = arith.constant 0 : i32
        %dma_start3A_454 = tpu.memref_slice %arg10[%dma_start3A_452, %dma_start3A_453] : memref<2x120xi32, #tpu.memory_space<vmem>> -> memref<1x120xi32, #tpu.memory_space<vmem>>
        %dma_start3A_455 = tpu.memref_squeeze %dma_start3A_454 : memref<1x120xi32, #tpu.memory_space<vmem>> -> memref<120xi32, #tpu.memory_space<vmem>>
        %dma_start3A_456 = arith.constant 0 : i32
        %dma_start3A_457 = tpu.memref_slice %arg2[%dma_start3A_450, %add3A_449, %dma_start3A_451, %dma_start3A_456] : memref<2x448x6x120xi32, #tpu.memory_space<hbm>> -> memref<1x1x1x120xi32, #tpu.memory_space<hbm>>
        %dma_start3A_458 = tpu.memref_squeeze %dma_start3A_457 : memref<1x1x1x120xi32, #tpu.memory_space<hbm>> -> memref<120xi32, #tpu.memory_space<hbm>>
        %dma_start3A_459 = arith.constant 0 : i32
        %dma_start3A_460 = tpu.memref_slice %arg10[%dma_start3A_452, %dma_start3A_459] : memref<2x120xi32, #tpu.memory_space<vmem>> -> memref<1x120xi32, #tpu.memory_space<vmem>>
        %dma_start3A_461 = tpu.memref_squeeze %dma_start3A_460 : memref<1x120xi32, #tpu.memory_space<vmem>> -> memref<120xi32, #tpu.memory_space<vmem>>
        %dma_start3A_462 = arith.constant 0 : i32
        %dma_start3A_463 = tpu.memref_slice %arg2[%dma_start3A_450, %add3A_449, %dma_start3A_451, %dma_start3A_462] : memref<2x448x6x120xi32, #tpu.memory_space<hbm>> -> memref<1x1x1x120xi32, #tpu.memory_space<hbm>>
        %dma_start3A_464 = tpu.memref_squeeze %dma_start3A_463 : memref<1x1x1x120xi32, #tpu.memory_space<hbm>> -> memref<120xi32, #tpu.memory_space<hbm>>
        tpu.enqueue_dma source(%dma_start3A_464 : memref<120xi32, #tpu.memory_space<hbm>>) target(%dma_start3A_461 : memref<120xi32, #tpu.memory_space<vmem>>) target_semaphore(%arg20 : memref<!tpu.dma_semaphore, #tpu.memory_space<semaphore_mem>>)
      } else {
      }
      %mul3A_324 = arith.constant 6 : i32
      %mul3A_325 = arith.muli %while3A_222, %mul3A_324 : i32
      %add3A_326 = arith.constant 3 : i32
      %add3A_327 = arith.addi %mul3A_325, %add3A_326 : i32
      %dma_wait3A_328 = arith.constant 0 : i32
      %dma_wait3A_329 = arith.constant 0 : i32
      %dma_wait3A_330 = tpu.memref_slice %arg8[%dma_wait3A_328, %dma_wait3A_329] : memref<2x120xi32, #tpu.memory_space<vmem>> -> memref<1x120xi32, #tpu.memory_space<vmem>>
      %dma_wait3A_331 = tpu.memref_squeeze %dma_wait3A_330 : memref<1x120xi32, #tpu.memory_space<vmem>> -> memref<120xi32, #tpu.memory_space<vmem>>
      %dma_wait3A_332 = arith.constant 0 : i32
      %dma_wait3A_333 = arith.constant 0 : i32
      %dma_wait3A_334 = tpu.memref_slice %arg3[%dma_wait3A_332, %dma_wait3A_333] : memref<10240x128xf32, #tpu.memory_space<hbm>> -> memref<10240x128xf32, #tpu.memory_space<hbm>>
      tpu.wait_indirect_dma semaphore(%arg21 : memref<!tpu.dma_semaphore, #tpu.memory_space<semaphore_mem>>) src(%dma_wait3A_334 : memref<10240x128xf32, #tpu.memory_space<hbm>>) dst(%arg11 : memref<120x128xf32, #tpu.memory_space<vmem>>)
      %dma_start3A_335 = arith.constant 1 : i32
      %dma_start3A_336 = arith.constant 0 : i32
      %dma_start3A_337 = tpu.memref_slice %arg8[%dma_start3A_335, %dma_start3A_336] : memref<2x120xi32, #tpu.memory_space<vmem>> -> memref<1x120xi32, #tpu.memory_space<vmem>>
      %dma_start3A_338 = tpu.memref_squeeze %dma_start3A_337 : memref<1x120xi32, #tpu.memory_space<vmem>> -> memref<120xi32, #tpu.memory_space<vmem>>
      %dma_start3A_339 = arith.constant 0 : i32
      %dma_start3A_340 = arith.constant 0 : i32
      %dma_start3A_341 = tpu.memref_slice %arg14[%dma_start3A_339, %dma_start3A_340] : memref<10240x128xf32, #tpu.memory_space<vmem_shared>> -> memref<10240x128xf32, #tpu.memory_space<vmem_shared>>
      tpu.enqueue_indirect_dma source(%arg11 : memref<120x128xf32, #tpu.memory_space<vmem>>) target(%dma_start3A_341 : memref<10240x128xf32, #tpu.memory_space<vmem_shared>>) offsets(%dma_start3A_338 : memref<120xi32, #tpu.memory_space<vmem>>) semaphore(%arg24 : memref<!tpu.dma_semaphore, #tpu.memory_space<semaphore_mem>>) {add = true}
      %ge3A_342 = arith.constant 1 : i32
      %ge3A_343 = arith.cmpi sge, %add3A_327, %ge3A_342 : i32
      %convert_element_type3A_344 = arith.extui %ge3A_343 : i1 to i32
      %cond3A_345 = arith.constant 0 : i32
      %cond3A_346 = arith.cmpi ne, %convert_element_type3A_344, %cond3A_345 : i32
      scf.if %cond3A_346 {
        %dma_wait3A_429 = arith.constant 1 : i32
        %dma_wait3A_430 = arith.constant 0 : i32
        %dma_wait3A_431 = tpu.memref_slice %arg7[%dma_wait3A_429, %dma_wait3A_430] : memref<2x120xi32, #tpu.memory_space<vmem>> -> memref<1x120xi32, #tpu.memory_space<vmem>>
        %dma_wait3A_432 = tpu.memref_squeeze %dma_wait3A_431 : memref<1x120xi32, #tpu.memory_space<vmem>> -> memref<120xi32, #tpu.memory_space<vmem>>
        %dma_wait3A_433 = arith.constant 0 : i32
        %dma_wait3A_434 = arith.constant 0 : i32
        %dma_wait3A_435 = tpu.memref_slice %arg14[%dma_wait3A_433, %dma_wait3A_434] : memref<10240x128xf32, #tpu.memory_space<vmem_shared>> -> memref<10240x128xf32, #tpu.memory_space<vmem_shared>>
        tpu.wait_indirect_dma semaphore(%arg26 : memref<!tpu.dma_semaphore, #tpu.memory_space<semaphore_mem>>) src(%arg13 : memref<120x128xf32, #tpu.memory_space<vmem>>) dst(%dma_wait3A_435 : memref<10240x128xf32, #tpu.memory_space<vmem_shared>>)
      } else {
      }
      %add3A_347 = arith.constant 2 : i32
      %add3A_348 = arith.addi %add3A_327, %add3A_347 : i32
      %lt3A_349 = arith.cmpi slt, %add3A_348, %select_n3A_8 : i32
      %convert_element_type3A_350 = arith.extui %lt3A_349 : i1 to i32
      %cond3A_351 = arith.constant 0 : i32
      %cond3A_352 = arith.cmpi ne, %convert_element_type3A_350, %cond3A_351 : i32
      scf.if %cond3A_352 {
        %add3A_429 = arith.addi %select_n3A, %while3A_222 : i32
        %add3A_430 = arith.constant 0 : i32
        %add3A_431 = arith.addi %add3A_429, %add3A_430 : i32
        %dma_wait3A_432 = arith.constant 0 : i32
        %dma_wait3A_433 = arith.constant 5 : i32
        %dma_wait3A_434 = arith.constant 0 : i32
        %dma_wait3A_435 = arith.constant 0 : i32
        %dma_wait3A_436 = tpu.memref_slice %arg10[%dma_wait3A_434, %dma_wait3A_435] : memref<2x120xi32, #tpu.memory_space<vmem>> -> memref<1x120xi32, #tpu.memory_space<vmem>>
        %dma_wait3A_437 = tpu.memref_squeeze %dma_wait3A_436 : memref<1x120xi32, #tpu.memory_space<vmem>> -> memref<120xi32, #tpu.memory_space<vmem>>
        %dma_wait3A_438 = arith.constant 0 : i32
        %dma_wait3A_439 = tpu.memref_slice %arg2[%dma_wait3A_432, %add3A_431, %dma_wait3A_433, %dma_wait3A_438] : memref<2x448x6x120xi32, #tpu.memory_space<hbm>> -> memref<1x1x1x120xi32, #tpu.memory_space<hbm>>
        %dma_wait3A_440 = tpu.memref_squeeze %dma_wait3A_439 : memref<1x1x1x120xi32, #tpu.memory_space<hbm>> -> memref<120xi32, #tpu.memory_space<hbm>>
        %dma_wait3A_441 = arith.constant 0 : i32
        %dma_wait3A_442 = tpu.memref_slice %arg10[%dma_wait3A_434, %dma_wait3A_441] : memref<2x120xi32, #tpu.memory_space<vmem>> -> memref<1x120xi32, #tpu.memory_space<vmem>>
        %dma_wait3A_443 = tpu.memref_squeeze %dma_wait3A_442 : memref<1x120xi32, #tpu.memory_space<vmem>> -> memref<120xi32, #tpu.memory_space<vmem>>
        %dma_wait3A_444 = arith.constant 0 : i32
        %dma_wait3A_445 = tpu.memref_slice %arg2[%dma_wait3A_432, %add3A_431, %dma_wait3A_433, %dma_wait3A_444] : memref<2x448x6x120xi32, #tpu.memory_space<hbm>> -> memref<1x1x1x120xi32, #tpu.memory_space<hbm>>
        %dma_wait3A_446 = tpu.memref_squeeze %dma_wait3A_445 : memref<1x1x1x120xi32, #tpu.memory_space<hbm>> -> memref<120xi32, #tpu.memory_space<hbm>>
        tpu.wait_dma2 semaphore(%arg20 : memref<!tpu.dma_semaphore, #tpu.memory_space<semaphore_mem>>) src(%dma_wait3A_446 : memref<120xi32, #tpu.memory_space<hbm>>) dst(%dma_wait3A_443 : memref<120xi32, #tpu.memory_space<vmem>>)
        %add3A_447 = arith.addi %select_n3A, %while3A_222 : i32
        %add3A_448 = arith.constant 0 : i32
        %add3A_449 = arith.addi %add3A_447, %add3A_448 : i32
        %dma_wait3A_450 = arith.constant 1 : i32
        %dma_wait3A_451 = arith.constant 5 : i32
        %dma_wait3A_452 = arith.constant 1 : i32
        %dma_wait3A_453 = arith.constant 0 : i32
        %dma_wait3A_454 = tpu.memref_slice %arg10[%dma_wait3A_452, %dma_wait3A_453] : memref<2x120xi32, #tpu.memory_space<vmem>> -> memref<1x120xi32, #tpu.memory_space<vmem>>
        %dma_wait3A_455 = tpu.memref_squeeze %dma_wait3A_454 : memref<1x120xi32, #tpu.memory_space<vmem>> -> memref<120xi32, #tpu.memory_space<vmem>>
        %dma_wait3A_456 = arith.constant 0 : i32
        %dma_wait3A_457 = tpu.memref_slice %arg2[%dma_wait3A_450, %add3A_449, %dma_wait3A_451, %dma_wait3A_456] : memref<2x448x6x120xi32, #tpu.memory_space<hbm>> -> memref<1x1x1x120xi32, #tpu.memory_space<hbm>>
        %dma_wait3A_458 = tpu.memref_squeeze %dma_wait3A_457 : memref<1x1x1x120xi32, #tpu.memory_space<hbm>> -> memref<120xi32, #tpu.memory_space<hbm>>
        %dma_wait3A_459 = arith.constant 0 : i32
        %dma_wait3A_460 = tpu.memref_slice %arg10[%dma_wait3A_452, %dma_wait3A_459] : memref<2x120xi32, #tpu.memory_space<vmem>> -> memref<1x120xi32, #tpu.memory_space<vmem>>
        %dma_wait3A_461 = tpu.memref_squeeze %dma_wait3A_460 : memref<1x120xi32, #tpu.memory_space<vmem>> -> memref<120xi32, #tpu.memory_space<vmem>>
        %dma_wait3A_462 = arith.constant 0 : i32
        %dma_wait3A_463 = tpu.memref_slice %arg2[%dma_wait3A_450, %add3A_449, %dma_wait3A_451, %dma_wait3A_462] : memref<2x448x6x120xi32, #tpu.memory_space<hbm>> -> memref<1x1x1x120xi32, #tpu.memory_space<hbm>>
        %dma_wait3A_464 = tpu.memref_squeeze %dma_wait3A_463 : memref<1x1x1x120xi32, #tpu.memory_space<hbm>> -> memref<120xi32, #tpu.memory_space<hbm>>
        tpu.wait_dma2 semaphore(%arg20 : memref<!tpu.dma_semaphore, #tpu.memory_space<semaphore_mem>>) src(%dma_wait3A_464 : memref<120xi32, #tpu.memory_space<hbm>>) dst(%dma_wait3A_461 : memref<120xi32, #tpu.memory_space<vmem>>)
        %dma_start3A_465 = arith.constant 0 : i32
        %dma_start3A_466 = arith.constant 0 : i32
        %dma_start3A_467 = tpu.memref_slice %arg10[%dma_start3A_465, %dma_start3A_466] : memref<2x120xi32, #tpu.memory_space<vmem>> -> memref<1x120xi32, #tpu.memory_space<vmem>>
        %dma_start3A_468 = tpu.memref_squeeze %dma_start3A_467 : memref<1x120xi32, #tpu.memory_space<vmem>> -> memref<120xi32, #tpu.memory_space<vmem>>
        %dma_start3A_469 = arith.constant 0 : i32
        %dma_start3A_470 = arith.constant 0 : i32
        %dma_start3A_471 = tpu.memref_slice %arg3[%dma_start3A_469, %dma_start3A_470] : memref<10240x128xf32, #tpu.memory_space<hbm>> -> memref<10240x128xf32, #tpu.memory_space<hbm>>
        tpu.enqueue_indirect_dma source(%dma_start3A_471 : memref<10240x128xf32, #tpu.memory_space<hbm>>) target(%arg13 : memref<120x128xf32, #tpu.memory_space<vmem>>) offsets(%dma_start3A_468 : memref<120xi32, #tpu.memory_space<vmem>>) semaphore(%arg23 : memref<!tpu.dma_semaphore, #tpu.memory_space<semaphore_mem>>)
      } else {
      }
      %add3A_353 = arith.constant 3 : i32
      %add3A_354 = arith.addi %add3A_327, %add3A_353 : i32
      %lt3A_355 = arith.cmpi slt, %add3A_354, %select_n3A_8 : i32
      %convert_element_type3A_356 = arith.extui %lt3A_355 : i1 to i32
      %cond3A_357 = arith.constant 0 : i32
      %cond3A_358 = arith.cmpi ne, %convert_element_type3A_356, %cond3A_357 : i32
      scf.if %cond3A_358 {
        %add3A_429 = arith.addi %select_n3A, %while3A_222 : i32
        %add3A_430 = arith.constant 1 : i32
        %add3A_431 = arith.addi %add3A_429, %add3A_430 : i32
        %dma_start3A_432 = arith.constant 0 : i32
        %dma_start3A_433 = arith.constant 0 : i32
        %dma_start3A_434 = arith.constant 0 : i32
        %dma_start3A_435 = arith.constant 0 : i32
        %dma_start3A_436 = tpu.memref_slice %arg5[%dma_start3A_434, %dma_start3A_435] : memref<2x120xi32, #tpu.memory_space<vmem>> -> memref<1x120xi32, #tpu.memory_space<vmem>>
        %dma_start3A_437 = tpu.memref_squeeze %dma_start3A_436 : memref<1x120xi32, #tpu.memory_space<vmem>> -> memref<120xi32, #tpu.memory_space<vmem>>
        %dma_start3A_438 = arith.constant 0 : i32
        %dma_start3A_439 = tpu.memref_slice %arg2[%dma_start3A_432, %add3A_431, %dma_start3A_433, %dma_start3A_438] : memref<2x448x6x120xi32, #tpu.memory_space<hbm>> -> memref<1x1x1x120xi32, #tpu.memory_space<hbm>>
        %dma_start3A_440 = tpu.memref_squeeze %dma_start3A_439 : memref<1x1x1x120xi32, #tpu.memory_space<hbm>> -> memref<120xi32, #tpu.memory_space<hbm>>
        %dma_start3A_441 = arith.constant 0 : i32
        %dma_start3A_442 = tpu.memref_slice %arg5[%dma_start3A_434, %dma_start3A_441] : memref<2x120xi32, #tpu.memory_space<vmem>> -> memref<1x120xi32, #tpu.memory_space<vmem>>
        %dma_start3A_443 = tpu.memref_squeeze %dma_start3A_442 : memref<1x120xi32, #tpu.memory_space<vmem>> -> memref<120xi32, #tpu.memory_space<vmem>>
        %dma_start3A_444 = arith.constant 0 : i32
        %dma_start3A_445 = tpu.memref_slice %arg2[%dma_start3A_432, %add3A_431, %dma_start3A_433, %dma_start3A_444] : memref<2x448x6x120xi32, #tpu.memory_space<hbm>> -> memref<1x1x1x120xi32, #tpu.memory_space<hbm>>
        %dma_start3A_446 = tpu.memref_squeeze %dma_start3A_445 : memref<1x1x1x120xi32, #tpu.memory_space<hbm>> -> memref<120xi32, #tpu.memory_space<hbm>>
        tpu.enqueue_dma source(%dma_start3A_446 : memref<120xi32, #tpu.memory_space<hbm>>) target(%dma_start3A_443 : memref<120xi32, #tpu.memory_space<vmem>>) target_semaphore(%arg15 : memref<!tpu.dma_semaphore, #tpu.memory_space<semaphore_mem>>)
        %add3A_447 = arith.addi %select_n3A, %while3A_222 : i32
        %add3A_448 = arith.constant 1 : i32
        %add3A_449 = arith.addi %add3A_447, %add3A_448 : i32
        %dma_start3A_450 = arith.constant 1 : i32
        %dma_start3A_451 = arith.constant 0 : i32
        %dma_start3A_452 = arith.constant 1 : i32
        %dma_start3A_453 = arith.constant 0 : i32
        %dma_start3A_454 = tpu.memref_slice %arg5[%dma_start3A_452, %dma_start3A_453] : memref<2x120xi32, #tpu.memory_space<vmem>> -> memref<1x120xi32, #tpu.memory_space<vmem>>
        %dma_start3A_455 = tpu.memref_squeeze %dma_start3A_454 : memref<1x120xi32, #tpu.memory_space<vmem>> -> memref<120xi32, #tpu.memory_space<vmem>>
        %dma_start3A_456 = arith.constant 0 : i32
        %dma_start3A_457 = tpu.memref_slice %arg2[%dma_start3A_450, %add3A_449, %dma_start3A_451, %dma_start3A_456] : memref<2x448x6x120xi32, #tpu.memory_space<hbm>> -> memref<1x1x1x120xi32, #tpu.memory_space<hbm>>
        %dma_start3A_458 = tpu.memref_squeeze %dma_start3A_457 : memref<1x1x1x120xi32, #tpu.memory_space<hbm>> -> memref<120xi32, #tpu.memory_space<hbm>>
        %dma_start3A_459 = arith.constant 0 : i32
        %dma_start3A_460 = tpu.memref_slice %arg5[%dma_start3A_452, %dma_start3A_459] : memref<2x120xi32, #tpu.memory_space<vmem>> -> memref<1x120xi32, #tpu.memory_space<vmem>>
        %dma_start3A_461 = tpu.memref_squeeze %dma_start3A_460 : memref<1x120xi32, #tpu.memory_space<vmem>> -> memref<120xi32, #tpu.memory_space<vmem>>
        %dma_start3A_462 = arith.constant 0 : i32
        %dma_start3A_463 = tpu.memref_slice %arg2[%dma_start3A_450, %add3A_449, %dma_start3A_451, %dma_start3A_462] : memref<2x448x6x120xi32, #tpu.memory_space<hbm>> -> memref<1x1x1x120xi32, #tpu.memory_space<hbm>>
        %dma_start3A_464 = tpu.memref_squeeze %dma_start3A_463 : memref<1x1x1x120xi32, #tpu.memory_space<hbm>> -> memref<120xi32, #tpu.memory_space<hbm>>
        tpu.enqueue_dma source(%dma_start3A_464 : memref<120xi32, #tpu.memory_space<hbm>>) target(%dma_start3A_461 : memref<120xi32, #tpu.memory_space<vmem>>) target_semaphore(%arg15 : memref<!tpu.dma_semaphore, #tpu.memory_space<semaphore_mem>>)
      } else {
      }
      %mul3A_359 = arith.constant 6 : i32
      %mul3A_360 = arith.muli %while3A_222, %mul3A_359 : i32
      %add3A_361 = arith.constant 4 : i32
      %add3A_362 = arith.addi %mul3A_360, %add3A_361 : i32
      %dma_wait3A_363 = arith.constant 0 : i32
      %dma_wait3A_364 = arith.constant 0 : i32
      %dma_wait3A_365 = tpu.memref_slice %arg9[%dma_wait3A_363, %dma_wait3A_364] : memref<2x120xi32, #tpu.memory_space<vmem>> -> memref<1x120xi32, #tpu.memory_space<vmem>>
      %dma_wait3A_366 = tpu.memref_squeeze %dma_wait3A_365 : memref<1x120xi32, #tpu.memory_space<vmem>> -> memref<120xi32, #tpu.memory_space<vmem>>
      %dma_wait3A_367 = arith.constant 0 : i32
      %dma_wait3A_368 = arith.constant 0 : i32
      %dma_wait3A_369 = tpu.memref_slice %arg3[%dma_wait3A_367, %dma_wait3A_368] : memref<10240x128xf32, #tpu.memory_space<hbm>> -> memref<10240x128xf32, #tpu.memory_space<hbm>>
      tpu.wait_indirect_dma semaphore(%arg22 : memref<!tpu.dma_semaphore, #tpu.memory_space<semaphore_mem>>) src(%dma_wait3A_369 : memref<10240x128xf32, #tpu.memory_space<hbm>>) dst(%arg12 : memref<120x128xf32, #tpu.memory_space<vmem>>)
      %dma_start3A_370 = arith.constant 1 : i32
      %dma_start3A_371 = arith.constant 0 : i32
      %dma_start3A_372 = tpu.memref_slice %arg9[%dma_start3A_370, %dma_start3A_371] : memref<2x120xi32, #tpu.memory_space<vmem>> -> memref<1x120xi32, #tpu.memory_space<vmem>>
      %dma_start3A_373 = tpu.memref_squeeze %dma_start3A_372 : memref<1x120xi32, #tpu.memory_space<vmem>> -> memref<120xi32, #tpu.memory_space<vmem>>
      %dma_start3A_374 = arith.constant 0 : i32
      %dma_start3A_375 = arith.constant 0 : i32
      %dma_start3A_376 = tpu.memref_slice %arg14[%dma_start3A_374, %dma_start3A_375] : memref<10240x128xf32, #tpu.memory_space<vmem_shared>> -> memref<10240x128xf32, #tpu.memory_space<vmem_shared>>
      tpu.enqueue_indirect_dma source(%arg12 : memref<120x128xf32, #tpu.memory_space<vmem>>) target(%dma_start3A_376 : memref<10240x128xf32, #tpu.memory_space<vmem_shared>>) offsets(%dma_start3A_373 : memref<120xi32, #tpu.memory_space<vmem>>) semaphore(%arg25 : memref<!tpu.dma_semaphore, #tpu.memory_space<semaphore_mem>>) {add = true}
      %ge3A_377 = arith.constant 1 : i32
      %ge3A_378 = arith.cmpi sge, %add3A_362, %ge3A_377 : i32
      %convert_element_type3A_379 = arith.extui %ge3A_378 : i1 to i32
      %cond3A_380 = arith.constant 0 : i32
      %cond3A_381 = arith.cmpi ne, %convert_element_type3A_379, %cond3A_380 : i32
      scf.if %cond3A_381 {
        %dma_wait3A_429 = arith.constant 1 : i32
        %dma_wait3A_430 = arith.constant 0 : i32
        %dma_wait3A_431 = tpu.memref_slice %arg8[%dma_wait3A_429, %dma_wait3A_430] : memref<2x120xi32, #tpu.memory_space<vmem>> -> memref<1x120xi32, #tpu.memory_space<vmem>>
        %dma_wait3A_432 = tpu.memref_squeeze %dma_wait3A_431 : memref<1x120xi32, #tpu.memory_space<vmem>> -> memref<120xi32, #tpu.memory_space<vmem>>
        %dma_wait3A_433 = arith.constant 0 : i32
        %dma_wait3A_434 = arith.constant 0 : i32
        %dma_wait3A_435 = tpu.memref_slice %arg14[%dma_wait3A_433, %dma_wait3A_434] : memref<10240x128xf32, #tpu.memory_space<vmem_shared>> -> memref<10240x128xf32, #tpu.memory_space<vmem_shared>>
        tpu.wait_indirect_dma semaphore(%arg24 : memref<!tpu.dma_semaphore, #tpu.memory_space<semaphore_mem>>) src(%arg11 : memref<120x128xf32, #tpu.memory_space<vmem>>) dst(%dma_wait3A_435 : memref<10240x128xf32, #tpu.memory_space<vmem_shared>>)
      } else {
      }
      %add3A_382 = arith.constant 2 : i32
      %add3A_383 = arith.addi %add3A_362, %add3A_382 : i32
      %lt3A_384 = arith.cmpi slt, %add3A_383, %select_n3A_8 : i32
      %convert_element_type3A_385 = arith.extui %lt3A_384 : i1 to i32
      %cond3A_386 = arith.constant 0 : i32
      %cond3A_387 = arith.cmpi ne, %convert_element_type3A_385, %cond3A_386 : i32
      scf.if %cond3A_387 {
        %add3A_429 = arith.addi %select_n3A, %while3A_222 : i32
        %add3A_430 = arith.constant 1 : i32
        %add3A_431 = arith.addi %add3A_429, %add3A_430 : i32
        %dma_wait3A_432 = arith.constant 0 : i32
        %dma_wait3A_433 = arith.constant 0 : i32
        %dma_wait3A_434 = arith.constant 0 : i32
        %dma_wait3A_435 = arith.constant 0 : i32
        %dma_wait3A_436 = tpu.memref_slice %arg5[%dma_wait3A_434, %dma_wait3A_435] : memref<2x120xi32, #tpu.memory_space<vmem>> -> memref<1x120xi32, #tpu.memory_space<vmem>>
        %dma_wait3A_437 = tpu.memref_squeeze %dma_wait3A_436 : memref<1x120xi32, #tpu.memory_space<vmem>> -> memref<120xi32, #tpu.memory_space<vmem>>
        %dma_wait3A_438 = arith.constant 0 : i32
        %dma_wait3A_439 = tpu.memref_slice %arg2[%dma_wait3A_432, %add3A_431, %dma_wait3A_433, %dma_wait3A_438] : memref<2x448x6x120xi32, #tpu.memory_space<hbm>> -> memref<1x1x1x120xi32, #tpu.memory_space<hbm>>
        %dma_wait3A_440 = tpu.memref_squeeze %dma_wait3A_439 : memref<1x1x1x120xi32, #tpu.memory_space<hbm>> -> memref<120xi32, #tpu.memory_space<hbm>>
        %dma_wait3A_441 = arith.constant 0 : i32
        %dma_wait3A_442 = tpu.memref_slice %arg5[%dma_wait3A_434, %dma_wait3A_441] : memref<2x120xi32, #tpu.memory_space<vmem>> -> memref<1x120xi32, #tpu.memory_space<vmem>>
        %dma_wait3A_443 = tpu.memref_squeeze %dma_wait3A_442 : memref<1x120xi32, #tpu.memory_space<vmem>> -> memref<120xi32, #tpu.memory_space<vmem>>
        %dma_wait3A_444 = arith.constant 0 : i32
        %dma_wait3A_445 = tpu.memref_slice %arg2[%dma_wait3A_432, %add3A_431, %dma_wait3A_433, %dma_wait3A_444] : memref<2x448x6x120xi32, #tpu.memory_space<hbm>> -> memref<1x1x1x120xi32, #tpu.memory_space<hbm>>
        %dma_wait3A_446 = tpu.memref_squeeze %dma_wait3A_445 : memref<1x1x1x120xi32, #tpu.memory_space<hbm>> -> memref<120xi32, #tpu.memory_space<hbm>>
        tpu.wait_dma2 semaphore(%arg15 : memref<!tpu.dma_semaphore, #tpu.memory_space<semaphore_mem>>) src(%dma_wait3A_446 : memref<120xi32, #tpu.memory_space<hbm>>) dst(%dma_wait3A_443 : memref<120xi32, #tpu.memory_space<vmem>>)
        %add3A_447 = arith.addi %select_n3A, %while3A_222 : i32
        %add3A_448 = arith.constant 1 : i32
        %add3A_449 = arith.addi %add3A_447, %add3A_448 : i32
        %dma_wait3A_450 = arith.constant 1 : i32
        %dma_wait3A_451 = arith.constant 0 : i32
        %dma_wait3A_452 = arith.constant 1 : i32
        %dma_wait3A_453 = arith.constant 0 : i32
        %dma_wait3A_454 = tpu.memref_slice %arg5[%dma_wait3A_452, %dma_wait3A_453] : memref<2x120xi32, #tpu.memory_space<vmem>> -> memref<1x120xi32, #tpu.memory_space<vmem>>
        %dma_wait3A_455 = tpu.memref_squeeze %dma_wait3A_454 : memref<1x120xi32, #tpu.memory_space<vmem>> -> memref<120xi32, #tpu.memory_space<vmem>>
        %dma_wait3A_456 = arith.constant 0 : i32
        %dma_wait3A_457 = tpu.memref_slice %arg2[%dma_wait3A_450, %add3A_449, %dma_wait3A_451, %dma_wait3A_456] : memref<2x448x6x120xi32, #tpu.memory_space<hbm>> -> memref<1x1x1x120xi32, #tpu.memory_space<hbm>>
        %dma_wait3A_458 = tpu.memref_squeeze %dma_wait3A_457 : memref<1x1x1x120xi32, #tpu.memory_space<hbm>> -> memref<120xi32, #tpu.memory_space<hbm>>
        %dma_wait3A_459 = arith.constant 0 : i32
        %dma_wait3A_460 = tpu.memref_slice %arg5[%dma_wait3A_452, %dma_wait3A_459] : memref<2x120xi32, #tpu.memory_space<vmem>> -> memref<1x120xi32, #tpu.memory_space<vmem>>
        %dma_wait3A_461 = tpu.memref_squeeze %dma_wait3A_460 : memref<1x120xi32, #tpu.memory_space<vmem>> -> memref<120xi32, #tpu.memory_space<vmem>>
        %dma_wait3A_462 = arith.constant 0 : i32
        %dma_wait3A_463 = tpu.memref_slice %arg2[%dma_wait3A_450, %add3A_449, %dma_wait3A_451, %dma_wait3A_462] : memref<2x448x6x120xi32, #tpu.memory_space<hbm>> -> memref<1x1x1x120xi32, #tpu.memory_space<hbm>>
        %dma_wait3A_464 = tpu.memref_squeeze %dma_wait3A_463 : memref<1x1x1x120xi32, #tpu.memory_space<hbm>> -> memref<120xi32, #tpu.memory_space<hbm>>
        tpu.wait_dma2 semaphore(%arg15 : memref<!tpu.dma_semaphore, #tpu.memory_space<semaphore_mem>>) src(%dma_wait3A_464 : memref<120xi32, #tpu.memory_space<hbm>>) dst(%dma_wait3A_461 : memref<120xi32, #tpu.memory_space<vmem>>)
        %dma_start3A_465 = arith.constant 0 : i32
        %dma_start3A_466 = arith.constant 0 : i32
        %dma_start3A_467 = tpu.memref_slice %arg5[%dma_start3A_465, %dma_start3A_466] : memref<2x120xi32, #tpu.memory_space<vmem>> -> memref<1x120xi32, #tpu.memory_space<vmem>>
        %dma_start3A_468 = tpu.memref_squeeze %dma_start3A_467 : memref<1x120xi32, #tpu.memory_space<vmem>> -> memref<120xi32, #tpu.memory_space<vmem>>
        %dma_start3A_469 = arith.constant 0 : i32
        %dma_start3A_470 = arith.constant 0 : i32
        %dma_start3A_471 = tpu.memref_slice %arg3[%dma_start3A_469, %dma_start3A_470] : memref<10240x128xf32, #tpu.memory_space<hbm>> -> memref<10240x128xf32, #tpu.memory_space<hbm>>
        tpu.enqueue_indirect_dma source(%dma_start3A_471 : memref<10240x128xf32, #tpu.memory_space<hbm>>) target(%arg11 : memref<120x128xf32, #tpu.memory_space<vmem>>) offsets(%dma_start3A_468 : memref<120xi32, #tpu.memory_space<vmem>>) semaphore(%arg21 : memref<!tpu.dma_semaphore, #tpu.memory_space<semaphore_mem>>)
      } else {
      }
      %add3A_388 = arith.constant 3 : i32
      %add3A_389 = arith.addi %add3A_362, %add3A_388 : i32
      %lt3A_390 = arith.cmpi slt, %add3A_389, %select_n3A_8 : i32
      %convert_element_type3A_391 = arith.extui %lt3A_390 : i1 to i32
      %cond3A_392 = arith.constant 0 : i32
      %cond3A_393 = arith.cmpi ne, %convert_element_type3A_391, %cond3A_392 : i32
      scf.if %cond3A_393 {
        %add3A_429 = arith.addi %select_n3A, %while3A_222 : i32
        %add3A_430 = arith.constant 1 : i32
        %add3A_431 = arith.addi %add3A_429, %add3A_430 : i32
        %dma_start3A_432 = arith.constant 0 : i32
        %dma_start3A_433 = arith.constant 1 : i32
        %dma_start3A_434 = arith.constant 0 : i32
        %dma_start3A_435 = arith.constant 0 : i32
        %dma_start3A_436 = tpu.memref_slice %arg6[%dma_start3A_434, %dma_start3A_435] : memref<2x120xi32, #tpu.memory_space<vmem>> -> memref<1x120xi32, #tpu.memory_space<vmem>>
        %dma_start3A_437 = tpu.memref_squeeze %dma_start3A_436 : memref<1x120xi32, #tpu.memory_space<vmem>> -> memref<120xi32, #tpu.memory_space<vmem>>
        %dma_start3A_438 = arith.constant 0 : i32
        %dma_start3A_439 = tpu.memref_slice %arg2[%dma_start3A_432, %add3A_431, %dma_start3A_433, %dma_start3A_438] : memref<2x448x6x120xi32, #tpu.memory_space<hbm>> -> memref<1x1x1x120xi32, #tpu.memory_space<hbm>>
        %dma_start3A_440 = tpu.memref_squeeze %dma_start3A_439 : memref<1x1x1x120xi32, #tpu.memory_space<hbm>> -> memref<120xi32, #tpu.memory_space<hbm>>
        %dma_start3A_441 = arith.constant 0 : i32
        %dma_start3A_442 = tpu.memref_slice %arg6[%dma_start3A_434, %dma_start3A_441] : memref<2x120xi32, #tpu.memory_space<vmem>> -> memref<1x120xi32, #tpu.memory_space<vmem>>
        %dma_start3A_443 = tpu.memref_squeeze %dma_start3A_442 : memref<1x120xi32, #tpu.memory_space<vmem>> -> memref<120xi32, #tpu.memory_space<vmem>>
        %dma_start3A_444 = arith.constant 0 : i32
        %dma_start3A_445 = tpu.memref_slice %arg2[%dma_start3A_432, %add3A_431, %dma_start3A_433, %dma_start3A_444] : memref<2x448x6x120xi32, #tpu.memory_space<hbm>> -> memref<1x1x1x120xi32, #tpu.memory_space<hbm>>
        %dma_start3A_446 = tpu.memref_squeeze %dma_start3A_445 : memref<1x1x1x120xi32, #tpu.memory_space<hbm>> -> memref<120xi32, #tpu.memory_space<hbm>>
        tpu.enqueue_dma source(%dma_start3A_446 : memref<120xi32, #tpu.memory_space<hbm>>) target(%dma_start3A_443 : memref<120xi32, #tpu.memory_space<vmem>>) target_semaphore(%arg16 : memref<!tpu.dma_semaphore, #tpu.memory_space<semaphore_mem>>)
        %add3A_447 = arith.addi %select_n3A, %while3A_222 : i32
        %add3A_448 = arith.constant 1 : i32
        %add3A_449 = arith.addi %add3A_447, %add3A_448 : i32
        %dma_start3A_450 = arith.constant 1 : i32
        %dma_start3A_451 = arith.constant 1 : i32
        %dma_start3A_452 = arith.constant 1 : i32
        %dma_start3A_453 = arith.constant 0 : i32
        %dma_start3A_454 = tpu.memref_slice %arg6[%dma_start3A_452, %dma_start3A_453] : memref<2x120xi32, #tpu.memory_space<vmem>> -> memref<1x120xi32, #tpu.memory_space<vmem>>
        %dma_start3A_455 = tpu.memref_squeeze %dma_start3A_454 : memref<1x120xi32, #tpu.memory_space<vmem>> -> memref<120xi32, #tpu.memory_space<vmem>>
        %dma_start3A_456 = arith.constant 0 : i32
        %dma_start3A_457 = tpu.memref_slice %arg2[%dma_start3A_450, %add3A_449, %dma_start3A_451, %dma_start3A_456] : memref<2x448x6x120xi32, #tpu.memory_space<hbm>> -> memref<1x1x1x120xi32, #tpu.memory_space<hbm>>
        %dma_start3A_458 = tpu.memref_squeeze %dma_start3A_457 : memref<1x1x1x120xi32, #tpu.memory_space<hbm>> -> memref<120xi32, #tpu.memory_space<hbm>>
        %dma_start3A_459 = arith.constant 0 : i32
        %dma_start3A_460 = tpu.memref_slice %arg6[%dma_start3A_452, %dma_start3A_459] : memref<2x120xi32, #tpu.memory_space<vmem>> -> memref<1x120xi32, #tpu.memory_space<vmem>>
        %dma_start3A_461 = tpu.memref_squeeze %dma_start3A_460 : memref<1x120xi32, #tpu.memory_space<vmem>> -> memref<120xi32, #tpu.memory_space<vmem>>
        %dma_start3A_462 = arith.constant 0 : i32
        %dma_start3A_463 = tpu.memref_slice %arg2[%dma_start3A_450, %add3A_449, %dma_start3A_451, %dma_start3A_462] : memref<2x448x6x120xi32, #tpu.memory_space<hbm>> -> memref<1x1x1x120xi32, #tpu.memory_space<hbm>>
        %dma_start3A_464 = tpu.memref_squeeze %dma_start3A_463 : memref<1x1x1x120xi32, #tpu.memory_space<hbm>> -> memref<120xi32, #tpu.memory_space<hbm>>
        tpu.enqueue_dma source(%dma_start3A_464 : memref<120xi32, #tpu.memory_space<hbm>>) target(%dma_start3A_461 : memref<120xi32, #tpu.memory_space<vmem>>) target_semaphore(%arg16 : memref<!tpu.dma_semaphore, #tpu.memory_space<semaphore_mem>>)
      } else {
      }
      %mul3A_394 = arith.constant 6 : i32
      %mul3A_395 = arith.muli %while3A_222, %mul3A_394 : i32
      %add3A_396 = arith.constant 5 : i32
      %add3A_397 = arith.addi %mul3A_395, %add3A_396 : i32
      %dma_wait3A_398 = arith.constant 0 : i32
      %dma_wait3A_399 = arith.constant 0 : i32
      %dma_wait3A_400 = tpu.memref_slice %arg10[%dma_wait3A_398, %dma_wait3A_399] : memref<2x120xi32, #tpu.memory_space<vmem>> -> memref<1x120xi32, #tpu.memory_space<vmem>>
      %dma_wait3A_401 = tpu.memref_squeeze %dma_wait3A_400 : memref<1x120xi32, #tpu.memory_space<vmem>> -> memref<120xi32, #tpu.memory_space<vmem>>
      %dma_wait3A_402 = arith.constant 0 : i32
      %dma_wait3A_403 = arith.constant 0 : i32
      %dma_wait3A_404 = tpu.memref_slice %arg3[%dma_wait3A_402, %dma_wait3A_403] : memref<10240x128xf32, #tpu.memory_space<hbm>> -> memref<10240x128xf32, #tpu.memory_space<hbm>>
      tpu.wait_indirect_dma semaphore(%arg23 : memref<!tpu.dma_semaphore, #tpu.memory_space<semaphore_mem>>) src(%dma_wait3A_404 : memref<10240x128xf32, #tpu.memory_space<hbm>>) dst(%arg13 : memref<120x128xf32, #tpu.memory_space<vmem>>)
      %dma_start3A_405 = arith.constant 1 : i32
      %dma_start3A_406 = arith.constant 0 : i32
      %dma_start3A_407 = tpu.memref_slice %arg10[%dma_start3A_405, %dma_start3A_406] : memref<2x120xi32, #tpu.memory_space<vmem>> -> memref<1x120xi32, #tpu.memory_space<vmem>>
      %dma_start3A_408 = tpu.memref_squeeze %dma_start3A_407 : memref<1x120xi32, #tpu.memory_space<vmem>> -> memref<120xi32, #tpu.memory_space<vmem>>
      %dma_start3A_409 = arith.constant 0 : i32
      %dma_start3A_410 = arith.constant 0 : i32
      %dma_start3A_411 = tpu.memref_slice %arg14[%dma_start3A_409, %dma_start3A_410] : memref<10240x128xf32, #tpu.memory_space<vmem_shared>> -> memref<10240x128xf32, #tpu.memory_space<vmem_shared>>
      tpu.enqueue_indirect_dma source(%arg13 : memref<120x128xf32, #tpu.memory_space<vmem>>) target(%dma_start3A_411 : memref<10240x128xf32, #tpu.memory_space<vmem_shared>>) offsets(%dma_start3A_408 : memref<120xi32, #tpu.memory_space<vmem>>) semaphore(%arg26 : memref<!tpu.dma_semaphore, #tpu.memory_space<semaphore_mem>>) {add = true}
      %ge3A_412 = arith.constant 1 : i32
      %ge3A_413 = arith.cmpi sge, %add3A_397, %ge3A_412 : i32
      %convert_element_type3A_414 = arith.extui %ge3A_413 : i1 to i32
      %cond3A_415 = arith.constant 0 : i32
      %cond3A_416 = arith.cmpi ne, %convert_element_type3A_414, %cond3A_415 : i32
      scf.if %cond3A_416 {
        %dma_wait3A_429 = arith.constant 1 : i32
        %dma_wait3A_430 = arith.constant 0 : i32
        %dma_wait3A_431 = tpu.memref_slice %arg9[%dma_wait3A_429, %dma_wait3A_430] : memref<2x120xi32, #tpu.memory_space<vmem>> -> memref<1x120xi32, #tpu.memory_space<vmem>>
        %dma_wait3A_432 = tpu.memref_squeeze %dma_wait3A_431 : memref<1x120xi32, #tpu.memory_space<vmem>> -> memref<120xi32, #tpu.memory_space<vmem>>
        %dma_wait3A_433 = arith.constant 0 : i32
        %dma_wait3A_434 = arith.constant 0 : i32
        %dma_wait3A_435 = tpu.memref_slice %arg14[%dma_wait3A_433, %dma_wait3A_434] : memref<10240x128xf32, #tpu.memory_space<vmem_shared>> -> memref<10240x128xf32, #tpu.memory_space<vmem_shared>>
        tpu.wait_indirect_dma semaphore(%arg25 : memref<!tpu.dma_semaphore, #tpu.memory_space<semaphore_mem>>) src(%arg12 : memref<120x128xf32, #tpu.memory_space<vmem>>) dst(%dma_wait3A_435 : memref<10240x128xf32, #tpu.memory_space<vmem_shared>>)
      } else {
      }
      %add3A_417 = arith.constant 2 : i32
      %add3A_418 = arith.addi %add3A_397, %add3A_417 : i32
      %lt3A_419 = arith.cmpi slt, %add3A_418, %select_n3A_8 : i32
      %convert_element_type3A_420 = arith.extui %lt3A_419 : i1 to i32
      %cond3A_421 = arith.constant 0 : i32
      %cond3A_422 = arith.cmpi ne, %convert_element_type3A_420, %cond3A_421 : i32
      scf.if %cond3A_422 {
        %add3A_429 = arith.addi %select_n3A, %while3A_222 : i32
        %add3A_430 = arith.constant 1 : i32
        %add3A_431 = arith.addi %add3A_429, %add3A_430 : i32
        %dma_wait3A_432 = arith.constant 0 : i32
        %dma_wait3A_433 = arith.constant 1 : i32
        %dma_wait3A_434 = arith.constant 0 : i32
        %dma_wait3A_435 = arith.constant 0 : i32
        %dma_wait3A_436 = tpu.memref_slice %arg6[%dma_wait3A_434, %dma_wait3A_435] : memref<2x120xi32, #tpu.memory_space<vmem>> -> memref<1x120xi32, #tpu.memory_space<vmem>>
        %dma_wait3A_437 = tpu.memref_squeeze %dma_wait3A_436 : memref<1x120xi32, #tpu.memory_space<vmem>> -> memref<120xi32, #tpu.memory_space<vmem>>
        %dma_wait3A_438 = arith.constant 0 : i32
        %dma_wait3A_439 = tpu.memref_slice %arg2[%dma_wait3A_432, %add3A_431, %dma_wait3A_433, %dma_wait3A_438] : memref<2x448x6x120xi32, #tpu.memory_space<hbm>> -> memref<1x1x1x120xi32, #tpu.memory_space<hbm>>
        %dma_wait3A_440 = tpu.memref_squeeze %dma_wait3A_439 : memref<1x1x1x120xi32, #tpu.memory_space<hbm>> -> memref<120xi32, #tpu.memory_space<hbm>>
        %dma_wait3A_441 = arith.constant 0 : i32
        %dma_wait3A_442 = tpu.memref_slice %arg6[%dma_wait3A_434, %dma_wait3A_441] : memref<2x120xi32, #tpu.memory_space<vmem>> -> memref<1x120xi32, #tpu.memory_space<vmem>>
        %dma_wait3A_443 = tpu.memref_squeeze %dma_wait3A_442 : memref<1x120xi32, #tpu.memory_space<vmem>> -> memref<120xi32, #tpu.memory_space<vmem>>
        %dma_wait3A_444 = arith.constant 0 : i32
        %dma_wait3A_445 = tpu.memref_slice %arg2[%dma_wait3A_432, %add3A_431, %dma_wait3A_433, %dma_wait3A_444] : memref<2x448x6x120xi32, #tpu.memory_space<hbm>> -> memref<1x1x1x120xi32, #tpu.memory_space<hbm>>
        %dma_wait3A_446 = tpu.memref_squeeze %dma_wait3A_445 : memref<1x1x1x120xi32, #tpu.memory_space<hbm>> -> memref<120xi32, #tpu.memory_space<hbm>>
        tpu.wait_dma2 semaphore(%arg16 : memref<!tpu.dma_semaphore, #tpu.memory_space<semaphore_mem>>) src(%dma_wait3A_446 : memref<120xi32, #tpu.memory_space<hbm>>) dst(%dma_wait3A_443 : memref<120xi32, #tpu.memory_space<vmem>>)
        %add3A_447 = arith.addi %select_n3A, %while3A_222 : i32
        %add3A_448 = arith.constant 1 : i32
        %add3A_449 = arith.addi %add3A_447, %add3A_448 : i32
        %dma_wait3A_450 = arith.constant 1 : i32
        %dma_wait3A_451 = arith.constant 1 : i32
        %dma_wait3A_452 = arith.constant 1 : i32
        %dma_wait3A_453 = arith.constant 0 : i32
        %dma_wait3A_454 = tpu.memref_slice %arg6[%dma_wait3A_452, %dma_wait3A_453] : memref<2x120xi32, #tpu.memory_space<vmem>> -> memref<1x120xi32, #tpu.memory_space<vmem>>
        %dma_wait3A_455 = tpu.memref_squeeze %dma_wait3A_454 : memref<1x120xi32, #tpu.memory_space<vmem>> -> memref<120xi32, #tpu.memory_space<vmem>>
        %dma_wait3A_456 = arith.constant 0 : i32
        %dma_wait3A_457 = tpu.memref_slice %arg2[%dma_wait3A_450, %add3A_449, %dma_wait3A_451, %dma_wait3A_456] : memref<2x448x6x120xi32, #tpu.memory_space<hbm>> -> memref<1x1x1x120xi32, #tpu.memory_space<hbm>>
        %dma_wait3A_458 = tpu.memref_squeeze %dma_wait3A_457 : memref<1x1x1x120xi32, #tpu.memory_space<hbm>> -> memref<120xi32, #tpu.memory_space<hbm>>
        %dma_wait3A_459 = arith.constant 0 : i32
        %dma_wait3A_460 = tpu.memref_slice %arg6[%dma_wait3A_452, %dma_wait3A_459] : memref<2x120xi32, #tpu.memory_space<vmem>> -> memref<1x120xi32, #tpu.memory_space<vmem>>
        %dma_wait3A_461 = tpu.memref_squeeze %dma_wait3A_460 : memref<1x120xi32, #tpu.memory_space<vmem>> -> memref<120xi32, #tpu.memory_space<vmem>>
        %dma_wait3A_462 = arith.constant 0 : i32
        %dma_wait3A_463 = tpu.memref_slice %arg2[%dma_wait3A_450, %add3A_449, %dma_wait3A_451, %dma_wait3A_462] : memref<2x448x6x120xi32, #tpu.memory_space<hbm>> -> memref<1x1x1x120xi32, #tpu.memory_space<hbm>>
        %dma_wait3A_464 = tpu.memref_squeeze %dma_wait3A_463 : memref<1x1x1x120xi32, #tpu.memory_space<hbm>> -> memref<120xi32, #tpu.memory_space<hbm>>
        tpu.wait_dma2 semaphore(%arg16 : memref<!tpu.dma_semaphore, #tpu.memory_space<semaphore_mem>>) src(%dma_wait3A_464 : memref<120xi32, #tpu.memory_space<hbm>>) dst(%dma_wait3A_461 : memref<120xi32, #tpu.memory_space<vmem>>)
        %dma_start3A_465 = arith.constant 0 : i32
        %dma_start3A_466 = arith.constant 0 : i32
        %dma_start3A_467 = tpu.memref_slice %arg6[%dma_start3A_465, %dma_start3A_466] : memref<2x120xi32, #tpu.memory_space<vmem>> -> memref<1x120xi32, #tpu.memory_space<vmem>>
        %dma_start3A_468 = tpu.memref_squeeze %dma_start3A_467 : memref<1x120xi32, #tpu.memory_space<vmem>> -> memref<120xi32, #tpu.memory_space<vmem>>
        %dma_start3A_469 = arith.constant 0 : i32
        %dma_start3A_470 = arith.constant 0 : i32
        %dma_start3A_471 = tpu.memref_slice %arg3[%dma_start3A_469, %dma_start3A_470] : memref<10240x128xf32, #tpu.memory_space<hbm>> -> memref<10240x128xf32, #tpu.memory_space<hbm>>
        tpu.enqueue_indirect_dma source(%dma_start3A_471 : memref<10240x128xf32, #tpu.memory_space<hbm>>) target(%arg12 : memref<120x128xf32, #tpu.memory_space<vmem>>) offsets(%dma_start3A_468 : memref<120xi32, #tpu.memory_space<vmem>>) semaphore(%arg22 : memref<!tpu.dma_semaphore, #tpu.memory_space<semaphore_mem>>)
      } else {
      }
      %add3A_423 = arith.constant 3 : i32
      %add3A_424 = arith.addi %add3A_397, %add3A_423 : i32
      %lt3A_425 = arith.cmpi slt, %add3A_424, %select_n3A_8 : i32
      %convert_element_type3A_426 = arith.extui %lt3A_425 : i1 to i32
      %cond3A_427 = arith.constant 0 : i32
      %cond3A_428 = arith.cmpi ne, %convert_element_type3A_426, %cond3A_427 : i32
      scf.if %cond3A_428 {
        %add3A_429 = arith.addi %select_n3A, %while3A_222 : i32
        %add3A_430 = arith.constant 1 : i32
        %add3A_431 = arith.addi %add3A_429, %add3A_430 : i32
        %dma_start3A_432 = arith.constant 0 : i32
        %dma_start3A_433 = arith.constant 2 : i32
        %dma_start3A_434 = arith.constant 0 : i32
        %dma_start3A_435 = arith.constant 0 : i32
        %dma_start3A_436 = tpu.memref_slice %arg7[%dma_start3A_434, %dma_start3A_435] : memref<2x120xi32, #tpu.memory_space<vmem>> -> memref<1x120xi32, #tpu.memory_space<vmem>>
        %dma_start3A_437 = tpu.memref_squeeze %dma_start3A_436 : memref<1x120xi32, #tpu.memory_space<vmem>> -> memref<120xi32, #tpu.memory_space<vmem>>
        %dma_start3A_438 = arith.constant 0 : i32
        %dma_start3A_439 = tpu.memref_slice %arg2[%dma_start3A_432, %add3A_431, %dma_start3A_433, %dma_start3A_438] : memref<2x448x6x120xi32, #tpu.memory_space<hbm>> -> memref<1x1x1x120xi32, #tpu.memory_space<hbm>>
        %dma_start3A_440 = tpu.memref_squeeze %dma_start3A_439 : memref<1x1x1x120xi32, #tpu.memory_space<hbm>> -> memref<120xi32, #tpu.memory_space<hbm>>
        %dma_start3A_441 = arith.constant 0 : i32
        %dma_start3A_442 = tpu.memref_slice %arg7[%dma_start3A_434, %dma_start3A_441] : memref<2x120xi32, #tpu.memory_space<vmem>> -> memref<1x120xi32, #tpu.memory_space<vmem>>
        %dma_start3A_443 = tpu.memref_squeeze %dma_start3A_442 : memref<1x120xi32, #tpu.memory_space<vmem>> -> memref<120xi32, #tpu.memory_space<vmem>>
        %dma_start3A_444 = arith.constant 0 : i32
        %dma_start3A_445 = tpu.memref_slice %arg2[%dma_start3A_432, %add3A_431, %dma_start3A_433, %dma_start3A_444] : memref<2x448x6x120xi32, #tpu.memory_space<hbm>> -> memref<1x1x1x120xi32, #tpu.memory_space<hbm>>
        %dma_start3A_446 = tpu.memref_squeeze %dma_start3A_445 : memref<1x1x1x120xi32, #tpu.memory_space<hbm>> -> memref<120xi32, #tpu.memory_space<hbm>>
        tpu.enqueue_dma source(%dma_start3A_446 : memref<120xi32, #tpu.memory_space<hbm>>) target(%dma_start3A_443 : memref<120xi32, #tpu.memory_space<vmem>>) target_semaphore(%arg17 : memref<!tpu.dma_semaphore, #tpu.memory_space<semaphore_mem>>)
        %add3A_447 = arith.addi %select_n3A, %while3A_222 : i32
        %add3A_448 = arith.constant 1 : i32
        %add3A_449 = arith.addi %add3A_447, %add3A_448 : i32
        %dma_start3A_450 = arith.constant 1 : i32
        %dma_start3A_451 = arith.constant 2 : i32
        %dma_start3A_452 = arith.constant 1 : i32
        %dma_start3A_453 = arith.constant 0 : i32
        %dma_start3A_454 = tpu.memref_slice %arg7[%dma_start3A_452, %dma_start3A_453] : memref<2x120xi32, #tpu.memory_space<vmem>> -> memref<1x120xi32, #tpu.memory_space<vmem>>
        %dma_start3A_455 = tpu.memref_squeeze %dma_start3A_454 : memref<1x120xi32, #tpu.memory_space<vmem>> -> memref<120xi32, #tpu.memory_space<vmem>>
        %dma_start3A_456 = arith.constant 0 : i32
        %dma_start3A_457 = tpu.memref_slice %arg2[%dma_start3A_450, %add3A_449, %dma_start3A_451, %dma_start3A_456] : memref<2x448x6x120xi32, #tpu.memory_space<hbm>> -> memref<1x1x1x120xi32, #tpu.memory_space<hbm>>
        %dma_start3A_458 = tpu.memref_squeeze %dma_start3A_457 : memref<1x1x1x120xi32, #tpu.memory_space<hbm>> -> memref<120xi32, #tpu.memory_space<hbm>>
        %dma_start3A_459 = arith.constant 0 : i32
        %dma_start3A_460 = tpu.memref_slice %arg7[%dma_start3A_452, %dma_start3A_459] : memref<2x120xi32, #tpu.memory_space<vmem>> -> memref<1x120xi32, #tpu.memory_space<vmem>>
        %dma_start3A_461 = tpu.memref_squeeze %dma_start3A_460 : memref<1x120xi32, #tpu.memory_space<vmem>> -> memref<120xi32, #tpu.memory_space<vmem>>
        %dma_start3A_462 = arith.constant 0 : i32
        %dma_start3A_463 = tpu.memref_slice %arg2[%dma_start3A_450, %add3A_449, %dma_start3A_451, %dma_start3A_462] : memref<2x448x6x120xi32, #tpu.memory_space<hbm>> -> memref<1x1x1x120xi32, #tpu.memory_space<hbm>>
        %dma_start3A_464 = tpu.memref_squeeze %dma_start3A_463 : memref<1x1x1x120xi32, #tpu.memory_space<hbm>> -> memref<120xi32, #tpu.memory_space<hbm>>
        tpu.enqueue_dma source(%dma_start3A_464 : memref<120xi32, #tpu.memory_space<hbm>>) target(%dma_start3A_461 : memref<120xi32, #tpu.memory_space<vmem>>) target_semaphore(%arg17 : memref<!tpu.dma_semaphore, #tpu.memory_space<semaphore_mem>>)
      } else {
      }
    }
    %dma_wait3A = arith.constant 1 : i32
    %dma_wait3A_109 = arith.constant 0 : i32
    %dma_wait3A_110 = tpu.memref_slice %arg10[%dma_wait3A, %dma_wait3A_109] : memref<2x120xi32, #tpu.memory_space<vmem>> -> memref<1x120xi32, #tpu.memory_space<vmem>>
    %dma_wait3A_111 = tpu.memref_squeeze %dma_wait3A_110 : memref<1x120xi32, #tpu.memory_space<vmem>> -> memref<120xi32, #tpu.memory_space<vmem>>
    %dma_wait3A_112 = arith.constant 0 : i32
    %dma_wait3A_113 = arith.constant 0 : i32
    %dma_wait3A_114 = tpu.memref_slice %arg14[%dma_wait3A_112, %dma_wait3A_113] : memref<10240x128xf32, #tpu.memory_space<vmem_shared>> -> memref<10240x128xf32, #tpu.memory_space<vmem_shared>>
    tpu.wait_indirect_dma semaphore(%arg26 : memref<!tpu.dma_semaphore, #tpu.memory_space<semaphore_mem>>) src(%arg13 : memref<120x128xf32, #tpu.memory_space<vmem>>) dst(%dma_wait3A_114 : memref<10240x128xf32, #tpu.memory_space<vmem_shared>>)
    %barrier3A_115 = arith.constant 0 : index
    tpu.barrier barrier_id(%barrier3A_115)
    %add3A_116 = arith.constant 0 : i32
    %add3A_117 = arith.addi %mul3A_15, %add3A_116 : i32
    "tpu.region"() ({
      %run_scoped3A_222 = tpu.sem_alloc : memref<!tpu.dma_semaphore, #tpu.memory_space<semaphore_mem>>
      %dma_start3A_223 = arith.constant 0 : i32
      %dma_start3A_224 = tpu.memref_slice %arg14[%add3A_117, %dma_start3A_223] : memref<10240x128xf32, #tpu.memory_space<vmem_shared>> -> memref<120x128xf32, #tpu.memory_space<vmem_shared>>
      %dma_start3A_225 = arith.constant 0 : i32
      %dma_start3A_226 = tpu.memref_slice %arg14[%add3A_117, %dma_start3A_225] : memref<10240x128xf32, #tpu.memory_space<vmem_shared>> -> memref<120x128xf32, #tpu.memory_space<vmem_shared>>
      tpu.enqueue_dma source(%dma_start3A_226 : memref<120x128xf32, #tpu.memory_space<vmem_shared>>) target(%arg11 : memref<120x128xf32, #tpu.memory_space<vmem>>) target_semaphore(%run_scoped3A_222 : memref<!tpu.dma_semaphore, #tpu.memory_space<semaphore_mem>>)
      %dma_wait3A_227 = arith.constant 0 : i32
      %dma_wait3A_228 = tpu.memref_slice %arg14[%add3A_117, %dma_wait3A_227] : memref<10240x128xf32, #tpu.memory_space<vmem_shared>> -> memref<120x128xf32, #tpu.memory_space<vmem_shared>>
      %dma_wait3A_229 = arith.constant 0 : i32
      %dma_wait3A_230 = tpu.memref_slice %arg14[%add3A_117, %dma_wait3A_229] : memref<10240x128xf32, #tpu.memory_space<vmem_shared>> -> memref<120x128xf32, #tpu.memory_space<vmem_shared>>
      tpu.wait_dma2 semaphore(%run_scoped3A_222 : memref<!tpu.dma_semaphore, #tpu.memory_space<semaphore_mem>>) src(%dma_wait3A_230 : memref<120x128xf32, #tpu.memory_space<vmem_shared>>) dst(%arg11 : memref<120x128xf32, #tpu.memory_space<vmem>>)
      tpu.yield
    }) : () -> ()
    %dma_start3A_118 = arith.constant 0 : i32
    %dma_start3A_119 = tpu.memref_slice %arg4[%arg0, %add3A_117, %dma_start3A_118] : memref<2x10240x128xf32, #tpu.memory_space<hbm>> -> memref<1x120x128xf32, #tpu.memory_space<hbm>>
    %dma_start3A_120 = tpu.memref_squeeze %dma_start3A_119 : memref<1x120x128xf32, #tpu.memory_space<hbm>> -> memref<120x128xf32, #tpu.memory_space<hbm>>
    %dma_start3A_121 = arith.constant 0 : i32
    %dma_start3A_122 = tpu.memref_slice %arg4[%arg0, %add3A_117, %dma_start3A_121] : memref<2x10240x128xf32, #tpu.memory_space<hbm>> -> memref<1x120x128xf32, #tpu.memory_space<hbm>>
    %dma_start3A_123 = tpu.memref_squeeze %dma_start3A_122 : memref<1x120x128xf32, #tpu.memory_space<hbm>> -> memref<120x128xf32, #tpu.memory_space<hbm>>
    tpu.enqueue_dma source(%arg11 : memref<120x128xf32, #tpu.memory_space<vmem>>) target(%dma_start3A_123 : memref<120x128xf32, #tpu.memory_space<hbm>>) target_semaphore(%arg24 : memref<!tpu.dma_semaphore, #tpu.memory_space<semaphore_mem>>)
    %add3A_124 = arith.constant 120 : i32
    %add3A_125 = arith.addi %mul3A_15, %add3A_124 : i32
    "tpu.region"() ({
      %run_scoped3A_222 = tpu.sem_alloc : memref<!tpu.dma_semaphore, #tpu.memory_space<semaphore_mem>>
      %dma_start3A_223 = arith.constant 0 : i32
      %dma_start3A_224 = tpu.memref_slice %arg14[%add3A_125, %dma_start3A_223] : memref<10240x128xf32, #tpu.memory_space<vmem_shared>> -> memref<120x128xf32, #tpu.memory_space<vmem_shared>>
      %dma_start3A_225 = arith.constant 0 : i32
      %dma_start3A_226 = tpu.memref_slice %arg14[%add3A_125, %dma_start3A_225] : memref<10240x128xf32, #tpu.memory_space<vmem_shared>> -> memref<120x128xf32, #tpu.memory_space<vmem_shared>>
      tpu.enqueue_dma source(%dma_start3A_226 : memref<120x128xf32, #tpu.memory_space<vmem_shared>>) target(%arg12 : memref<120x128xf32, #tpu.memory_space<vmem>>) target_semaphore(%run_scoped3A_222 : memref<!tpu.dma_semaphore, #tpu.memory_space<semaphore_mem>>)
      %dma_wait3A_227 = arith.constant 0 : i32
      %dma_wait3A_228 = tpu.memref_slice %arg14[%add3A_125, %dma_wait3A_227] : memref<10240x128xf32, #tpu.memory_space<vmem_shared>> -> memref<120x128xf32, #tpu.memory_space<vmem_shared>>
      %dma_wait3A_229 = arith.constant 0 : i32
      %dma_wait3A_230 = tpu.memref_slice %arg14[%add3A_125, %dma_wait3A_229] : memref<10240x128xf32, #tpu.memory_space<vmem_shared>> -> memref<120x128xf32, #tpu.memory_space<vmem_shared>>
      tpu.wait_dma2 semaphore(%run_scoped3A_222 : memref<!tpu.dma_semaphore, #tpu.memory_space<semaphore_mem>>) src(%dma_wait3A_230 : memref<120x128xf32, #tpu.memory_space<vmem_shared>>) dst(%arg12 : memref<120x128xf32, #tpu.memory_space<vmem>>)
      tpu.yield
    }) : () -> ()
    %dma_start3A_126 = arith.constant 0 : i32
    %dma_start3A_127 = tpu.memref_slice %arg4[%arg0, %add3A_125, %dma_start3A_126] : memref<2x10240x128xf32, #tpu.memory_space<hbm>> -> memref<1x120x128xf32, #tpu.memory_space<hbm>>
    %dma_start3A_128 = tpu.memref_squeeze %dma_start3A_127 : memref<1x120x128xf32, #tpu.memory_space<hbm>> -> memref<120x128xf32, #tpu.memory_space<hbm>>
    %dma_start3A_129 = arith.constant 0 : i32
    %dma_start3A_130 = tpu.memref_slice %arg4[%arg0, %add3A_125, %dma_start3A_129] : memref<2x10240x128xf32, #tpu.memory_space<hbm>> -> memref<1x120x128xf32, #tpu.memory_space<hbm>>
    %dma_start3A_131 = tpu.memref_squeeze %dma_start3A_130 : memref<1x120x128xf32, #tpu.memory_space<hbm>> -> memref<120x128xf32, #tpu.memory_space<hbm>>
    tpu.enqueue_dma source(%arg12 : memref<120x128xf32, #tpu.memory_space<vmem>>) target(%dma_start3A_131 : memref<120x128xf32, #tpu.memory_space<hbm>>) target_semaphore(%arg25 : memref<!tpu.dma_semaphore, #tpu.memory_space<semaphore_mem>>)
    %add3A_132 = arith.constant 240 : i32
    %add3A_133 = arith.addi %mul3A_15, %add3A_132 : i32
    %add3A_134 = arith.constant 0 : i32
    %add3A_135 = arith.addi %mul3A_15, %add3A_134 : i32
    %dma_wait3A_136 = arith.constant 0 : i32
    %dma_wait3A_137 = tpu.memref_slice %arg4[%arg0, %add3A_135, %dma_wait3A_136] : memref<2x10240x128xf32, #tpu.memory_space<hbm>> -> memref<1x120x128xf32, #tpu.memory_space<hbm>>
    %dma_wait3A_138 = tpu.memref_squeeze %dma_wait3A_137 : memref<1x120x128xf32, #tpu.memory_space<hbm>> -> memref<120x128xf32, #tpu.memory_space<hbm>>
    %dma_wait3A_139 = arith.constant 0 : i32
    %dma_wait3A_140 = tpu.memref_slice %arg4[%arg0, %add3A_135, %dma_wait3A_139] : memref<2x10240x128xf32, #tpu.memory_space<hbm>> -> memref<1x120x128xf32, #tpu.memory_space<hbm>>
    %dma_wait3A_141 = tpu.memref_squeeze %dma_wait3A_140 : memref<1x120x128xf32, #tpu.memory_space<hbm>> -> memref<120x128xf32, #tpu.memory_space<hbm>>
    tpu.wait_dma2 semaphore(%arg24 : memref<!tpu.dma_semaphore, #tpu.memory_space<semaphore_mem>>) src(%arg11 : memref<120x128xf32, #tpu.memory_space<vmem>>) dst(%dma_wait3A_141 : memref<120x128xf32, #tpu.memory_space<hbm>>)
    "tpu.region"() ({
      %run_scoped3A_222 = tpu.sem_alloc : memref<!tpu.dma_semaphore, #tpu.memory_space<semaphore_mem>>
      %dma_start3A_223 = arith.constant 0 : i32
      %dma_start3A_224 = tpu.memref_slice %arg14[%add3A_133, %dma_start3A_223] : memref<10240x128xf32, #tpu.memory_space<vmem_shared>> -> memref<120x128xf32, #tpu.memory_space<vmem_shared>>
      %dma_start3A_225 = arith.constant 0 : i32
      %dma_start3A_226 = tpu.memref_slice %arg14[%add3A_133, %dma_start3A_225] : memref<10240x128xf32, #tpu.memory_space<vmem_shared>> -> memref<120x128xf32, #tpu.memory_space<vmem_shared>>
      tpu.enqueue_dma source(%dma_start3A_226 : memref<120x128xf32, #tpu.memory_space<vmem_shared>>) target(%arg11 : memref<120x128xf32, #tpu.memory_space<vmem>>) target_semaphore(%run_scoped3A_222 : memref<!tpu.dma_semaphore, #tpu.memory_space<semaphore_mem>>)
      %dma_wait3A_227 = arith.constant 0 : i32
      %dma_wait3A_228 = tpu.memref_slice %arg14[%add3A_133, %dma_wait3A_227] : memref<10240x128xf32, #tpu.memory_space<vmem_shared>> -> memref<120x128xf32, #tpu.memory_space<vmem_shared>>
      %dma_wait3A_229 = arith.constant 0 : i32
      %dma_wait3A_230 = tpu.memref_slice %arg14[%add3A_133, %dma_wait3A_229] : memref<10240x128xf32, #tpu.memory_space<vmem_shared>> -> memref<120x128xf32, #tpu.memory_space<vmem_shared>>
      tpu.wait_dma2 semaphore(%run_scoped3A_222 : memref<!tpu.dma_semaphore, #tpu.memory_space<semaphore_mem>>) src(%dma_wait3A_230 : memref<120x128xf32, #tpu.memory_space<vmem_shared>>) dst(%arg11 : memref<120x128xf32, #tpu.memory_space<vmem>>)
      tpu.yield
    }) : () -> ()
    %dma_start3A_142 = arith.constant 0 : i32
    %dma_start3A_143 = tpu.memref_slice %arg4[%arg0, %add3A_133, %dma_start3A_142] : memref<2x10240x128xf32, #tpu.memory_space<hbm>> -> memref<1x120x128xf32, #tpu.memory_space<hbm>>
    %dma_start3A_144 = tpu.memref_squeeze %dma_start3A_143 : memref<1x120x128xf32, #tpu.memory_space<hbm>> -> memref<120x128xf32, #tpu.memory_space<hbm>>
    %dma_start3A_145 = arith.constant 0 : i32
    %dma_start3A_146 = tpu.memref_slice %arg4[%arg0, %add3A_133, %dma_start3A_145] : memref<2x10240x128xf32, #tpu.memory_space<hbm>> -> memref<1x120x128xf32, #tpu.memory_space<hbm>>
    %dma_start3A_147 = tpu.memref_squeeze %dma_start3A_146 : memref<1x120x128xf32, #tpu.memory_space<hbm>> -> memref<120x128xf32, #tpu.memory_space<hbm>>
    tpu.enqueue_dma source(%arg11 : memref<120x128xf32, #tpu.memory_space<vmem>>) target(%dma_start3A_147 : memref<120x128xf32, #tpu.memory_space<hbm>>) target_semaphore(%arg24 : memref<!tpu.dma_semaphore, #tpu.memory_space<semaphore_mem>>)
    %add3A_148 = arith.constant 360 : i32
    %add3A_149 = arith.addi %mul3A_15, %add3A_148 : i32
    %add3A_150 = arith.constant 120 : i32
    %add3A_151 = arith.addi %mul3A_15, %add3A_150 : i32
    %dma_wait3A_152 = arith.constant 0 : i32
    %dma_wait3A_153 = tpu.memref_slice %arg4[%arg0, %add3A_151, %dma_wait3A_152] : memref<2x10240x128xf32, #tpu.memory_space<hbm>> -> memref<1x120x128xf32, #tpu.memory_space<hbm>>
    %dma_wait3A_154 = tpu.memref_squeeze %dma_wait3A_153 : memref<1x120x128xf32, #tpu.memory_space<hbm>> -> memref<120x128xf32, #tpu.memory_space<hbm>>
    %dma_wait3A_155 = arith.constant 0 : i32
    %dma_wait3A_156 = tpu.memref_slice %arg4[%arg0, %add3A_151, %dma_wait3A_155] : memref<2x10240x128xf32, #tpu.memory_space<hbm>> -> memref<1x120x128xf32, #tpu.memory_space<hbm>>
    %dma_wait3A_157 = tpu.memref_squeeze %dma_wait3A_156 : memref<1x120x128xf32, #tpu.memory_space<hbm>> -> memref<120x128xf32, #tpu.memory_space<hbm>>
    tpu.wait_dma2 semaphore(%arg25 : memref<!tpu.dma_semaphore, #tpu.memory_space<semaphore_mem>>) src(%arg12 : memref<120x128xf32, #tpu.memory_space<vmem>>) dst(%dma_wait3A_157 : memref<120x128xf32, #tpu.memory_space<hbm>>)
    "tpu.region"() ({
      %run_scoped3A_222 = tpu.sem_alloc : memref<!tpu.dma_semaphore, #tpu.memory_space<semaphore_mem>>
      %dma_start3A_223 = arith.constant 0 : i32
      %dma_start3A_224 = tpu.memref_slice %arg14[%add3A_149, %dma_start3A_223] : memref<10240x128xf32, #tpu.memory_space<vmem_shared>> -> memref<120x128xf32, #tpu.memory_space<vmem_shared>>
      %dma_start3A_225 = arith.constant 0 : i32
      %dma_start3A_226 = tpu.memref_slice %arg14[%add3A_149, %dma_start3A_225] : memref<10240x128xf32, #tpu.memory_space<vmem_shared>> -> memref<120x128xf32, #tpu.memory_space<vmem_shared>>
      tpu.enqueue_dma source(%dma_start3A_226 : memref<120x128xf32, #tpu.memory_space<vmem_shared>>) target(%arg12 : memref<120x128xf32, #tpu.memory_space<vmem>>) target_semaphore(%run_scoped3A_222 : memref<!tpu.dma_semaphore, #tpu.memory_space<semaphore_mem>>)
      %dma_wait3A_227 = arith.constant 0 : i32
      %dma_wait3A_228 = tpu.memref_slice %arg14[%add3A_149, %dma_wait3A_227] : memref<10240x128xf32, #tpu.memory_space<vmem_shared>> -> memref<120x128xf32, #tpu.memory_space<vmem_shared>>
      %dma_wait3A_229 = arith.constant 0 : i32
      %dma_wait3A_230 = tpu.memref_slice %arg14[%add3A_149, %dma_wait3A_229] : memref<10240x128xf32, #tpu.memory_space<vmem_shared>> -> memref<120x128xf32, #tpu.memory_space<vmem_shared>>
      tpu.wait_dma2 semaphore(%run_scoped3A_222 : memref<!tpu.dma_semaphore, #tpu.memory_space<semaphore_mem>>) src(%dma_wait3A_230 : memref<120x128xf32, #tpu.memory_space<vmem_shared>>) dst(%arg12 : memref<120x128xf32, #tpu.memory_space<vmem>>)
      tpu.yield
    }) : () -> ()
    %dma_start3A_158 = arith.constant 0 : i32
    %dma_start3A_159 = tpu.memref_slice %arg4[%arg0, %add3A_149, %dma_start3A_158] : memref<2x10240x128xf32, #tpu.memory_space<hbm>> -> memref<1x120x128xf32, #tpu.memory_space<hbm>>
    %dma_start3A_160 = tpu.memref_squeeze %dma_start3A_159 : memref<1x120x128xf32, #tpu.memory_space<hbm>> -> memref<120x128xf32, #tpu.memory_space<hbm>>
    %dma_start3A_161 = arith.constant 0 : i32
    %dma_start3A_162 = tpu.memref_slice %arg4[%arg0, %add3A_149, %dma_start3A_161] : memref<2x10240x128xf32, #tpu.memory_space<hbm>> -> memref<1x120x128xf32, #tpu.memory_space<hbm>>
    %dma_start3A_163 = tpu.memref_squeeze %dma_start3A_162 : memref<1x120x128xf32, #tpu.memory_space<hbm>> -> memref<120x128xf32, #tpu.memory_space<hbm>>
    tpu.enqueue_dma source(%arg12 : memref<120x128xf32, #tpu.memory_space<vmem>>) target(%dma_start3A_163 : memref<120x128xf32, #tpu.memory_space<hbm>>) target_semaphore(%arg25 : memref<!tpu.dma_semaphore, #tpu.memory_space<semaphore_mem>>)
    %add3A_164 = arith.constant 480 : i32
    %add3A_165 = arith.addi %mul3A_15, %add3A_164 : i32
    %add3A_166 = arith.constant 240 : i32
    %add3A_167 = arith.addi %mul3A_15, %add3A_166 : i32
    %dma_wait3A_168 = arith.constant 0 : i32
    %dma_wait3A_169 = tpu.memref_slice %arg4[%arg0, %add3A_167, %dma_wait3A_168] : memref<2x10240x128xf32, #tpu.memory_space<hbm>> -> memref<1x120x128xf32, #tpu.memory_space<hbm>>
    %dma_wait3A_170 = tpu.memref_squeeze %dma_wait3A_169 : memref<1x120x128xf32, #tpu.memory_space<hbm>> -> memref<120x128xf32, #tpu.memory_space<hbm>>
    %dma_wait3A_171 = arith.constant 0 : i32
    %dma_wait3A_172 = tpu.memref_slice %arg4[%arg0, %add3A_167, %dma_wait3A_171] : memref<2x10240x128xf32, #tpu.memory_space<hbm>> -> memref<1x120x128xf32, #tpu.memory_space<hbm>>
    %dma_wait3A_173 = tpu.memref_squeeze %dma_wait3A_172 : memref<1x120x128xf32, #tpu.memory_space<hbm>> -> memref<120x128xf32, #tpu.memory_space<hbm>>
    tpu.wait_dma2 semaphore(%arg24 : memref<!tpu.dma_semaphore, #tpu.memory_space<semaphore_mem>>) src(%arg11 : memref<120x128xf32, #tpu.memory_space<vmem>>) dst(%dma_wait3A_173 : memref<120x128xf32, #tpu.memory_space<hbm>>)
    "tpu.region"() ({
      %run_scoped3A_222 = tpu.sem_alloc : memref<!tpu.dma_semaphore, #tpu.memory_space<semaphore_mem>>
      %dma_start3A_223 = arith.constant 0 : i32
      %dma_start3A_224 = tpu.memref_slice %arg14[%add3A_165, %dma_start3A_223] : memref<10240x128xf32, #tpu.memory_space<vmem_shared>> -> memref<120x128xf32, #tpu.memory_space<vmem_shared>>
      %dma_start3A_225 = arith.constant 0 : i32
      %dma_start3A_226 = tpu.memref_slice %arg14[%add3A_165, %dma_start3A_225] : memref<10240x128xf32, #tpu.memory_space<vmem_shared>> -> memref<120x128xf32, #tpu.memory_space<vmem_shared>>
      tpu.enqueue_dma source(%dma_start3A_226 : memref<120x128xf32, #tpu.memory_space<vmem_shared>>) target(%arg11 : memref<120x128xf32, #tpu.memory_space<vmem>>) target_semaphore(%run_scoped3A_222 : memref<!tpu.dma_semaphore, #tpu.memory_space<semaphore_mem>>)
      %dma_wait3A_227 = arith.constant 0 : i32
      %dma_wait3A_228 = tpu.memref_slice %arg14[%add3A_165, %dma_wait3A_227] : memref<10240x128xf32, #tpu.memory_space<vmem_shared>> -> memref<120x128xf32, #tpu.memory_space<vmem_shared>>
      %dma_wait3A_229 = arith.constant 0 : i32
      %dma_wait3A_230 = tpu.memref_slice %arg14[%add3A_165, %dma_wait3A_229] : memref<10240x128xf32, #tpu.memory_space<vmem_shared>> -> memref<120x128xf32, #tpu.memory_space<vmem_shared>>
      tpu.wait_dma2 semaphore(%run_scoped3A_222 : memref<!tpu.dma_semaphore, #tpu.memory_space<semaphore_mem>>) src(%dma_wait3A_230 : memref<120x128xf32, #tpu.memory_space<vmem_shared>>) dst(%arg11 : memref<120x128xf32, #tpu.memory_space<vmem>>)
      tpu.yield
    }) : () -> ()
    %dma_start3A_174 = arith.constant 0 : i32
    %dma_start3A_175 = tpu.memref_slice %arg4[%arg0, %add3A_165, %dma_start3A_174] : memref<2x10240x128xf32, #tpu.memory_space<hbm>> -> memref<1x120x128xf32, #tpu.memory_space<hbm>>
    %dma_start3A_176 = tpu.memref_squeeze %dma_start3A_175 : memref<1x120x128xf32, #tpu.memory_space<hbm>> -> memref<120x128xf32, #tpu.memory_space<hbm>>
    %dma_start3A_177 = arith.constant 0 : i32
    %dma_start3A_178 = tpu.memref_slice %arg4[%arg0, %add3A_165, %dma_start3A_177] : memref<2x10240x128xf32, #tpu.memory_space<hbm>> -> memref<1x120x128xf32, #tpu.memory_space<hbm>>
    %dma_start3A_179 = tpu.memref_squeeze %dma_start3A_178 : memref<1x120x128xf32, #tpu.memory_space<hbm>> -> memref<120x128xf32, #tpu.memory_space<hbm>>
    tpu.enqueue_dma source(%arg11 : memref<120x128xf32, #tpu.memory_space<vmem>>) target(%dma_start3A_179 : memref<120x128xf32, #tpu.memory_space<hbm>>) target_semaphore(%arg24 : memref<!tpu.dma_semaphore, #tpu.memory_space<semaphore_mem>>)
    %add3A_180 = arith.constant 600 : i32
    %add3A_181 = arith.addi %mul3A_15, %add3A_180 : i32
    "tpu.region"() ({
      %run_scoped3A_222 = tpu.sem_alloc : memref<!tpu.dma_semaphore, #tpu.memory_space<semaphore_mem>>
      %dma_start3A_223 = arith.constant 0 : i32
      %dma_start3A_224 = arith.constant 0 : i32
      %dma_start3A_225 = tpu.memref_slice %arg13[%dma_start3A_223, %dma_start3A_224] : memref<120x128xf32, #tpu.memory_space<vmem>> -> memref<40x128xf32, #tpu.memory_space<vmem>>
      %dma_start3A_226 = arith.constant 0 : i32
      %dma_start3A_227 = tpu.memref_slice %arg14[%add3A_181, %dma_start3A_226] : memref<10240x128xf32, #tpu.memory_space<vmem_shared>> -> memref<40x128xf32, #tpu.memory_space<vmem_shared>>
      %dma_start3A_228 = arith.constant 0 : i32
      %dma_start3A_229 = arith.constant 0 : i32
      %dma_start3A_230 = tpu.memref_slice %arg13[%dma_start3A_228, %dma_start3A_229] : memref<120x128xf32, #tpu.memory_space<vmem>> -> memref<40x128xf32, #tpu.memory_space<vmem>>
      %dma_start3A_231 = arith.constant 0 : i32
      %dma_start3A_232 = tpu.memref_slice %arg14[%add3A_181, %dma_start3A_231] : memref<10240x128xf32, #tpu.memory_space<vmem_shared>> -> memref<40x128xf32, #tpu.memory_space<vmem_shared>>
      tpu.enqueue_dma source(%dma_start3A_232 : memref<40x128xf32, #tpu.memory_space<vmem_shared>>) target(%dma_start3A_230 : memref<40x128xf32, #tpu.memory_space<vmem>>) target_semaphore(%run_scoped3A_222 : memref<!tpu.dma_semaphore, #tpu.memory_space<semaphore_mem>>)
      %dma_wait3A_233 = arith.constant 0 : i32
      %dma_wait3A_234 = arith.constant 0 : i32
      %dma_wait3A_235 = tpu.memref_slice %arg13[%dma_wait3A_233, %dma_wait3A_234] : memref<120x128xf32, #tpu.memory_space<vmem>> -> memref<40x128xf32, #tpu.memory_space<vmem>>
      %dma_wait3A_236 = arith.constant 0 : i32
      %dma_wait3A_237 = tpu.memref_slice %arg14[%add3A_181, %dma_wait3A_236] : memref<10240x128xf32, #tpu.memory_space<vmem_shared>> -> memref<40x128xf32, #tpu.memory_space<vmem_shared>>
      %dma_wait3A_238 = arith.constant 0 : i32
      %dma_wait3A_239 = arith.constant 0 : i32
      %dma_wait3A_240 = tpu.memref_slice %arg13[%dma_wait3A_238, %dma_wait3A_239] : memref<120x128xf32, #tpu.memory_space<vmem>> -> memref<40x128xf32, #tpu.memory_space<vmem>>
      %dma_wait3A_241 = arith.constant 0 : i32
      %dma_wait3A_242 = tpu.memref_slice %arg14[%add3A_181, %dma_wait3A_241] : memref<10240x128xf32, #tpu.memory_space<vmem_shared>> -> memref<40x128xf32, #tpu.memory_space<vmem_shared>>
      tpu.wait_dma2 semaphore(%run_scoped3A_222 : memref<!tpu.dma_semaphore, #tpu.memory_space<semaphore_mem>>) src(%dma_wait3A_242 : memref<40x128xf32, #tpu.memory_space<vmem_shared>>) dst(%dma_wait3A_240 : memref<40x128xf32, #tpu.memory_space<vmem>>)
      tpu.yield
    }) : () -> ()
    %dma_start3A_182 = arith.constant 0 : i32
    %dma_start3A_183 = arith.constant 0 : i32
    %dma_start3A_184 = tpu.memref_slice %arg13[%dma_start3A_182, %dma_start3A_183] : memref<120x128xf32, #tpu.memory_space<vmem>> -> memref<40x128xf32, #tpu.memory_space<vmem>>
    %dma_start3A_185 = arith.constant 0 : i32
    %dma_start3A_186 = tpu.memref_slice %arg4[%arg0, %add3A_181, %dma_start3A_185] : memref<2x10240x128xf32, #tpu.memory_space<hbm>> -> memref<1x40x128xf32, #tpu.memory_space<hbm>>
    %dma_start3A_187 = tpu.memref_squeeze %dma_start3A_186 : memref<1x40x128xf32, #tpu.memory_space<hbm>> -> memref<40x128xf32, #tpu.memory_space<hbm>>
    %dma_start3A_188 = arith.constant 0 : i32
    %dma_start3A_189 = tpu.memref_slice %arg4[%arg0, %add3A_181, %dma_start3A_188] : memref<2x10240x128xf32, #tpu.memory_space<hbm>> -> memref<1x40x128xf32, #tpu.memory_space<hbm>>
    %dma_start3A_190 = tpu.memref_squeeze %dma_start3A_189 : memref<1x40x128xf32, #tpu.memory_space<hbm>> -> memref<40x128xf32, #tpu.memory_space<hbm>>
    %dma_start3A_191 = arith.constant 0 : i32
    %dma_start3A_192 = arith.constant 0 : i32
    %dma_start3A_193 = tpu.memref_slice %arg13[%dma_start3A_191, %dma_start3A_192] : memref<120x128xf32, #tpu.memory_space<vmem>> -> memref<40x128xf32, #tpu.memory_space<vmem>>
    tpu.enqueue_dma source(%dma_start3A_193 : memref<40x128xf32, #tpu.memory_space<vmem>>) target(%dma_start3A_190 : memref<40x128xf32, #tpu.memory_space<hbm>>) target_semaphore(%arg21 : memref<!tpu.dma_semaphore, #tpu.memory_space<semaphore_mem>>)
    %add3A_194 = arith.constant 360 : i32
    %add3A_195 = arith.addi %mul3A_15, %add3A_194 : i32
    %dma_wait3A_196 = arith.constant 0 : i32
    %dma_wait3A_197 = tpu.memref_slice %arg4[%arg0, %add3A_195, %dma_wait3A_196] : memref<2x10240x128xf32, #tpu.memory_space<hbm>> -> memref<1x120x128xf32, #tpu.memory_space<hbm>>
    %dma_wait3A_198 = tpu.memref_squeeze %dma_wait3A_197 : memref<1x120x128xf32, #tpu.memory_space<hbm>> -> memref<120x128xf32, #tpu.memory_space<hbm>>
    %dma_wait3A_199 = arith.constant 0 : i32
    %dma_wait3A_200 = tpu.memref_slice %arg4[%arg0, %add3A_195, %dma_wait3A_199] : memref<2x10240x128xf32, #tpu.memory_space<hbm>> -> memref<1x120x128xf32, #tpu.memory_space<hbm>>
    %dma_wait3A_201 = tpu.memref_squeeze %dma_wait3A_200 : memref<1x120x128xf32, #tpu.memory_space<hbm>> -> memref<120x128xf32, #tpu.memory_space<hbm>>
    tpu.wait_dma2 semaphore(%arg25 : memref<!tpu.dma_semaphore, #tpu.memory_space<semaphore_mem>>) src(%arg12 : memref<120x128xf32, #tpu.memory_space<vmem>>) dst(%dma_wait3A_201 : memref<120x128xf32, #tpu.memory_space<hbm>>)
    %add3A_202 = arith.constant 480 : i32
    %add3A_203 = arith.addi %mul3A_15, %add3A_202 : i32
    %dma_wait3A_204 = arith.constant 0 : i32
    %dma_wait3A_205 = tpu.memref_slice %arg4[%arg0, %add3A_203, %dma_wait3A_204] : memref<2x10240x128xf32, #tpu.memory_space<hbm>> -> memref<1x120x128xf32, #tpu.memory_space<hbm>>
    %dma_wait3A_206 = tpu.memref_squeeze %dma_wait3A_205 : memref<1x120x128xf32, #tpu.memory_space<hbm>> -> memref<120x128xf32, #tpu.memory_space<hbm>>
    %dma_wait3A_207 = arith.constant 0 : i32
    %dma_wait3A_208 = tpu.memref_slice %arg4[%arg0, %add3A_203, %dma_wait3A_207] : memref<2x10240x128xf32, #tpu.memory_space<hbm>> -> memref<1x120x128xf32, #tpu.memory_space<hbm>>
    %dma_wait3A_209 = tpu.memref_squeeze %dma_wait3A_208 : memref<1x120x128xf32, #tpu.memory_space<hbm>> -> memref<120x128xf32, #tpu.memory_space<hbm>>
    tpu.wait_dma2 semaphore(%arg24 : memref<!tpu.dma_semaphore, #tpu.memory_space<semaphore_mem>>) src(%arg11 : memref<120x128xf32, #tpu.memory_space<vmem>>) dst(%dma_wait3A_209 : memref<120x128xf32, #tpu.memory_space<hbm>>)
    %dma_wait3A_210 = arith.constant 0 : i32
    %dma_wait3A_211 = arith.constant 0 : i32
    %dma_wait3A_212 = tpu.memref_slice %arg13[%dma_wait3A_210, %dma_wait3A_211] : memref<120x128xf32, #tpu.memory_space<vmem>> -> memref<40x128xf32, #tpu.memory_space<vmem>>
    %dma_wait3A_213 = arith.constant 0 : i32
    %dma_wait3A_214 = tpu.memref_slice %arg4[%arg0, %add3A_181, %dma_wait3A_213] : memref<2x10240x128xf32, #tpu.memory_space<hbm>> -> memref<1x40x128xf32, #tpu.memory_space<hbm>>
    %dma_wait3A_215 = tpu.memref_squeeze %dma_wait3A_214 : memref<1x40x128xf32, #tpu.memory_space<hbm>> -> memref<40x128xf32, #tpu.memory_space<hbm>>
    %dma_wait3A_216 = arith.constant 0 : i32
    %dma_wait3A_217 = tpu.memref_slice %arg4[%arg0, %add3A_181, %dma_wait3A_216] : memref<2x10240x128xf32, #tpu.memory_space<hbm>> -> memref<1x40x128xf32, #tpu.memory_space<hbm>>
    %dma_wait3A_218 = tpu.memref_squeeze %dma_wait3A_217 : memref<1x40x128xf32, #tpu.memory_space<hbm>> -> memref<40x128xf32, #tpu.memory_space<hbm>>
    %dma_wait3A_219 = arith.constant 0 : i32
    %dma_wait3A_220 = arith.constant 0 : i32
    %dma_wait3A_221 = tpu.memref_slice %arg13[%dma_wait3A_219, %dma_wait3A_220] : memref<120x128xf32, #tpu.memory_space<vmem>> -> memref<40x128xf32, #tpu.memory_space<vmem>>
    tpu.wait_dma2 semaphore(%arg21 : memref<!tpu.dma_semaphore, #tpu.memory_space<semaphore_mem>>) src(%dma_wait3A_221 : memref<40x128xf32, #tpu.memory_space<vmem>>) dst(%dma_wait3A_218 : memref<40x128xf32, #tpu.memory_space<hbm>>)
    return
  }
}

module attributes {stable_mosaic.version = 14 : i64} {
  func.func @_xs_body(%arg0: i32, %arg1: memref<1024x2xf32, #tpu.memory_space<vmem>>, %arg2: memref<1024x128xf32, #tpu.memory_space<vmem>>, %arg3: memref<1024x128xf32, #tpu.memory_space<vmem>>) attributes {dimension_semantics = [#tpu.dimension_semantics<arbitrary>], iteration_bounds = array<i64: 10>, scalar_prefetch = 0 : i64, scratch_operands = 0 : i64, tpu.core_type = #tpu.core_type<tc>, window_params = [{transform_indices = @transform_0, window_bounds = array<i64: 1024, 2>}, {transform_indices = @transform_1, window_bounds = array<i64: 1024, 128>}, {transform_indices = @transform_2, window_bounds = array<i64: 1024, 128>}]} {
    %get3A = arith.constant 0 : index
    %get3A_0 = arith.constant 0 : index
    %get3A_1 = vector.load %arg1[%get3A, %get3A_0] : memref<1024x2xf32, #tpu.memory_space<vmem>>, vector<1024x1xf32>
    %get3A_2 = arith.constant 0 : index
    %get3A_3 = arith.constant 1 : index
    %get3A_4 = vector.load %arg1[%get3A_2, %get3A_3] : memref<1024x2xf32, #tpu.memory_space<vmem>>, vector<1024x1xf32>
    %add3A = arith.addf %get3A_1, %get3A_4 : vector<1024x1xf32>
    %gt3A = arith.constant 0.000000e+00 : f32
    %gt3A_5 = vector.broadcast %gt3A : f32 to vector<1024x1xf32>
    %gt3A_6 = arith.cmpf ogt, %add3A, %gt3A_5 : vector<1024x1xf32>
    %max3A = arith.constant 1.000000e+00 : f32
    %max3A_7 = vector.broadcast %max3A : f32 to vector<1024x1xf32>
    %max3A_8 = arith.maximumf %add3A, %max3A_7 : vector<1024x1xf32>
    %rsqrt3A = math.rsqrt %max3A_8 : vector<1024x1xf32>
    %jit3A = arith.constant 0.000000e+00 : f32
    %broadcast_in_dim3A = vector.broadcast %jit3A : f32 to vector<1024x1xf32>
    %select_n3A = arith.select %gt3A_6, %rsqrt3A, %broadcast_in_dim3A : vector<1024x1xi1>, vector<1024x1xf32>
    %get3A_9 = arith.constant 0 : index
    %get3A_10 = arith.constant 0 : index
    %get3A_11 = vector.load %arg2[%get3A_9, %get3A_10] : memref<1024x128xf32, #tpu.memory_space<vmem>>, vector<1024x128xf32>
    %mul3A = vector.broadcast %select_n3A : vector<1024x1xf32> to vector<1024x128xf32>
    %mul3A_12 = arith.mulf %mul3A, %get3A_11 : vector<1024x128xf32>
    %swap3A = arith.constant 0 : index
    %swap3A_13 = arith.constant 0 : index
    %swap3A_14 = vector.load %arg3[%swap3A, %swap3A_13] : memref<1024x128xf32, #tpu.memory_space<vmem>>, vector<1024x128xf32>
    tpu.vector_store %arg3[%swap3A, %swap3A_13], %mul3A_12 {strides = array<i32>} : memref<1024x128xf32, #tpu.memory_space<vmem>>, vector<1024x128xf32>,
    return
  }
  func.func @transform_0(%arg0: i32) -> (i32, i32) {
    %c0_i32 = arith.constant 0 : i32
    %c0_i32_0 = arith.constant 0 : i32
    return %arg0, %c0_i32 : i32, i32
  }
  func.func @transform_1(%arg0: i32) -> (i32, i32) {
    %c0_i32 = arith.constant 0 : i32
    %c0_i32_0 = arith.constant 0 : i32
    return %arg0, %c0_i32 : i32, i32
  }
  func.func @transform_2(%arg0: i32) -> (i32, i32) {
    %c0_i32 = arith.constant 0 : i32
    %c0_i32_0 = arith.constant 0 : i32
    return %arg0, %c0_i32 : i32, i32
  }
}

module attributes {stable_mosaic.version = 14 : i64} {
  func.func @_dense_body(%arg0: i32, %arg1: memref<1000x2xf32, #tpu.memory_space<vmem>>, %arg2: memref<2x1000x128xf32, #tpu.memory_space<vmem>>, %arg3: memref<1000x128xf32, #tpu.memory_space<vmem>>, %arg4: memref<128x128xf32, #tpu.memory_space<vmem>>, %arg5: memref<128x128xf32, #tpu.memory_space<vmem>>, %arg6: memref<128x128xf32, #tpu.memory_space<vmem>>, %arg7: memref<128x128xf32, #tpu.memory_space<vmem>>, %arg8: memref<1x128xf32, #tpu.memory_space<vmem>>, %arg9: memref<1x128xf32, #tpu.memory_space<vmem>>, %arg10: memref<128x1xf32, #tpu.memory_space<vmem>>, %arg11: memref<1x1xf32, #tpu.memory_space<vmem>>, %arg12: memref<1000x1xf32, #tpu.memory_space<vmem>>) attributes {dimension_semantics = [#tpu.dimension_semantics<arbitrary>], iteration_bounds = array<i64: 10>, scalar_prefetch = 0 : i64, scratch_operands = 0 : i64, tpu.core_type = #tpu.core_type<tc>, window_params = [{transform_indices = @transform_0, window_bounds = array<i64: 1000, 2>}, {transform_indices = @transform_1, window_bounds = array<i64: 2, 1000, 128>}, {transform_indices = @transform_2, window_bounds = array<i64: 1000, 128>}, {pipeline_mode = #tpu.pipeline_mode<synchronous>, transform_indices = @transform_3, window_bounds = array<i64: 128, 128>}, {pipeline_mode = #tpu.pipeline_mode<synchronous>, transform_indices = @transform_4, window_bounds = array<i64: 128, 128>}, {pipeline_mode = #tpu.pipeline_mode<synchronous>, transform_indices = @transform_5, window_bounds = array<i64: 128, 128>}, {pipeline_mode = #tpu.pipeline_mode<synchronous>, transform_indices = @transform_6, window_bounds = array<i64: 128, 128>}, {pipeline_mode = #tpu.pipeline_mode<synchronous>, transform_indices = @transform_7, window_bounds = array<i64: 1, 128>}, {pipeline_mode = #tpu.pipeline_mode<synchronous>, transform_indices = @transform_8, window_bounds = array<i64: 1, 128>}, {pipeline_mode = #tpu.pipeline_mode<synchronous>, transform_indices = @transform_9, window_bounds = array<i64: 128, 1>}, {pipeline_mode = #tpu.pipeline_mode<synchronous>, transform_indices = @transform_10, window_bounds = array<i64: 1, 1>}, {transform_indices = @transform_11, window_bounds = array<i64: 1000, 1>}]} {
    %get3A = arith.constant 0 : index
    %get3A_0 = arith.constant 0 : index
    %get3A_1 = vector.load %arg1[%get3A, %get3A_0] : memref<1000x2xf32, #tpu.memory_space<vmem>>, vector<1000x1xf32>
    %get3A_2 = arith.constant 0 : index
    %get3A_3 = arith.constant 1 : index
    %get3A_4 = vector.load %arg1[%get3A_2, %get3A_3] : memref<1000x2xf32, #tpu.memory_space<vmem>>, vector<1000x1xf32>
    %add3A = arith.addf %get3A_1, %get3A_4 : vector<1000x1xf32>
    %gt3A = arith.constant 0.000000e+00 : f32
    %gt3A_5 = vector.broadcast %gt3A : f32 to vector<1000x1xf32>
    %gt3A_6 = arith.cmpf ogt, %add3A, %gt3A_5 : vector<1000x1xf32>
    %max3A = arith.constant 1.000000e+00 : f32
    %max3A_7 = vector.broadcast %max3A : f32 to vector<1000x1xf32>
    %max3A_8 = arith.maximumf %add3A, %max3A_7 : vector<1000x1xf32>
    %rsqrt3A = math.rsqrt %max3A_8 : vector<1000x1xf32>
    %jit3A = arith.constant 0.000000e+00 : f32
    %broadcast_in_dim3A = vector.broadcast %jit3A : f32 to vector<1000x1xf32>
    %select_n3A = arith.select %gt3A_6, %rsqrt3A, %broadcast_in_dim3A : vector<1000x1xi1>, vector<1000x1xf32>
    %neg3A = arith.constant 0.000000e+00 : f32
    %neg3A_9 = vector.broadcast %neg3A : f32 to vector<1000x1xf32>
    %neg3A_10 = arith.subf %neg3A_9, %select_n3A : vector<1000x1xf32>
    %get3A_11 = arith.constant 0 : index
    %get3A_12 = arith.constant 0 : index
    %get3A_13 = arith.constant 0 : index
    %get3A_14 = vector.load %arg2[%get3A_11, %get3A_12, %get3A_13] : memref<2x1000x128xf32, #tpu.memory_space<vmem>>, vector<1x1000x128xf32>
    %get3A_15 = vector.shape_cast %get3A_14 : vector<1x1000x128xf32> to vector<1000x128xf32>
    %get3A_16 = arith.constant 1 : index
    %get3A_17 = arith.constant 0 : index
    %get3A_18 = arith.constant 0 : index
    %get3A_19 = vector.load %arg2[%get3A_16, %get3A_17, %get3A_18] : memref<2x1000x128xf32, #tpu.memory_space<vmem>>, vector<1x1000x128xf32>
    %get3A_20 = vector.shape_cast %get3A_19 : vector<1x1000x128xf32> to vector<1000x128xf32>
    %add3A_21 = arith.addf %get3A_15, %get3A_20 : vector<1000x128xf32>
    %mul3A = vector.broadcast %neg3A_10 : vector<1000x1xf32> to vector<1000x128xf32>
    %mul3A_22 = arith.mulf %mul3A, %add3A_21 : vector<1000x128xf32>
    %get3A_23 = arith.constant 0 : index
    %get3A_24 = arith.constant 0 : index
    %get3A_25 = vector.load %arg3[%get3A_23, %get3A_24] : memref<1000x128xf32, #tpu.memory_space<vmem>>, vector<1000x128xf32>
    %get3A_26 = arith.constant 0 : index
    %get3A_27 = arith.constant 0 : index
    %get3A_28 = vector.load %arg4[%get3A_26, %get3A_27] : memref<128x128xf32, #tpu.memory_space<vmem>>, vector<128x128xf32>
    %dot_general3A = arith.constant dense<0.000000e+00> : vector<1000x128xf32>
    %dot_general3A_29 = tpu.matmul %get3A_25, %get3A_28, %dot_general3A {dimension_numbers = #tpu.dot_dimension_numbers<[1], [0], [0], [1], [0, 0, 1, 1], [], []>, transpose_lhs_hint = false} : vector<1000x128xf32>, vector<128x128xf32>, vector<1000x128xf32> -> vector<1000x128xf32>
    %get3A_30 = arith.constant 0 : index
    %get3A_31 = arith.constant 0 : index
    %get3A_32 = vector.load %arg5[%get3A_30, %get3A_31] : memref<128x128xf32, #tpu.memory_space<vmem>>, vector<128x128xf32>
    %dot_general3A_33 = arith.constant dense<0.000000e+00> : vector<1000x128xf32>
    %dot_general3A_34 = tpu.matmul %mul3A_22, %get3A_32, %dot_general3A_33 {dimension_numbers = #tpu.dot_dimension_numbers<[1], [0], [0], [1], [0, 0, 1, 1], [], []>, transpose_lhs_hint = false} : vector<1000x128xf32>, vector<128x128xf32>, vector<1000x128xf32> -> vector<1000x128xf32>
    %add3A_35 = arith.addf %dot_general3A_29, %dot_general3A_34 : vector<1000x128xf32>
    %get3A_36 = arith.constant 0 : index
    %get3A_37 = arith.constant 0 : index
    %get3A_38 = vector.load %arg8[%get3A_36, %get3A_37] : memref<1x128xf32, #tpu.memory_space<vmem>>, vector<1x128xf32>
    %add3A_39 = vector.broadcast %get3A_38 : vector<1x128xf32> to vector<1000x128xf32>
    %add3A_40 = arith.addf %add3A_35, %add3A_39 : vector<1000x128xf32>
    %logistic3A = arith.negf %add3A_40 : vector<1000x128xf32>
    %logistic3A_41 = math.exp %logistic3A : vector<1000x128xf32>
    %logistic3A_42 = arith.constant 1.000000e+00 : f32
    %logistic3A_43 = vector.broadcast %logistic3A_42 : f32 to vector<1000x128xf32>
    %logistic3A_44 = arith.addf %logistic3A_43, %logistic3A_41 : vector<1000x128xf32>
    %logistic3A_45 = arith.divf %logistic3A_43, %logistic3A_44 : vector<1000x128xf32>
    %get3A_46 = arith.constant 0 : index
    %get3A_47 = arith.constant 0 : index
    %get3A_48 = vector.load %arg6[%get3A_46, %get3A_47] : memref<128x128xf32, #tpu.memory_space<vmem>>, vector<128x128xf32>
    %dot_general3A_49 = arith.constant dense<0.000000e+00> : vector<1000x128xf32>
    %dot_general3A_50 = tpu.matmul %get3A_25, %get3A_48, %dot_general3A_49 {dimension_numbers = #tpu.dot_dimension_numbers<[1], [0], [0], [1], [0, 0, 1, 1], [], []>, transpose_lhs_hint = false} : vector<1000x128xf32>, vector<128x128xf32>, vector<1000x128xf32> -> vector<1000x128xf32>
    %get3A_51 = arith.constant 0 : index
    %get3A_52 = arith.constant 0 : index
    %get3A_53 = vector.load %arg7[%get3A_51, %get3A_52] : memref<128x128xf32, #tpu.memory_space<vmem>>, vector<128x128xf32>
    %dot_general3A_54 = arith.constant dense<0.000000e+00> : vector<1000x128xf32>
    %dot_general3A_55 = tpu.matmul %mul3A_22, %get3A_53, %dot_general3A_54 {dimension_numbers = #tpu.dot_dimension_numbers<[1], [0], [0], [1], [0, 0, 1, 1], [], []>, transpose_lhs_hint = false} : vector<1000x128xf32>, vector<128x128xf32>, vector<1000x128xf32> -> vector<1000x128xf32>
    %add3A_56 = arith.addf %dot_general3A_50, %dot_general3A_55 : vector<1000x128xf32>
    %get3A_57 = arith.constant 0 : index
    %get3A_58 = arith.constant 0 : index
    %get3A_59 = vector.load %arg9[%get3A_57, %get3A_58] : memref<1x128xf32, #tpu.memory_space<vmem>>, vector<1x128xf32>
    %add3A_60 = vector.broadcast %get3A_59 : vector<1x128xf32> to vector<1000x128xf32>
    %add3A_61 = arith.addf %add3A_56, %add3A_60 : vector<1000x128xf32>
    %tanh3A = math.tanh %add3A_61 : vector<1000x128xf32>
    %sub3A = arith.constant 1.000000e+00 : f32
    %sub3A_62 = vector.broadcast %sub3A : f32 to vector<1000x128xf32>
    %sub3A_63 = arith.subf %sub3A_62, %logistic3A_45 : vector<1000x128xf32>
    %mul3A_64 = arith.mulf %sub3A_63, %tanh3A : vector<1000x128xf32>
    %get3A_65 = arith.constant 0 : index
    %get3A_66 = arith.constant 0 : index
    %get3A_67 = vector.load %arg10[%get3A_65, %get3A_66] : memref<128x1xf32, #tpu.memory_space<vmem>>, vector<128x1xf32>
    %dot_general3A_68 = arith.constant dense<0.000000e+00> : vector<1000x1xf32>
    %dot_general3A_69 = tpu.matmul %mul3A_64, %get3A_67, %dot_general3A_68 {dimension_numbers = #tpu.dot_dimension_numbers<[1], [0], [0], [1], [0, 0, 1, 1], [], []>, transpose_lhs_hint = false} : vector<1000x128xf32>, vector<128x1xf32>, vector<1000x1xf32> -> vector<1000x1xf32>
    %get3A_70 = arith.constant 0 : index
    %get3A_71 = arith.constant 0 : index
    %get3A_72 = vector.load %arg11[%get3A_70, %get3A_71] : memref<1x1xf32, #tpu.memory_space<vmem>>, vector<1x1xf32>
    %add3A_73 = vector.broadcast %get3A_72 : vector<1x1xf32> to vector<1000x1xf32>
    %add3A_74 = arith.addf %dot_general3A_69, %add3A_73 : vector<1000x1xf32>
    %logistic3A_75 = arith.negf %add3A_74 : vector<1000x1xf32>
    %logistic3A_76 = math.exp %logistic3A_75 : vector<1000x1xf32>
    %logistic3A_77 = arith.constant 1.000000e+00 : f32
    %logistic3A_78 = vector.broadcast %logistic3A_77 : f32 to vector<1000x1xf32>
    %logistic3A_79 = arith.addf %logistic3A_78, %logistic3A_76 : vector<1000x1xf32>
    %logistic3A_80 = arith.divf %logistic3A_78, %logistic3A_79 : vector<1000x1xf32>
    %swap3A = arith.constant 0 : index
    %swap3A_81 = arith.constant 0 : index
    %swap3A_82 = vector.load %arg12[%swap3A, %swap3A_81] : memref<1000x1xf32, #tpu.memory_space<vmem>>, vector<1000x1xf32>
    tpu.vector_store %arg12[%swap3A, %swap3A_81], %logistic3A_80 {strides = array<i32>} : memref<1000x1xf32, #tpu.memory_space<vmem>>, vector<1000x1xf32>,
    return
  }
  func.func @transform_0(%arg0: i32) -> (i32, i32) {
    %c0_i32 = arith.constant 0 : i32
    %c0_i32_0 = arith.constant 0 : i32
    return %arg0, %c0_i32 : i32, i32
  }
  func.func @transform_1(%arg0: i32) -> (i32, i32, i32) {
    %c0_i32 = arith.constant 0 : i32
    %c0_i32_0 = arith.constant 0 : i32
    %c0_i32_1 = arith.constant 0 : i32
    return %c0_i32, %arg0, %c0_i32_0 : i32, i32, i32
  }
  func.func @transform_2(%arg0: i32) -> (i32, i32) {
    %c0_i32 = arith.constant 0 : i32
    %c0_i32_0 = arith.constant 0 : i32
    return %arg0, %c0_i32 : i32, i32
  }
  func.func @transform_3(%arg0: i32) -> (i32, i32) {
    %c0_i32 = arith.constant 0 : i32
    %c0_i32_0 = arith.constant 0 : i32
    %c0_i32_1 = arith.constant 0 : i32
    return %c0_i32, %c0_i32_0 : i32, i32
  }
  func.func @transform_4(%arg0: i32) -> (i32, i32) {
    %c0_i32 = arith.constant 0 : i32
    %c0_i32_0 = arith.constant 0 : i32
    %c0_i32_1 = arith.constant 0 : i32
    return %c0_i32, %c0_i32_0 : i32, i32
  }
  func.func @transform_5(%arg0: i32) -> (i32, i32) {
    %c0_i32 = arith.constant 0 : i32
    %c0_i32_0 = arith.constant 0 : i32
    %c0_i32_1 = arith.constant 0 : i32
    return %c0_i32, %c0_i32_0 : i32, i32
  }
  func.func @transform_6(%arg0: i32) -> (i32, i32) {
    %c0_i32 = arith.constant 0 : i32
    %c0_i32_0 = arith.constant 0 : i32
    %c0_i32_1 = arith.constant 0 : i32
    return %c0_i32, %c0_i32_0 : i32, i32
  }
  func.func @transform_7(%arg0: i32) -> (i32, i32) {
    %c0_i32 = arith.constant 0 : i32
    %c0_i32_0 = arith.constant 0 : i32
    %c0_i32_1 = arith.constant 0 : i32
    return %c0_i32, %c0_i32_0 : i32, i32
  }
  func.func @transform_8(%arg0: i32) -> (i32, i32) {
    %c0_i32 = arith.constant 0 : i32
    %c0_i32_0 = arith.constant 0 : i32
    %c0_i32_1 = arith.constant 0 : i32
    return %c0_i32, %c0_i32_0 : i32, i32
  }
  func.func @transform_9(%arg0: i32) -> (i32, i32) {
    %c0_i32 = arith.constant 0 : i32
    %c0_i32_0 = arith.constant 0 : i32
    %c0_i32_1 = arith.constant 0 : i32
    return %c0_i32, %c0_i32_0 : i32, i32
  }
  func.func @transform_10(%arg0: i32) -> (i32, i32) {
    %c0_i32 = arith.constant 0 : i32
    %c0_i32_0 = arith.constant 0 : i32
    %c0_i32_1 = arith.constant 0 : i32
    return %c0_i32, %c0_i32_0 : i32, i32
  }
  func.func @transform_11(%arg0: i32) -> (i32, i32) {
    %c0_i32 = arith.constant 0 : i32
    %c0_i32_0 = arith.constant 0 : i32
    return %arg0, %c0_i32 : i32, i32
  }
}

</mosaic_0001>

<sc_bundles>
// kernel: kernel.6.cloned.1.call-start
scs
__scs_entry_jumppad:
0x0: {  	(pc) =	sbr.rel $0x88, $3  }
0x1: {  	(tag) =	ssettag $0x0;
	lr =	simm.s32 $0x1  }
0x2: {  	[smem:$0x3F97] =	sst lr;
	_ =	strace $0xD0000000  }
0x3: {  	_ = 	snop  }
0x4: {  	_ = 	snop  }
0x5: {  	_ = 	snop  }
0x6: {  	_ = 	snop  }
0x7: {  	_ = 	snop  }
__scs_overlays_trampoline_lowered:
0x8: {  	[smem:$0x3FA6] =	sst s0  }
0x9: {  	[smem:$0x3FA7] =	sst s1  }
0xa: {  	[smem:$0x3FA8] =	sst s2  }
0xb: {  	[smem:$0x3FA9] =	sst s3  }
0xc: {  	[smem:$0x3FAA] =	sst s4  }
0xd: {  	[smem:$0x3FAB] =	sst s5  }
0xe: {  	[smem:$0x3FAC] =	sst s6  }
0xf: {  	[smem:$0x3FAD] =	sst s7  }
0x10: {  	[smem:$0x3FAE] =	sst s8  }
0x11: {  	[smem:$0x3FAF] =	sst s9;
	s0 =	simm.s32 @!p0 $0x0  }
0x12: {  	s1 =	sld [smem:$0x3F95];
	s0 =	simm.s32 @p0 $0x1  }
0x13: {  	[smem:$0x3FB0] =	sst s0;
	s0 =	simm.s32 @!p1 $0x0  }
0x14: {  	s2 =	sld [smem:$0x3F94];
	s0 =	simm.s32 @p1 $0x1  }
0x15: {  	[smem:$0x3FB1] =	sst s0;
	s0 =	simm.s32 @!p2 $0x0  }
0x16: {  	s3 =	sld [smem:$0x3FDB];
	s0 =	simm.s32 @p2 $0x1  }
0x17: {  	s4 =	simm.s32 $0x1BF5;
	[smem:$0x3FB3] =	sst s0  }
0x18: {  	s0 =	sld [smem:$0x3F96];
	_ =	swait.ge [sflag:s4], $0x0  }
0x19: {  	s7 =	sld [smem:$0x3F97]  }
0x1a: {  	s8 =	sadd.s32 $0xFFFFE003, lr  }
0x1b: {  	s9 =	sadd.s32 $0xFFFFFEF7, lr;
	s5 =	simm.s32 $0xFFFFFFFF;
	p2 =	slt.u32 s8, $0xFFFFF086  }
0x1c: {  	p1 =	slt.u32 s9, $0xF7A;
	s5 =	simm.s32 @!p2 $0x0  }
0x1d: {  	s5 =	simm.s32 @p1 $0x1;
	p0 =	seq.s32 s7, s2  }
0x1e: {  	s7 =	smul.u32 @!p0 $0xF7A, s2;
	p2 =	seq.s32 @!p0 s5, $0x0  }
0x1f: {  	s9 =	smul.u32 $0xF7A, s1;
	s8 =	simm.s32 @!p0 $0x1BF5;
	p2 =	por !p2, p0  }
0x20: {  	[sflag:s8] =	ssyncset.s32 @!p0 $0xFFFFF086;
	s6 =	sadd.s32 @!p0 s3, s7;
	s7 =	simm.s32 @!p0 $0x108  }
0x21: {  	s3 =	sadd.s32 s3, s9;
	s6 =	sadd.s32 @!p0 $0x88, s6;
	s7 =	simm.s32 @p2 $0x1082  }
0x22: {  	[simem:s7], [sflag:s8] =	dma.local @!p0 [hbm:s6], $0xF7A  }
0x23: {  	s9 =	sor.u32 $0xD0000000, s2;
	s6 =	simm.s32 $0x108;
	_ =	swait.ge @!p0 [sflag:s8], $0x0  }
0x24: {  	s3 =	sadd.s32 $0x88, s3;
	s6 =	simm.s32 @!p1 $0x1082;
	[sflag:s4] =	ssyncset.s32 $0xFFFFF086  }
0x25: {  	[simem:s6], [sflag:s4] =	dma.local [hbm:s3], $0xF7A  }
0x26: {  	[smem:$0x3F97] =	sst s1;
	(tag) =	ssettag s2;
	_ =	strace s9  }
0x27: {  	s1 =	sld [smem:$0x3FA7]  }
0x28: {  	s2 =	sld [smem:$0x3FA8]  }
0x29: {  	s4 =	sld [smem:$0x3FAA]  }
0x2a: {  	p0 =	seq.s32 s5, $0x0;
	s5 =	sld [smem:$0x3FAB]  }
0x2b: {  	s6 =	sld [smem:$0x3FAC]  }
0x2c: {  	s7 =	sld [smem:$0x3FAD]  }
0x2d: {  	s3 =	simm.s32 $0x108;
	s8 =	sld [smem:$0x3FAE]  }
0x2e: {  	s3 =	simm.s32 @!p0 $0x1082;
	s9 =	sld [smem:$0x3FAF]  }
0x2f: {  	lr =	sadd.s32 s0, s3;
	s0 =	sld [smem:$0x3FA6]  }
0x30: {  	s3 =	sld [smem:$0x3FA9]  }
0x31: {  	[smem:$0x3FB2] =	sst s10  }
0x32: {  	s10 =	sld [smem:$0x3FB0];
	_ =	sdelay $0x3  }
0x33: {  	p0 =	seq.s32 s10, $0x1;
	s10 =	sld [smem:$0x3FB2];
	_ =	sdelay $0x3  }
0x34: {  	[smem:$0x3FB2] =	sst s10  }
0x35: {  	s10 =	sld [smem:$0x3FB1];
	_ =	sdelay $0x3  }
0x36: {  	p1 =	seq.s32 s10, $0x1;
	s10 =	sld [smem:$0x3FB2];
	_ =	sdelay $0x3  }
0x37: {  	[smem:$0x3FB2] =	sst s10  }
0x38: {  	s10 =	sld [smem:$0x3FB3]  }
0x39: {  	_ = 	snop;
	(pc) =	sbr.ind lr, $3  }
0x3a: {  	_ = 	snop  }
0x3b: {  	_ = 	snop  }
0x3c: {  	p2 =	seq.s32 s10, $0x1;
	s10 =	sld [smem:$0x3FB2]  }
0x3d: {  	_ =	shalt  }
0x3e: {  	_ =	shalt  }
0x3f: {  	_ =	shalt  }
0x40: {  	_ =	shalt  }
0x41: {  	_ =	shalt  }
0x42: {  	_ =	shalt  }
0x43: {  	_ =	shalt  }
0x44: {  	_ =	shalt  }
0x45: {  	_ =	shalt  }
0x46: {  	_ =	shalt  }
0x47: {  	_ =	shalt  }
0x48: {  	_ =	shalt  }
0x49: {  	_ =	shalt  }
0x4a: {  	_ =	shalt  }
0x4b: {  	_ =	shalt  }
0x4c: {  	_ =	shalt  }
0x4d: {  	_ =	shalt  }
0x4e: {  	_ =	shalt  }
0x4f: {  	_ =	shalt  }
0x50: {  	_ =	shalt  }
0x51: {  	_ =	shalt  }
0x52: {  	_ =	shalt  }
0x53: {  	_ =	shalt  }
0x54: {  	_ =	shalt  }
0x55: {  	_ =	shalt  }
0x56: {  	_ =	shalt  }
0x57: {  	_ =	shalt  }
0x58: {  	_ =	shalt  }
0x59: {  	_ =	shalt  }
0x5a: {  	_ =	shalt  }
0x5b: {  	_ =	shalt  }
0x5c: {  	_ =	shalt  }
0x5d: {  	_ =	shalt  }
0x5e: {  	_ =	shalt  }
0x5f: {  	_ =	shalt  }
0x60: {  	_ =	shalt  }
0x61: {  	_ =	shalt  }
0x62: {  	_ =	shalt  }
0x63: {  	_ =	shalt  }
0x64: {  	_ =	shalt  }
0x65: {  	_ =	shalt  }
0x66: {  	_ =	shalt  }
0x67: {  	_ =	shalt  }
0x68: {  	_ =	shalt  }
0x69: {  	_ =	shalt  }
0x6a: {  	_ =	shalt  }
0x6b: {  	_ =	shalt  }
0x6c: {  	_ =	shalt  }
0x6d: {  	_ =	shalt  }
0x6e: {  	_ =	shalt  }
0x6f: {  	_ =	shalt  }
0x70: {  	_ =	shalt  }
0x71: {  	_ =	shalt  }
0x72: {  	_ =	shalt  }
0x73: {  	_ =	shalt  }
0x74: {  	_ =	shalt  }
0x75: {  	_ =	shalt  }
0x76: {  	_ =	shalt  }
0x77: {  	_ =	shalt  }
0x78: {  	_ =	shalt  }
0x79: {  	_ =	shalt  }
0x7a: {  	_ =	shalt  }
0x7b: {  	_ =	shalt  }
0x7c: {  	_ =	shalt  }
0x7d: {  	_ =	shalt  }
0x7e: {  	_ =	shalt  }
0x7f: {  	_ =	shalt  }
0x80: {  	_ =	shalt  }
0x81: {  	_ =	shalt  }
0x82: {  	_ =	shalt  }
0x83: {  	_ =	shalt  }
0x84: {  	_ =	shalt  }
0x85: {  	_ =	shalt  }
0x86: {  	_ =	shalt  }
0x87: {  	_ =	shalt  }
.Lfunc_end0:
.L_simem_size_0:
called_computation_lowered:
.L_overlay_start_0:
0x88: {  	s2 =	sld [smem:$0x3FD9]  }
0x89: {  	s3 =	sld [smem:$0x3FFE];
	_ =	sdelay $0x1  }
0x8a: {  	s1 =	srdreg.scid  }
0x8b: {  	s0 =	sand.u32 $0x1, s1  }
0x8c: {  	s16 =	sshll.u32 s0, $0xA;
	s2 =	sadd.s32 s3, s2  }
0x8d: {  	s2 =	sadd.s32 s2, s16  }
0x8e: {  	[smem:$0x3FBE] =	sst s2  }
0x8f: {  	_ = 	snop  }
0x90: {  	(tm) =	ssettm $0x1  }
0x91: {  	s17 =	sld [smem:$0x3FFB];
	_ =	sdelay $0x3  }
0x92: {  	_ =	strace s17  }
0x93: {  	s2 =	sld [smem:$0x3FFC];
	_ =	sdelay $0x3  }
0x94: {  	_ =	strace s2  }
0x95: {  	s2 =	sld [smem:$0x3FFD];
	_ =	sdelay $0x3  }
0x96: {  	_ =	strace s2  }
0x97: {  	_ =	strace $0x8FFFFFFF  }
0x98: {  	s18 =	sld [smem:$0x3FDB];
	_ =	sdelay $0x1  }
0x99: {  	s19 =	simm.s32 $_scs_section_size  }
0x9a: {  	s4 =	simm.s32 $_size__tile_overlayer_lowered;
	s5 =	simm.s32 $_tile_overlayer_lowered  }
0x9b: {  	s22 =	simm.s32 $0x1BFF;
	s21 =	sshll.u32 s5, $0x1;
	s2 =	sadd.s32 s19, s18  }
0x9c: {  	s6 =	simm.s32 $0x0;
	s20 =	sshll.u32 s4, $0x1;
	s4 =	sadd.s32 s21, s2  }
0x9d: {  	[timem:s6], [sflag:s22] =	dma.local [hbm:s4], s20  }
0x9e: {  	_ =	swait.ge [sflag:s22], s20  }
0x9f: {  	s3 =	ssub.s32 $0x0, s20;
	[sflag:s22] =	ssyncset.done $0x0  }
0xa0: {  	[sflag:s22] =	ssyncadd.s32 s3;
	_ =	sdelay $0x1  }
0xa1: {  	s23 =	simm.s32 $0x1B8B  }
0xa2: {  	_ =	swait.ge [sflag:s23], $0x1  }
0xa3: {  	[sflag:s23] =	ssyncset.done $0x0  }
0xa4: {  	s25 =	simm.s32 $0x1B8E;
	s24 =	sld [smem:$0x3FFE];
	[sflag:s23] =	ssyncadd.s32 $0xFFFFFFFF  }
0xa5: {  	s26 =	simm.s32 $execute0_lowered;
	[smem:$0x3FD2] =	sst s25  }
0xa6: {  	s4 =	sshll.u32 s26, $0x1;
	_ =	strace $0x80000046;
	[dreg:$0x1] =	wrdreg $0xFFFFFFFF  }
0xa7: {  	s28 =	simm.s32 $_size_execute0_lowered;
	s2 =	sadd.s32 s2, s4;
	[dreg:$0x0] =	wrdreg $0x0  }
0xa8: {  	s4 =	sshll.u32 s28, $0x1;
	[dreg:$0x2] =	wrdreg s2  }
0xa9: {  	[dreg:$0x3] =	wrdreg s4  }
0xaa: {  	[dreg:$0x4] =	wrdreg $0xC0  }
0xab: {  	_ =	task [dreg:s6], $0x5FFFF  }
0xac: {  	[dreg:$0x1] =	wrdreg $0xFFFFFFFF  }
0xad: {  	[dreg:$0x0] =	wrdreg $0x60  }
0xae: {  	[dreg:$0x2] =	wrdreg s24  }
0xaf: {  	[dreg:$0x3] =	wrdreg $0x3B000  }
0xb0: {  	[dreg:$0x4] =	wrdreg $0x9  }
0xb1: {  	_ =	task.clear_ibuf [dreg:s6], $0x5FFFF;
	_ =	strace $0x90000046  }
0xb2: {  	s29 =	simm.s32 $0x9;
	_ =	strace $0x80000048  }
0xb3: {  	_ =	swait.ge [sflag:s29], $0x1  }
0xb4: {  	[sflag:s29] =	ssyncadd.s32 $0xFFFFFFFF  }
0xb5: {  	_ =	strace $0x90000048  }
0xb6: {  	_ =	sfence  }
0xb7: {  	s30 =	sld [smem:$0x0];
	_ =	sdelay $0x2  }
0xb8: {  	s31 =	sshll.u32 s1, $0xD;
	s1 =	sshrl.u32 s1, $0x2  }
0xb9: {  	s3 =	sand.u32 $0x4000, s31;
	s1 =	sadd.s32 s1, s30  }
0xba: {  	s0 =	sor.u32 s3, s0;
	s1 =	sshll.u32 s1, $0x11  }
0xbb: {  	s0 =	sor.u32 s1, s0  }
0xbc: {  	s0 =	sadd.s32 $0x8F2B, s0  }
0xbd: {  	[sflag:s0] =	ssyncadd.remote.s32 $0x1  }
0xbe: {  	_ =	sfence.sel $0xFFFF  }
0xbf: {  	[dreg:$0x0] =	wrdreg $0xFFFFFFFF;
	(pc) =	sbr.abs _section_cstart, $3  }
0xc0: {  	[dreg:$0x1] =	wrdreg $0xFFFFFFFF  }
0xc1: {  	_ =	task.clear_ibuf [dreg:s6], $0x2FFFF;
	_ =	strace $0x9FFFFFFF  }
0xc2: {  	(tm) =	ssettm $0x7FFFFFFF  }
0xc3: {  	_ =	shalt  }
tec
execute0_lowered:
.L_overlay_start_1:
0x0: {  	(tag) =	ssettag $0x1  }
0x1: {  	s0 =	srdreg.scid;
	s1 =	rddreg [dreg:$0x0]  }
0x2: {  	s7 =	stileid.u32;
	s2 =	rddreg [dreg:$0x1];
	s9 =	simm.s32 $0x2  }
0x3: {  	s28 =	simm.s32 $0x2400;
	s29 =	simm.s32 $0x2800;
	s30 =	simm.s32 $0x2C00  }
0x4: {  	s31 =	simm.s32 $0x3000;
	s11 =	simm.s32 $0x1;
	s13 =	simm.s32 $0x20  }
0x5: {  	s15 =	simm.s32 $0x10;
	s17 =	simm.s32 $0x0;
	s5 =	smul.u32 $0x500, s7  }
0x6: {  	s0 =	sand.u32 $0x1, s0;
	s3 =	sshll.u32 s7, $0x1;
	s7 =	smul.u32 $0xA00, s7  }
0x7: {  	s4 =	sor.u32 s0, s3;
	s3 =	simm.s32 $0x0;
	s6 =	sshll.u32 s0, $0x7  }
0x8: {  	s0 =	ssub.s32 $0x2, s0;
	s4 =	smul.u32 $0x700, s4;
	[smem:$0x7FF] =	sst s3  }
0x9: {  	s24 =	sor.u32 s6, s5;
	s25 =	sshrl.u32 s0, $0x1;
	s26 =	sshrl.u32 s7, $0x2  }
0xa: {  	_ =	strace $0x80000047;
	s0 =	ssub.s32 s0, s25;
	s8 =	sadd.s32 s4, s1  }
0xb: {  	s4 =	sshrl.u32 s24, $0x3;
	s7 =	smax.u32 s0, $0x1;
	s0 =	simm.s32 $0x3800  }
0xc: {  	s1 =	sadd.s32 s4, s1;
	s4 =	sadd.s32 s26, s2;
	s5 =	sadd.s32 $0x2400, s8  }
0xd: {  	s8 =	simm.s32 $0x78;
	s6 =	sadd.s32 $0x1E400, s1;
	s10 =	sadd.s32 $0x80, s5  }
0xe: {  	s12 =	sadd.s32 $0x100, s5;
	s14 =	sadd.s32 $0x180, s5;
	s16 =	sadd.s32 $0x200, s5  }
0xf: {  	s18 =	sadd.s32 $0x280, s5;
	s20 =	sadd.s32 $0x300, s5;
	s22 =	sadd.s32 $0x380, s5  }
0x10: {  	v0 =	vimm.f32 $1.000000000e+00;
	v1 =	vimm.f32 $0.0e+00;
	s24 =	sadd.s32 $0x400, s5;
	s26 =	sadd.s32 $0x480, s5;
	s1 =	simm.s32 $0x3400  }
.LBB2_1:
0x11: {  	[tilespmem:$0x3800] =	vst v0  }
0x12: {  	[tilespmem:$0x3810] =	vst v0  }
0x13: {  	[tilespmem:$0x3820] =	vst v0  }
0x14: {  	[tilespmem:$0x3830] =	vst v0  }
0x15: {  	[tilespmem:$0x3840] =	vst v0  }
0x16: {  	[tilespmem:$0x3850] =	vst v0  }
0x17: {  	[tilespmem:$0x3860] =	vst v0  }
0x18: {  	[tilespmem:$0x3880] =	vst v1  }
0x19: {  	[tilespmem:$0x3890] =	vst v1  }
0x1a: {  	[tilespmem:$0x38A0] =	vst v1  }
0x1b: {  	[tilespmem:$0x38B0] =	vst v1  }
0x1c: {  	[tilespmem:$0x38C0] =	vst v1  }
0x1d: {  	[tilespmem:$0x38D0] =	vst v1  }
0x1e: {  	[tilespmem:$0x38E0] =	vst v1  }
0x1f: {  	[tilespmem:$0x38F0] =	vst v1  }
0x20: {  	[tilespmem:$0x3900] =	vst v1  }
0x21: {  	[tilespmem:$0x3910] =	vst v1  }
0x22: {  	[tilespmem:$0x3920] =	vst v1  }
0x23: {  	[tilespmem:$0x3930] =	vst v1  }
0x24: {  	[tilespmem:$0x3940] =	vst v1  }
0x25: {  	[tilespmem:$0x3950] =	vst v1  }
0x26: {  	[tilespmem:$0x3960] =	vst v1  }
0x27: {  	[tilespmem:$0x3970] =	vst v1  }
0x28: {  	[tilespmem:$0x3980] =	vst v1  }
0x29: {  	[tilespmem:$0x3990] =	vst v1  }
0x2a: {  	[tilespmem:$0x39A0] =	vst v1  }
0x2b: {  	[tilespmem:$0x39B0] =	vst v1  }
0x2c: {  	[tilespmem:$0x39C0] =	vst v1  }
0x2d: {  	[tilespmem:$0x39D0] =	vst v1  }
0x2e: {  	[tilespmem:$0x39E0] =	vst v1  }
0x2f: {  	[tilespmem:$0x39F0] =	vst v1  }
0x30: {  	[tilespmem:$0x3A00] =	vst v1  }
0x31: {  	[tilespmem:$0x3A10] =	vst v1  }
0x32: {  	[tilespmem:$0x3A20] =	vst v1  }
0x33: {  	[tilespmem:$0x3A30] =	vst v1  }
0x34: {  	[tilespmem:$0x3A40] =	vst v1  }
0x35: {  	[tilespmem:$0x3A50] =	vst v1  }
0x36: {  	[tilespmem:$0x3A60] =	vst v1  }
0x37: {  	[tilespmem:$0x3A70] =	vst v1  }
0x38: {  	[tilespmem:$0x3A80] =	vst v1  }
0x39: {  	[tilespmem:$0x3A90] =	vst v1  }
0x3a: {  	[tilespmem:$0x3AA0] =	vst v1  }
0x3b: {  	[tilespmem:$0x3AB0] =	vst v1  }
0x3c: {  	[tilespmem:$0x3AC0] =	vst v1  }
0x3d: {  	[tilespmem:$0x3AD0] =	vst v1  }
0x3e: {  	[tilespmem:$0x3AE0] =	vst v1  }
0x3f: {  	[tilespmem:$0x3AF0] =	vst v1  }
0x40: {  	s19 =	simm.s32 $0x3880;
	[tilespmem:$0x3868] =	vst v0  }
0x41: {  	[spmem:s4] =	stream.linear.scatter [tilespmem:s19], [sflag:$0x2], $0x280, $0x38;
	[tilespmem:$0x3D80] =	vst v63  }
0x42: {  	_ =	swait.ge [sflag:s9], $0x280  }
0x43: {  	[sflag:s9] =	ssyncset.done $0x0  }
0x44: {  	[sflag:s9] =	ssyncadd.s32 $0xFFFFFD80  }
0x45: {  	[tilespmem:s3], [sflag:$0x2] =	stream.linear.gather [hbm4b:s5+s3], $0x300, $0x38;
	[tilespmem:$0x3D80] =	vst v63  }
0x46: {  	s21 =	simm.s32 $0x400  }
0x47: {  	[tilespmem:s21], [sflag:$0x2] =	stream.linear.gather [hbm4b:s10+s3], $0x300, $0x38;
	[tilespmem:$0x3D80] =	vst v63  }
0x48: {  	s23 =	simm.s32 $0x800  }
0x49: {  	[tilespmem:s23], [sflag:$0x2] =	stream.linear.gather [hbm4b:s12+s3], $0x300, $0x38;
	[tilespmem:$0x3D80] =	vst v63  }
0x4a: {  	s25 =	simm.s32 $0xC00  }
0x4b: {  	[tilespmem:s25], [sflag:$0x2] =	stream.linear.gather [hbm4b:s14+s3], $0x300, $0x38;
	[tilespmem:$0x3D80] =	vst v63  }
0x4c: {  	s21 =	simm.s32 $0x1000  }
0x4d: {  	[tilespmem:s21], [sflag:$0x2] =	stream.linear.gather [hbm4b:s16+s3], $0x300, $0x38;
	[tilespmem:$0x3D80] =	vst v63  }
0x4e: {  	s23 =	simm.s32 $0x1400  }
0x4f: {  	[tilespmem:s23], [sflag:$0x2] =	stream.linear.gather [hbm4b:s18+s3], $0x300, $0x38;
	[tilespmem:$0x3D80] =	vst v63  }
0x50: {  	s25 =	simm.s32 $0x1800  }
0x51: {  	[tilespmem:s25], [sflag:$0x2] =	stream.linear.gather [hbm4b:s20+s3], $0x300, $0x38;
	[tilespmem:$0x3D80] =	vst v63  }
0x52: {  	s21 =	simm.s32 $0x1C00  }
0x53: {  	[tilespmem:s21], [sflag:$0x2] =	stream.linear.gather [hbm4b:s22+s3], $0x300, $0x38;
	[tilespmem:$0x3D80] =	vst v63  }
0x54: {  	s23 =	simm.s32 $0x2000  }
0x55: {  	[tilespmem:s23], [sflag:$0x2] =	stream.linear.gather [hbm4b:s24+s3], $0x300, $0x38;
	[tilespmem:$0x3D80] =	vst v63  }
0x56: {  	_ = 	snop  }
0x57: {  	[tilespmem:s28], [sflag:$0x2] =	stream.linear.gather [hbm4b:s26+s3], $0x300, $0x38;
	[tilespmem:$0x3D80] =	vst v63  }
0x58: {  	s25 =	sadd.s32 $0x500, s5  }
0x59: {  	[tilespmem:s29], [sflag:$0x2] =	stream.linear.gather [hbm4b:s25+s3], $0x300, $0x38;
	[tilespmem:$0x3D80] =	vst v63  }
0x5a: {  	s21 =	sadd.s32 $0x580, s5  }
0x5b: {  	[tilespmem:s30], [sflag:$0x2] =	stream.linear.gather [hbm4b:s21+s3], $0x300, $0x38;
	[tilespmem:$0x3D80] =	vst v63  }
0x5c: {  	s23 =	sadd.s32 $0x600, s5  }
0x5d: {  	[tilespmem:s31], [sflag:$0x2] =	stream.linear.gather [hbm4b:s23+s3], $0x300, $0x38;
	[tilespmem:$0x3D80] =	vst v63  }
0x5e: {  	s25 =	sadd.s32 $0x680, s5  }
0x5f: {  	[tilespmem:s1], [sflag:$0x2] =	stream.linear.gather [hbm4b:s25+s3], $0x300, $0x38;
	[tilespmem:$0x3D80] =	vst v63  }
0x60: {  	_ =	swait.ge [sflag:s9], $0x2A00  }
0x61: {  	[sflag:s9] =	ssyncset.done $0x0  }
0x62: {  	[sflag:s9] =	ssyncadd.s32 $0xFFFFD600  }
0x63: {  	s21 =	simm.s32 $0x0;
	[bflag:$0x0] =	sbarrier.arrive $0xFFFF  }
0x64: {  	[spmem:s2] =	stream.indirect.scatter.add.f32 [tilespmem:s0], [sflag:$0x1], $0x1, s21, s8, $0xb8;
	[tilespmem:$0x3D80] =	vst v63  }
0x65: {  	s23 =	simm.s32 $0x80  }
0x66: {  	[spmem:s2] =	stream.indirect.scatter.add.f32 [tilespmem:s0], [sflag:$0x1], $0x1, s23, s8, $0xb8;
	[tilespmem:$0x3D80] =	vst v63  }
0x67: {  	s25 =	simm.s32 $0x100  }
0x68: {  	[spmem:s2] =	stream.indirect.scatter.add.f32 [tilespmem:s0], [sflag:$0x1], $0x1, s25, s8, $0xb8;
	[tilespmem:$0x3D80] =	vst v63  }
0x69: {  	s21 =	simm.s32 $0x180  }
0x6a: {  	[spmem:s2] =	stream.indirect.scatter.add.f32 [tilespmem:s0], [sflag:$0x1], $0x1, s21, s8, $0xb8;
	[tilespmem:$0x3D80] =	vst v63  }
0x6b: {  	s23 =	simm.s32 $0x200  }
0x6c: {  	[spmem:s2] =	stream.indirect.scatter.add.f32 [tilespmem:s0], [sflag:$0x1], $0x1, s23, s8, $0xb8;
	[tilespmem:$0x3D80] =	vst v63  }
0x6d: {  	s25 =	simm.s32 $0x280  }
0x6e: {  	[spmem:s2] =	stream.indirect.scatter.add.f32 [tilespmem:s0], [sflag:$0x1], $0x1, s25, s8, $0xb8;
	[tilespmem:$0x3D80] =	vst v63  }
0x6f: {  	_ =	swait.ge [sflag:s11], $0x78  }
0x70: {  	[sflag:s11] =	ssyncset.done $0x0  }
0x71: {  	[sflag:s11] =	ssyncadd.s32 $0xFFFFFF88  }
0x72: {  	_ =	swait.ge [sflag:s11], $0x78  }
0x73: {  	[sflag:s11] =	ssyncset.done $0x0  }
0x74: {  	[sflag:s11] =	ssyncadd.s32 $0xFFFFFF88  }
0x75: {  	_ =	swait.ge [sflag:s11], $0x78  }
0x76: {  	[sflag:s11] =	ssyncset.done $0x0  }
0x77: {  	[sflag:s11] =	ssyncadd.s32 $0xFFFFFF88  }
0x78: {  	_ =	swait.ge [sflag:s11], $0x78  }
0x79: {  	[sflag:s11] =	ssyncset.done $0x0  }
0x7a: {  	[sflag:s11] =	ssyncadd.s32 $0xFFFFFF88  }
0x7b: {  	_ =	swait.ge [sflag:s11], $0x78  }
0x7c: {  	[sflag:s11] =	ssyncset.done $0x0  }
0x7d: {  	[sflag:s11] =	ssyncadd.s32 $0xFFFFFF88  }
0x7e: {  	_ =	swait.ge [sflag:s11], $0x78  }
0x7f: {  	s19 =	simm.s32 $0x1000;
	s21 =	simm.s32 $0x2000;
	[sflag:s11] =	ssyncset.done $0x0  }
.LBB2_2:
0x80: {  	s23 =	sshra.s32 s19, $0x2  }
0x81: {  	[sflag:s11] =	ssyncadd.s32 $0xFFFFFF88;
	s19 =	smov.u32 s21;
	s25 =	sadd.s32 $0x1000, s21  }
0x82: {  	[spmem:s2] =	stream.indirect.scatter.add.f32 [tilespmem:s0], [sflag:$0x1], $0x1, s23, s8, $0xb8;
	[tilespmem:$0x3D80] =	vst v63  }
0x83: {  	p0 =	sne.s32 s21, $0xD000;
	s21 =	sadd.s32 $0x80, s23  }
0x84: {  	[spmem:s2] =	stream.indirect.scatter.add.f32 [tilespmem:s0], [sflag:$0x1], $0x1, s21, s8, $0xb8;
	[tilespmem:$0x3D80] =	vst v63  }
0x85: {  	s21 =	sadd.s32 $0x100, s23  }
0x86: {  	[spmem:s2] =	stream.indirect.scatter.add.f32 [tilespmem:s0], [sflag:$0x1], $0x1, s21, s8, $0xb8;
	[tilespmem:$0x3D80] =	vst v63  }
0x87: {  	s21 =	sadd.s32 $0x180, s23  }
0x88: {  	[spmem:s2] =	stream.indirect.scatter.add.f32 [tilespmem:s0], [sflag:$0x1], $0x1, s21, s8, $0xb8;
	[tilespmem:$0x3D80] =	vst v63  }
0x89: {  	s21 =	sadd.s32 $0x200, s23  }
0x8a: {  	[spmem:s2] =	stream.indirect.scatter.add.f32 [tilespmem:s0], [sflag:$0x1], $0x1, s21, s8, $0xb8;
	[tilespmem:$0x3D80] =	vst v63  }
0x8b: {  	s21 =	sadd.s32 $0x280, s23  }
0x8c: {  	[spmem:s2] =	stream.indirect.scatter.add.f32 [tilespmem:s0], [sflag:$0x1], $0x1, s21, s8, $0xb8;
	[tilespmem:$0x3D80] =	vst v63  }
0x8d: {  	_ =	swait.ge [sflag:s11], $0x78  }
0x8e: {  	[sflag:s11] =	ssyncset.done $0x0  }
0x8f: {  	[sflag:s11] =	ssyncadd.s32 $0xFFFFFF88  }
0x90: {  	_ =	swait.ge [sflag:s11], $0x78  }
0x91: {  	[sflag:s11] =	ssyncset.done $0x0  }
0x92: {  	[sflag:s11] =	ssyncadd.s32 $0xFFFFFF88  }
0x93: {  	_ =	swait.ge [sflag:s11], $0x78  }
0x94: {  	[sflag:s11] =	ssyncset.done $0x0  }
0x95: {  	[sflag:s11] =	ssyncadd.s32 $0xFFFFFF88  }
0x96: {  	_ =	swait.ge [sflag:s11], $0x78  }
0x97: {  	[sflag:s11] =	ssyncset.done $0x0  }
0x98: {  	[sflag:s11] =	ssyncadd.s32 $0xFFFFFF88  }
.Ltmp0:
0x99: {  	_ =	swait.ge [sflag:s11], $0x78;
	(pc) =	sbr.rel @p0 .LBB2_2-.Ltmp0, $4  }
0x9a: {  	[sflag:s11] =	ssyncset.done $0x0  }
0x9b: {  	[sflag:s11] =	ssyncadd.s32 $0xFFFFFF88  }
0x9c: {  	_ =	swait.ge [sflag:s11], $0x78  }
0x9d: {  	s21 =	smov.u32 s25;
	[sflag:s11] =	ssyncset.done $0x0  }
0x9e: {  	s19 =	sshra.s32 s19, $0x2;
	[sflag:s11] =	ssyncadd.s32 $0xFFFFFF88  }
0x9f: {  	[spmem:s2] =	stream.indirect.scatter.add.f32 [tilespmem:s0], [sflag:$0x1], $0x1, s19, s8, $0xb8;
	[tilespmem:$0x3D80] =	vst v63  }
0xa0: {  	s21 =	sadd.s32 $0x80, s19  }
0xa1: {  	[spmem:s2] =	stream.indirect.scatter.add.f32 [tilespmem:s0], [sflag:$0x1], $0x1, s21, s8, $0xb8;
	[tilespmem:$0x3D80] =	vst v63  }
0xa2: {  	s25 =	sadd.s32 $0x100, s19  }
0xa3: {  	[spmem:s2] =	stream.indirect.scatter.add.f32 [tilespmem:s0], [sflag:$0x1], $0x1, s25, s8, $0xb8;
	[tilespmem:$0x3D80] =	vst v63  }
0xa4: {  	s23 =	sadd.s32 $0x180, s19  }
0xa5: {  	[spmem:s2] =	stream.indirect.scatter.add.f32 [tilespmem:s0], [sflag:$0x1], $0x1, s23, s8, $0xb8;
	[tilespmem:$0x3D80] =	vst v63  }
0xa6: {  	s25 =	sadd.s32 $0x200, s19  }
0xa7: {  	[spmem:s2] =	stream.indirect.scatter.add.f32 [tilespmem:s0], [sflag:$0x1], $0x1, s25, s8, $0xb8;
	[tilespmem:$0x3D80] =	vst v63  }
0xa8: {  	s19 =	sadd.s32 $0x280, s19  }
0xa9: {  	[spmem:s2] =	stream.indirect.scatter.add.f32 [tilespmem:s0], [sflag:$0x1], $0x1, s19, s8, $0xb8;
	[tilespmem:$0x3D80] =	vst v63  }
0xaa: {  	_ =	swait.ge [sflag:s11], $0x78  }
0xab: {  	[sflag:s11] =	ssyncset.done $0x0  }
0xac: {  	[sflag:s11] =	ssyncadd.s32 $0xFFFFFF88  }
0xad: {  	_ =	swait.ge [sflag:s11], $0x78  }
0xae: {  	[sflag:s11] =	ssyncset.done $0x0  }
0xaf: {  	[sflag:s11] =	ssyncadd.s32 $0xFFFFFF88  }
0xb0: {  	_ =	swait.ge [sflag:s11], $0x78  }
0xb1: {  	[sflag:s11] =	ssyncset.done $0x0  }
0xb2: {  	[sflag:s11] =	ssyncadd.s32 $0xFFFFFF88  }
0xb3: {  	_ =	swait.ge [sflag:s11], $0x78  }
0xb4: {  	[sflag:s11] =	ssyncset.done $0x0  }
0xb5: {  	[sflag:s11] =	ssyncadd.s32 $0xFFFFFF88  }
0xb6: {  	_ =	swait.ge [sflag:s11], $0x78  }
0xb7: {  	[sflag:s11] =	ssyncset.done $0x0  }
0xb8: {  	[sflag:s11] =	ssyncadd.s32 $0xFFFFFF88  }
0xb9: {  	s17 =	sadd.s32 $0x1, s17;
	_ =	swait.ge [sflag:s11], $0x78  }
0xba: {  	p0 =	sne.s32 s17, s7;
	s23 =	stileid.u32;
	[sflag:s11] =	ssyncset.done $0x0  }
0xbb: {  	s25 =	sshrl.u32 s4, $0x3;
	s19 =	sshll.u32 s23, $0x6;
	[sflag:s11] =	ssyncadd.s32 $0xFFFFFF88  }
.Ltmp1:
0xbc: {  	s19 =	sor.u32 $0x1C02, s19;
	[bflag:$0x0] =	sbarrier.arrive $0xFFFF;
	(pc) =	sbr.rel @p0 .LBB2_1-.Ltmp1, $4  }
0xbd: {  	[hbm:s6@s13], [sflag:s19] =	dma.strided [spmem:s25@s15], $0x50, s11, $0x10   }
0xbe: {  	_ =	swait.ge [sflag:s9], $0x50  }
0xbf: {  	[sflag:s9] =	ssyncset.done $0x0  }
0xc0: {  	[sflag:s9] =	ssyncadd.s32 $0xFFFFFFB0  }
0xc1: {  	_ =	sfence.sel $0x180000  }
0xc2: {  	[bflag:$0x0] =	sbarrier.arrive $0xFFFF  }
0xc3: {  	_ =	strace $0x90000047  }
0xc4: {  	s0 =	stileid.u32;
	[bflag:$0x2] =	sbarrier.arrive $0xFFFF  }
0xc5: {  	p0 =	sne.s32 s0, $0x0;
	s0 =	rddreg [dreg:$0x2]  }
0xc6: {  	s0 =	sadd.s32 @!p0 $0x100000, s0  }
0xc7: {  	[sflag:s0] =	ssyncadd.tile.s32 @!p0 $0x1;
	_ =	shalt  }
.Lfunc_end2:
_tile_overlayer_lowered:
.L_overlay_start_2:
0xc8: {  	(tag) =	ssettag $0x2  }
0xc9: {  	s0 =	rddreg [dreg:$0x0];
	s2 =	stileid.u32  }
0xca: {  	s1 =	rddreg [dreg:$0x1];
	p0 =	sne.s32 s2, $0x0  }
0xcb: {  	s3 =	rddreg [dreg:$0x2];
	[bflag:$0x3] =	sbarrier.arrive $0xFFFF;
	s2 =	simm.s32 @!p0 $0x1C02  }
0xcc: {  	[timem:s3], [sflag:s2] =	dma.local @!p0 [hbm:s0], s1  }
0xcd: {  	s0 =	simm.s32 @!p0 $0x2  }
0xce: {  	_ =	swait.ge @!p0 [sflag:s0], s1  }
0xcf: {  	s1 =	ssub.s32 @!p0 $0x0, s1;
	[sflag:s0] =	ssyncset.done @!p0 $0x0  }
0xd0: {  	[sflag:s0] =	ssyncadd.s32 @!p0 s1  }
0xd1: {  	[bflag:$0x3] =	sbarrier.arrive $0xFFFF  }
0xd2: {  	_ =	shalt  }

// kernel: kernel.9.cloned.1.call-start
scs
__scs_entry_jumppad:
0x0: {  	(pc) =	sbr.rel $0x88, $3  }
0x1: {  	(tag) =	ssettag $0x0;
	lr =	simm.s32 $0x1  }
0x2: {  	[smem:$0x3F97] =	sst lr;
	_ =	strace $0xD0000000  }
0x3: {  	_ = 	snop  }
0x4: {  	_ = 	snop  }
0x5: {  	_ = 	snop  }
0x6: {  	_ = 	snop  }
0x7: {  	_ = 	snop  }
__scs_overlays_trampoline_lowered:
0x8: {  	[smem:$0x3FA6] =	sst s0  }
0x9: {  	[smem:$0x3FA7] =	sst s1  }
0xa: {  	[smem:$0x3FA8] =	sst s2  }
0xb: {  	[smem:$0x3FA9] =	sst s3  }
0xc: {  	[smem:$0x3FAA] =	sst s4  }
0xd: {  	[smem:$0x3FAB] =	sst s5  }
0xe: {  	[smem:$0x3FAC] =	sst s6  }
0xf: {  	[smem:$0x3FAD] =	sst s7  }
0x10: {  	[smem:$0x3FAE] =	sst s8  }
0x11: {  	[smem:$0x3FAF] =	sst s9;
	s0 =	simm.s32 @!p0 $0x0  }
0x12: {  	s1 =	sld [smem:$0x3F95];
	s0 =	simm.s32 @p0 $0x1  }
0x13: {  	[smem:$0x3FB0] =	sst s0;
	s0 =	simm.s32 @!p1 $0x0  }
0x14: {  	s2 =	sld [smem:$0x3F94];
	s0 =	simm.s32 @p1 $0x1  }
0x15: {  	[smem:$0x3FB1] =	sst s0;
	s0 =	simm.s32 @!p2 $0x0  }
0x16: {  	s3 =	sld [smem:$0x3FDB];
	s0 =	simm.s32 @p2 $0x1  }
0x17: {  	s4 =	simm.s32 $0x1BF5;
	[smem:$0x3FB3] =	sst s0  }
0x18: {  	s0 =	sld [smem:$0x3F96];
	_ =	swait.ge [sflag:s4], $0x0  }
0x19: {  	s7 =	sld [smem:$0x3F97]  }
0x1a: {  	s8 =	sadd.s32 $0xFFFFE003, lr  }
0x1b: {  	s9 =	sadd.s32 $0xFFFFFEF7, lr;
	s5 =	simm.s32 $0xFFFFFFFF;
	p2 =	slt.u32 s8, $0xFFFFF086  }
0x1c: {  	p1 =	slt.u32 s9, $0xF7A;
	s5 =	simm.s32 @!p2 $0x0  }
0x1d: {  	s5 =	simm.s32 @p1 $0x1;
	p0 =	seq.s32 s7, s2  }
0x1e: {  	s7 =	smul.u32 @!p0 $0xF7A, s2;
	p2 =	seq.s32 @!p0 s5, $0x0  }
0x1f: {  	s9 =	smul.u32 $0xF7A, s1;
	s8 =	simm.s32 @!p0 $0x1BF5;
	p2 =	por !p2, p0  }
0x20: {  	[sflag:s8] =	ssyncset.s32 @!p0 $0xFFFFF086;
	s6 =	sadd.s32 @!p0 s3, s7;
	s7 =	simm.s32 @!p0 $0x108  }
0x21: {  	s3 =	sadd.s32 s3, s9;
	s6 =	sadd.s32 @!p0 $0x88, s6;
	s7 =	simm.s32 @p2 $0x1082  }
0x22: {  	[simem:s7], [sflag:s8] =	dma.local @!p0 [hbm:s6], $0xF7A  }
0x23: {  	s9 =	sor.u32 $0xD0000000, s2;
	s6 =	simm.s32 $0x108;
	_ =	swait.ge @!p0 [sflag:s8], $0x0  }
0x24: {  	s3 =	sadd.s32 $0x88, s3;
	s6 =	simm.s32 @!p1 $0x1082;
	[sflag:s4] =	ssyncset.s32 $0xFFFFF086  }
0x25: {  	[simem:s6], [sflag:s4] =	dma.local [hbm:s3], $0xF7A  }
0x26: {  	[smem:$0x3F97] =	sst s1;
	(tag) =	ssettag s2;
	_ =	strace s9  }
0x27: {  	s1 =	sld [smem:$0x3FA7]  }
0x28: {  	s2 =	sld [smem:$0x3FA8]  }
0x29: {  	s4 =	sld [smem:$0x3FAA]  }
0x2a: {  	p0 =	seq.s32 s5, $0x0;
	s5 =	sld [smem:$0x3FAB]  }
0x2b: {  	s6 =	sld [smem:$0x3FAC]  }
0x2c: {  	s7 =	sld [smem:$0x3FAD]  }
0x2d: {  	s3 =	simm.s32 $0x108;
	s8 =	sld [smem:$0x3FAE]  }
0x2e: {  	s3 =	simm.s32 @!p0 $0x1082;
	s9 =	sld [smem:$0x3FAF]  }
0x2f: {  	lr =	sadd.s32 s0, s3;
	s0 =	sld [smem:$0x3FA6]  }
0x30: {  	s3 =	sld [smem:$0x3FA9]  }
0x31: {  	[smem:$0x3FB2] =	sst s10  }
0x32: {  	s10 =	sld [smem:$0x3FB0];
	_ =	sdelay $0x3  }
0x33: {  	p0 =	seq.s32 s10, $0x1;
	s10 =	sld [smem:$0x3FB2];
	_ =	sdelay $0x3  }
0x34: {  	[smem:$0x3FB2] =	sst s10  }
0x35: {  	s10 =	sld [smem:$0x3FB1];
	_ =	sdelay $0x3  }
0x36: {  	p1 =	seq.s32 s10, $0x1;
	s10 =	sld [smem:$0x3FB2];
	_ =	sdelay $0x3  }
0x37: {  	[smem:$0x3FB2] =	sst s10  }
0x38: {  	s10 =	sld [smem:$0x3FB3]  }
0x39: {  	_ = 	snop;
	(pc) =	sbr.ind lr, $3  }
0x3a: {  	_ = 	snop  }
0x3b: {  	_ = 	snop  }
0x3c: {  	p2 =	seq.s32 s10, $0x1;
	s10 =	sld [smem:$0x3FB2]  }
0x3d: {  	_ =	shalt  }
0x3e: {  	_ =	shalt  }
0x3f: {  	_ =	shalt  }
0x40: {  	_ =	shalt  }
0x41: {  	_ =	shalt  }
0x42: {  	_ =	shalt  }
0x43: {  	_ =	shalt  }
0x44: {  	_ =	shalt  }
0x45: {  	_ =	shalt  }
0x46: {  	_ =	shalt  }
0x47: {  	_ =	shalt  }
0x48: {  	_ =	shalt  }
0x49: {  	_ =	shalt  }
0x4a: {  	_ =	shalt  }
0x4b: {  	_ =	shalt  }
0x4c: {  	_ =	shalt  }
0x4d: {  	_ =	shalt  }
0x4e: {  	_ =	shalt  }
0x4f: {  	_ =	shalt  }
0x50: {  	_ =	shalt  }
0x51: {  	_ =	shalt  }
0x52: {  	_ =	shalt  }
0x53: {  	_ =	shalt  }
0x54: {  	_ =	shalt  }
0x55: {  	_ =	shalt  }
0x56: {  	_ =	shalt  }
0x57: {  	_ =	shalt  }
0x58: {  	_ =	shalt  }
0x59: {  	_ =	shalt  }
0x5a: {  	_ =	shalt  }
0x5b: {  	_ =	shalt  }
0x5c: {  	_ =	shalt  }
0x5d: {  	_ =	shalt  }
0x5e: {  	_ =	shalt  }
0x5f: {  	_ =	shalt  }
0x60: {  	_ =	shalt  }
0x61: {  	_ =	shalt  }
0x62: {  	_ =	shalt  }
0x63: {  	_ =	shalt  }
0x64: {  	_ =	shalt  }
0x65: {  	_ =	shalt  }
0x66: {  	_ =	shalt  }
0x67: {  	_ =	shalt  }
0x68: {  	_ =	shalt  }
0x69: {  	_ =	shalt  }
0x6a: {  	_ =	shalt  }
0x6b: {  	_ =	shalt  }
0x6c: {  	_ =	shalt  }
0x6d: {  	_ =	shalt  }
0x6e: {  	_ =	shalt  }
0x6f: {  	_ =	shalt  }
0x70: {  	_ =	shalt  }
0x71: {  	_ =	shalt  }
0x72: {  	_ =	shalt  }
0x73: {  	_ =	shalt  }
0x74: {  	_ =	shalt  }
0x75: {  	_ =	shalt  }
0x76: {  	_ =	shalt  }
0x77: {  	_ =	shalt  }
0x78: {  	_ =	shalt  }
0x79: {  	_ =	shalt  }
0x7a: {  	_ =	shalt  }
0x7b: {  	_ =	shalt  }
0x7c: {  	_ =	shalt  }
0x7d: {  	_ =	shalt  }
0x7e: {  	_ =	shalt  }
0x7f: {  	_ =	shalt  }
0x80: {  	_ =	shalt  }
0x81: {  	_ =	shalt  }
0x82: {  	_ =	shalt  }
0x83: {  	_ =	shalt  }
0x84: {  	_ =	shalt  }
0x85: {  	_ =	shalt  }
0x86: {  	_ =	shalt  }
0x87: {  	_ =	shalt  }
.Lfunc_end0:
.L_simem_size_0:
called_computation.1_lowered:
.L_overlay_start_0:
0x88: {  	s2 =	sld [smem:$0x3FD9]  }
0x89: {  	s3 =	sld [smem:$0x3FFE];
	_ =	sdelay $0x1  }
0x8a: {  	s1 =	srdreg.scid  }
0x8b: {  	s0 =	sand.u32 $0x1, s1  }
0x8c: {  	s16 =	sshll.u32 s0, $0xA;
	s2 =	sadd.s32 s3, s2  }
0x8d: {  	s2 =	sadd.s32 s2, s16  }
0x8e: {  	[smem:$0x3FBE] =	sst s2  }
0x8f: {  	_ = 	snop  }
0x90: {  	(tm) =	ssettm $0x1  }
0x91: {  	s17 =	sld [smem:$0x3FFB];
	_ =	sdelay $0x3  }
0x92: {  	_ =	strace s17  }
0x93: {  	s2 =	sld [smem:$0x3FFC];
	_ =	sdelay $0x3  }
0x94: {  	_ =	strace s2  }
0x95: {  	s2 =	sld [smem:$0x3FFD];
	_ =	sdelay $0x3  }
0x96: {  	_ =	strace s2  }
0x97: {  	_ =	strace $0x8FFFFFFF  }
0x98: {  	s18 =	sld [smem:$0x3FDB];
	_ =	sdelay $0x1  }
0x99: {  	s19 =	simm.s32 $_scs_section_size  }
0x9a: {  	s4 =	simm.s32 $_size__tile_overlayer_lowered;
	s5 =	simm.s32 $_tile_overlayer_lowered  }
0x9b: {  	s22 =	simm.s32 $0x1BFF;
	s21 =	sshll.u32 s5, $0x1;
	s2 =	sadd.s32 s19, s18  }
0x9c: {  	s6 =	simm.s32 $0x0;
	s20 =	sshll.u32 s4, $0x1;
	s4 =	sadd.s32 s21, s2  }
0x9d: {  	[timem:s6], [sflag:s22] =	dma.local [hbm:s4], s20  }
0x9e: {  	_ =	swait.ge [sflag:s22], s20  }
0x9f: {  	s3 =	ssub.s32 $0x0, s20;
	[sflag:s22] =	ssyncset.done $0x0  }
0xa0: {  	[sflag:s22] =	ssyncadd.s32 s3;
	_ =	sdelay $0x1  }
0xa1: {  	s23 =	simm.s32 $0x1B8B  }
0xa2: {  	_ =	swait.ge [sflag:s23], $0x1  }
0xa3: {  	[sflag:s23] =	ssyncset.done $0x0  }
0xa4: {  	s25 =	simm.s32 $0x1B8E;
	s24 =	sld [smem:$0x3FFE];
	[sflag:s23] =	ssyncadd.s32 $0xFFFFFFFF  }
0xa5: {  	s26 =	simm.s32 $execute0_lowered;
	[smem:$0x3FD2] =	sst s25  }
0xa6: {  	s4 =	sshll.u32 s26, $0x1;
	_ =	strace $0x80000049;
	[dreg:$0x1] =	wrdreg $0xFFFFFFFF  }
0xa7: {  	s28 =	simm.s32 $_size_execute0_lowered;
	s2 =	sadd.s32 s2, s4;
	[dreg:$0x0] =	wrdreg $0x0  }
0xa8: {  	s4 =	sshll.u32 s28, $0x1;
	[dreg:$0x2] =	wrdreg s2  }
0xa9: {  	[dreg:$0x3] =	wrdreg s4  }
0xaa: {  	[dreg:$0x4] =	wrdreg $0xC0  }
0xab: {  	_ =	task [dreg:s6], $0x5FFFF  }
0xac: {  	[dreg:$0x1] =	wrdreg $0xFFFFFFFF  }
0xad: {  	[dreg:$0x0] =	wrdreg $0x60  }
0xae: {  	[dreg:$0x2] =	wrdreg s24  }
0xaf: {  	[dreg:$0x3] =	wrdreg $0xBA000  }
0xb0: {  	[dreg:$0x4] =	wrdreg $0x9  }
0xb1: {  	_ =	task.clear_ibuf [dreg:s6], $0x5FFFF;
	_ =	strace $0x90000049  }
0xb2: {  	s29 =	simm.s32 $0x9;
	_ =	strace $0x8000004B  }
0xb3: {  	_ =	swait.ge [sflag:s29], $0x1  }
0xb4: {  	[sflag:s29] =	ssyncadd.s32 $0xFFFFFFFF  }
0xb5: {  	_ =	strace $0x9000004B  }
0xb6: {  	_ =	sfence  }
0xb7: {  	s30 =	sld [smem:$0x0];
	_ =	sdelay $0x2  }
0xb8: {  	s31 =	sshll.u32 s1, $0xD;
	s1 =	sshrl.u32 s1, $0x2  }
0xb9: {  	s3 =	sand.u32 $0x4000, s31;
	s1 =	sadd.s32 s1, s30  }
0xba: {  	s0 =	sor.u32 s3, s0;
	s1 =	sshll.u32 s1, $0x11  }
0xbb: {  	s0 =	sor.u32 s1, s0  }
0xbc: {  	s0 =	sadd.s32 $0x8F2B, s0  }
0xbd: {  	[sflag:s0] =	ssyncadd.remote.s32 $0x1  }
0xbe: {  	_ =	sfence.sel $0xFFFF  }
0xbf: {  	[dreg:$0x0] =	wrdreg $0xFFFFFFFF;
	(pc) =	sbr.abs _section_cstart, $3  }
0xc0: {  	[dreg:$0x1] =	wrdreg $0xFFFFFFFF  }
0xc1: {  	_ =	task.clear_ibuf [dreg:s6], $0x2FFFF;
	_ =	strace $0x9FFFFFFF  }
0xc2: {  	(tm) =	ssettm $0x7FFFFFFF  }
0xc3: {  	_ =	shalt  }
tec
execute0_lowered:
.L_overlay_start_1:
0x0: {  	(tag) =	ssettag $0x1  }
0x1: {  	s0 =	rddreg [dreg:$0x0]  }
0x2: {  	s2 =	rddreg [dreg:$0x1]  }
0x3: {  	s8 =	stileid.u32;
	s1 =	srdreg.scid;
	s3 =	simm.s32 $0x0  }
0x4: {  	s15 =	simm.s32 $0x96;
	s28 =	simm.s32 $0x100;
	s4 =	smul.u32 $0x3, s8  }
0x5: {  	s30 =	simm.s32 $0x78;
	s31 =	simm.s32 $0x4200;
	s5 =	smul.u32 $0x19, s8  }
0x6: {  	s29 =	simm.s32 $0x7;
	s1 =	sand.u32 $0x1, s1;
	s6 =	smul.u32 $0x50000, s8  }
0x7: {  	[smem:$0x7FF] =	sst s3;
	s13 =	smul.u32 $0x14000, s8;
	p0 =	seq.s32 s1, $0x0  }
0x8: {  	_ =	strace $0x8000004A;
	s20 =	ssub.s32 $0x2, s1;
	s1 =	smul.u32 $0x140000, s1  }
0x9: {  	s4 =	sadd.s32 $0x190, s4;
	s7 =	sshrl.u32 s20, $0x1;
	s15 =	simm.s32 @!p0 $0x12  }
0xa: {  	s21 =	sshrl.u32 s6, $0x2;
	s16 =	sor.u32 $0x3C00, s13;
	s17 =	sadd.s32 $0x7800, s13  }
0xb: {  	s18 =	sadd.s32 $0xB400, s13;
	s19 =	sadd.s32 $0xF000, s13;
	s4 =	smov.u32 @p0 s5  }
0xc: {  	s14 =	ssub.s32 s20, s7;
	s5 =	sadd.s32 s21, s2;
	s6 =	sadd.s32 s16, s2  }
0xd: {  	s7 =	sadd.s32 s17, s2;
	s8 =	sadd.s32 s18, s2;
	s9 =	sadd.s32 s19, s2  }
0xe: {  	s20 =	sadd.s32 $0x12C00, s13;
	s23 =	sadd.s32 $0xFFFFFFFE, s15;
	s13 =	sadd.s32 s13, s1  }
0xf: {  	s24 =	sadd.s32 $0xFFFFFFFD, s15;
	s16 =	sadd.s32 s1, s16;
	[dreg:$0x3] =	wrdreg s23  }
0x10: {  	s25 =	sadd.s32 $0xFFFFFFFC, s15;
	s26 =	sadd.s32 $0xFFFFFFFB, s15;
	[dreg:$0x4] =	wrdreg s24  }
0x11: {  	s4 =	sshll.u32 s4, $0x7;
	s10 =	sadd.s32 s20, s2;
	[dreg:$0x5] =	wrdreg s25  }
0x12: {  	[dreg:$0x6] =	wrdreg s26;
	s23 =	sadd.s32 s1, s19;
	s24 =	sadd.s32 $0xFFFFFFF9, s15  }
0x13: {  	s25 =	sadd.s32 $0xFFFFFFF8, s15;
	s19 =	smul.u32 $0xAB, s15;
	s13 =	sshrl.u32 s13, $0x3  }
0x14: {  	s12 =	sadd.s32 s4, s0;
	s4 =	sadd.s32 $0x1E400, s0;
	[dreg:$0x8] =	wrdreg s24  }
0x15: {  	s0 =	sadd.s32 $0x46400, s0;
	[dreg:$0x9] =	wrdreg s25;
	s21 =	sadd.s32 $0x10400, s12  }
0x16: {  	s11 =	sadd.s32 $0x2400, s12;
	s22 =	sadd.s32 $0x2410, s12;
	[dreg:$0xb] =	wrdreg s21  }
0x17: {  	s26 =	sadd.s32 $0x10410, s12;
	s13 =	sadd.s32 s0, s13;
	[dreg:$0xc] =	wrdreg s22  }
0x18: {  	s22 =	sadd.s32 s1, s17;
	s21 =	sadd.s32 s1, s18;
	[dreg:$0xd] =	wrdreg s26  }
0x19: {  	s18 =	sadd.s32 $0xFFFFFFFA, s15;
	s1 =	sadd.s32 s1, s20;
	[dreg:$0x10] =	wrdreg s13  }
0x1a: {  	s20 =	sshrl.u32 s16, $0x3;
	s26 =	sshrl.u32 s23, $0x3;
	s23 =	smax.u32 s14, $0x1  }
0x1b: {  	s14 =	simm.s32 $0x0;
	[dreg:$0x7] =	wrdreg s18;
	s18 =	sadd.s32 $0x2420, s12  }
0x1c: {  	s12 =	sadd.s32 $0x10420, s12;
	s22 =	sshrl.u32 s22, $0x3;
	s13 =	sadd.s32 s0, s20  }
0x1d: {  	s25 =	sshrl.u32 s21, $0x3;
	s21 =	sadd.s32 s0, s26;
	[dreg:$0xe] =	wrdreg s18  }
0x1e: {  	s1 =	sshrl.u32 s1, $0x3;
	s26 =	simm.s32 $0x80;
	[dreg:$0xf] =	wrdreg s12  }
0x1f: {  	[dreg:$0x11] =	wrdreg s13;
	s24 =	sadd.s32 s0, s22;
	s13 =	sadd.s32 s0, s25  }
0x20: {  	s12 =	sshrl.u32 s19, $0x3;
	s22 =	sadd.s32 s0, s1;
	s25 =	simm.s32 $0xD  }
0x21: {  	s1 =	simm.s32 $0xC;
	s0 =	simm.s32 $0xA;
	[dreg:$0x12] =	wrdreg s24  }
0x22: {  	[dreg:$0x13] =	wrdreg s13;
	s12 =	sand.u32 $0xF80, s12;
	s24 =	simm.s32 $0x600  }
0x23: {  	v0 =	vimm.f32 $0.0e+00;
	s13 =	simm.s32 $0x7E00;
	[dreg:$0xa] =	wrdreg s12;
	s12 =	simm.s32 $0xB  }
.LBB2_1:
0x24: {  	s15 =	simm.s32 $0x0;
	s16 =	simm.s32 $0x200  }
.LBB2_2:
0x25: {  	p0 =	sne.s32 s16, $0xEE00;
	[tilespmem:s15+$0x670] =	vst v0  }
0x26: {  	[tilespmem:s15+$0x600] =	vst v0  }
0x27: {  	[tilespmem:s15+$0x610] =	vst v0  }
.Ltmp0:
0x28: {  	[tilespmem:s15+$0x620] =	vst v0;
	(pc) =	sbr.rel @p0 .LBB2_2-.Ltmp0, $4  }
0x29: {  	[tilespmem:s15+$0x630] =	vst v0  }
0x2a: {  	[tilespmem:s15+$0x640] =	vst v0  }
0x2b: {  	[tilespmem:s15+$0x650] =	vst v0  }
0x2c: {  	[tilespmem:s15+$0x660] =	vst v0;
	s15 =	sshra.s32 s16, $0x2;
	s16 =	sadd.s32 $0x200, s16  }
0x2d: {  	[tilespmem:s15+$0x670] =	vst v0  }
0x2e: {  	[tilespmem:s15+$0x600] =	vst v0  }
0x2f: {  	[tilespmem:s15+$0x610] =	vst v0  }
0x30: {  	[tilespmem:s15+$0x620] =	vst v0  }
0x31: {  	[tilespmem:s15+$0x630] =	vst v0  }
0x32: {  	[tilespmem:s15+$0x640] =	vst v0  }
0x33: {  	[tilespmem:s15+$0x650] =	vst v0  }
0x34: {  	[tilespmem:s15+$0x660] =	vst v0  }
0x35: {  	[spmem:s5] =	stream.linear.scatter [tilespmem:s24], [sflag:$0xD], $0x3C00, $0x38;
	[tilespmem:$0x1FA00] =	vst v63  }
0x36: {  	_ =	swait.ge [sflag:s25], $0x3C00  }
0x37: {  	[sflag:s25] =	ssyncset.done $0x0  }
0x38: {  	[sflag:s25] =	ssyncadd.s32 $0xFFFFC400  }
0x39: {  	[spmem:s6] =	stream.linear.scatter [tilespmem:s24], [sflag:$0xD], $0x3C00, $0x38;
	[tilespmem:$0x1FA00] =	vst v63  }
0x3a: {  	_ =	swait.ge [sflag:s25], $0x3C00  }
0x3b: {  	[sflag:s25] =	ssyncset.done $0x0  }
0x3c: {  	[sflag:s25] =	ssyncadd.s32 $0xFFFFC400  }
0x3d: {  	[spmem:s7] =	stream.linear.scatter [tilespmem:s24], [sflag:$0xD], $0x3C00, $0x38;
	[tilespmem:$0x1FA00] =	vst v63  }
0x3e: {  	_ =	swait.ge [sflag:s25], $0x3C00  }
0x3f: {  	[sflag:s25] =	ssyncset.done $0x0  }
0x40: {  	[sflag:s25] =	ssyncadd.s32 $0xFFFFC400  }
0x41: {  	[spmem:s8] =	stream.linear.scatter [tilespmem:s24], [sflag:$0xD], $0x3C00, $0x38;
	[tilespmem:$0x1FA00] =	vst v63  }
0x42: {  	_ =	swait.ge [sflag:s25], $0x3C00  }
0x43: {  	[sflag:s25] =	ssyncset.done $0x0  }
0x44: {  	[sflag:s25] =	ssyncadd.s32 $0xFFFFC400  }
0x45: {  	[spmem:s9] =	stream.linear.scatter [tilespmem:s24], [sflag:$0xD], $0x3C00, $0x38;
	[tilespmem:$0x1FA00] =	vst v63  }
0x46: {  	_ =	swait.ge [sflag:s25], $0x3C00  }
0x47: {  	[sflag:s25] =	ssyncset.done $0x0  }
0x48: {  	[sflag:s25] =	ssyncadd.s32 $0xFFFFC400  }
0x49: {  	[spmem:s10] =	stream.linear.scatter [tilespmem:s24], [sflag:$0xD], $0x1400, $0x38;
	[tilespmem:$0x1FA00] =	vst v63  }
0x4a: {  	_ =	swait.ge [sflag:s25], $0x1400  }
0x4b: {  	[sflag:s25] =	ssyncset.done $0x0  }
0x4c: {  	[sflag:s25] =	ssyncadd.s32 $0xFFFFEC00  }
0x4d: {  	s15 =	simm.s32 $0x0;
	[bflag:$0x0] =	sbarrier.arrive $0xFFFF  }
0x4e: {  	[tilespmem:s15], [sflag:$0xD] =	stream.linear.gather [hbm4b:s11+s15], $0x80, $0x38;
	[tilespmem:$0x1FA00] =	vst v63  }
0x4f: {  	_ =	swait.ge [sflag:s25], $0x80  }
0x50: {  	[sflag:s25] =	ssyncset.done $0x0  }
0x51: {  	s16 =	rddreg [dreg:$0xb];
	[sflag:s25] =	ssyncadd.s32 $0xFFFFFF80  }
0x52: {  	[tilespmem:s26], [sflag:$0xD] =	stream.linear.gather [hbm4b:s16+s15], $0x80, $0x38;
	[tilespmem:$0x1FA00] =	vst v63  }
0x53: {  	_ =	swait.ge [sflag:s25], $0x80  }
0x54: {  	[sflag:s25] =	ssyncset.done $0x0  }
0x55: {  	s19 =	rddreg [dreg:$0xc];
	[sflag:s25] =	ssyncadd.s32 $0xFFFFFF80  }
0x56: {  	[tilespmem:s28], [sflag:$0xD] =	stream.linear.gather [hbm4b:s19+s15], $0x80, $0x38;
	[tilespmem:$0x1FA00] =	vst v63  }
0x57: {  	_ =	swait.ge [sflag:s25], $0x80  }
0x58: {  	[sflag:s25] =	ssyncset.done $0x0  }
0x59: {  	s17 =	simm.s32 $0x180;
	s20 =	rddreg [dreg:$0xd];
	[sflag:s25] =	ssyncadd.s32 $0xFFFFFF80  }
0x5a: {  	[tilespmem:s17], [sflag:$0xD] =	stream.linear.gather [hbm4b:s20+s15], $0x80, $0x38;
	[tilespmem:$0x1FA00] =	vst v63  }
0x5b: {  	_ =	swait.ge [sflag:s25], $0x80  }
0x5c: {  	[sflag:s25] =	ssyncset.done $0x0  }
0x5d: {  	[sflag:s25] =	ssyncadd.s32 $0xFFFFFF80  }
0x5e: {  	[tilespmem:s24], [sflag:$0x7] =	stream.indirect.gather [hbm4b:s4+s30], $0x80, s15, s30, $0xb8;
	[tilespmem:$0x1FA00] =	vst v63  }
0x5f: {  	_ = 	snop  }
0x60: {  	[tilespmem:s31], [sflag:$0x8] =	stream.indirect.gather [hbm4b:s4+s30], $0x80, s28, s30, $0xb8;
	[tilespmem:$0x1FA00] =	vst v63  }
0x61: {  	s18 =	simm.s32 $0x200;
	s17 =	rddreg [dreg:$0xe]  }
0x62: {  	[tilespmem:s18], [sflag:$0x3] =	stream.linear.gather [hbm4b:s17+s15], $0x80, $0x38;
	[tilespmem:$0x1FA00] =	vst v63  }
0x63: {  	s16 =	simm.s32 $0x0;
	s20 =	simm.s32 $0x280;
	s19 =	rddreg [dreg:$0xf]  }
0x64: {  	[tilespmem:s20], [sflag:$0x3] =	stream.linear.gather [hbm4b:s19+s15], $0x80, $0x38;
	[tilespmem:$0x1FA00] =	vst v63  }
.LBB2_4:
0x65: {  	_ =	swait.ge [sflag:s29], $0x3C00  }
0x66: {  	p0 =	seq.s32 s16, $0x0;
	[sflag:s29] =	ssyncset.done $0x0  }
0x67: {  	s17 =	simm.s32 @!p0 $0xC;
	[sflag:s29] =	ssyncadd.s32 $0xFFFFC400  }
0x68: {  	[spmem:s2] =	stream.indirect.scatter.add.f32 [tilespmem:s24], [sflag:$0xA], $0x80, s26, s30, $0xb8;
	[tilespmem:$0x1FA00] =	vst v63  }
0x69: {  	_ =	swait.ge @!p0 [sflag:s17], $0x3C00  }
0x6a: {  	s18 =	rddreg [dreg:$0x3]  }
0x6b: {  	[sflag:s17] =	ssyncset.done @!p0 $0x0;
	p1 =	sge.u32 s15, s18  }
0x6c: {  	[sflag:s17] =	ssyncadd.s32 @!p0 $0xFFFFC400;
	s17 =	simm.s32 @!p1 $0x3  }
0x6d: {  	_ =	swait.ge @!p1 [sflag:s17], $0x80  }
0x6e: {  	[sflag:s17] =	ssyncset.done @!p1 $0x0  }
0x6f: {  	[sflag:s17] =	ssyncadd.s32 @!p1 $0xFFFFFF80  }
0x70: {  	_ =	swait.ge @!p1 [sflag:s17], $0x80  }
0x71: {  	s18 =	simm.s32 @!p1 $0x78;
	s19 =	simm.s32 @!p1 $0x200;
	[sflag:s17] =	ssyncset.done @!p1 $0x0  }
0x72: {  	s20 =	simm.s32 @!p1 $0x7E00;
	[sflag:s17] =	ssyncadd.s32 @!p1 $0xFFFFFF80;
	s17 =	rddreg [dreg:$0x4]  }
0x73: {  	[tilespmem:s20], [sflag:$0x9] =	stream.indirect.gather @!p1 [hbm4b:s4+s18], $0x80, s19, s18, $0xb8;
	[tilespmem:$0x1FA00] =	vst v63  }
0x74: {  	p0 =	sge.u32 s15, s17  }
0x75: {  	s17 =	simm.s32 @p0 $0x8  }
0x76: {  	_ =	swait.ge @p0 [sflag:s17], $0x3C00  }
0x77: {  	s18 =	simm.s32 @p0 $0x180;
	[sflag:s17] =	ssyncset.done @p0 $0x0  }
0x78: {  	s19 =	simm.s32 @p0 $0x4200;
	[sflag:s17] =	ssyncadd.s32 @p0 $0xFFFFC400;
	s17 =	simm.s32 @p0 $0x78  }
0x79: {  	[spmem:s2] =	stream.indirect.scatter.add.f32 @p0 [tilespmem:s19], [sflag:$0xB], $0x80, s18, s17, $0xb8;
	[tilespmem:$0x1FA00] =	vst v63  }
0x7a: {  	s17 =	simm.s32 @p0 $0xA  }
0x7b: {  	_ =	swait.ge @p0 [sflag:s17], $0x3C00  }
0x7c: {  	[sflag:s17] =	ssyncset.done @p0 $0x0  }
0x7d: {  	[sflag:s17] =	ssyncadd.s32 @p0 $0xFFFFC400;
	s17 =	sadd.s32 @!p0 s16, s11  }
0x7e: {  	s20 =	simm.s32 @!p0 $0x300;
	s19 =	simm.s32 @!p0 $0x0;
	s18 =	sadd.s32 @!p0 $0x30, s17  }
0x7f: {  	[tilespmem:s20], [sflag:$0x4] =	stream.linear.gather @!p0 [hbm4b:s18+s19], $0x80, $0x38;
	[tilespmem:$0x1FA00] =	vst v63  }
0x80: {  	s17 =	sadd.s32 @!p0 $0xE030, s17;
	s18 =	simm.s32 @!p0 $0x380  }
0x81: {  	[tilespmem:s18], [sflag:$0x4] =	stream.linear.gather @!p0 [hbm4b:s17+s19], $0x80, $0x38;
	[tilespmem:$0x1FA00] =	vst v63  }
0x82: {  	s17 =	simm.s32 @!p0 $0x8  }
0x83: {  	_ =	swait.ge @!p0 [sflag:s17], $0x3C00  }
0x84: {  	s18 =	simm.s32 @!p0 $0x180;
	[sflag:s17] =	ssyncset.done @!p0 $0x0  }
0x85: {  	s19 =	simm.s32 @!p0 $0x4200;
	[sflag:s17] =	ssyncadd.s32 @!p0 $0xFFFFC400;
	s17 =	simm.s32 @!p0 $0x78  }
0x86: {  	[spmem:s2] =	stream.indirect.scatter.add.f32 @!p0 [tilespmem:s19], [sflag:$0xB], $0x80, s18, s17, $0xb8;
	[tilespmem:$0x1FA00] =	vst v63  }
0x87: {  	s18 =	simm.s32 @!p0 $0xA  }
0x88: {  	_ =	swait.ge @!p0 [sflag:s18], $0x3C00  }
0x89: {  	[sflag:s18] =	ssyncset.done @!p0 $0x0  }
0x8a: {  	[sflag:s18] =	ssyncadd.s32 @!p0 $0xFFFFC400;
	s18 =	simm.s32 @!p0 $0x4  }
0x8b: {  	_ =	swait.ge @!p0 [sflag:s18], $0x80  }
0x8c: {  	[sflag:s18] =	ssyncset.done @!p0 $0x0  }
0x8d: {  	[sflag:s18] =	ssyncadd.s32 @!p0 $0xFFFFFF80  }
0x8e: {  	_ =	swait.ge @!p0 [sflag:s18], $0x80  }
0x8f: {  	[sflag:s18] =	ssyncset.done @!p0 $0x0  }
0x90: {  	s19 =	rddreg [dreg:$0x5];
	[sflag:s18] =	ssyncadd.s32 @!p0 $0xFFFFFF80;
	s18 =	simm.s32 @!p0 $0x600  }
0x91: {  	[tilespmem:s18], [sflag:$0x7] =	stream.indirect.gather @!p0 [hbm4b:s4+s17], $0x80, s20, s17, $0xb8;
	[tilespmem:$0x1FA00] =	vst v63  }
0x92: {  	p0 =	sge.u32 s15, s19  }
0x93: {  	s17 =	simm.s32 @p0 $0x9  }
0x94: {  	_ =	swait.ge @p0 [sflag:s17], $0x3C00  }
0x95: {  	s18 =	simm.s32 @p0 $0x280;
	[sflag:s17] =	ssyncset.done @p0 $0x0  }
0x96: {  	s19 =	simm.s32 @p0 $0x7E00;
	[sflag:s17] =	ssyncadd.s32 @p0 $0xFFFFC400;
	s17 =	simm.s32 @p0 $0x78  }
0x97: {  	[spmem:s2] =	stream.indirect.scatter.add.f32 @p0 [tilespmem:s19], [sflag:$0xC], $0x80, s18, s17, $0xb8;
	[tilespmem:$0x1FA00] =	vst v63  }
0x98: {  	s17 =	simm.s32 @p0 $0xB  }
0x99: {  	_ =	swait.ge @p0 [sflag:s17], $0x3C00  }
0x9a: {  	[sflag:s17] =	ssyncset.done @p0 $0x0  }
0x9b: {  	[sflag:s17] =	ssyncadd.s32 @p0 $0xFFFFC400;
	s17 =	sadd.s32 @!p0 s16, s11  }
0x9c: {  	s20 =	simm.s32 @!p0 $0x400;
	s19 =	simm.s32 @!p0 $0x0;
	s18 =	sadd.s32 @!p0 $0x40, s17  }
0x9d: {  	[tilespmem:s20], [sflag:$0x5] =	stream.linear.gather @!p0 [hbm4b:s18+s19], $0x80, $0x38;
	[tilespmem:$0x1FA00] =	vst v63  }
0x9e: {  	s17 =	sadd.s32 @!p0 $0xE040, s17;
	s18 =	simm.s32 @!p0 $0x480  }
0x9f: {  	[tilespmem:s18], [sflag:$0x5] =	stream.linear.gather @!p0 [hbm4b:s17+s19], $0x80, $0x38;
	[tilespmem:$0x1FA00] =	vst v63  }
0xa0: {  	s17 =	simm.s32 @!p0 $0x9  }
0xa1: {  	_ =	swait.ge @!p0 [sflag:s17], $0x3C00  }
0xa2: {  	s18 =	simm.s32 @!p0 $0x280;
	[sflag:s17] =	ssyncset.done @!p0 $0x0  }
0xa3: {  	s19 =	simm.s32 @!p0 $0x7E00;
	[sflag:s17] =	ssyncadd.s32 @!p0 $0xFFFFC400;
	s17 =	simm.s32 @!p0 $0x78  }
0xa4: {  	[spmem:s2] =	stream.indirect.scatter.add.f32 @!p0 [tilespmem:s19], [sflag:$0xC], $0x80, s18, s17, $0xb8;
	[tilespmem:$0x1FA00] =	vst v63  }
0xa5: {  	s18 =	simm.s32 @!p0 $0xB  }
0xa6: {  	_ =	swait.ge @!p0 [sflag:s18], $0x3C00  }
0xa7: {  	[sflag:s18] =	ssyncset.done @!p0 $0x0  }
0xa8: {  	[sflag:s18] =	ssyncadd.s32 @!p0 $0xFFFFC400;
	s18 =	simm.s32 @!p0 $0x5  }
0xa9: {  	_ =	swait.ge @!p0 [sflag:s18], $0x80  }
0xaa: {  	[sflag:s18] =	ssyncset.done @!p0 $0x0  }
0xab: {  	[sflag:s18] =	ssyncadd.s32 @!p0 $0xFFFFFF80  }
0xac: {  	_ =	swait.ge @!p0 [sflag:s18], $0x80  }
0xad: {  	[sflag:s18] =	ssyncset.done @!p0 $0x0  }
0xae: {  	s19 =	rddreg [dreg:$0x6];
	[sflag:s18] =	ssyncadd.s32 @!p0 $0xFFFFFF80;
	s18 =	simm.s32 @!p0 $0x4200  }
0xaf: {  	[tilespmem:s18], [sflag:$0x8] =	stream.indirect.gather @!p0 [hbm4b:s4+s17], $0x80, s20, s17, $0xb8;
	[tilespmem:$0x1FA00] =	vst v63  }
0xb0: {  	p0 =	sge.u32 s15, s19  }
0xb1: {  	s17 =	simm.s32 @p0 $0x7  }
0xb2: {  	_ =	swait.ge @p0 [sflag:s17], $0x3C00  }
0xb3: {  	s18 =	simm.s32 @p0 $0x380;
	[sflag:s17] =	ssyncset.done @p0 $0x0  }
0xb4: {  	s19 =	simm.s32 @p0 $0x600;
	[sflag:s17] =	ssyncadd.s32 @p0 $0xFFFFC400;
	s17 =	simm.s32 @p0 $0x78  }
0xb5: {  	[spmem:s2] =	stream.indirect.scatter.add.f32 @p0 [tilespmem:s19], [sflag:$0xA], $0x80, s18, s17, $0xb8;
	[tilespmem:$0x1FA00] =	vst v63  }
0xb6: {  	s17 =	simm.s32 @p0 $0xC  }
0xb7: {  	_ =	swait.ge @p0 [sflag:s17], $0x3C00  }
0xb8: {  	[sflag:s17] =	ssyncset.done @p0 $0x0  }
0xb9: {  	[sflag:s17] =	ssyncadd.s32 @p0 $0xFFFFC400;
	s17 =	sadd.s32 @!p0 s16, s11  }
0xba: {  	s20 =	simm.s32 @!p0 $0x500;
	s19 =	simm.s32 @!p0 $0x0;
	s18 =	sadd.s32 @!p0 $0x50, s17  }
0xbb: {  	[tilespmem:s20], [sflag:$0x6] =	stream.linear.gather @!p0 [hbm4b:s18+s19], $0x80, $0x38;
	[tilespmem:$0x1FA00] =	vst v63  }
0xbc: {  	s17 =	sadd.s32 @!p0 $0xE050, s17;
	s18 =	simm.s32 @!p0 $0x580  }
0xbd: {  	[tilespmem:s18], [sflag:$0x6] =	stream.linear.gather @!p0 [hbm4b:s17+s19], $0x80, $0x38;
	[tilespmem:$0x1FA00] =	vst v63  }
0xbe: {  	s17 =	simm.s32 @!p0 $0x7  }
0xbf: {  	_ =	swait.ge @!p0 [sflag:s17], $0x3C00  }
0xc0: {  	s18 =	simm.s32 @!p0 $0x380;
	[sflag:s17] =	ssyncset.done @!p0 $0x0  }
0xc1: {  	s19 =	simm.s32 @!p0 $0x600;
	[sflag:s17] =	ssyncadd.s32 @!p0 $0xFFFFC400;
	s17 =	simm.s32 @!p0 $0x78  }
0xc2: {  	[spmem:s2] =	stream.indirect.scatter.add.f32 @!p0 [tilespmem:s19], [sflag:$0xA], $0x80, s18, s17, $0xb8;
	[tilespmem:$0x1FA00] =	vst v63  }
0xc3: {  	s18 =	simm.s32 @!p0 $0xC  }
0xc4: {  	_ =	swait.ge @!p0 [sflag:s18], $0x3C00  }
0xc5: {  	[sflag:s18] =	ssyncset.done @!p0 $0x0  }
0xc6: {  	[sflag:s18] =	ssyncadd.s32 @!p0 $0xFFFFC400;
	s18 =	simm.s32 @!p0 $0x6  }
0xc7: {  	_ =	swait.ge @!p0 [sflag:s18], $0x80  }
0xc8: {  	[sflag:s18] =	ssyncset.done @!p0 $0x0  }
0xc9: {  	[sflag:s18] =	ssyncadd.s32 @!p0 $0xFFFFFF80  }
0xca: {  	_ =	swait.ge @!p0 [sflag:s18], $0x80  }
0xcb: {  	[sflag:s18] =	ssyncset.done @!p0 $0x0  }
0xcc: {  	s19 =	rddreg [dreg:$0x7];
	[sflag:s18] =	ssyncadd.s32 @!p0 $0xFFFFFF80;
	s18 =	simm.s32 @!p0 $0x7E00  }
0xcd: {  	[tilespmem:s18], [sflag:$0x9] =	stream.indirect.gather @!p0 [hbm4b:s4+s17], $0x80, s20, s17, $0xb8;
	[tilespmem:$0x1FA00] =	vst v63  }
0xce: {  	p0 =	sge.u32 s15, s19  }
0xcf: {  	s17 =	simm.s32 @p0 $0x8  }
0xd0: {  	_ =	swait.ge @p0 [sflag:s17], $0x3C00  }
0xd1: {  	s18 =	simm.s32 @p0 $0x480;
	[sflag:s17] =	ssyncset.done @p0 $0x0  }
0xd2: {  	s19 =	simm.s32 @p0 $0x4200;
	[sflag:s17] =	ssyncadd.s32 @p0 $0xFFFFC400;
	s17 =	simm.s32 @p0 $0x78  }
0xd3: {  	[spmem:s2] =	stream.indirect.scatter.add.f32 @p0 [tilespmem:s19], [sflag:$0xB], $0x80, s18, s17, $0xb8;
	[tilespmem:$0x1FA00] =	vst v63  }
0xd4: {  	s17 =	simm.s32 @p0 $0xA  }
0xd5: {  	_ =	swait.ge @p0 [sflag:s17], $0x3C00  }
0xd6: {  	s18 =	sadd.s32 @!p0 s16, s11;
	[sflag:s17] =	ssyncset.done @p0 $0x0  }
0xd7: {  	s19 =	simm.s32 @!p0 $0x0;
	[sflag:s17] =	ssyncadd.s32 @p0 $0xFFFFC400;
	s17 =	sadd.s32 @!p0 $0x80, s18  }
0xd8: {  	[tilespmem:s19], [sflag:$0x1] =	stream.linear.gather @!p0 [hbm4b:s17+s19], $0x80, $0x38;
	[tilespmem:$0x1FA00] =	vst v63  }
0xd9: {  	s17 =	sadd.s32 @!p0 $0xE080, s18;
	s18 =	simm.s32 @!p0 $0x80  }
0xda: {  	[tilespmem:s18], [sflag:$0x1] =	stream.linear.gather @!p0 [hbm4b:s17+s19], $0x80, $0x38;
	[tilespmem:$0x1FA00] =	vst v63  }
0xdb: {  	s17 =	simm.s32 @!p0 $0x8  }
0xdc: {  	_ =	swait.ge @!p0 [sflag:s17], $0x3C00  }
0xdd: {  	s20 =	simm.s32 @!p0 $0x4200;
	[sflag:s17] =	ssyncset.done @!p0 $0x0  }
0xde: {  	s18 =	simm.s32 @!p0 $0x480;
	[sflag:s17] =	ssyncadd.s32 @!p0 $0xFFFFC400;
	s17 =	simm.s32 @!p0 $0x78  }
0xdf: {  	[spmem:s2] =	stream.indirect.scatter.add.f32 @!p0 [tilespmem:s20], [sflag:$0xB], $0x80, s18, s17, $0xb8;
	[tilespmem:$0x1FA00] =	vst v63  }
0xe0: {  	s18 =	simm.s32 @!p0 $0xA  }
0xe1: {  	_ =	swait.ge @!p0 [sflag:s18], $0x3C00  }
0xe2: {  	[sflag:s18] =	ssyncset.done @!p0 $0x0  }
0xe3: {  	[sflag:s18] =	ssyncadd.s32 @!p0 $0xFFFFC400;
	s18 =	simm.s32 @!p0 $0x1  }
0xe4: {  	_ =	swait.ge @!p0 [sflag:s18], $0x80  }
0xe5: {  	[sflag:s18] =	ssyncset.done @!p0 $0x0  }
0xe6: {  	[sflag:s18] =	ssyncadd.s32 @!p0 $0xFFFFFF80  }
0xe7: {  	_ =	swait.ge @!p0 [sflag:s18], $0x80  }
0xe8: {  	[sflag:s18] =	ssyncset.done @!p0 $0x0  }
0xe9: {  	s20 =	rddreg [dreg:$0x8];
	[sflag:s18] =	ssyncadd.s32 @!p0 $0xFFFFFF80;
	s18 =	simm.s32 @!p0 $0x600  }
0xea: {  	[tilespmem:s18], [sflag:$0x7] =	stream.indirect.gather @!p0 [hbm4b:s4+s17], $0x80, s19, s17, $0xb8;
	[tilespmem:$0x1FA00] =	vst v63  }
0xeb: {  	p0 =	sge.u32 s15, s20  }
0xec: {  	s17 =	simm.s32 @p0 $0x9  }
0xed: {  	_ =	swait.ge @p0 [sflag:s17], $0x3C00  }
0xee: {  	s18 =	simm.s32 @p0 $0x580;
	[sflag:s17] =	ssyncset.done @p0 $0x0  }
0xef: {  	s19 =	simm.s32 @p0 $0x7E00;
	[sflag:s17] =	ssyncadd.s32 @p0 $0xFFFFC400;
	s17 =	simm.s32 @p0 $0x78  }
0xf0: {  	[spmem:s2] =	stream.indirect.scatter.add.f32 @p0 [tilespmem:s19], [sflag:$0xC], $0x80, s18, s17, $0xb8;
	[tilespmem:$0x1FA00] =	vst v63  }
0xf1: {  	s17 =	simm.s32 @p0 $0xB  }
0xf2: {  	_ =	swait.ge @p0 [sflag:s17], $0x3C00  }
0xf3: {  	[sflag:s17] =	ssyncset.done @p0 $0x0  }
0xf4: {  	[sflag:s17] =	ssyncadd.s32 @p0 $0xFFFFC400;
	s17 =	sadd.s32 @!p0 s16, s11  }
0xf5: {  	s20 =	simm.s32 @!p0 $0x100;
	s19 =	simm.s32 @!p0 $0x0;
	s18 =	sadd.s32 @!p0 $0x90, s17  }
0xf6: {  	[tilespmem:s20], [sflag:$0x2] =	stream.linear.gather @!p0 [hbm4b:s18+s19], $0x80, $0x38;
	[tilespmem:$0x1FA00] =	vst v63  }
0xf7: {  	s17 =	sadd.s32 @!p0 $0xE090, s17;
	s18 =	simm.s32 @!p0 $0x180  }
0xf8: {  	[tilespmem:s18], [sflag:$0x2] =	stream.linear.gather @!p0 [hbm4b:s17+s19], $0x80, $0x38;
	[tilespmem:$0x1FA00] =	vst v63  }
0xf9: {  	s17 =	simm.s32 @!p0 $0x9  }
0xfa: {  	_ =	swait.ge @!p0 [sflag:s17], $0x3C00  }
0xfb: {  	s18 =	simm.s32 @!p0 $0x580;
	[sflag:s17] =	ssyncset.done @!p0 $0x0  }
0xfc: {  	s19 =	simm.s32 @!p0 $0x7E00;
	[sflag:s17] =	ssyncadd.s32 @!p0 $0xFFFFC400;
	s17 =	simm.s32 @!p0 $0x78  }
0xfd: {  	[spmem:s2] =	stream.indirect.scatter.add.f32 @!p0 [tilespmem:s19], [sflag:$0xC], $0x80, s18, s17, $0xb8;
	[tilespmem:$0x1FA00] =	vst v63  }
0xfe: {  	s18 =	simm.s32 @!p0 $0xB  }
0xff: {  	_ =	swait.ge @!p0 [sflag:s18], $0x3C00  }
0x100: {  	[sflag:s18] =	ssyncset.done @!p0 $0x0  }
0x101: {  	[sflag:s18] =	ssyncadd.s32 @!p0 $0xFFFFC400;
	s18 =	simm.s32 @!p0 $0x2  }
0x102: {  	_ =	swait.ge @!p0 [sflag:s18], $0x80  }
0x103: {  	[sflag:s18] =	ssyncset.done @!p0 $0x0  }
0x104: {  	[sflag:s18] =	ssyncadd.s32 @!p0 $0xFFFFFF80  }
0x105: {  	_ =	swait.ge @!p0 [sflag:s18], $0x80  }
0x106: {  	[sflag:s18] =	ssyncset.done @!p0 $0x0  }
0x107: {  	s19 =	rddreg [dreg:$0x9];
	[sflag:s18] =	ssyncadd.s32 @!p0 $0xFFFFFF80;
	s18 =	simm.s32 @!p0 $0x4200  }
0x108: {  	[tilespmem:s18], [sflag:$0x8] =	stream.indirect.gather @!p0 [hbm4b:s4+s17], $0x80, s20, s17, $0xb8;
	[tilespmem:$0x1FA00] =	vst v63  }
0x109: {  	p0 =	sge.u32 s15, s19  }
0x10a: {  	s17 =	sadd.s32 @!p0 s16, s11;
	s19 =	simm.s32 @!p0 $0x0  }
0x10b: {  	s20 =	simm.s32 @!p0 $0x200;
	s16 =	sadd.s32 $0x80, s16;
	s18 =	sadd.s32 @!p0 $0xA0, s17  }
0x10c: {  	[tilespmem:s20], [sflag:$0x3] =	stream.linear.gather @!p0 [hbm4b:s18+s19], $0x80, $0x38;
	[tilespmem:$0x1FA00] =	vst v63  }
0x10d: {  	s17 =	sadd.s32 @!p0 $0xE0A0, s17;
	s18 =	simm.s32 @!p0 $0x280;
	s20 =	rddreg [dreg:$0xa]  }
0x10e: {  	[tilespmem:s18], [sflag:$0x3] =	stream.linear.gather @!p0 [hbm4b:s17+s19], $0x80, $0x38;
	[tilespmem:$0x1FA00] =	vst v63  }
0x10f: {  	p0 =	sne.s32 s20, s16  }
.Ltmp1:
0x110: {  	_ = 	snop;
	(pc) =	sbr.rel @p0 .LBB2_4-.Ltmp1, $2  }
0x111: {  	_ =	sdelay $0x2  }
0x112: {  	s15 =	sadd.s32 $0x6, s15  }
0x113: {  	_ =	swait.ge [sflag:s1], $0x3C00  }
0x114: {  	[sflag:s1] =	ssyncset.done $0x0  }
0x115: {  	[sflag:s1] =	ssyncadd.s32 $0xFFFFC400  }
0x116: {  	[bflag:$0x0] =	sbarrier.arrive $0xFFFF  }
0x117: {  	[tilespmem:s24], [sflag:$0xD] =	stream.linear.gather [spmem:s5], $0x3C00, $0x38;
	[tilespmem:$0x1FA00] =	vst v63  }
0x118: {  	_ =	swait.ge [sflag:s25], $0x3C00  }
0x119: {  	[sflag:s25] =	ssyncset.done $0x0  }
0x11a: {  	s15 =	rddreg [dreg:$0x10];
	[sflag:s25] =	ssyncadd.s32 $0xFFFFC400  }
0x11b: {  	[hbm4b:s15+s3] =	stream.linear.scatter [tilespmem:s24], [sflag:$0xA], $0x3C00, $0x38;
	[tilespmem:$0x1FA00] =	vst v63  }
0x11c: {  	_ = 	snop  }
0x11d: {  	[tilespmem:s31], [sflag:$0xD] =	stream.linear.gather [spmem:s6], $0x3C00, $0x38;
	[tilespmem:$0x1FA00] =	vst v63  }
0x11e: {  	_ =	swait.ge [sflag:s25], $0x3C00  }
0x11f: {  	[sflag:s25] =	ssyncset.done $0x0  }
0x120: {  	s18 =	rddreg [dreg:$0x11];
	[sflag:s25] =	ssyncadd.s32 $0xFFFFC400  }
0x121: {  	[hbm4b:s18+s3] =	stream.linear.scatter [tilespmem:s31], [sflag:$0xB], $0x3C00, $0x38;
	[tilespmem:$0x1FA00] =	vst v63  }
0x122: {  	_ =	swait.ge [sflag:s0], $0x3C00  }
0x123: {  	[sflag:s0] =	ssyncset.done $0x0  }
0x124: {  	[sflag:s0] =	ssyncadd.s32 $0xFFFFC400  }
0x125: {  	[tilespmem:s24], [sflag:$0xD] =	stream.linear.gather [spmem:s7], $0x3C00, $0x38;
	[tilespmem:$0x1FA00] =	vst v63  }
0x126: {  	_ =	swait.ge [sflag:s25], $0x3C00  }
0x127: {  	[sflag:s25] =	ssyncset.done $0x0  }
0x128: {  	s19 =	rddreg [dreg:$0x12];
	[sflag:s25] =	ssyncadd.s32 $0xFFFFC400  }
0x129: {  	[hbm4b:s19+s3] =	stream.linear.scatter [tilespmem:s24], [sflag:$0xA], $0x3C00, $0x38;
	[tilespmem:$0x1FA00] =	vst v63  }
0x12a: {  	_ =	swait.ge [sflag:s12], $0x3C00  }
0x12b: {  	[sflag:s12] =	ssyncset.done $0x0  }
0x12c: {  	[sflag:s12] =	ssyncadd.s32 $0xFFFFC400  }
0x12d: {  	[tilespmem:s31], [sflag:$0xD] =	stream.linear.gather [spmem:s8], $0x3C00, $0x38;
	[tilespmem:$0x1FA00] =	vst v63  }
0x12e: {  	_ =	swait.ge [sflag:s25], $0x3C00  }
0x12f: {  	[sflag:s25] =	ssyncset.done $0x0  }
0x130: {  	s20 =	rddreg [dreg:$0x13];
	[sflag:s25] =	ssyncadd.s32 $0xFFFFC400  }
0x131: {  	[hbm4b:s20+s3] =	stream.linear.scatter [tilespmem:s31], [sflag:$0xB], $0x3C00, $0x38;
	[tilespmem:$0x1FA00] =	vst v63  }
0x132: {  	_ =	swait.ge [sflag:s0], $0x3C00  }
0x133: {  	[sflag:s0] =	ssyncset.done $0x0  }
0x134: {  	[sflag:s0] =	ssyncadd.s32 $0xFFFFC400  }
0x135: {  	[tilespmem:s24], [sflag:$0xD] =	stream.linear.gather [spmem:s9], $0x3C00, $0x38;
	[tilespmem:$0x1FA00] =	vst v63  }
0x136: {  	_ =	swait.ge [sflag:s25], $0x3C00  }
0x137: {  	[sflag:s25] =	ssyncset.done $0x0  }
0x138: {  	[sflag:s25] =	ssyncadd.s32 $0xFFFFC400  }
0x139: {  	[hbm4b:s21+s3] =	stream.linear.scatter [tilespmem:s24], [sflag:$0xA], $0x3C00, $0x38;
	[tilespmem:$0x1FA00] =	vst v63  }
0x13a: {  	_ = 	snop  }
0x13b: {  	[tilespmem:s13], [sflag:$0xD] =	stream.linear.gather [spmem:s10], $0x1400, $0x38;
	[tilespmem:$0x1FA00] =	vst v63  }
0x13c: {  	_ =	swait.ge [sflag:s25], $0x1400  }
0x13d: {  	[sflag:s25] =	ssyncset.done $0x0  }
0x13e: {  	[sflag:s25] =	ssyncadd.s32 $0xFFFFEC00  }
0x13f: {  	[hbm4b:s22+s3] =	stream.linear.scatter [tilespmem:s13], [sflag:$0x7], $0x1400, $0x38;
	[tilespmem:$0x1FA00] =	vst v63  }
0x140: {  	_ =	swait.ge [sflag:s12], $0x3C00  }
0x141: {  	[sflag:s12] =	ssyncset.done $0x0  }
0x142: {  	s14 =	sadd.s32 $0x1, s14;
	[sflag:s12] =	ssyncadd.s32 $0xFFFFC400  }
0x143: {  	p0 =	sne.s32 s14, s23;
	_ =	swait.ge [sflag:s0], $0x3C00  }
.Ltmp2:
0x144: {  	[sflag:s0] =	ssyncset.done $0x0;
	(pc) =	sbr.rel @p0 .LBB2_1-.Ltmp2, $4  }
0x145: {  	[sflag:s0] =	ssyncadd.s32 $0xFFFFC400  }
0x146: {  	_ =	swait.ge [sflag:s29], $0x1400  }
0x147: {  	[sflag:s29] =	ssyncset.done $0x0  }
0x148: {  	[sflag:s29] =	ssyncadd.s32 $0xFFFFEC00  }
0x149: {  	_ =	sfence.sel $0x180000  }
0x14a: {  	[bflag:$0x0] =	sbarrier.arrive $0xFFFF  }
0x14b: {  	_ =	strace $0x9000004A  }
0x14c: {  	s0 =	stileid.u32;
	[bflag:$0x2] =	sbarrier.arrive $0xFFFF  }
0x14d: {  	p0 =	sne.s32 s0, $0x0;
	s0 =	rddreg [dreg:$0x2]  }
0x14e: {  	s0 =	sadd.s32 @!p0 $0x100000, s0  }
0x14f: {  	[sflag:s0] =	ssyncadd.tile.s32 @!p0 $0x1;
	_ =	shalt  }
.Lfunc_end2:
_tile_overlayer_lowered:
.L_overlay_start_2:
0x150: {  	(tag) =	ssettag $0x2  }
0x151: {  	s0 =	rddreg [dreg:$0x0];
	s2 =	stileid.u32  }
0x152: {  	s1 =	rddreg [dreg:$0x1];
	p0 =	sne.s32 s2, $0x0  }
0x153: {  	s3 =	rddreg [dreg:$0x2];
	[bflag:$0x3] =	sbarrier.arrive $0xFFFF;
	s2 =	simm.s32 @!p0 $0x1C0D  }
0x154: {  	[timem:s3], [sflag:s2] =	dma.local @!p0 [hbm:s0], s1  }
0x155: {  	s0 =	simm.s32 @!p0 $0xD  }
0x156: {  	_ =	swait.ge @!p0 [sflag:s0], s1  }
0x157: {  	s1 =	ssub.s32 @!p0 $0x0, s1;
	[sflag:s0] =	ssyncset.done @!p0 $0x0  }
0x158: {  	[sflag:s0] =	ssyncadd.s32 @!p0 s1  }
0x159: {  	[bflag:$0x3] =	sbarrier.arrive $0xFFFF  }
0x15a: {  	_ =	shalt  }

</sc_bundles>
